<compile_context>
chip_gen: v7x
topology: tpu7x:2x2x1
jax: 0.10.2.dev20260603
libtpu: 0.0.44.dev20260713+nightly
codegen_flags: <defaults>
</compile_context>

<pallas_src>
import jax
import jax.numpy as jnp
import numpy as np
from jax import lax
from jax.experimental import pallas as pl
from jax.experimental.pallas import tpu as pltpu
from jax.experimental.pallas import tpu_sc as plsc

_B = 16384
_F = 26
_FP = 32
_E = 16
_ROWS_PER_FIELD = 40000
_EPS = 1e-5

_NC, _NS = 2, 16
_NW = _NC * _NS
_BPW = _B // _NW
_PW = _BPW * _FP
_BANDS = _BPW // 8

_G_STREAMS = 16
_G_ROWS = 128
_G_CHUNK = _G_STREAMS * _G_ROWS
_G_GROUPS = _PW // _G_CHUNK


_R = _F * _ROWS_PER_FIELD
_TCOLS = _R // 128
_TG = 8
_TGROUPS = 32


def _sc_transpose_body(tabt_hbm, out_hbm,
                       in0, in1, out0, out1, si0, si1, so0, so1):
    wid = lax.axis_index("s") * _NC + lax.axis_index("c")
    t0 = wid * (_TG * _TGROUPS)
    lanes = lax.iota(jnp.int32, 16)
    slots = ((in0, out0, si0, so0), (in1, out1, si1, so1))

    def tcol(g, j):
        return jnp.minimum(t0 + g * _TG + j, _TCOLS - 1)

    def fire_in(g, in_v, si):
        for j in range(_TG):
            t = tcol(g, j)
            for bd in range(2):
                pltpu.async_copy(
                    tabt_hbm.at[pl.ds(bd * 8, 8), pl.ds(t * 128, 128)],
                    in_v.at[pl.ds(j * 16 + bd * 8, 8), pl.ds(0, 128)], si)

    def drain_in(g, in_v, si):
        for j in range(_TG):
            t = tcol(g, j)
            for bd in range(2):
                pltpu.make_async_copy(
                    tabt_hbm.at[pl.ds(bd * 8, 8), pl.ds(t * 128, 128)],
                    in_v.at[pl.ds(j * 16 + bd * 8, 8), pl.ds(0, 128)], si).wait()

    def out_copies(g, out_v, so):
        return [(out_v.at[pl.ds(j * 2048, 2048)],
                 out_hbm.at[pl.ds(tcol(g, j) * 2048, 2048)], so)
                for j in range(_TG)]

    fire_in(0, in0, si0)
    fire_in(1, in1, si1)

    @pl.loop(0, _TGROUPS, step=2)
    def _group(i):
        for b in range(2):
            in_v, out_v, si, so = slots[b]
            g = i + b
            drain_in(g, in_v, si)

            @pl.when(g >= 2)
            def _():
                for s, d, sem in out_copies(g - 2, out_v, so):
                    pltpu.make_async_copy(s, d, sem).wait()

            @pl.loop(0, _TG)
            def _tile(j):
                row_v = lanes + j * 16
                obase = j * 2048
                c0 = jnp.zeros((16,), jnp.int32)

                @plsc.parallel_loop(0, 128, unroll=16, carry=c0)
                def _col(c, c_v):
                    out_v[pl.ds(obase + c * 16, 16)] = plsc.load_gather(
                        in_v, [row_v, c_v])
                    return c_v + 1

            for s, d, sem in out_copies(g, out_v, so):
                pltpu.async_copy(s, d, sem)

            @pl.when(g + 2 < _TGROUPS)
            def _():
                fire_in(g + 2, in_v, si)

    for b in range(2):
        in_v, out_v, si, so = slots[b]
        for s, d, sem in out_copies(_TGROUPS - 2 + b, out_v, so):
            pltpu.make_async_copy(s, d, sem).wait()


def _sc_transpose(tabt):
    mesh = plsc.VectorSubcoreMesh(core_axis_name="c", subcore_axis_name="s")
    call = pl.kernel(
        _sc_transpose_body,
        out_type=jax.ShapeDtypeStruct((_R * _E,), jnp.float32),
        mesh=mesh,
        scratch_types=[
            pltpu.VMEM((_TG * 16, 129), jnp.float32),
            pltpu.VMEM((_TG * 16, 129), jnp.float32),
            pltpu.VMEM((_TG * 2048,), jnp.float32),
            pltpu.VMEM((_TG * 2048,), jnp.float32),
            pltpu.SemaphoreType.DMA,
            pltpu.SemaphoreType.DMA,
            pltpu.SemaphoreType.DMA,
            pltpu.SemaphoreType.DMA,
        ],
        compiler_params=pltpu.CompilerParams(use_tc_tiling_on_sc=True,
                                             needs_layout_passes=False),
    )
    return call(tabt)


def _sc_gather_body(xt_hbm, table_hbm, emb_hbm, x_v, idx_v, rows_v, sem):
    wid = lax.axis_index("s") * _NC + lax.axis_index("c")
    b0 = wid * _BPW
    pltpu.sync_copy(xt_hbm.at[:, pl.ds(b0, _BPW)], x_v)

    lanes = lax.iota(jnp.int32, 16)
    kv = lanes & 7
    rh = lanes >> 3
    f_vs, off_vs = [], []
    for c in range(4):
        fv = kv + (8 * c)
        if c == 3:
            fv = jnp.where(kv < 2, fv, 0)
        f_vs.append(fv)
        off_vs.append(fv * _ROWS_PER_FIELD)
    bb_vs = [rh + (2 * s2) for s2 in range(4)]

    @pl.loop(0, _BANDS)
    def _idx(band):
        base = band * (_FP * 8)
        for c in range(4):
            for s2 in range(4):
                b_v = bb_vs[s2] + band * 8
                xval = plsc.load_gather(x_v, [f_vs[c], b_v])
                idx_v[pl.ds(base + c * 64 + s2 * 16, 16)] = xval + off_vs[c]

    @pl.loop(0, _G_GROUPS)
    def _gather(g):
        gbase = g * _G_CHUNK
        copies = [
            pltpu.async_copy(
                table_hbm.at[idx_v.at[pl.ds(gbase + c * _G_ROWS, _G_ROWS)]],
                rows_v.at[pl.ds(c * _G_ROWS, _G_ROWS)],
                sem,
            )
            for c in range(_G_STREAMS)
        ]
        for cp in copies:
            cp.wait()
        pltpu.sync_copy(rows_v,
                        emb_hbm.at[pl.ds(wid * _PW + gbase, _G_CHUNK)])


def _sc_gather(xt, table):
    mesh = plsc.VectorSubcoreMesh(core_axis_name="c", subcore_axis_name="s")
    call = pl.kernel(
        _sc_gather_body,
        out_type=jax.ShapeDtypeStruct((_B * _FP, _E), jnp.float32),
        mesh=mesh,
        scratch_types=[
            pltpu.VMEM((_F, _BPW), jnp.int32),
            pltpu.VMEM((_PW,), jnp.int32),
            pltpu.VMEM((_G_CHUNK, _E), jnp.float32),
            pltpu.SemaphoreType.DMA,
        ],
        compiler_params=pltpu.CompilerParams(use_tc_tiling_on_sc=False,
                                             needs_layout_passes=False),
    )
    return call(xt, table)


def _mlp_body(emb_ref, w1_ref, b1_ref, w2_ref, b2_ref, w3_ref, b3_ref,
              out_ref):
    v = emb_ref[...]
    bt = v.shape[0] * 8
    h = None
    for c in range(4):
        part = jnp.dot(v[:, c].reshape(bt, 128), w1_ref[c],
                       preferred_element_type=jnp.float32)
        h = part if h is None else h + part
    h = jnp.maximum(h + b1_ref[...], 0.0)
    h = jnp.dot(h, w2_ref[...], preferred_element_type=jnp.float32)
    h = jnp.maximum(h + b2_ref[...], 0.0)
    out_ref[...] = (
        jnp.dot(h, w3_ref[...], preferred_element_type=jnp.float32)
        + b3_ref[...]
    )


_BT = 2048


def _mlp(embv, w1g, b1, w2, b2, w3, b3):
    grid = (_B // _BT,)
    full = lambda *shape: pl.BlockSpec(shape, lambda i: (0,) * len(shape))
    return pl.pallas_call(
        _mlp_body,
        grid=grid,
        in_specs=[
            pl.BlockSpec((_BT // 8, 4, 8, 128), lambda i: (i, 0, 0, 0)),
            full(4, 128, 128),
            full(1, 128),
            full(128, 64),
            full(1, 64),
            full(64, 2),
            full(1, 2),
        ],
        out_specs=pl.BlockSpec((_BT, 2), lambda i: (i, 0)),
        out_shape=jax.ShapeDtypeStruct((_B, 2), jnp.float32),
    )(embv, w1g, b1, w2, b2, w3, b3)


@jax.jit
def kernel(x, table, W1, b1, g1, be1, W2, b2, g2, be2, W3, b3):
    s = np.float32(1.0 / np.sqrt(1.0 + _EPS))
    w1 = (W1 * (g1 * s)[:, None]).T
    w1g = jnp.concatenate([w1, jnp.zeros((96, 128), jnp.float32)],
                          axis=0).reshape(4, 128, 128)
    b1f = ((b1 * g1) * s + be1)[None, :]
    w2 = (W2 * (g2 * s)[:, None]).T
    b2f = ((b2 * g2) * s + be2)[None, :]
    w3 = W3.T
    b3f = b3[None, :]

    tablin = _sc_transpose(table.T).reshape(_R, _E)
    emb = _sc_gather(x.T, tablin)
    embv = emb.reshape(_B // 8, 4, 8, 128)
    return _mlp(embv, w1g, b1f, w2, b2f, w3, b3f)

# --- scband reference (transcript-rebuilt; emitter-appended) ---
"""Pipeline reference for scband-controller-network-instance-1949915152553 (READ-ONLY COPY).

The authoritative reference and input builder live on the scoring server;
editing this copy changes nothing except your own understanding.
"""

import jax, jax.numpy as jnp
import numpy as np

FIELD_DIMS = [40000] * 26
EMBED_DIM = 16
MLP_DIMS = [128, 64]
BATCH = 16384
OFFSETS = jnp.array(np.concatenate([[0], np.cumsum(FIELD_DIMS)[:-1]]).astype(np.int32))
EPS = 1e-5


def _linear(x, W, b):
    return x @ W.T + b


def _bn_eval(x, g, b):
    # eval-mode BatchNorm1d with running_mean=0, running_var=1
    return g * x / jnp.sqrt(1.0 + EPS) + b


def setup_inputs(seed: int = 0):
    key = jax.random.key(seed)
    ks = jax.random.split(key, 16)
    n_emb = int(sum(FIELD_DIMS))
    inp = {}
    inp["x"] = jax.random.randint(ks[0], (BATCH, len(FIELD_DIMS)), 0, FIELD_DIMS[0], dtype=jnp.int32)
    bound = float(np.sqrt(6.0 / (n_emb + EMBED_DIM)))
    inp["table"] = jax.random.uniform(ks[1], (n_emb, EMBED_DIM), minval=-bound, maxval=bound, dtype=jnp.float32)
    in_dim = len(FIELD_DIMS) * EMBED_DIM
    dims = [in_dim] + MLP_DIMS
    for i in range(len(MLP_DIMS)):
        lim = float(1.0 / np.sqrt(dims[i]))
        inp[f"W{i+1}"] = jax.random.uniform(ks[2 + 3 * i], (dims[i + 1], dims[i]), minval=-lim, maxval=lim, dtype=jnp.float32)
        inp[f"b{i+1}"] = jax.random.uniform(ks[3 + 3 * i], (dims[i + 1],), minval=-lim, maxval=lim, dtype=jnp.float32)
        inp[f"g{i+1}"] = jnp.ones((dims[i + 1],), jnp.float32)
        inp[f"be{i+1}"] = jnp.zeros((dims[i + 1],), jnp.float32)
    lim = float(1.0 / np.sqrt(MLP_DIMS[-1]))
    inp["W3"] = jax.random.uniform(ks[10], (2, MLP_DIMS[-1]), minval=-lim, maxval=lim, dtype=jnp.float32)
    inp["b3"] = jax.random.uniform(ks[11], (2,), minval=-lim, maxval=lim, dtype=jnp.float32)
    return inp


def reference(x, table, W1, b1, g1, be1, W2, b2, g2, be2, W3, b3):
    idx = x + OFFSETS[None, :]
    emb = jnp.take(table, idx, axis=0)  # [B, 26, 16]
    h = emb.reshape(emb.shape[0], -1)   # [B, 416]
    h = jax.nn.relu(_bn_eval(_linear(h, W1, b1), g1, be1))
    h = jax.nn.relu(_bn_eval(_linear(h, W2, b2), g2, be2))
    out = _linear(h, W3, b3)  # [B, 2]
    return out

if __name__ == "__main__":
    import jax
    _d = setup_inputs()
    print(jax.jit(kernel)(*tuple(_d.values())))

</pallas_src>

<mosaic_0001>
#map = affine_map<(d0, d1) -> (0, 0)>
#map1 = affine_map<(d0, d1) -> (0)>
module attributes {stable_mosaic.version = 14 : i64} {
  func.func @_sc_transpose_body(%arg0: i32, %arg1: i32, %arg2: memref<16x1040000xf32, #tpu.memory_space<hbm>>, %arg3: memref<16640000xf32, #tpu.memory_space<hbm>>, %arg4: memref<128x129xf32, #tpu.memory_space<vmem>>, %arg5: memref<128x129xf32, #tpu.memory_space<vmem>>, %arg6: memref<16384xf32, #tpu.memory_space<vmem>>, %arg7: memref<16384xf32, #tpu.memory_space<vmem>>, %arg8: memref<!tpu.dma_semaphore, #tpu.memory_space<semaphore_mem>>, %arg9: memref<!tpu.dma_semaphore, #tpu.memory_space<semaphore_mem>>, %arg10: memref<!tpu.dma_semaphore, #tpu.memory_space<semaphore_mem>>, %arg11: memref<!tpu.dma_semaphore, #tpu.memory_space<semaphore_mem>>) attributes {dimension_semantics = [#tpu.dimension_semantics<core_parallel>, #tpu.dimension_semantics<subcore_parallel>], iteration_bounds = array<i64: 2, 16>, scalar_prefetch = 0 : i64, scratch_operands = 8 : i64, tpu.core_type = #tpu.core_type<sc_vector_subcore>, window_params = [{transform_indices = #map}, {transform_indices = #map1}]} {
    %mul3A = arith.constant 2 : i32
    %mul3A_0 = arith.muli %arg1, %mul3A : i32
    %add3A = arith.addi %mul3A_0, %arg0 : i32
    %mul3A_1 = arith.constant 256 : i32
    %mul3A_2 = arith.muli %add3A, %mul3A_1 : i32
    %iota3A = tpu.iota {dimensions = array<i32: 0>} : vector<16xi32>
    %add3A_3 = arith.constant 0 : i32
    %add3A_4 = arith.addi %mul3A_2, %add3A_3 : i32
    %add3A_5 = arith.constant 0 : i32
    %add3A_6 = arith.addi %add3A_4, %add3A_5 : i32
    %min3A = arith.constant 8124 : i32
    %min3A_7 = arith.minsi %add3A_6, %min3A : i32
    %mul3A_8 = arith.constant 128 : i32
    %mul3A_9 = arith.muli %min3A_7, %mul3A_8 : i32
    %dma_start3A = arith.constant 0 : i32
    %dma_start3A_10 = arith.constant 0 : i32
    %dma_start3A_11 = tpu.memref_slice %arg4[%dma_start3A, %dma_start3A_10] : memref<128x129xf32, #tpu.memory_space<vmem>> -> memref<8x128xf32, #tpu.memory_space<vmem>>
    %dma_start3A_12 = arith.constant 0 : i32
    %dma_start3A_13 = tpu.memref_slice %arg2[%dma_start3A_12, %mul3A_9] : memref<16x1040000xf32, #tpu.memory_space<hbm>> -> memref<8x128xf32, #tpu.memory_space<hbm>>
    %dma_start3A_14 = arith.constant 0 : i32
    %dma_start3A_15 = arith.constant 0 : i32
    %dma_start3A_16 = tpu.memref_slice %arg4[%dma_start3A_14, %dma_start3A_15] : memref<128x129xf32, #tpu.memory_space<vmem>> -> memref<8x128xf32, #tpu.memory_space<vmem>>
    %dma_start3A_17 = arith.constant 0 : i32
    %dma_start3A_18 = tpu.memref_slice %arg2[%dma_start3A_17, %mul3A_9] : memref<16x1040000xf32, #tpu.memory_space<hbm>> -> memref<8x128xf32, #tpu.memory_space<hbm>>
    tpu.enqueue_dma source(%dma_start3A_18 : memref<8x128xf32, #tpu.memory_space<hbm>>) target(%dma_start3A_16 : memref<8x128xf32, #tpu.memory_space<vmem>>) target_semaphore(%arg8 : memref<!tpu.dma_semaphore, #tpu.memory_space<semaphore_mem>>)
    %mul3A_19 = arith.constant 128 : i32
    %mul3A_20 = arith.muli %min3A_7, %mul3A_19 : i32
    %dma_start3A_21 = arith.constant 8 : i32
    %dma_start3A_22 = arith.constant 0 : i32
    %dma_start3A_23 = tpu.memref_slice %arg4[%dma_start3A_21, %dma_start3A_22] : memref<128x129xf32, #tpu.memory_space<vmem>> -> memref<8x128xf32, #tpu.memory_space<vmem>>
    %dma_start3A_24 = arith.constant 8 : i32
    %dma_start3A_25 = tpu.memref_slice %arg2[%dma_start3A_24, %mul3A_20] : memref<16x1040000xf32, #tpu.memory_space<hbm>> -> memref<8x128xf32, #tpu.memory_space<hbm>>
    %dma_start3A_26 = arith.constant 8 : i32
    %dma_start3A_27 = arith.constant 0 : i32
    %dma_start3A_28 = tpu.memref_slice %arg4[%dma_start3A_26, %dma_start3A_27] : memref<128x129xf32, #tpu.memory_space<vmem>> -> memref<8x128xf32, #tpu.memory_space<vmem>>
    %dma_start3A_29 = arith.constant 8 : i32
    %dma_start3A_30 = tpu.memref_slice %arg2[%dma_start3A_29, %mul3A_20] : memref<16x1040000xf32, #tpu.memory_space<hbm>> -> memref<8x128xf32, #tpu.memory_space<hbm>>
    tpu.enqueue_dma source(%dma_start3A_30 : memref<8x128xf32, #tpu.memory_space<hbm>>) target(%dma_start3A_28 : memref<8x128xf32, #tpu.memory_space<vmem>>) target_semaphore(%arg8 : memref<!tpu.dma_semaphore, #tpu.memory_space<semaphore_mem>>)
    %add3A_31 = arith.constant 0 : i32
    %add3A_32 = arith.addi %mul3A_2, %add3A_31 : i32
    %add3A_33 = arith.constant 1 : i32
    %add3A_34 = arith.addi %add3A_32, %add3A_33 : i32
    %min3A_35 = arith.constant 8124 : i32
    %min3A_36 = arith.minsi %add3A_34, %min3A_35 : i32
    %mul3A_37 = arith.constant 128 : i32
    %mul3A_38 = arith.muli %min3A_36, %mul3A_37 : i32
    %dma_start3A_39 = arith.constant 16 : i32
    %dma_start3A_40 = arith.constant 0 : i32
    %dma_start3A_41 = tpu.memref_slice %arg4[%dma_start3A_39, %dma_start3A_40] : memref<128x129xf32, #tpu.memory_space<vmem>> -> memref<8x128xf32, #tpu.memory_space<vmem>>
    %dma_start3A_42 = arith.constant 0 : i32
    %dma_start3A_43 = tpu.memref_slice %arg2[%dma_start3A_42, %mul3A_38] : memref<16x1040000xf32, #tpu.memory_space<hbm>> -> memref<8x128xf32, #tpu.memory_space<hbm>>
    %dma_start3A_44 = arith.constant 16 : i32
    %dma_start3A_45 = arith.constant 0 : i32
    %dma_start3A_46 = tpu.memref_slice %arg4[%dma_start3A_44, %dma_start3A_45] : memref<128x129xf32, #tpu.memory_space<vmem>> -> memref<8x128xf32, #tpu.memory_space<vmem>>
    %dma_start3A_47 = arith.constant 0 : i32
    %dma_start3A_48 = tpu.memref_slice %arg2[%dma_start3A_47, %mul3A_38] : memref<16x1040000xf32, #tpu.memory_space<hbm>> -> memref<8x128xf32, #tpu.memory_space<hbm>>
    tpu.enqueue_dma source(%dma_start3A_48 : memref<8x128xf32, #tpu.memory_space<hbm>>) target(%dma_start3A_46 : memref<8x128xf32, #tpu.memory_space<vmem>>) target_semaphore(%arg8 : memref<!tpu.dma_semaphore, #tpu.memory_space<semaphore_mem>>)
    %mul3A_49 = arith.constant 128 : i32
    %mul3A_50 = arith.muli %min3A_36, %mul3A_49 : i32
    %dma_start3A_51 = arith.constant 24 : i32
    %dma_start3A_52 = arith.constant 0 : i32
    %dma_start3A_53 = tpu.memref_slice %arg4[%dma_start3A_51, %dma_start3A_52] : memref<128x129xf32, #tpu.memory_space<vmem>> -> memref<8x128xf32, #tpu.memory_space<vmem>>
    %dma_start3A_54 = arith.constant 8 : i32
    %dma_start3A_55 = tpu.memref_slice %arg2[%dma_start3A_54, %mul3A_50] : memref<16x1040000xf32, #tpu.memory_space<hbm>> -> memref<8x128xf32, #tpu.memory_space<hbm>>
    %dma_start3A_56 = arith.constant 24 : i32
    %dma_start3A_57 = arith.constant 0 : i32
    %dma_start3A_58 = tpu.memref_slice %arg4[%dma_start3A_56, %dma_start3A_57] : memref<128x129xf32, #tpu.memory_space<vmem>> -> memref<8x128xf32, #tpu.memory_space<vmem>>
    %dma_start3A_59 = arith.constant 8 : i32
    %dma_start3A_60 = tpu.memref_slice %arg2[%dma_start3A_59, %mul3A_50] : memref<16x1040000xf32, #tpu.memory_space<hbm>> -> memref<8x128xf32, #tpu.memory_space<hbm>>
    tpu.enqueue_dma source(%dma_start3A_60 : memref<8x128xf32, #tpu.memory_space<hbm>>) target(%dma_start3A_58 : memref<8x128xf32, #tpu.memory_space<vmem>>) target_semaphore(%arg8 : memref<!tpu.dma_semaphore, #tpu.memory_space<semaphore_mem>>)
    %add3A_61 = arith.constant 0 : i32
    %add3A_62 = arith.addi %mul3A_2, %add3A_61 : i32
    %add3A_63 = arith.constant 2 : i32
    %add3A_64 = arith.addi %add3A_62, %add3A_63 : i32
    %min3A_65 = arith.constant 8124 : i32
    %min3A_66 = arith.minsi %add3A_64, %min3A_65 : i32
    %mul3A_67 = arith.constant 128 : i32
    %mul3A_68 = arith.muli %min3A_66, %mul3A_67 : i32
    %dma_start3A_69 = arith.constant 32 : i32
    %dma_start3A_70 = arith.constant 0 : i32
    %dma_start3A_71 = tpu.memref_slice %arg4[%dma_start3A_69, %dma_start3A_70] : memref<128x129xf32, #tpu.memory_space<vmem>> -> memref<8x128xf32, #tpu.memory_space<vmem>>
    %dma_start3A_72 = arith.constant 0 : i32
    %dma_start3A_73 = tpu.memref_slice %arg2[%dma_start3A_72, %mul3A_68] : memref<16x1040000xf32, #tpu.memory_space<hbm>> -> memref<8x128xf32, #tpu.memory_space<hbm>>
    %dma_start3A_74 = arith.constant 32 : i32
    %dma_start3A_75 = arith.constant 0 : i32
    %dma_start3A_76 = tpu.memref_slice %arg4[%dma_start3A_74, %dma_start3A_75] : memref<128x129xf32, #tpu.memory_space<vmem>> -> memref<8x128xf32, #tpu.memory_space<vmem>>
    %dma_start3A_77 = arith.constant 0 : i32
    %dma_start3A_78 = tpu.memref_slice %arg2[%dma_start3A_77, %mul3A_68] : memref<16x1040000xf32, #tpu.memory_space<hbm>> -> memref<8x128xf32, #tpu.memory_space<hbm>>
    tpu.enqueue_dma source(%dma_start3A_78 : memref<8x128xf32, #tpu.memory_space<hbm>>) target(%dma_start3A_76 : memref<8x128xf32, #tpu.memory_space<vmem>>) target_semaphore(%arg8 : memref<!tpu.dma_semaphore, #tpu.memory_space<semaphore_mem>>)
    %mul3A_79 = arith.constant 128 : i32
    %mul3A_80 = arith.muli %min3A_66, %mul3A_79 : i32
    %dma_start3A_81 = arith.constant 40 : i32
    %dma_start3A_82 = arith.constant 0 : i32
    %dma_start3A_83 = tpu.memref_slice %arg4[%dma_start3A_81, %dma_start3A_82] : memref<128x129xf32, #tpu.memory_space<vmem>> -> memref<8x128xf32, #tpu.memory_space<vmem>>
    %dma_start3A_84 = arith.constant 8 : i32
    %dma_start3A_85 = tpu.memref_slice %arg2[%dma_start3A_84, %mul3A_80] : memref<16x1040000xf32, #tpu.memory_space<hbm>> -> memref<8x128xf32, #tpu.memory_space<hbm>>
    %dma_start3A_86 = arith.constant 40 : i32
    %dma_start3A_87 = arith.constant 0 : i32
    %dma_start3A_88 = tpu.memref_slice %arg4[%dma_start3A_86, %dma_start3A_87] : memref<128x129xf32, #tpu.memory_space<vmem>> -> memref<8x128xf32, #tpu.memory_space<vmem>>
    %dma_start3A_89 = arith.constant 8 : i32
    %dma_start3A_90 = tpu.memref_slice %arg2[%dma_start3A_89, %mul3A_80] : memref<16x1040000xf32, #tpu.memory_space<hbm>> -> memref<8x128xf32, #tpu.memory_space<hbm>>
    tpu.enqueue_dma source(%dma_start3A_90 : memref<8x128xf32, #tpu.memory_space<hbm>>) target(%dma_start3A_88 : memref<8x128xf32, #tpu.memory_space<vmem>>) target_semaphore(%arg8 : memref<!tpu.dma_semaphore, #tpu.memory_space<semaphore_mem>>)
    %add3A_91 = arith.constant 0 : i32
    %add3A_92 = arith.addi %mul3A_2, %add3A_91 : i32
    %add3A_93 = arith.constant 3 : i32
    %add3A_94 = arith.addi %add3A_92, %add3A_93 : i32
    %min3A_95 = arith.constant 8124 : i32
    %min3A_96 = arith.minsi %add3A_94, %min3A_95 : i32
    %mul3A_97 = arith.constant 128 : i32
    %mul3A_98 = arith.muli %min3A_96, %mul3A_97 : i32
    %dma_start3A_99 = arith.constant 48 : i32
    %dma_start3A_100 = arith.constant 0 : i32
    %dma_start3A_101 = tpu.memref_slice %arg4[%dma_start3A_99, %dma_start3A_100] : memref<128x129xf32, #tpu.memory_space<vmem>> -> memref<8x128xf32, #tpu.memory_space<vmem>>
    %dma_start3A_102 = arith.constant 0 : i32
    %dma_start3A_103 = tpu.memref_slice %arg2[%dma_start3A_102, %mul3A_98] : memref<16x1040000xf32, #tpu.memory_space<hbm>> -> memref<8x128xf32, #tpu.memory_space<hbm>>
    %dma_start3A_104 = arith.constant 48 : i32
    %dma_start3A_105 = arith.constant 0 : i32
    %dma_start3A_106 = tpu.memref_slice %arg4[%dma_start3A_104, %dma_start3A_105] : memref<128x129xf32, #tpu.memory_space<vmem>> -> memref<8x128xf32, #tpu.memory_space<vmem>>
    %dma_start3A_107 = arith.constant 0 : i32
    %dma_start3A_108 = tpu.memref_slice %arg2[%dma_start3A_107, %mul3A_98] : memref<16x1040000xf32, #tpu.memory_space<hbm>> -> memref<8x128xf32, #tpu.memory_space<hbm>>
    tpu.enqueue_dma source(%dma_start3A_108 : memref<8x128xf32, #tpu.memory_space<hbm>>) target(%dma_start3A_106 : memref<8x128xf32, #tpu.memory_space<vmem>>) target_semaphore(%arg8 : memref<!tpu.dma_semaphore, #tpu.memory_space<semaphore_mem>>)
    %mul3A_109 = arith.constant 128 : i32
    %mul3A_110 = arith.muli %min3A_96, %mul3A_109 : i32
    %dma_start3A_111 = arith.constant 56 : i32
    %dma_start3A_112 = arith.constant 0 : i32
    %dma_start3A_113 = tpu.memref_slice %arg4[%dma_start3A_111, %dma_start3A_112] : memref<128x129xf32, #tpu.memory_space<vmem>> -> memref<8x128xf32, #tpu.memory_space<vmem>>
    %dma_start3A_114 = arith.constant 8 : i32
    %dma_start3A_115 = tpu.memref_slice %arg2[%dma_start3A_114, %mul3A_110] : memref<16x1040000xf32, #tpu.memory_space<hbm>> -> memref<8x128xf32, #tpu.memory_space<hbm>>
    %dma_start3A_116 = arith.constant 56 : i32
    %dma_start3A_117 = arith.constant 0 : i32
    %dma_start3A_118 = tpu.memref_slice %arg4[%dma_start3A_116, %dma_start3A_117] : memref<128x129xf32, #tpu.memory_space<vmem>> -> memref<8x128xf32, #tpu.memory_space<vmem>>
    %dma_start3A_119 = arith.constant 8 : i32
    %dma_start3A_120 = tpu.memref_slice %arg2[%dma_start3A_119, %mul3A_110] : memref<16x1040000xf32, #tpu.memory_space<hbm>> -> memref<8x128xf32, #tpu.memory_space<hbm>>
    tpu.enqueue_dma source(%dma_start3A_120 : memref<8x128xf32, #tpu.memory_space<hbm>>) target(%dma_start3A_118 : memref<8x128xf32, #tpu.memory_space<vmem>>) target_semaphore(%arg8 : memref<!tpu.dma_semaphore, #tpu.memory_space<semaphore_mem>>)
    %add3A_121 = arith.constant 0 : i32
    %add3A_122 = arith.addi %mul3A_2, %add3A_121 : i32
    %add3A_123 = arith.constant 4 : i32
    %add3A_124 = arith.addi %add3A_122, %add3A_123 : i32
    %min3A_125 = arith.constant 8124 : i32
    %min3A_126 = arith.minsi %add3A_124, %min3A_125 : i32
    %mul3A_127 = arith.constant 128 : i32
    %mul3A_128 = arith.muli %min3A_126, %mul3A_127 : i32
    %dma_start3A_129 = arith.constant 64 : i32
    %dma_start3A_130 = arith.constant 0 : i32
    %dma_start3A_131 = tpu.memref_slice %arg4[%dma_start3A_129, %dma_start3A_130] : memref<128x129xf32, #tpu.memory_space<vmem>> -> memref<8x128xf32, #tpu.memory_space<vmem>>
    %dma_start3A_132 = arith.constant 0 : i32
    %dma_start3A_133 = tpu.memref_slice %arg2[%dma_start3A_132, %mul3A_128] : memref<16x1040000xf32, #tpu.memory_space<hbm>> -> memref<8x128xf32, #tpu.memory_space<hbm>>
    %dma_start3A_134 = arith.constant 64 : i32
    %dma_start3A_135 = arith.constant 0 : i32
    %dma_start3A_136 = tpu.memref_slice %arg4[%dma_start3A_134, %dma_start3A_135] : memref<128x129xf32, #tpu.memory_space<vmem>> -> memref<8x128xf32, #tpu.memory_space<vmem>>
    %dma_start3A_137 = arith.constant 0 : i32
    %dma_start3A_138 = tpu.memref_slice %arg2[%dma_start3A_137, %mul3A_128] : memref<16x1040000xf32, #tpu.memory_space<hbm>> -> memref<8x128xf32, #tpu.memory_space<hbm>>
    tpu.enqueue_dma source(%dma_start3A_138 : memref<8x128xf32, #tpu.memory_space<hbm>>) target(%dma_start3A_136 : memref<8x128xf32, #tpu.memory_space<vmem>>) target_semaphore(%arg8 : memref<!tpu.dma_semaphore, #tpu.memory_space<semaphore_mem>>)
    %mul3A_139 = arith.constant 128 : i32
    %mul3A_140 = arith.muli %min3A_126, %mul3A_139 : i32
    %dma_start3A_141 = arith.constant 72 : i32
    %dma_start3A_142 = arith.constant 0 : i32
    %dma_start3A_143 = tpu.memref_slice %arg4[%dma_start3A_141, %dma_start3A_142] : memref<128x129xf32, #tpu.memory_space<vmem>> -> memref<8x128xf32, #tpu.memory_space<vmem>>
    %dma_start3A_144 = arith.constant 8 : i32
    %dma_start3A_145 = tpu.memref_slice %arg2[%dma_start3A_144, %mul3A_140] : memref<16x1040000xf32, #tpu.memory_space<hbm>> -> memref<8x128xf32, #tpu.memory_space<hbm>>
    %dma_start3A_146 = arith.constant 72 : i32
    %dma_start3A_147 = arith.constant 0 : i32
    %dma_start3A_148 = tpu.memref_slice %arg4[%dma_start3A_146, %dma_start3A_147] : memref<128x129xf32, #tpu.memory_space<vmem>> -> memref<8x128xf32, #tpu.memory_space<vmem>>
    %dma_start3A_149 = arith.constant 8 : i32
    %dma_start3A_150 = tpu.memref_slice %arg2[%dma_start3A_149, %mul3A_140] : memref<16x1040000xf32, #tpu.memory_space<hbm>> -> memref<8x128xf32, #tpu.memory_space<hbm>>
    tpu.enqueue_dma source(%dma_start3A_150 : memref<8x128xf32, #tpu.memory_space<hbm>>) target(%dma_start3A_148 : memref<8x128xf32, #tpu.memory_space<vmem>>) target_semaphore(%arg8 : memref<!tpu.dma_semaphore, #tpu.memory_space<semaphore_mem>>)
    %add3A_151 = arith.constant 0 : i32
    %add3A_152 = arith.addi %mul3A_2, %add3A_151 : i32
    %add3A_153 = arith.constant 5 : i32
    %add3A_154 = arith.addi %add3A_152, %add3A_153 : i32
    %min3A_155 = arith.constant 8124 : i32
    %min3A_156 = arith.minsi %add3A_154, %min3A_155 : i32
    %mul3A_157 = arith.constant 128 : i32
    %mul3A_158 = arith.muli %min3A_156, %mul3A_157 : i32
    %dma_start3A_159 = arith.constant 80 : i32
    %dma_start3A_160 = arith.constant 0 : i32
    %dma_start3A_161 = tpu.memref_slice %arg4[%dma_start3A_159, %dma_start3A_160] : memref<128x129xf32, #tpu.memory_space<vmem>> -> memref<8x128xf32, #tpu.memory_space<vmem>>
    %dma_start3A_162 = arith.constant 0 : i32
    %dma_start3A_163 = tpu.memref_slice %arg2[%dma_start3A_162, %mul3A_158] : memref<16x1040000xf32, #tpu.memory_space<hbm>> -> memref<8x128xf32, #tpu.memory_space<hbm>>
    %dma_start3A_164 = arith.constant 80 : i32
    %dma_start3A_165 = arith.constant 0 : i32
    %dma_start3A_166 = tpu.memref_slice %arg4[%dma_start3A_164, %dma_start3A_165] : memref<128x129xf32, #tpu.memory_space<vmem>> -> memref<8x128xf32, #tpu.memory_space<vmem>>
    %dma_start3A_167 = arith.constant 0 : i32
    %dma_start3A_168 = tpu.memref_slice %arg2[%dma_start3A_167, %mul3A_158] : memref<16x1040000xf32, #tpu.memory_space<hbm>> -> memref<8x128xf32, #tpu.memory_space<hbm>>
    tpu.enqueue_dma source(%dma_start3A_168 : memref<8x128xf32, #tpu.memory_space<hbm>>) target(%dma_start3A_166 : memref<8x128xf32, #tpu.memory_space<vmem>>) target_semaphore(%arg8 : memref<!tpu.dma_semaphore, #tpu.memory_space<semaphore_mem>>)
    %mul3A_169 = arith.constant 128 : i32
    %mul3A_170 = arith.muli %min3A_156, %mul3A_169 : i32
    %dma_start3A_171 = arith.constant 88 : i32
    %dma_start3A_172 = arith.constant 0 : i32
    %dma_start3A_173 = tpu.memref_slice %arg4[%dma_start3A_171, %dma_start3A_172] : memref<128x129xf32, #tpu.memory_space<vmem>> -> memref<8x128xf32, #tpu.memory_space<vmem>>
    %dma_start3A_174 = arith.constant 8 : i32
    %dma_start3A_175 = tpu.memref_slice %arg2[%dma_start3A_174, %mul3A_170] : memref<16x1040000xf32, #tpu.memory_space<hbm>> -> memref<8x128xf32, #tpu.memory_space<hbm>>
    %dma_start3A_176 = arith.constant 88 : i32
    %dma_start3A_177 = arith.constant 0 : i32
    %dma_start3A_178 = tpu.memref_slice %arg4[%dma_start3A_176, %dma_start3A_177] : memref<128x129xf32, #tpu.memory_space<vmem>> -> memref<8x128xf32, #tpu.memory_space<vmem>>
    %dma_start3A_179 = arith.constant 8 : i32
    %dma_start3A_180 = tpu.memref_slice %arg2[%dma_start3A_179, %mul3A_170] : memref<16x1040000xf32, #tpu.memory_space<hbm>> -> memref<8x128xf32, #tpu.memory_space<hbm>>
    tpu.enqueue_dma source(%dma_start3A_180 : memref<8x128xf32, #tpu.memory_space<hbm>>) target(%dma_start3A_178 : memref<8x128xf32, #tpu.memory_space<vmem>>) target_semaphore(%arg8 : memref<!tpu.dma_semaphore, #tpu.memory_space<semaphore_mem>>)
    %add3A_181 = arith.constant 0 : i32
    %add3A_182 = arith.addi %mul3A_2, %add3A_181 : i32
    %add3A_183 = arith.constant 6 : i32
    %add3A_184 = arith.addi %add3A_182, %add3A_183 : i32
    %min3A_185 = arith.constant 8124 : i32
    %min3A_186 = arith.minsi %add3A_184, %min3A_185 : i32
    %mul3A_187 = arith.constant 128 : i32
    %mul3A_188 = arith.muli %min3A_186, %mul3A_187 : i32
    %dma_start3A_189 = arith.constant 96 : i32
    %dma_start3A_190 = arith.constant 0 : i32
    %dma_start3A_191 = tpu.memref_slice %arg4[%dma_start3A_189, %dma_start3A_190] : memref<128x129xf32, #tpu.memory_space<vmem>> -> memref<8x128xf32, #tpu.memory_space<vmem>>
    %dma_start3A_192 = arith.constant 0 : i32
    %dma_start3A_193 = tpu.memref_slice %arg2[%dma_start3A_192, %mul3A_188] : memref<16x1040000xf32, #tpu.memory_space<hbm>> -> memref<8x128xf32, #tpu.memory_space<hbm>>
    %dma_start3A_194 = arith.constant 96 : i32
    %dma_start3A_195 = arith.constant 0 : i32
    %dma_start3A_196 = tpu.memref_slice %arg4[%dma_start3A_194, %dma_start3A_195] : memref<128x129xf32, #tpu.memory_space<vmem>> -> memref<8x128xf32, #tpu.memory_space<vmem>>
    %dma_start3A_197 = arith.constant 0 : i32
    %dma_start3A_198 = tpu.memref_slice %arg2[%dma_start3A_197, %mul3A_188] : memref<16x1040000xf32, #tpu.memory_space<hbm>> -> memref<8x128xf32, #tpu.memory_space<hbm>>
    tpu.enqueue_dma source(%dma_start3A_198 : memref<8x128xf32, #tpu.memory_space<hbm>>) target(%dma_start3A_196 : memref<8x128xf32, #tpu.memory_space<vmem>>) target_semaphore(%arg8 : memref<!tpu.dma_semaphore, #tpu.memory_space<semaphore_mem>>)
    %mul3A_199 = arith.constant 128 : i32
    %mul3A_200 = arith.muli %min3A_186, %mul3A_199 : i32
    %dma_start3A_201 = arith.constant 104 : i32
    %dma_start3A_202 = arith.constant 0 : i32
    %dma_start3A_203 = tpu.memref_slice %arg4[%dma_start3A_201, %dma_start3A_202] : memref<128x129xf32, #tpu.memory_space<vmem>> -> memref<8x128xf32, #tpu.memory_space<vmem>>
    %dma_start3A_204 = arith.constant 8 : i32
    %dma_start3A_205 = tpu.memref_slice %arg2[%dma_start3A_204, %mul3A_200] : memref<16x1040000xf32, #tpu.memory_space<hbm>> -> memref<8x128xf32, #tpu.memory_space<hbm>>
    %dma_start3A_206 = arith.constant 104 : i32
    %dma_start3A_207 = arith.constant 0 : i32
    %dma_start3A_208 = tpu.memref_slice %arg4[%dma_start3A_206, %dma_start3A_207] : memref<128x129xf32, #tpu.memory_space<vmem>> -> memref<8x128xf32, #tpu.memory_space<vmem>>
    %dma_start3A_209 = arith.constant 8 : i32
    %dma_start3A_210 = tpu.memref_slice %arg2[%dma_start3A_209, %mul3A_200] : memref<16x1040000xf32, #tpu.memory_space<hbm>> -> memref<8x128xf32, #tpu.memory_space<hbm>>
    tpu.enqueue_dma source(%dma_start3A_210 : memref<8x128xf32, #tpu.memory_space<hbm>>) target(%dma_start3A_208 : memref<8x128xf32, #tpu.memory_space<vmem>>) target_semaphore(%arg8 : memref<!tpu.dma_semaphore, #tpu.memory_space<semaphore_mem>>)
    %add3A_211 = arith.constant 0 : i32
    %add3A_212 = arith.addi %mul3A_2, %add3A_211 : i32
    %add3A_213 = arith.constant 7 : i32
    %add3A_214 = arith.addi %add3A_212, %add3A_213 : i32
    %min3A_215 = arith.constant 8124 : i32
    %min3A_216 = arith.minsi %add3A_214, %min3A_215 : i32
    %mul3A_217 = arith.constant 128 : i32
    %mul3A_218 = arith.muli %min3A_216, %mul3A_217 : i32
    %dma_start3A_219 = arith.constant 112 : i32
    %dma_start3A_220 = arith.constant 0 : i32
    %dma_start3A_221 = tpu.memref_slice %arg4[%dma_start3A_219, %dma_start3A_220] : memref<128x129xf32, #tpu.memory_space<vmem>> -> memref<8x128xf32, #tpu.memory_space<vmem>>
    %dma_start3A_222 = arith.constant 0 : i32
    %dma_start3A_223 = tpu.memref_slice %arg2[%dma_start3A_222, %mul3A_218] : memref<16x1040000xf32, #tpu.memory_space<hbm>> -> memref<8x128xf32, #tpu.memory_space<hbm>>
    %dma_start3A_224 = arith.constant 112 : i32
    %dma_start3A_225 = arith.constant 0 : i32
    %dma_start3A_226 = tpu.memref_slice %arg4[%dma_start3A_224, %dma_start3A_225] : memref<128x129xf32, #tpu.memory_space<vmem>> -> memref<8x128xf32, #tpu.memory_space<vmem>>
    %dma_start3A_227 = arith.constant 0 : i32
    %dma_start3A_228 = tpu.memref_slice %arg2[%dma_start3A_227, %mul3A_218] : memref<16x1040000xf32, #tpu.memory_space<hbm>> -> memref<8x128xf32, #tpu.memory_space<hbm>>
    tpu.enqueue_dma source(%dma_start3A_228 : memref<8x128xf32, #tpu.memory_space<hbm>>) target(%dma_start3A_226 : memref<8x128xf32, #tpu.memory_space<vmem>>) target_semaphore(%arg8 : memref<!tpu.dma_semaphore, #tpu.memory_space<semaphore_mem>>)
    %mul3A_229 = arith.constant 128 : i32
    %mul3A_230 = arith.muli %min3A_216, %mul3A_229 : i32
    %dma_start3A_231 = arith.constant 120 : i32
    %dma_start3A_232 = arith.constant 0 : i32
    %dma_start3A_233 = tpu.memref_slice %arg4[%dma_start3A_231, %dma_start3A_232] : memref<128x129xf32, #tpu.memory_space<vmem>> -> memref<8x128xf32, #tpu.memory_space<vmem>>
    %dma_start3A_234 = arith.constant 8 : i32
    %dma_start3A_235 = tpu.memref_slice %arg2[%dma_start3A_234, %mul3A_230] : memref<16x1040000xf32, #tpu.memory_space<hbm>> -> memref<8x128xf32, #tpu.memory_space<hbm>>
    %dma_start3A_236 = arith.constant 120 : i32
    %dma_start3A_237 = arith.constant 0 : i32
    %dma_start3A_238 = tpu.memref_slice %arg4[%dma_start3A_236, %dma_start3A_237] : memref<128x129xf32, #tpu.memory_space<vmem>> -> memref<8x128xf32, #tpu.memory_space<vmem>>
    %dma_start3A_239 = arith.constant 8 : i32
    %dma_start3A_240 = tpu.memref_slice %arg2[%dma_start3A_239, %mul3A_230] : memref<16x1040000xf32, #tpu.memory_space<hbm>> -> memref<8x128xf32, #tpu.memory_space<hbm>>
    tpu.enqueue_dma source(%dma_start3A_240 : memref<8x128xf32, #tpu.memory_space<hbm>>) target(%dma_start3A_238 : memref<8x128xf32, #tpu.memory_space<vmem>>) target_semaphore(%arg8 : memref<!tpu.dma_semaphore, #tpu.memory_space<semaphore_mem>>)
    %add3A_241 = arith.constant 8 : i32
    %add3A_242 = arith.addi %mul3A_2, %add3A_241 : i32
    %add3A_243 = arith.constant 0 : i32
    %add3A_244 = arith.addi %add3A_242, %add3A_243 : i32
    %min3A_245 = arith.constant 8124 : i32
    %min3A_246 = arith.minsi %add3A_244, %min3A_245 : i32
    %mul3A_247 = arith.constant 128 : i32
    %mul3A_248 = arith.muli %min3A_246, %mul3A_247 : i32
    %dma_start3A_249 = arith.constant 0 : i32
    %dma_start3A_250 = arith.constant 0 : i32
    %dma_start3A_251 = tpu.memref_slice %arg5[%dma_start3A_249, %dma_start3A_250] : memref<128x129xf32, #tpu.memory_space<vmem>> -> memref<8x128xf32, #tpu.memory_space<vmem>>
    %dma_start3A_252 = arith.constant 0 : i32
    %dma_start3A_253 = tpu.memref_slice %arg2[%dma_start3A_252, %mul3A_248] : memref<16x1040000xf32, #tpu.memory_space<hbm>> -> memref<8x128xf32, #tpu.memory_space<hbm>>
    %dma_start3A_254 = arith.constant 0 : i32
    %dma_start3A_255 = arith.constant 0 : i32
    %dma_start3A_256 = tpu.memref_slice %arg5[%dma_start3A_254, %dma_start3A_255] : memref<128x129xf32, #tpu.memory_space<vmem>> -> memref<8x128xf32, #tpu.memory_space<vmem>>
    %dma_start3A_257 = arith.constant 0 : i32
    %dma_start3A_258 = tpu.memref_slice %arg2[%dma_start3A_257, %mul3A_248] : memref<16x1040000xf32, #tpu.memory_space<hbm>> -> memref<8x128xf32, #tpu.memory_space<hbm>>
    tpu.enqueue_dma source(%dma_start3A_258 : memref<8x128xf32, #tpu.memory_space<hbm>>) target(%dma_start3A_256 : memref<8x128xf32, #tpu.memory_space<vmem>>) target_semaphore(%arg9 : memref<!tpu.dma_semaphore, #tpu.memory_space<semaphore_mem>>)
    %mul3A_259 = arith.constant 128 : i32
    %mul3A_260 = arith.muli %min3A_246, %mul3A_259 : i32
    %dma_start3A_261 = arith.constant 8 : i32
    %dma_start3A_262 = arith.constant 0 : i32
    %dma_start3A_263 = tpu.memref_slice %arg5[%dma_start3A_261, %dma_start3A_262] : memref<128x129xf32, #tpu.memory_space<vmem>> -> memref<8x128xf32, #tpu.memory_space<vmem>>
    %dma_start3A_264 = arith.constant 8 : i32
    %dma_start3A_265 = tpu.memref_slice %arg2[%dma_start3A_264, %mul3A_260] : memref<16x1040000xf32, #tpu.memory_space<hbm>> -> memref<8x128xf32, #tpu.memory_space<hbm>>
    %dma_start3A_266 = arith.constant 8 : i32
    %dma_start3A_267 = arith.constant 0 : i32
    %dma_start3A_268 = tpu.memref_slice %arg5[%dma_start3A_266, %dma_start3A_267] : memref<128x129xf32, #tpu.memory_space<vmem>> -> memref<8x128xf32, #tpu.memory_space<vmem>>
    %dma_start3A_269 = arith.constant 8 : i32
    %dma_start3A_270 = tpu.memref_slice %arg2[%dma_start3A_269, %mul3A_260] : memref<16x1040000xf32, #tpu.memory_space<hbm>> -> memref<8x128xf32, #tpu.memory_space<hbm>>
    tpu.enqueue_dma source(%dma_start3A_270 : memref<8x128xf32, #tpu.memory_space<hbm>>) target(%dma_start3A_268 : memref<8x128xf32, #tpu.memory_space<vmem>>) target_semaphore(%arg9 : memref<!tpu.dma_semaphore, #tpu.memory_space<semaphore_mem>>)
    %add3A_271 = arith.constant 8 : i32
    %add3A_272 = arith.addi %mul3A_2, %add3A_271 : i32
    %add3A_273 = arith.constant 1 : i32
    %add3A_274 = arith.addi %add3A_272, %add3A_273 : i32
    %min3A_275 = arith.constant 8124 : i32
    %min3A_276 = arith.minsi %add3A_274, %min3A_275 : i32
    %mul3A_277 = arith.constant 128 : i32
    %mul3A_278 = arith.muli %min3A_276, %mul3A_277 : i32
    %dma_start3A_279 = arith.constant 16 : i32
    %dma_start3A_280 = arith.constant 0 : i32
    %dma_start3A_281 = tpu.memref_slice %arg5[%dma_start3A_279, %dma_start3A_280] : memref<128x129xf32, #tpu.memory_space<vmem>> -> memref<8x128xf32, #tpu.memory_space<vmem>>
    %dma_start3A_282 = arith.constant 0 : i32
    %dma_start3A_283 = tpu.memref_slice %arg2[%dma_start3A_282, %mul3A_278] : memref<16x1040000xf32, #tpu.memory_space<hbm>> -> memref<8x128xf32, #tpu.memory_space<hbm>>
    %dma_start3A_284 = arith.constant 16 : i32
    %dma_start3A_285 = arith.constant 0 : i32
    %dma_start3A_286 = tpu.memref_slice %arg5[%dma_start3A_284, %dma_start3A_285] : memref<128x129xf32, #tpu.memory_space<vmem>> -> memref<8x128xf32, #tpu.memory_space<vmem>>
    %dma_start3A_287 = arith.constant 0 : i32
    %dma_start3A_288 = tpu.memref_slice %arg2[%dma_start3A_287, %mul3A_278] : memref<16x1040000xf32, #tpu.memory_space<hbm>> -> memref<8x128xf32, #tpu.memory_space<hbm>>
    tpu.enqueue_dma source(%dma_start3A_288 : memref<8x128xf32, #tpu.memory_space<hbm>>) target(%dma_start3A_286 : memref<8x128xf32, #tpu.memory_space<vmem>>) target_semaphore(%arg9 : memref<!tpu.dma_semaphore, #tpu.memory_space<semaphore_mem>>)
    %mul3A_289 = arith.constant 128 : i32
    %mul3A_290 = arith.muli %min3A_276, %mul3A_289 : i32
    %dma_start3A_291 = arith.constant 24 : i32
    %dma_start3A_292 = arith.constant 0 : i32
    %dma_start3A_293 = tpu.memref_slice %arg5[%dma_start3A_291, %dma_start3A_292] : memref<128x129xf32, #tpu.memory_space<vmem>> -> memref<8x128xf32, #tpu.memory_space<vmem>>
    %dma_start3A_294 = arith.constant 8 : i32
    %dma_start3A_295 = tpu.memref_slice %arg2[%dma_start3A_294, %mul3A_290] : memref<16x1040000xf32, #tpu.memory_space<hbm>> -> memref<8x128xf32, #tpu.memory_space<hbm>>
    %dma_start3A_296 = arith.constant 24 : i32
    %dma_start3A_297 = arith.constant 0 : i32
    %dma_start3A_298 = tpu.memref_slice %arg5[%dma_start3A_296, %dma_start3A_297] : memref<128x129xf32, #tpu.memory_space<vmem>> -> memref<8x128xf32, #tpu.memory_space<vmem>>
    %dma_start3A_299 = arith.constant 8 : i32
    %dma_start3A_300 = tpu.memref_slice %arg2[%dma_start3A_299, %mul3A_290] : memref<16x1040000xf32, #tpu.memory_space<hbm>> -> memref<8x128xf32, #tpu.memory_space<hbm>>
    tpu.enqueue_dma source(%dma_start3A_300 : memref<8x128xf32, #tpu.memory_space<hbm>>) target(%dma_start3A_298 : memref<8x128xf32, #tpu.memory_space<vmem>>) target_semaphore(%arg9 : memref<!tpu.dma_semaphore, #tpu.memory_space<semaphore_mem>>)
    %add3A_301 = arith.constant 8 : i32
    %add3A_302 = arith.addi %mul3A_2, %add3A_301 : i32
    %add3A_303 = arith.constant 2 : i32
    %add3A_304 = arith.addi %add3A_302, %add3A_303 : i32
    %min3A_305 = arith.constant 8124 : i32
    %min3A_306 = arith.minsi %add3A_304, %min3A_305 : i32
    %mul3A_307 = arith.constant 128 : i32
    %mul3A_308 = arith.muli %min3A_306, %mul3A_307 : i32
    %dma_start3A_309 = arith.constant 32 : i32
    %dma_start3A_310 = arith.constant 0 : i32
    %dma_start3A_311 = tpu.memref_slice %arg5[%dma_start3A_309, %dma_start3A_310] : memref<128x129xf32, #tpu.memory_space<vmem>> -> memref<8x128xf32, #tpu.memory_space<vmem>>
    %dma_start3A_312 = arith.constant 0 : i32
    %dma_start3A_313 = tpu.memref_slice %arg2[%dma_start3A_312, %mul3A_308] : memref<16x1040000xf32, #tpu.memory_space<hbm>> -> memref<8x128xf32, #tpu.memory_space<hbm>>
    %dma_start3A_314 = arith.constant 32 : i32
    %dma_start3A_315 = arith.constant 0 : i32
    %dma_start3A_316 = tpu.memref_slice %arg5[%dma_start3A_314, %dma_start3A_315] : memref<128x129xf32, #tpu.memory_space<vmem>> -> memref<8x128xf32, #tpu.memory_space<vmem>>
    %dma_start3A_317 = arith.constant 0 : i32
    %dma_start3A_318 = tpu.memref_slice %arg2[%dma_start3A_317, %mul3A_308] : memref<16x1040000xf32, #tpu.memory_space<hbm>> -> memref<8x128xf32, #tpu.memory_space<hbm>>
    tpu.enqueue_dma source(%dma_start3A_318 : memref<8x128xf32, #tpu.memory_space<hbm>>) target(%dma_start3A_316 : memref<8x128xf32, #tpu.memory_space<vmem>>) target_semaphore(%arg9 : memref<!tpu.dma_semaphore, #tpu.memory_space<semaphore_mem>>)
    %mul3A_319 = arith.constant 128 : i32
    %mul3A_320 = arith.muli %min3A_306, %mul3A_319 : i32
    %dma_start3A_321 = arith.constant 40 : i32
    %dma_start3A_322 = arith.constant 0 : i32
    %dma_start3A_323 = tpu.memref_slice %arg5[%dma_start3A_321, %dma_start3A_322] : memref<128x129xf32, #tpu.memory_space<vmem>> -> memref<8x128xf32, #tpu.memory_space<vmem>>
    %dma_start3A_324 = arith.constant 8 : i32
    %dma_start3A_325 = tpu.memref_slice %arg2[%dma_start3A_324, %mul3A_320] : memref<16x1040000xf32, #tpu.memory_space<hbm>> -> memref<8x128xf32, #tpu.memory_space<hbm>>
    %dma_start3A_326 = arith.constant 40 : i32
    %dma_start3A_327 = arith.constant 0 : i32
    %dma_start3A_328 = tpu.memref_slice %arg5[%dma_start3A_326, %dma_start3A_327] : memref<128x129xf32, #tpu.memory_space<vmem>> -> memref<8x128xf32, #tpu.memory_space<vmem>>
    %dma_start3A_329 = arith.constant 8 : i32
    %dma_start3A_330 = tpu.memref_slice %arg2[%dma_start3A_329, %mul3A_320] : memref<16x1040000xf32, #tpu.memory_space<hbm>> -> memref<8x128xf32, #tpu.memory_space<hbm>>
    tpu.enqueue_dma source(%dma_start3A_330 : memref<8x128xf32, #tpu.memory_space<hbm>>) target(%dma_start3A_328 : memref<8x128xf32, #tpu.memory_space<vmem>>) target_semaphore(%arg9 : memref<!tpu.dma_semaphore, #tpu.memory_space<semaphore_mem>>)
    %add3A_331 = arith.constant 8 : i32
    %add3A_332 = arith.addi %mul3A_2, %add3A_331 : i32
    %add3A_333 = arith.constant 3 : i32
    %add3A_334 = arith.addi %add3A_332, %add3A_333 : i32
    %min3A_335 = arith.constant 8124 : i32
    %min3A_336 = arith.minsi %add3A_334, %min3A_335 : i32
    %mul3A_337 = arith.constant 128 : i32
    %mul3A_338 = arith.muli %min3A_336, %mul3A_337 : i32
    %dma_start3A_339 = arith.constant 48 : i32
    %dma_start3A_340 = arith.constant 0 : i32
    %dma_start3A_341 = tpu.memref_slice %arg5[%dma_start3A_339, %dma_start3A_340] : memref<128x129xf32, #tpu.memory_space<vmem>> -> memref<8x128xf32, #tpu.memory_space<vmem>>
    %dma_start3A_342 = arith.constant 0 : i32
    %dma_start3A_343 = tpu.memref_slice %arg2[%dma_start3A_342, %mul3A_338] : memref<16x1040000xf32, #tpu.memory_space<hbm>> -> memref<8x128xf32, #tpu.memory_space<hbm>>
    %dma_start3A_344 = arith.constant 48 : i32
    %dma_start3A_345 = arith.constant 0 : i32
    %dma_start3A_346 = tpu.memref_slice %arg5[%dma_start3A_344, %dma_start3A_345] : memref<128x129xf32, #tpu.memory_space<vmem>> -> memref<8x128xf32, #tpu.memory_space<vmem>>
    %dma_start3A_347 = arith.constant 0 : i32
    %dma_start3A_348 = tpu.memref_slice %arg2[%dma_start3A_347, %mul3A_338] : memref<16x1040000xf32, #tpu.memory_space<hbm>> -> memref<8x128xf32, #tpu.memory_space<hbm>>
    tpu.enqueue_dma source(%dma_start3A_348 : memref<8x128xf32, #tpu.memory_space<hbm>>) target(%dma_start3A_346 : memref<8x128xf32, #tpu.memory_space<vmem>>) target_semaphore(%arg9 : memref<!tpu.dma_semaphore, #tpu.memory_space<semaphore_mem>>)
    %mul3A_349 = arith.constant 128 : i32
    %mul3A_350 = arith.muli %min3A_336, %mul3A_349 : i32
    %dma_start3A_351 = arith.constant 56 : i32
    %dma_start3A_352 = arith.constant 0 : i32
    %dma_start3A_353 = tpu.memref_slice %arg5[%dma_start3A_351, %dma_start3A_352] : memref<128x129xf32, #tpu.memory_space<vmem>> -> memref<8x128xf32, #tpu.memory_space<vmem>>
    %dma_start3A_354 = arith.constant 8 : i32
    %dma_start3A_355 = tpu.memref_slice %arg2[%dma_start3A_354, %mul3A_350] : memref<16x1040000xf32, #tpu.memory_space<hbm>> -> memref<8x128xf32, #tpu.memory_space<hbm>>
    %dma_start3A_356 = arith.constant 56 : i32
    %dma_start3A_357 = arith.constant 0 : i32
    %dma_start3A_358 = tpu.memref_slice %arg5[%dma_start3A_356, %dma_start3A_357] : memref<128x129xf32, #tpu.memory_space<vmem>> -> memref<8x128xf32, #tpu.memory_space<vmem>>
    %dma_start3A_359 = arith.constant 8 : i32
    %dma_start3A_360 = tpu.memref_slice %arg2[%dma_start3A_359, %mul3A_350] : memref<16x1040000xf32, #tpu.memory_space<hbm>> -> memref<8x128xf32, #tpu.memory_space<hbm>>
    tpu.enqueue_dma source(%dma_start3A_360 : memref<8x128xf32, #tpu.memory_space<hbm>>) target(%dma_start3A_358 : memref<8x128xf32, #tpu.memory_space<vmem>>) target_semaphore(%arg9 : memref<!tpu.dma_semaphore, #tpu.memory_space<semaphore_mem>>)
    %add3A_361 = arith.constant 8 : i32
    %add3A_362 = arith.addi %mul3A_2, %add3A_361 : i32
    %add3A_363 = arith.constant 4 : i32
    %add3A_364 = arith.addi %add3A_362, %add3A_363 : i32
    %min3A_365 = arith.constant 8124 : i32
    %min3A_366 = arith.minsi %add3A_364, %min3A_365 : i32
    %mul3A_367 = arith.constant 128 : i32
    %mul3A_368 = arith.muli %min3A_366, %mul3A_367 : i32
    %dma_start3A_369 = arith.constant 64 : i32
    %dma_start3A_370 = arith.constant 0 : i32
    %dma_start3A_371 = tpu.memref_slice %arg5[%dma_start3A_369, %dma_start3A_370] : memref<128x129xf32, #tpu.memory_space<vmem>> -> memref<8x128xf32, #tpu.memory_space<vmem>>
    %dma_start3A_372 = arith.constant 0 : i32
    %dma_start3A_373 = tpu.memref_slice %arg2[%dma_start3A_372, %mul3A_368] : memref<16x1040000xf32, #tpu.memory_space<hbm>> -> memref<8x128xf32, #tpu.memory_space<hbm>>
    %dma_start3A_374 = arith.constant 64 : i32
    %dma_start3A_375 = arith.constant 0 : i32
    %dma_start3A_376 = tpu.memref_slice %arg5[%dma_start3A_374, %dma_start3A_375] : memref<128x129xf32, #tpu.memory_space<vmem>> -> memref<8x128xf32, #tpu.memory_space<vmem>>
    %dma_start3A_377 = arith.constant 0 : i32
    %dma_start3A_378 = tpu.memref_slice %arg2[%dma_start3A_377, %mul3A_368] : memref<16x1040000xf32, #tpu.memory_space<hbm>> -> memref<8x128xf32, #tpu.memory_space<hbm>>
    tpu.enqueue_dma source(%dma_start3A_378 : memref<8x128xf32, #tpu.memory_space<hbm>>) target(%dma_start3A_376 : memref<8x128xf32, #tpu.memory_space<vmem>>) target_semaphore(%arg9 : memref<!tpu.dma_semaphore, #tpu.memory_space<semaphore_mem>>)
    %mul3A_379 = arith.constant 128 : i32
    %mul3A_380 = arith.muli %min3A_366, %mul3A_379 : i32
    %dma_start3A_381 = arith.constant 72 : i32
    %dma_start3A_382 = arith.constant 0 : i32
    %dma_start3A_383 = tpu.memref_slice %arg5[%dma_start3A_381, %dma_start3A_382] : memref<128x129xf32, #tpu.memory_space<vmem>> -> memref<8x128xf32, #tpu.memory_space<vmem>>
    %dma_start3A_384 = arith.constant 8 : i32
    %dma_start3A_385 = tpu.memref_slice %arg2[%dma_start3A_384, %mul3A_380] : memref<16x1040000xf32, #tpu.memory_space<hbm>> -> memref<8x128xf32, #tpu.memory_space<hbm>>
    %dma_start3A_386 = arith.constant 72 : i32
    %dma_start3A_387 = arith.constant 0 : i32
    %dma_start3A_388 = tpu.memref_slice %arg5[%dma_start3A_386, %dma_start3A_387] : memref<128x129xf32, #tpu.memory_space<vmem>> -> memref<8x128xf32, #tpu.memory_space<vmem>>
    %dma_start3A_389 = arith.constant 8 : i32
    %dma_start3A_390 = tpu.memref_slice %arg2[%dma_start3A_389, %mul3A_380] : memref<16x1040000xf32, #tpu.memory_space<hbm>> -> memref<8x128xf32, #tpu.memory_space<hbm>>
    tpu.enqueue_dma source(%dma_start3A_390 : memref<8x128xf32, #tpu.memory_space<hbm>>) target(%dma_start3A_388 : memref<8x128xf32, #tpu.memory_space<vmem>>) target_semaphore(%arg9 : memref<!tpu.dma_semaphore, #tpu.memory_space<semaphore_mem>>)
    %add3A_391 = arith.constant 8 : i32
    %add3A_392 = arith.addi %mul3A_2, %add3A_391 : i32
    %add3A_393 = arith.constant 5 : i32
    %add3A_394 = arith.addi %add3A_392, %add3A_393 : i32
    %min3A_395 = arith.constant 8124 : i32
    %min3A_396 = arith.minsi %add3A_394, %min3A_395 : i32
    %mul3A_397 = arith.constant 128 : i32
    %mul3A_398 = arith.muli %min3A_396, %mul3A_397 : i32
    %dma_start3A_399 = arith.constant 80 : i32
    %dma_start3A_400 = arith.constant 0 : i32
    %dma_start3A_401 = tpu.memref_slice %arg5[%dma_start3A_399, %dma_start3A_400] : memref<128x129xf32, #tpu.memory_space<vmem>> -> memref<8x128xf32, #tpu.memory_space<vmem>>
    %dma_start3A_402 = arith.constant 0 : i32
    %dma_start3A_403 = tpu.memref_slice %arg2[%dma_start3A_402, %mul3A_398] : memref<16x1040000xf32, #tpu.memory_space<hbm>> -> memref<8x128xf32, #tpu.memory_space<hbm>>
    %dma_start3A_404 = arith.constant 80 : i32
    %dma_start3A_405 = arith.constant 0 : i32
    %dma_start3A_406 = tpu.memref_slice %arg5[%dma_start3A_404, %dma_start3A_405] : memref<128x129xf32, #tpu.memory_space<vmem>> -> memref<8x128xf32, #tpu.memory_space<vmem>>
    %dma_start3A_407 = arith.constant 0 : i32
    %dma_start3A_408 = tpu.memref_slice %arg2[%dma_start3A_407, %mul3A_398] : memref<16x1040000xf32, #tpu.memory_space<hbm>> -> memref<8x128xf32, #tpu.memory_space<hbm>>
    tpu.enqueue_dma source(%dma_start3A_408 : memref<8x128xf32, #tpu.memory_space<hbm>>) target(%dma_start3A_406 : memref<8x128xf32, #tpu.memory_space<vmem>>) target_semaphore(%arg9 : memref<!tpu.dma_semaphore, #tpu.memory_space<semaphore_mem>>)
    %mul3A_409 = arith.constant 128 : i32
    %mul3A_410 = arith.muli %min3A_396, %mul3A_409 : i32
    %dma_start3A_411 = arith.constant 88 : i32
    %dma_start3A_412 = arith.constant 0 : i32
    %dma_start3A_413 = tpu.memref_slice %arg5[%dma_start3A_411, %dma_start3A_412] : memref<128x129xf32, #tpu.memory_space<vmem>> -> memref<8x128xf32, #tpu.memory_space<vmem>>
    %dma_start3A_414 = arith.constant 8 : i32
    %dma_start3A_415 = tpu.memref_slice %arg2[%dma_start3A_414, %mul3A_410] : memref<16x1040000xf32, #tpu.memory_space<hbm>> -> memref<8x128xf32, #tpu.memory_space<hbm>>
    %dma_start3A_416 = arith.constant 88 : i32
    %dma_start3A_417 = arith.constant 0 : i32
    %dma_start3A_418 = tpu.memref_slice %arg5[%dma_start3A_416, %dma_start3A_417] : memref<128x129xf32, #tpu.memory_space<vmem>> -> memref<8x128xf32, #tpu.memory_space<vmem>>
    %dma_start3A_419 = arith.constant 8 : i32
    %dma_start3A_420 = tpu.memref_slice %arg2[%dma_start3A_419, %mul3A_410] : memref<16x1040000xf32, #tpu.memory_space<hbm>> -> memref<8x128xf32, #tpu.memory_space<hbm>>
    tpu.enqueue_dma source(%dma_start3A_420 : memref<8x128xf32, #tpu.memory_space<hbm>>) target(%dma_start3A_418 : memref<8x128xf32, #tpu.memory_space<vmem>>) target_semaphore(%arg9 : memref<!tpu.dma_semaphore, #tpu.memory_space<semaphore_mem>>)
    %add3A_421 = arith.constant 8 : i32
    %add3A_422 = arith.addi %mul3A_2, %add3A_421 : i32
    %add3A_423 = arith.constant 6 : i32
    %add3A_424 = arith.addi %add3A_422, %add3A_423 : i32
    %min3A_425 = arith.constant 8124 : i32
    %min3A_426 = arith.minsi %add3A_424, %min3A_425 : i32
    %mul3A_427 = arith.constant 128 : i32
    %mul3A_428 = arith.muli %min3A_426, %mul3A_427 : i32
    %dma_start3A_429 = arith.constant 96 : i32
    %dma_start3A_430 = arith.constant 0 : i32
    %dma_start3A_431 = tpu.memref_slice %arg5[%dma_start3A_429, %dma_start3A_430] : memref<128x129xf32, #tpu.memory_space<vmem>> -> memref<8x128xf32, #tpu.memory_space<vmem>>
    %dma_start3A_432 = arith.constant 0 : i32
    %dma_start3A_433 = tpu.memref_slice %arg2[%dma_start3A_432, %mul3A_428] : memref<16x1040000xf32, #tpu.memory_space<hbm>> -> memref<8x128xf32, #tpu.memory_space<hbm>>
    %dma_start3A_434 = arith.constant 96 : i32
    %dma_start3A_435 = arith.constant 0 : i32
    %dma_start3A_436 = tpu.memref_slice %arg5[%dma_start3A_434, %dma_start3A_435] : memref<128x129xf32, #tpu.memory_space<vmem>> -> memref<8x128xf32, #tpu.memory_space<vmem>>
    %dma_start3A_437 = arith.constant 0 : i32
    %dma_start3A_438 = tpu.memref_slice %arg2[%dma_start3A_437, %mul3A_428] : memref<16x1040000xf32, #tpu.memory_space<hbm>> -> memref<8x128xf32, #tpu.memory_space<hbm>>
    tpu.enqueue_dma source(%dma_start3A_438 : memref<8x128xf32, #tpu.memory_space<hbm>>) target(%dma_start3A_436 : memref<8x128xf32, #tpu.memory_space<vmem>>) target_semaphore(%arg9 : memref<!tpu.dma_semaphore, #tpu.memory_space<semaphore_mem>>)
    %mul3A_439 = arith.constant 128 : i32
    %mul3A_440 = arith.muli %min3A_426, %mul3A_439 : i32
    %dma_start3A_441 = arith.constant 104 : i32
    %dma_start3A_442 = arith.constant 0 : i32
    %dma_start3A_443 = tpu.memref_slice %arg5[%dma_start3A_441, %dma_start3A_442] : memref<128x129xf32, #tpu.memory_space<vmem>> -> memref<8x128xf32, #tpu.memory_space<vmem>>
    %dma_start3A_444 = arith.constant 8 : i32
    %dma_start3A_445 = tpu.memref_slice %arg2[%dma_start3A_444, %mul3A_440] : memref<16x1040000xf32, #tpu.memory_space<hbm>> -> memref<8x128xf32, #tpu.memory_space<hbm>>
    %dma_start3A_446 = arith.constant 104 : i32
    %dma_start3A_447 = arith.constant 0 : i32
    %dma_start3A_448 = tpu.memref_slice %arg5[%dma_start3A_446, %dma_start3A_447] : memref<128x129xf32, #tpu.memory_space<vmem>> -> memref<8x128xf32, #tpu.memory_space<vmem>>
    %dma_start3A_449 = arith.constant 8 : i32
    %dma_start3A_450 = tpu.memref_slice %arg2[%dma_start3A_449, %mul3A_440] : memref<16x1040000xf32, #tpu.memory_space<hbm>> -> memref<8x128xf32, #tpu.memory_space<hbm>>
    tpu.enqueue_dma source(%dma_start3A_450 : memref<8x128xf32, #tpu.memory_space<hbm>>) target(%dma_start3A_448 : memref<8x128xf32, #tpu.memory_space<vmem>>) target_semaphore(%arg9 : memref<!tpu.dma_semaphore, #tpu.memory_space<semaphore_mem>>)
    %add3A_451 = arith.constant 8 : i32
    %add3A_452 = arith.addi %mul3A_2, %add3A_451 : i32
    %add3A_453 = arith.constant 7 : i32
    %add3A_454 = arith.addi %add3A_452, %add3A_453 : i32
    %min3A_455 = arith.constant 8124 : i32
    %min3A_456 = arith.minsi %add3A_454, %min3A_455 : i32
    %mul3A_457 = arith.constant 128 : i32
    %mul3A_458 = arith.muli %min3A_456, %mul3A_457 : i32
    %dma_start3A_459 = arith.constant 112 : i32
    %dma_start3A_460 = arith.constant 0 : i32
    %dma_start3A_461 = tpu.memref_slice %arg5[%dma_start3A_459, %dma_start3A_460] : memref<128x129xf32, #tpu.memory_space<vmem>> -> memref<8x128xf32, #tpu.memory_space<vmem>>
    %dma_start3A_462 = arith.constant 0 : i32
    %dma_start3A_463 = tpu.memref_slice %arg2[%dma_start3A_462, %mul3A_458] : memref<16x1040000xf32, #tpu.memory_space<hbm>> -> memref<8x128xf32, #tpu.memory_space<hbm>>
    %dma_start3A_464 = arith.constant 112 : i32
    %dma_start3A_465 = arith.constant 0 : i32
    %dma_start3A_466 = tpu.memref_slice %arg5[%dma_start3A_464, %dma_start3A_465] : memref<128x129xf32, #tpu.memory_space<vmem>> -> memref<8x128xf32, #tpu.memory_space<vmem>>
    %dma_start3A_467 = arith.constant 0 : i32
    %dma_start3A_468 = tpu.memref_slice %arg2[%dma_start3A_467, %mul3A_458] : memref<16x1040000xf32, #tpu.memory_space<hbm>> -> memref<8x128xf32, #tpu.memory_space<hbm>>
    tpu.enqueue_dma source(%dma_start3A_468 : memref<8x128xf32, #tpu.memory_space<hbm>>) target(%dma_start3A_466 : memref<8x128xf32, #tpu.memory_space<vmem>>) target_semaphore(%arg9 : memref<!tpu.dma_semaphore, #tpu.memory_space<semaphore_mem>>)
    %mul3A_469 = arith.constant 128 : i32
    %mul3A_470 = arith.muli %min3A_456, %mul3A_469 : i32
    %dma_start3A_471 = arith.constant 120 : i32
    %dma_start3A_472 = arith.constant 0 : i32
    %dma_start3A_473 = tpu.memref_slice %arg5[%dma_start3A_471, %dma_start3A_472] : memref<128x129xf32, #tpu.memory_space<vmem>> -> memref<8x128xf32, #tpu.memory_space<vmem>>
    %dma_start3A_474 = arith.constant 8 : i32
    %dma_start3A_475 = tpu.memref_slice %arg2[%dma_start3A_474, %mul3A_470] : memref<16x1040000xf32, #tpu.memory_space<hbm>> -> memref<8x128xf32, #tpu.memory_space<hbm>>
    %dma_start3A_476 = arith.constant 120 : i32
    %dma_start3A_477 = arith.constant 0 : i32
    %dma_start3A_478 = tpu.memref_slice %arg5[%dma_start3A_476, %dma_start3A_477] : memref<128x129xf32, #tpu.memory_space<vmem>> -> memref<8x128xf32, #tpu.memory_space<vmem>>
    %dma_start3A_479 = arith.constant 8 : i32
    %dma_start3A_480 = tpu.memref_slice %arg2[%dma_start3A_479, %mul3A_470] : memref<16x1040000xf32, #tpu.memory_space<hbm>> -> memref<8x128xf32, #tpu.memory_space<hbm>>
    tpu.enqueue_dma source(%dma_start3A_480 : memref<8x128xf32, #tpu.memory_space<hbm>>) target(%dma_start3A_478 : memref<8x128xf32, #tpu.memory_space<vmem>>) target_semaphore(%arg9 : memref<!tpu.dma_semaphore, #tpu.memory_space<semaphore_mem>>)
    %scan3A = arith.constant 0 : i32
    %scan3A_481 = arith.constant 16 : i32
    %scan3A_482 = arith.addi %scan3A, %scan3A_481 : i32
    %scan3A_483 = arith.constant 1 : i32
    scf.for %scan3A_708 = %scan3A to %scan3A_482 step %scan3A_483  : i32 {
      %mul3A_709 = arith.constant 2 : i32
      %mul3A_710 = arith.muli %scan3A_708, %mul3A_709 : i32
      %add3A_711 = arith.constant 0 : i32
      %add3A_712 = arith.addi %add3A_711, %mul3A_710 : i32
      %add3A_713 = arith.constant 0 : i32
      %add3A_714 = arith.addi %add3A_712, %add3A_713 : i32
      %mul3A_715 = arith.constant 8 : i32
      %mul3A_716 = arith.muli %add3A_714, %mul3A_715 : i32
      %add3A_717 = arith.addi %mul3A_2, %mul3A_716 : i32
      %add3A_718 = arith.constant 0 : i32
      %add3A_719 = arith.addi %add3A_717, %add3A_718 : i32
      %min3A_720 = arith.constant 8124 : i32
      %min3A_721 = arith.minsi %add3A_719, %min3A_720 : i32
      %mul3A_722 = arith.constant 128 : i32
      %mul3A_723 = arith.muli %min3A_721, %mul3A_722 : i32
      %dma_wait3A_724 = arith.constant 0 : i32
      %dma_wait3A_725 = arith.constant 0 : i32
      %dma_wait3A_726 = tpu.memref_slice %arg4[%dma_wait3A_724, %dma_wait3A_725] : memref<128x129xf32, #tpu.memory_space<vmem>> -> memref<8x128xf32, #tpu.memory_space<vmem>>
      %dma_wait3A_727 = arith.constant 0 : i32
      %dma_wait3A_728 = tpu.memref_slice %arg2[%dma_wait3A_727, %mul3A_723] : memref<16x1040000xf32, #tpu.memory_space<hbm>> -> memref<8x128xf32, #tpu.memory_space<hbm>>
      %dma_wait3A_729 = arith.constant 0 : i32
      %dma_wait3A_730 = arith.constant 0 : i32
      %dma_wait3A_731 = tpu.memref_slice %arg4[%dma_wait3A_729, %dma_wait3A_730] : memref<128x129xf32, #tpu.memory_space<vmem>> -> memref<8x128xf32, #tpu.memory_space<vmem>>
      %dma_wait3A_732 = arith.constant 0 : i32
      %dma_wait3A_733 = tpu.memref_slice %arg2[%dma_wait3A_732, %mul3A_723] : memref<16x1040000xf32, #tpu.memory_space<hbm>> -> memref<8x128xf32, #tpu.memory_space<hbm>>
      tpu.wait_dma2 semaphore(%arg8 : memref<!tpu.dma_semaphore, #tpu.memory_space<semaphore_mem>>) src(%dma_wait3A_733 : memref<8x128xf32, #tpu.memory_space<hbm>>) dst(%dma_wait3A_731 : memref<8x128xf32, #tpu.memory_space<vmem>>)
      %mul3A_734 = arith.constant 128 : i32
      %mul3A_735 = arith.muli %min3A_721, %mul3A_734 : i32
      %dma_wait3A_736 = arith.constant 8 : i32
      %dma_wait3A_737 = arith.constant 0 : i32
      %dma_wait3A_738 = tpu.memref_slice %arg4[%dma_wait3A_736, %dma_wait3A_737] : memref<128x129xf32, #tpu.memory_space<vmem>> -> memref<8x128xf32, #tpu.memory_space<vmem>>
      %dma_wait3A_739 = arith.constant 8 : i32
      %dma_wait3A_740 = tpu.memref_slice %arg2[%dma_wait3A_739, %mul3A_735] : memref<16x1040000xf32, #tpu.memory_space<hbm>> -> memref<8x128xf32, #tpu.memory_space<hbm>>
      %dma_wait3A_741 = arith.constant 8 : i32
      %dma_wait3A_742 = arith.constant 0 : i32
      %dma_wait3A_743 = tpu.memref_slice %arg4[%dma_wait3A_741, %dma_wait3A_742] : memref<128x129xf32, #tpu.memory_space<vmem>> -> memref<8x128xf32, #tpu.memory_space<vmem>>
      %dma_wait3A_744 = arith.constant 8 : i32
      %dma_wait3A_745 = tpu.memref_slice %arg2[%dma_wait3A_744, %mul3A_735] : memref<16x1040000xf32, #tpu.memory_space<hbm>> -> memref<8x128xf32, #tpu.memory_space<hbm>>
      tpu.wait_dma2 semaphore(%arg8 : memref<!tpu.dma_semaphore, #tpu.memory_space<semaphore_mem>>) src(%dma_wait3A_745 : memref<8x128xf32, #tpu.memory_space<hbm>>) dst(%dma_wait3A_743 : memref<8x128xf32, #tpu.memory_space<vmem>>)
      %mul3A_746 = arith.constant 8 : i32
      %mul3A_747 = arith.muli %add3A_714, %mul3A_746 : i32
      %add3A_748 = arith.addi %mul3A_2, %mul3A_747 : i32
      %add3A_749 = arith.constant 1 : i32
      %add3A_750 = arith.addi %add3A_748, %add3A_749 : i32
      %min3A_751 = arith.constant 8124 : i32
      %min3A_752 = arith.minsi %add3A_750, %min3A_751 : i32
      %mul3A_753 = arith.constant 128 : i32
      %mul3A_754 = arith.muli %min3A_752, %mul3A_753 : i32
      %dma_wait3A_755 = arith.constant 16 : i32
      %dma_wait3A_756 = arith.constant 0 : i32
      %dma_wait3A_757 = tpu.memref_slice %arg4[%dma_wait3A_755, %dma_wait3A_756] : memref<128x129xf32, #tpu.memory_space<vmem>> -> memref<8x128xf32, #tpu.memory_space<vmem>>
      %dma_wait3A_758 = arith.constant 0 : i32
      %dma_wait3A_759 = tpu.memref_slice %arg2[%dma_wait3A_758, %mul3A_754] : memref<16x1040000xf32, #tpu.memory_space<hbm>> -> memref<8x128xf32, #tpu.memory_space<hbm>>
      %dma_wait3A_760 = arith.constant 16 : i32
      %dma_wait3A_761 = arith.constant 0 : i32
      %dma_wait3A_762 = tpu.memref_slice %arg4[%dma_wait3A_760, %dma_wait3A_761] : memref<128x129xf32, #tpu.memory_space<vmem>> -> memref<8x128xf32, #tpu.memory_space<vmem>>
      %dma_wait3A_763 = arith.constant 0 : i32
      %dma_wait3A_764 = tpu.memref_slice %arg2[%dma_wait3A_763, %mul3A_754] : memref<16x1040000xf32, #tpu.memory_space<hbm>> -> memref<8x128xf32, #tpu.memory_space<hbm>>
      tpu.wait_dma2 semaphore(%arg8 : memref<!tpu.dma_semaphore, #tpu.memory_space<semaphore_mem>>) src(%dma_wait3A_764 : memref<8x128xf32, #tpu.memory_space<hbm>>) dst(%dma_wait3A_762 : memref<8x128xf32, #tpu.memory_space<vmem>>)
      %mul3A_765 = arith.constant 128 : i32
      %mul3A_766 = arith.muli %min3A_752, %mul3A_765 : i32
      %dma_wait3A_767 = arith.constant 24 : i32
      %dma_wait3A_768 = arith.constant 0 : i32
      %dma_wait3A_769 = tpu.memref_slice %arg4[%dma_wait3A_767, %dma_wait3A_768] : memref<128x129xf32, #tpu.memory_space<vmem>> -> memref<8x128xf32, #tpu.memory_space<vmem>>
      %dma_wait3A_770 = arith.constant 8 : i32
      %dma_wait3A_771 = tpu.memref_slice %arg2[%dma_wait3A_770, %mul3A_766] : memref<16x1040000xf32, #tpu.memory_space<hbm>> -> memref<8x128xf32, #tpu.memory_space<hbm>>
      %dma_wait3A_772 = arith.constant 24 : i32
      %dma_wait3A_773 = arith.constant 0 : i32
      %dma_wait3A_774 = tpu.memref_slice %arg4[%dma_wait3A_772, %dma_wait3A_773] : memref<128x129xf32, #tpu.memory_space<vmem>> -> memref<8x128xf32, #tpu.memory_space<vmem>>
      %dma_wait3A_775 = arith.constant 8 : i32
      %dma_wait3A_776 = tpu.memref_slice %arg2[%dma_wait3A_775, %mul3A_766] : memref<16x1040000xf32, #tpu.memory_space<hbm>> -> memref<8x128xf32, #tpu.memory_space<hbm>>
      tpu.wait_dma2 semaphore(%arg8 : memref<!tpu.dma_semaphore, #tpu.memory_space<semaphore_mem>>) src(%dma_wait3A_776 : memref<8x128xf32, #tpu.memory_space<hbm>>) dst(%dma_wait3A_774 : memref<8x128xf32, #tpu.memory_space<vmem>>)
      %mul3A_777 = arith.constant 8 : i32
      %mul3A_778 = arith.muli %add3A_714, %mul3A_777 : i32
      %add3A_779 = arith.addi %mul3A_2, %mul3A_778 : i32
      %add3A_780 = arith.constant 2 : i32
      %add3A_781 = arith.addi %add3A_779, %add3A_780 : i32
      %min3A_782 = arith.constant 8124 : i32
      %min3A_783 = arith.minsi %add3A_781, %min3A_782 : i32
      %mul3A_784 = arith.constant 128 : i32
      %mul3A_785 = arith.muli %min3A_783, %mul3A_784 : i32
      %dma_wait3A_786 = arith.constant 32 : i32
      %dma_wait3A_787 = arith.constant 0 : i32
      %dma_wait3A_788 = tpu.memref_slice %arg4[%dma_wait3A_786, %dma_wait3A_787] : memref<128x129xf32, #tpu.memory_space<vmem>> -> memref<8x128xf32, #tpu.memory_space<vmem>>
      %dma_wait3A_789 = arith.constant 0 : i32
      %dma_wait3A_790 = tpu.memref_slice %arg2[%dma_wait3A_789, %mul3A_785] : memref<16x1040000xf32, #tpu.memory_space<hbm>> -> memref<8x128xf32, #tpu.memory_space<hbm>>
      %dma_wait3A_791 = arith.constant 32 : i32
      %dma_wait3A_792 = arith.constant 0 : i32
      %dma_wait3A_793 = tpu.memref_slice %arg4[%dma_wait3A_791, %dma_wait3A_792] : memref<128x129xf32, #tpu.memory_space<vmem>> -> memref<8x128xf32, #tpu.memory_space<vmem>>
      %dma_wait3A_794 = arith.constant 0 : i32
      %dma_wait3A_795 = tpu.memref_slice %arg2[%dma_wait3A_794, %mul3A_785] : memref<16x1040000xf32, #tpu.memory_space<hbm>> -> memref<8x128xf32, #tpu.memory_space<hbm>>
      tpu.wait_dma2 semaphore(%arg8 : memref<!tpu.dma_semaphore, #tpu.memory_space<semaphore_mem>>) src(%dma_wait3A_795 : memref<8x128xf32, #tpu.memory_space<hbm>>) dst(%dma_wait3A_793 : memref<8x128xf32, #tpu.memory_space<vmem>>)
      %mul3A_796 = arith.constant 128 : i32
      %mul3A_797 = arith.muli %min3A_783, %mul3A_796 : i32
      %dma_wait3A_798 = arith.constant 40 : i32
      %dma_wait3A_799 = arith.constant 0 : i32
      %dma_wait3A_800 = tpu.memref_slice %arg4[%dma_wait3A_798, %dma_wait3A_799] : memref<128x129xf32, #tpu.memory_space<vmem>> -> memref<8x128xf32, #tpu.memory_space<vmem>>
      %dma_wait3A_801 = arith.constant 8 : i32
      %dma_wait3A_802 = tpu.memref_slice %arg2[%dma_wait3A_801, %mul3A_797] : memref<16x1040000xf32, #tpu.memory_space<hbm>> -> memref<8x128xf32, #tpu.memory_space<hbm>>
      %dma_wait3A_803 = arith.constant 40 : i32
      %dma_wait3A_804 = arith.constant 0 : i32
      %dma_wait3A_805 = tpu.memref_slice %arg4[%dma_wait3A_803, %dma_wait3A_804] : memref<128x129xf32, #tpu.memory_space<vmem>> -> memref<8x128xf32, #tpu.memory_space<vmem>>
      %dma_wait3A_806 = arith.constant 8 : i32
      %dma_wait3A_807 = tpu.memref_slice %arg2[%dma_wait3A_806, %mul3A_797] : memref<16x1040000xf32, #tpu.memory_space<hbm>> -> memref<8x128xf32, #tpu.memory_space<hbm>>
      tpu.wait_dma2 semaphore(%arg8 : memref<!tpu.dma_semaphore, #tpu.memory_space<semaphore_mem>>) src(%dma_wait3A_807 : memref<8x128xf32, #tpu.memory_space<hbm>>) dst(%dma_wait3A_805 : memref<8x128xf32, #tpu.memory_space<vmem>>)
      %mul3A_808 = arith.constant 8 : i32
      %mul3A_809 = arith.muli %add3A_714, %mul3A_808 : i32
      %add3A_810 = arith.addi %mul3A_2, %mul3A_809 : i32
      %add3A_811 = arith.constant 3 : i32
      %add3A_812 = arith.addi %add3A_810, %add3A_811 : i32
      %min3A_813 = arith.constant 8124 : i32
      %min3A_814 = arith.minsi %add3A_812, %min3A_813 : i32
      %mul3A_815 = arith.constant 128 : i32
      %mul3A_816 = arith.muli %min3A_814, %mul3A_815 : i32
      %dma_wait3A_817 = arith.constant 48 : i32
      %dma_wait3A_818 = arith.constant 0 : i32
      %dma_wait3A_819 = tpu.memref_slice %arg4[%dma_wait3A_817, %dma_wait3A_818] : memref<128x129xf32, #tpu.memory_space<vmem>> -> memref<8x128xf32, #tpu.memory_space<vmem>>
      %dma_wait3A_820 = arith.constant 0 : i32
      %dma_wait3A_821 = tpu.memref_slice %arg2[%dma_wait3A_820, %mul3A_816] : memref<16x1040000xf32, #tpu.memory_space<hbm>> -> memref<8x128xf32, #tpu.memory_space<hbm>>
      %dma_wait3A_822 = arith.constant 48 : i32
      %dma_wait3A_823 = arith.constant 0 : i32
      %dma_wait3A_824 = tpu.memref_slice %arg4[%dma_wait3A_822, %dma_wait3A_823] : memref<128x129xf32, #tpu.memory_space<vmem>> -> memref<8x128xf32, #tpu.memory_space<vmem>>
      %dma_wait3A_825 = arith.constant 0 : i32
      %dma_wait3A_826 = tpu.memref_slice %arg2[%dma_wait3A_825, %mul3A_816] : memref<16x1040000xf32, #tpu.memory_space<hbm>> -> memref<8x128xf32, #tpu.memory_space<hbm>>
      tpu.wait_dma2 semaphore(%arg8 : memref<!tpu.dma_semaphore, #tpu.memory_space<semaphore_mem>>) src(%dma_wait3A_826 : memref<8x128xf32, #tpu.memory_space<hbm>>) dst(%dma_wait3A_824 : memref<8x128xf32, #tpu.memory_space<vmem>>)
      %mul3A_827 = arith.constant 128 : i32
      %mul3A_828 = arith.muli %min3A_814, %mul3A_827 : i32
      %dma_wait3A_829 = arith.constant 56 : i32
      %dma_wait3A_830 = arith.constant 0 : i32
      %dma_wait3A_831 = tpu.memref_slice %arg4[%dma_wait3A_829, %dma_wait3A_830] : memref<128x129xf32, #tpu.memory_space<vmem>> -> memref<8x128xf32, #tpu.memory_space<vmem>>
      %dma_wait3A_832 = arith.constant 8 : i32
      %dma_wait3A_833 = tpu.memref_slice %arg2[%dma_wait3A_832, %mul3A_828] : memref<16x1040000xf32, #tpu.memory_space<hbm>> -> memref<8x128xf32, #tpu.memory_space<hbm>>
      %dma_wait3A_834 = arith.constant 56 : i32
      %dma_wait3A_835 = arith.constant 0 : i32
      %dma_wait3A_836 = tpu.memref_slice %arg4[%dma_wait3A_834, %dma_wait3A_835] : memref<128x129xf32, #tpu.memory_space<vmem>> -> memref<8x128xf32, #tpu.memory_space<vmem>>
      %dma_wait3A_837 = arith.constant 8 : i32
      %dma_wait3A_838 = tpu.memref_slice %arg2[%dma_wait3A_837, %mul3A_828] : memref<16x1040000xf32, #tpu.memory_space<hbm>> -> memref<8x128xf32, #tpu.memory_space<hbm>>
      tpu.wait_dma2 semaphore(%arg8 : memref<!tpu.dma_semaphore, #tpu.memory_space<semaphore_mem>>) src(%dma_wait3A_838 : memref<8x128xf32, #tpu.memory_space<hbm>>) dst(%dma_wait3A_836 : memref<8x128xf32, #tpu.memory_space<vmem>>)
      %mul3A_839 = arith.constant 8 : i32
      %mul3A_840 = arith.muli %add3A_714, %mul3A_839 : i32
      %add3A_841 = arith.addi %mul3A_2, %mul3A_840 : i32
      %add3A_842 = arith.constant 4 : i32
      %add3A_843 = arith.addi %add3A_841, %add3A_842 : i32
      %min3A_844 = arith.constant 8124 : i32
      %min3A_845 = arith.minsi %add3A_843, %min3A_844 : i32
      %mul3A_846 = arith.constant 128 : i32
      %mul3A_847 = arith.muli %min3A_845, %mul3A_846 : i32
      %dma_wait3A_848 = arith.constant 64 : i32
      %dma_wait3A_849 = arith.constant 0 : i32
      %dma_wait3A_850 = tpu.memref_slice %arg4[%dma_wait3A_848, %dma_wait3A_849] : memref<128x129xf32, #tpu.memory_space<vmem>> -> memref<8x128xf32, #tpu.memory_space<vmem>>
      %dma_wait3A_851 = arith.constant 0 : i32
      %dma_wait3A_852 = tpu.memref_slice %arg2[%dma_wait3A_851, %mul3A_847] : memref<16x1040000xf32, #tpu.memory_space<hbm>> -> memref<8x128xf32, #tpu.memory_space<hbm>>
      %dma_wait3A_853 = arith.constant 64 : i32
      %dma_wait3A_854 = arith.constant 0 : i32
      %dma_wait3A_855 = tpu.memref_slice %arg4[%dma_wait3A_853, %dma_wait3A_854] : memref<128x129xf32, #tpu.memory_space<vmem>> -> memref<8x128xf32, #tpu.memory_space<vmem>>
      %dma_wait3A_856 = arith.constant 0 : i32
      %dma_wait3A_857 = tpu.memref_slice %arg2[%dma_wait3A_856, %mul3A_847] : memref<16x1040000xf32, #tpu.memory_space<hbm>> -> memref<8x128xf32, #tpu.memory_space<hbm>>
      tpu.wait_dma2 semaphore(%arg8 : memref<!tpu.dma_semaphore, #tpu.memory_space<semaphore_mem>>) src(%dma_wait3A_857 : memref<8x128xf32, #tpu.memory_space<hbm>>) dst(%dma_wait3A_855 : memref<8x128xf32, #tpu.memory_space<vmem>>)
      %mul3A_858 = arith.constant 128 : i32
      %mul3A_859 = arith.muli %min3A_845, %mul3A_858 : i32
      %dma_wait3A_860 = arith.constant 72 : i32
      %dma_wait3A_861 = arith.constant 0 : i32
      %dma_wait3A_862 = tpu.memref_slice %arg4[%dma_wait3A_860, %dma_wait3A_861] : memref<128x129xf32, #tpu.memory_space<vmem>> -> memref<8x128xf32, #tpu.memory_space<vmem>>
      %dma_wait3A_863 = arith.constant 8 : i32
      %dma_wait3A_864 = tpu.memref_slice %arg2[%dma_wait3A_863, %mul3A_859] : memref<16x1040000xf32, #tpu.memory_space<hbm>> -> memref<8x128xf32, #tpu.memory_space<hbm>>
      %dma_wait3A_865 = arith.constant 72 : i32
      %dma_wait3A_866 = arith.constant 0 : i32
      %dma_wait3A_867 = tpu.memref_slice %arg4[%dma_wait3A_865, %dma_wait3A_866] : memref<128x129xf32, #tpu.memory_space<vmem>> -> memref<8x128xf32, #tpu.memory_space<vmem>>
      %dma_wait3A_868 = arith.constant 8 : i32
      %dma_wait3A_869 = tpu.memref_slice %arg2[%dma_wait3A_868, %mul3A_859] : memref<16x1040000xf32, #tpu.memory_space<hbm>> -> memref<8x128xf32, #tpu.memory_space<hbm>>
      tpu.wait_dma2 semaphore(%arg8 : memref<!tpu.dma_semaphore, #tpu.memory_space<semaphore_mem>>) src(%dma_wait3A_869 : memref<8x128xf32, #tpu.memory_space<hbm>>) dst(%dma_wait3A_867 : memref<8x128xf32, #tpu.memory_space<vmem>>)
      %mul3A_870 = arith.constant 8 : i32
      %mul3A_871 = arith.muli %add3A_714, %mul3A_870 : i32
      %add3A_872 = arith.addi %mul3A_2, %mul3A_871 : i32
      %add3A_873 = arith.constant 5 : i32
      %add3A_874 = arith.addi %add3A_872, %add3A_873 : i32
      %min3A_875 = arith.constant 8124 : i32
      %min3A_876 = arith.minsi %add3A_874, %min3A_875 : i32
      %mul3A_877 = arith.constant 128 : i32
      %mul3A_878 = arith.muli %min3A_876, %mul3A_877 : i32
      %dma_wait3A_879 = arith.constant 80 : i32
      %dma_wait3A_880 = arith.constant 0 : i32
      %dma_wait3A_881 = tpu.memref_slice %arg4[%dma_wait3A_879, %dma_wait3A_880] : memref<128x129xf32, #tpu.memory_space<vmem>> -> memref<8x128xf32, #tpu.memory_space<vmem>>
      %dma_wait3A_882 = arith.constant 0 : i32
      %dma_wait3A_883 = tpu.memref_slice %arg2[%dma_wait3A_882, %mul3A_878] : memref<16x1040000xf32, #tpu.memory_space<hbm>> -> memref<8x128xf32, #tpu.memory_space<hbm>>
      %dma_wait3A_884 = arith.constant 80 : i32
      %dma_wait3A_885 = arith.constant 0 : i32
      %dma_wait3A_886 = tpu.memref_slice %arg4[%dma_wait3A_884, %dma_wait3A_885] : memref<128x129xf32, #tpu.memory_space<vmem>> -> memref<8x128xf32, #tpu.memory_space<vmem>>
      %dma_wait3A_887 = arith.constant 0 : i32
      %dma_wait3A_888 = tpu.memref_slice %arg2[%dma_wait3A_887, %mul3A_878] : memref<16x1040000xf32, #tpu.memory_space<hbm>> -> memref<8x128xf32, #tpu.memory_space<hbm>>
      tpu.wait_dma2 semaphore(%arg8 : memref<!tpu.dma_semaphore, #tpu.memory_space<semaphore_mem>>) src(%dma_wait3A_888 : memref<8x128xf32, #tpu.memory_space<hbm>>) dst(%dma_wait3A_886 : memref<8x128xf32, #tpu.memory_space<vmem>>)
      %mul3A_889 = arith.constant 128 : i32
      %mul3A_890 = arith.muli %min3A_876, %mul3A_889 : i32
      %dma_wait3A_891 = arith.constant 88 : i32
      %dma_wait3A_892 = arith.constant 0 : i32
      %dma_wait3A_893 = tpu.memref_slice %arg4[%dma_wait3A_891, %dma_wait3A_892] : memref<128x129xf32, #tpu.memory_space<vmem>> -> memref<8x128xf32, #tpu.memory_space<vmem>>
      %dma_wait3A_894 = arith.constant 8 : i32
      %dma_wait3A_895 = tpu.memref_slice %arg2[%dma_wait3A_894, %mul3A_890] : memref<16x1040000xf32, #tpu.memory_space<hbm>> -> memref<8x128xf32, #tpu.memory_space<hbm>>
      %dma_wait3A_896 = arith.constant 88 : i32
      %dma_wait3A_897 = arith.constant 0 : i32
      %dma_wait3A_898 = tpu.memref_slice %arg4[%dma_wait3A_896, %dma_wait3A_897] : memref<128x129xf32, #tpu.memory_space<vmem>> -> memref<8x128xf32, #tpu.memory_space<vmem>>
      %dma_wait3A_899 = arith.constant 8 : i32
      %dma_wait3A_900 = tpu.memref_slice %arg2[%dma_wait3A_899, %mul3A_890] : memref<16x1040000xf32, #tpu.memory_space<hbm>> -> memref<8x128xf32, #tpu.memory_space<hbm>>
      tpu.wait_dma2 semaphore(%arg8 : memref<!tpu.dma_semaphore, #tpu.memory_space<semaphore_mem>>) src(%dma_wait3A_900 : memref<8x128xf32, #tpu.memory_space<hbm>>) dst(%dma_wait3A_898 : memref<8x128xf32, #tpu.memory_space<vmem>>)
      %mul3A_901 = arith.constant 8 : i32
      %mul3A_902 = arith.muli %add3A_714, %mul3A_901 : i32
      %add3A_903 = arith.addi %mul3A_2, %mul3A_902 : i32
      %add3A_904 = arith.constant 6 : i32
      %add3A_905 = arith.addi %add3A_903, %add3A_904 : i32
      %min3A_906 = arith.constant 8124 : i32
      %min3A_907 = arith.minsi %add3A_905, %min3A_906 : i32
      %mul3A_908 = arith.constant 128 : i32
      %mul3A_909 = arith.muli %min3A_907, %mul3A_908 : i32
      %dma_wait3A_910 = arith.constant 96 : i32
      %dma_wait3A_911 = arith.constant 0 : i32
      %dma_wait3A_912 = tpu.memref_slice %arg4[%dma_wait3A_910, %dma_wait3A_911] : memref<128x129xf32, #tpu.memory_space<vmem>> -> memref<8x128xf32, #tpu.memory_space<vmem>>
      %dma_wait3A_913 = arith.constant 0 : i32
      %dma_wait3A_914 = tpu.memref_slice %arg2[%dma_wait3A_913, %mul3A_909] : memref<16x1040000xf32, #tpu.memory_space<hbm>> -> memref<8x128xf32, #tpu.memory_space<hbm>>
      %dma_wait3A_915 = arith.constant 96 : i32
      %dma_wait3A_916 = arith.constant 0 : i32
      %dma_wait3A_917 = tpu.memref_slice %arg4[%dma_wait3A_915, %dma_wait3A_916] : memref<128x129xf32, #tpu.memory_space<vmem>> -> memref<8x128xf32, #tpu.memory_space<vmem>>
      %dma_wait3A_918 = arith.constant 0 : i32
      %dma_wait3A_919 = tpu.memref_slice %arg2[%dma_wait3A_918, %mul3A_909] : memref<16x1040000xf32, #tpu.memory_space<hbm>> -> memref<8x128xf32, #tpu.memory_space<hbm>>
      tpu.wait_dma2 semaphore(%arg8 : memref<!tpu.dma_semaphore, #tpu.memory_space<semaphore_mem>>) src(%dma_wait3A_919 : memref<8x128xf32, #tpu.memory_space<hbm>>) dst(%dma_wait3A_917 : memref<8x128xf32, #tpu.memory_space<vmem>>)
      %mul3A_920 = arith.constant 128 : i32
      %mul3A_921 = arith.muli %min3A_907, %mul3A_920 : i32
      %dma_wait3A_922 = arith.constant 104 : i32
      %dma_wait3A_923 = arith.constant 0 : i32
      %dma_wait3A_924 = tpu.memref_slice %arg4[%dma_wait3A_922, %dma_wait3A_923] : memref<128x129xf32, #tpu.memory_space<vmem>> -> memref<8x128xf32, #tpu.memory_space<vmem>>
      %dma_wait3A_925 = arith.constant 8 : i32
      %dma_wait3A_926 = tpu.memref_slice %arg2[%dma_wait3A_925, %mul3A_921] : memref<16x1040000xf32, #tpu.memory_space<hbm>> -> memref<8x128xf32, #tpu.memory_space<hbm>>
      %dma_wait3A_927 = arith.constant 104 : i32
      %dma_wait3A_928 = arith.constant 0 : i32
      %dma_wait3A_929 = tpu.memref_slice %arg4[%dma_wait3A_927, %dma_wait3A_928] : memref<128x129xf32, #tpu.memory_space<vmem>> -> memref<8x128xf32, #tpu.memory_space<vmem>>
      %dma_wait3A_930 = arith.constant 8 : i32
      %dma_wait3A_931 = tpu.memref_slice %arg2[%dma_wait3A_930, %mul3A_921] : memref<16x1040000xf32, #tpu.memory_space<hbm>> -> memref<8x128xf32, #tpu.memory_space<hbm>>
      tpu.wait_dma2 semaphore(%arg8 : memref<!tpu.dma_semaphore, #tpu.memory_space<semaphore_mem>>) src(%dma_wait3A_931 : memref<8x128xf32, #tpu.memory_space<hbm>>) dst(%dma_wait3A_929 : memref<8x128xf32, #tpu.memory_space<vmem>>)
      %mul3A_932 = arith.constant 8 : i32
      %mul3A_933 = arith.muli %add3A_714, %mul3A_932 : i32
      %add3A_934 = arith.addi %mul3A_2, %mul3A_933 : i32
      %add3A_935 = arith.constant 7 : i32
      %add3A_936 = arith.addi %add3A_934, %add3A_935 : i32
      %min3A_937 = arith.constant 8124 : i32
      %min3A_938 = arith.minsi %add3A_936, %min3A_937 : i32
      %mul3A_939 = arith.constant 128 : i32
      %mul3A_940 = arith.muli %min3A_938, %mul3A_939 : i32
      %dma_wait3A_941 = arith.constant 112 : i32
      %dma_wait3A_942 = arith.constant 0 : i32
      %dma_wait3A_943 = tpu.memref_slice %arg4[%dma_wait3A_941, %dma_wait3A_942] : memref<128x129xf32, #tpu.memory_space<vmem>> -> memref<8x128xf32, #tpu.memory_space<vmem>>
      %dma_wait3A_944 = arith.constant 0 : i32
      %dma_wait3A_945 = tpu.memref_slice %arg2[%dma_wait3A_944, %mul3A_940] : memref<16x1040000xf32, #tpu.memory_space<hbm>> -> memref<8x128xf32, #tpu.memory_space<hbm>>
      %dma_wait3A_946 = arith.constant 112 : i32
      %dma_wait3A_947 = arith.constant 0 : i32
      %dma_wait3A_948 = tpu.memref_slice %arg4[%dma_wait3A_946, %dma_wait3A_947] : memref<128x129xf32, #tpu.memory_space<vmem>> -> memref<8x128xf32, #tpu.memory_space<vmem>>
      %dma_wait3A_949 = arith.constant 0 : i32
      %dma_wait3A_950 = tpu.memref_slice %arg2[%dma_wait3A_949, %mul3A_940] : memref<16x1040000xf32, #tpu.memory_space<hbm>> -> memref<8x128xf32, #tpu.memory_space<hbm>>
      tpu.wait_dma2 semaphore(%arg8 : memref<!tpu.dma_semaphore, #tpu.memory_space<semaphore_mem>>) src(%dma_wait3A_950 : memref<8x128xf32, #tpu.memory_space<hbm>>) dst(%dma_wait3A_948 : memref<8x128xf32, #tpu.memory_space<vmem>>)
      %mul3A_951 = arith.constant 128 : i32
      %mul3A_952 = arith.muli %min3A_938, %mul3A_951 : i32
      %dma_wait3A_953 = arith.constant 120 : i32
      %dma_wait3A_954 = arith.constant 0 : i32
      %dma_wait3A_955 = tpu.memref_slice %arg4[%dma_wait3A_953, %dma_wait3A_954] : memref<128x129xf32, #tpu.memory_space<vmem>> -> memref<8x128xf32, #tpu.memory_space<vmem>>
      %dma_wait3A_956 = arith.constant 8 : i32
      %dma_wait3A_957 = tpu.memref_slice %arg2[%dma_wait3A_956, %mul3A_952] : memref<16x1040000xf32, #tpu.memory_space<hbm>> -> memref<8x128xf32, #tpu.memory_space<hbm>>
      %dma_wait3A_958 = arith.constant 120 : i32
      %dma_wait3A_959 = arith.constant 0 : i32
      %dma_wait3A_960 = tpu.memref_slice %arg4[%dma_wait3A_958, %dma_wait3A_959] : memref<128x129xf32, #tpu.memory_space<vmem>> -> memref<8x128xf32, #tpu.memory_space<vmem>>
      %dma_wait3A_961 = arith.constant 8 : i32
      %dma_wait3A_962 = tpu.memref_slice %arg2[%dma_wait3A_961, %mul3A_952] : memref<16x1040000xf32, #tpu.memory_space<hbm>> -> memref<8x128xf32, #tpu.memory_space<hbm>>
      tpu.wait_dma2 semaphore(%arg8 : memref<!tpu.dma_semaphore, #tpu.memory_space<semaphore_mem>>) src(%dma_wait3A_962 : memref<8x128xf32, #tpu.memory_space<hbm>>) dst(%dma_wait3A_960 : memref<8x128xf32, #tpu.memory_space<vmem>>)
      %ge3A = arith.constant 2 : i32
      %ge3A_963 = arith.cmpi sge, %add3A_714, %ge3A : i32
      %convert_element_type3A = arith.extui %ge3A_963 : i1 to i32
      %cond3A = arith.constant 0 : i32
      %cond3A_964 = arith.cmpi ne, %convert_element_type3A, %cond3A : i32
      scf.if %cond3A_964 {
        %sub3A = arith.constant 2 : i32
        %sub3A_1483 = arith.subi %add3A_714, %sub3A : i32
        %mul3A_1484 = arith.constant 8 : i32
        %mul3A_1485 = arith.muli %sub3A_1483, %mul3A_1484 : i32
        %add3A_1486 = arith.addi %mul3A_2, %mul3A_1485 : i32
        %add3A_1487 = arith.constant 0 : i32
        %add3A_1488 = arith.addi %add3A_1486, %add3A_1487 : i32
        %min3A_1489 = arith.constant 8124 : i32
        %min3A_1490 = arith.minsi %add3A_1488, %min3A_1489 : i32
        %mul3A_1491 = arith.constant 2048 : i32
        %mul3A_1492 = arith.muli %min3A_1490, %mul3A_1491 : i32
        %mul3A_1493 = arith.constant 8 : i32
        %mul3A_1494 = arith.muli %sub3A_1483, %mul3A_1493 : i32
        %add3A_1495 = arith.addi %mul3A_2, %mul3A_1494 : i32
        %add3A_1496 = arith.constant 1 : i32
        %add3A_1497 = arith.addi %add3A_1495, %add3A_1496 : i32
        %min3A_1498 = arith.constant 8124 : i32
        %min3A_1499 = arith.minsi %add3A_1497, %min3A_1498 : i32
        %mul3A_1500 = arith.constant 2048 : i32
        %mul3A_1501 = arith.muli %min3A_1499, %mul3A_1500 : i32
        %mul3A_1502 = arith.constant 8 : i32
        %mul3A_1503 = arith.muli %sub3A_1483, %mul3A_1502 : i32
        %add3A_1504 = arith.addi %mul3A_2, %mul3A_1503 : i32
        %add3A_1505 = arith.constant 2 : i32
        %add3A_1506 = arith.addi %add3A_1504, %add3A_1505 : i32
        %min3A_1507 = arith.constant 8124 : i32
        %min3A_1508 = arith.minsi %add3A_1506, %min3A_1507 : i32
        %mul3A_1509 = arith.constant 2048 : i32
        %mul3A_1510 = arith.muli %min3A_1508, %mul3A_1509 : i32
        %mul3A_1511 = arith.constant 8 : i32
        %mul3A_1512 = arith.muli %sub3A_1483, %mul3A_1511 : i32
        %add3A_1513 = arith.addi %mul3A_2, %mul3A_1512 : i32
        %add3A_1514 = arith.constant 3 : i32
        %add3A_1515 = arith.addi %add3A_1513, %add3A_1514 : i32
        %min3A_1516 = arith.constant 8124 : i32
        %min3A_1517 = arith.minsi %add3A_1515, %min3A_1516 : i32
        %mul3A_1518 = arith.constant 2048 : i32
        %mul3A_1519 = arith.muli %min3A_1517, %mul3A_1518 : i32
        %mul3A_1520 = arith.constant 8 : i32
        %mul3A_1521 = arith.muli %sub3A_1483, %mul3A_1520 : i32
        %add3A_1522 = arith.addi %mul3A_2, %mul3A_1521 : i32
        %add3A_1523 = arith.constant 4 : i32
        %add3A_1524 = arith.addi %add3A_1522, %add3A_1523 : i32
        %min3A_1525 = arith.constant 8124 : i32
        %min3A_1526 = arith.minsi %add3A_1524, %min3A_1525 : i32
        %mul3A_1527 = arith.constant 2048 : i32
        %mul3A_1528 = arith.muli %min3A_1526, %mul3A_1527 : i32
        %mul3A_1529 = arith.constant 8 : i32
        %mul3A_1530 = arith.muli %sub3A_1483, %mul3A_1529 : i32
        %add3A_1531 = arith.addi %mul3A_2, %mul3A_1530 : i32
        %add3A_1532 = arith.constant 5 : i32
        %add3A_1533 = arith.addi %add3A_1531, %add3A_1532 : i32
        %min3A_1534 = arith.constant 8124 : i32
        %min3A_1535 = arith.minsi %add3A_1533, %min3A_1534 : i32
        %mul3A_1536 = arith.constant 2048 : i32
        %mul3A_1537 = arith.muli %min3A_1535, %mul3A_1536 : i32
        %mul3A_1538 = arith.constant 8 : i32
        %mul3A_1539 = arith.muli %sub3A_1483, %mul3A_1538 : i32
        %add3A_1540 = arith.addi %mul3A_2, %mul3A_1539 : i32
        %add3A_1541 = arith.constant 6 : i32
        %add3A_1542 = arith.addi %add3A_1540, %add3A_1541 : i32
        %min3A_1543 = arith.constant 8124 : i32
        %min3A_1544 = arith.minsi %add3A_1542, %min3A_1543 : i32
        %mul3A_1545 = arith.constant 2048 : i32
        %mul3A_1546 = arith.muli %min3A_1544, %mul3A_1545 : i32
        %mul3A_1547 = arith.constant 8 : i32
        %mul3A_1548 = arith.muli %sub3A_1483, %mul3A_1547 : i32
        %add3A_1549 = arith.addi %mul3A_2, %mul3A_1548 : i32
        %add3A_1550 = arith.constant 7 : i32
        %add3A_1551 = arith.addi %add3A_1549, %add3A_1550 : i32
        %min3A_1552 = arith.constant 8124 : i32
        %min3A_1553 = arith.minsi %add3A_1551, %min3A_1552 : i32
        %mul3A_1554 = arith.constant 2048 : i32
        %mul3A_1555 = arith.muli %min3A_1553, %mul3A_1554 : i32
        %dma_wait3A_1556 = arith.constant 0 : i32
        %dma_wait3A_1557 = tpu.memref_slice %arg6[%dma_wait3A_1556] : memref<16384xf32, #tpu.memory_space<vmem>> -> memref<2048xf32, #tpu.memory_space<vmem>>
        %dma_wait3A_1558 = tpu.memref_slice %arg3[%mul3A_1492] : memref<16640000xf32, #tpu.memory_space<hbm>> -> memref<2048xf32, #tpu.memory_space<hbm>>
        %dma_wait3A_1559 = tpu.memref_slice %arg3[%mul3A_1492] : memref<16640000xf32, #tpu.memory_space<hbm>> -> memref<2048xf32, #tpu.memory_space<hbm>>
        %dma_wait3A_1560 = arith.constant 0 : i32
        %dma_wait3A_1561 = tpu.memref_slice %arg6[%dma_wait3A_1560] : memref<16384xf32, #tpu.memory_space<vmem>> -> memref<2048xf32, #tpu.memory_space<vmem>>
        tpu.wait_dma2 semaphore(%arg10 : memref<!tpu.dma_semaphore, #tpu.memory_space<semaphore_mem>>) src(%dma_wait3A_1561 : memref<2048xf32, #tpu.memory_space<vmem>>) dst(%dma_wait3A_1559 : memref<2048xf32, #tpu.memory_space<hbm>>)
        %dma_wait3A_1562 = arith.constant 2048 : i32
        %dma_wait3A_1563 = tpu.memref_slice %arg6[%dma_wait3A_1562] : memref<16384xf32, #tpu.memory_space<vmem>> -> memref<2048xf32, #tpu.memory_space<vmem>>
        %dma_wait3A_1564 = tpu.memref_slice %arg3[%mul3A_1501] : memref<16640000xf32, #tpu.memory_space<hbm>> -> memref<2048xf32, #tpu.memory_space<hbm>>
        %dma_wait3A_1565 = tpu.memref_slice %arg3[%mul3A_1501] : memref<16640000xf32, #tpu.memory_space<hbm>> -> memref<2048xf32, #tpu.memory_space<hbm>>
        %dma_wait3A_1566 = arith.constant 2048 : i32
        %dma_wait3A_1567 = tpu.memref_slice %arg6[%dma_wait3A_1566] : memref<16384xf32, #tpu.memory_space<vmem>> -> memref<2048xf32, #tpu.memory_space<vmem>>
        tpu.wait_dma2 semaphore(%arg10 : memref<!tpu.dma_semaphore, #tpu.memory_space<semaphore_mem>>) src(%dma_wait3A_1567 : memref<2048xf32, #tpu.memory_space<vmem>>) dst(%dma_wait3A_1565 : memref<2048xf32, #tpu.memory_space<hbm>>)
        %dma_wait3A_1568 = arith.constant 4096 : i32
        %dma_wait3A_1569 = tpu.memref_slice %arg6[%dma_wait3A_1568] : memref<16384xf32, #tpu.memory_space<vmem>> -> memref<2048xf32, #tpu.memory_space<vmem>>
        %dma_wait3A_1570 = tpu.memref_slice %arg3[%mul3A_1510] : memref<16640000xf32, #tpu.memory_space<hbm>> -> memref<2048xf32, #tpu.memory_space<hbm>>
        %dma_wait3A_1571 = tpu.memref_slice %arg3[%mul3A_1510] : memref<16640000xf32, #tpu.memory_space<hbm>> -> memref<2048xf32, #tpu.memory_space<hbm>>
        %dma_wait3A_1572 = arith.constant 4096 : i32
        %dma_wait3A_1573 = tpu.memref_slice %arg6[%dma_wait3A_1572] : memref<16384xf32, #tpu.memory_space<vmem>> -> memref<2048xf32, #tpu.memory_space<vmem>>
        tpu.wait_dma2 semaphore(%arg10 : memref<!tpu.dma_semaphore, #tpu.memory_space<semaphore_mem>>) src(%dma_wait3A_1573 : memref<2048xf32, #tpu.memory_space<vmem>>) dst(%dma_wait3A_1571 : memref<2048xf32, #tpu.memory_space<hbm>>)
        %dma_wait3A_1574 = arith.constant 6144 : i32
        %dma_wait3A_1575 = tpu.memref_slice %arg6[%dma_wait3A_1574] : memref<16384xf32, #tpu.memory_space<vmem>> -> memref<2048xf32, #tpu.memory_space<vmem>>
        %dma_wait3A_1576 = tpu.memref_slice %arg3[%mul3A_1519] : memref<16640000xf32, #tpu.memory_space<hbm>> -> memref<2048xf32, #tpu.memory_space<hbm>>
        %dma_wait3A_1577 = tpu.memref_slice %arg3[%mul3A_1519] : memref<16640000xf32, #tpu.memory_space<hbm>> -> memref<2048xf32, #tpu.memory_space<hbm>>
        %dma_wait3A_1578 = arith.constant 6144 : i32
        %dma_wait3A_1579 = tpu.memref_slice %arg6[%dma_wait3A_1578] : memref<16384xf32, #tpu.memory_space<vmem>> -> memref<2048xf32, #tpu.memory_space<vmem>>
        tpu.wait_dma2 semaphore(%arg10 : memref<!tpu.dma_semaphore, #tpu.memory_space<semaphore_mem>>) src(%dma_wait3A_1579 : memref<2048xf32, #tpu.memory_space<vmem>>) dst(%dma_wait3A_1577 : memref<2048xf32, #tpu.memory_space<hbm>>)
        %dma_wait3A_1580 = arith.constant 8192 : i32
        %dma_wait3A_1581 = tpu.memref_slice %arg6[%dma_wait3A_1580] : memref<16384xf32, #tpu.memory_space<vmem>> -> memref<2048xf32, #tpu.memory_space<vmem>>
        %dma_wait3A_1582 = tpu.memref_slice %arg3[%mul3A_1528] : memref<16640000xf32, #tpu.memory_space<hbm>> -> memref<2048xf32, #tpu.memory_space<hbm>>
        %dma_wait3A_1583 = tpu.memref_slice %arg3[%mul3A_1528] : memref<16640000xf32, #tpu.memory_space<hbm>> -> memref<2048xf32, #tpu.memory_space<hbm>>
        %dma_wait3A_1584 = arith.constant 8192 : i32
        %dma_wait3A_1585 = tpu.memref_slice %arg6[%dma_wait3A_1584] : memref<16384xf32, #tpu.memory_space<vmem>> -> memref<2048xf32, #tpu.memory_space<vmem>>
        tpu.wait_dma2 semaphore(%arg10 : memref<!tpu.dma_semaphore, #tpu.memory_space<semaphore_mem>>) src(%dma_wait3A_1585 : memref<2048xf32, #tpu.memory_space<vmem>>) dst(%dma_wait3A_1583 : memref<2048xf32, #tpu.memory_space<hbm>>)
        %dma_wait3A_1586 = arith.constant 10240 : i32
        %dma_wait3A_1587 = tpu.memref_slice %arg6[%dma_wait3A_1586] : memref<16384xf32, #tpu.memory_space<vmem>> -> memref<2048xf32, #tpu.memory_space<vmem>>
        %dma_wait3A_1588 = tpu.memref_slice %arg3[%mul3A_1537] : memref<16640000xf32, #tpu.memory_space<hbm>> -> memref<2048xf32, #tpu.memory_space<hbm>>
        %dma_wait3A_1589 = tpu.memref_slice %arg3[%mul3A_1537] : memref<16640000xf32, #tpu.memory_space<hbm>> -> memref<2048xf32, #tpu.memory_space<hbm>>
        %dma_wait3A_1590 = arith.constant 10240 : i32
        %dma_wait3A_1591 = tpu.memref_slice %arg6[%dma_wait3A_1590] : memref<16384xf32, #tpu.memory_space<vmem>> -> memref<2048xf32, #tpu.memory_space<vmem>>
        tpu.wait_dma2 semaphore(%arg10 : memref<!tpu.dma_semaphore, #tpu.memory_space<semaphore_mem>>) src(%dma_wait3A_1591 : memref<2048xf32, #tpu.memory_space<vmem>>) dst(%dma_wait3A_1589 : memref<2048xf32, #tpu.memory_space<hbm>>)
        %dma_wait3A_1592 = arith.constant 12288 : i32
        %dma_wait3A_1593 = tpu.memref_slice %arg6[%dma_wait3A_1592] : memref<16384xf32, #tpu.memory_space<vmem>> -> memref<2048xf32, #tpu.memory_space<vmem>>
        %dma_wait3A_1594 = tpu.memref_slice %arg3[%mul3A_1546] : memref<16640000xf32, #tpu.memory_space<hbm>> -> memref<2048xf32, #tpu.memory_space<hbm>>
        %dma_wait3A_1595 = tpu.memref_slice %arg3[%mul3A_1546] : memref<16640000xf32, #tpu.memory_space<hbm>> -> memref<2048xf32, #tpu.memory_space<hbm>>
        %dma_wait3A_1596 = arith.constant 12288 : i32
        %dma_wait3A_1597 = tpu.memref_slice %arg6[%dma_wait3A_1596] : memref<16384xf32, #tpu.memory_space<vmem>> -> memref<2048xf32, #tpu.memory_space<vmem>>
        tpu.wait_dma2 semaphore(%arg10 : memref<!tpu.dma_semaphore, #tpu.memory_space<semaphore_mem>>) src(%dma_wait3A_1597 : memref<2048xf32, #tpu.memory_space<vmem>>) dst(%dma_wait3A_1595 : memref<2048xf32, #tpu.memory_space<hbm>>)
        %dma_wait3A_1598 = arith.constant 14336 : i32
        %dma_wait3A_1599 = tpu.memref_slice %arg6[%dma_wait3A_1598] : memref<16384xf32, #tpu.memory_space<vmem>> -> memref<2048xf32, #tpu.memory_space<vmem>>
        %dma_wait3A_1600 = tpu.memref_slice %arg3[%mul3A_1555] : memref<16640000xf32, #tpu.memory_space<hbm>> -> memref<2048xf32, #tpu.memory_space<hbm>>
        %dma_wait3A_1601 = tpu.memref_slice %arg3[%mul3A_1555] : memref<16640000xf32, #tpu.memory_space<hbm>> -> memref<2048xf32, #tpu.memory_space<hbm>>
        %dma_wait3A_1602 = arith.constant 14336 : i32
        %dma_wait3A_1603 = tpu.memref_slice %arg6[%dma_wait3A_1602] : memref<16384xf32, #tpu.memory_space<vmem>> -> memref<2048xf32, #tpu.memory_space<vmem>>
        tpu.wait_dma2 semaphore(%arg10 : memref<!tpu.dma_semaphore, #tpu.memory_space<semaphore_mem>>) src(%dma_wait3A_1603 : memref<2048xf32, #tpu.memory_space<vmem>>) dst(%dma_wait3A_1601 : memref<2048xf32, #tpu.memory_space<hbm>>)
      } else {
      }
      %scan3A_965 = arith.constant 0 : i32
      %scan3A_966 = arith.constant 8 : i32
      %scan3A_967 = arith.addi %scan3A_965, %scan3A_966 : i32
      %scan3A_968 = arith.constant 1 : i32
      scf.for %scan3A_1483 = %scan3A_965 to %scan3A_967 step %scan3A_968  : i32 {
        %mul3A_1484 = arith.constant 1 : i32
        %mul3A_1485 = arith.muli %scan3A_1483, %mul3A_1484 : i32
        %add3A_1486 = arith.constant 0 : i32
        %add3A_1487 = arith.addi %add3A_1486, %mul3A_1485 : i32
        %mul3A_1488 = arith.constant 16 : i32
        %mul3A_1489 = arith.muli %add3A_1487, %mul3A_1488 : i32
        %add3A_1490 = vector.broadcast %mul3A_1489 : i32 to vector<16xi32>
        %add3A_1491 = arith.addi %iota3A, %add3A_1490 : vector<16xi32>
        %mul3A_1492 = arith.constant 2048 : i32
        %mul3A_1493 = arith.muli %add3A_1487, %mul3A_1492 : i32
        %broadcast_in_dim3A = arith.constant 0 : i32
        %broadcast_in_dim3A_1494 = vector.broadcast %broadcast_in_dim3A : i32 to vector<16xi32>
        %parallel_loop3A = arith.constant 0 : i32
        %parallel_loop3A_1495 = arith.constant 128 : i32
        %parallel_loop3A_1496 = arith.constant 1 : i32
        %parallel_loop3A_1497 = scf.for %parallel_loop3A_1498 = %parallel_loop3A to %parallel_loop3A_1495 step %parallel_loop3A_1496 iter_args(%parallel_loop3A_1499 = %broadcast_in_dim3A_1494) -> (vector<16xi32>)  : i32 {
          %parallel_loop3A_1500 = tpu.vector_load_idx %arg4[%add3A_1491, %parallel_loop3A_1499] : memref<128x129xf32, #tpu.memory_space<vmem>>[vector<16xi32>, vector<16xi32>], vector<16xf32>,
          %parallel_loop3A_1501 = arith.constant 16 : i32
          %parallel_loop3A_1502 = arith.muli %parallel_loop3A_1498, %parallel_loop3A_1501 : i32
          %parallel_loop3A_1503 = arith.addi %mul3A_1493, %parallel_loop3A_1502 : i32
          %parallel_loop3A_1504 = arith.index_cast %parallel_loop3A_1503 : i32 to index
          %parallel_loop3A_1505 = tpu.vector_load %arg6[%parallel_loop3A_1504] {strides = array<i32>} : memref<16384xf32, #tpu.memory_space<vmem>>, vector<16xf32>,
          tpu.vector_store %arg6[%parallel_loop3A_1504], %parallel_loop3A_1500 {strides = array<i32>} : memref<16384xf32, #tpu.memory_space<vmem>>, vector<16xf32>,
          %parallel_loop3A_1506 = arith.constant 1 : i32
          %parallel_loop3A_1507 = vector.broadcast %parallel_loop3A_1506 : i32 to vector<16xi32>
          %parallel_loop3A_1508 = arith.addi %parallel_loop3A_1499, %parallel_loop3A_1507 : vector<16xi32>
          scf.yield %parallel_loop3A_1508 : vector<16xi32>
        } {sc.loop_unroll_factor = 16 : i64, sc.parallel_access}
      }
      %scan3A_969 = arith.constant 8 : i32
      %mul3A_970 = arith.constant 8 : i32
      %mul3A_971 = arith.muli %add3A_714, %mul3A_970 : i32
      %add3A_972 = arith.addi %mul3A_2, %mul3A_971 : i32
      %add3A_973 = arith.constant 0 : i32
      %add3A_974 = arith.addi %add3A_972, %add3A_973 : i32
      %min3A_975 = arith.constant 8124 : i32
      %min3A_976 = arith.minsi %add3A_974, %min3A_975 : i32
      %mul3A_977 = arith.constant 2048 : i32
      %mul3A_978 = arith.muli %min3A_976, %mul3A_977 : i32
      %mul3A_979 = arith.constant 8 : i32
      %mul3A_980 = arith.muli %add3A_714, %mul3A_979 : i32
      %add3A_981 = arith.addi %mul3A_2, %mul3A_980 : i32
      %add3A_982 = arith.constant 1 : i32
      %add3A_983 = arith.addi %add3A_981, %add3A_982 : i32
      %min3A_984 = arith.constant 8124 : i32
      %min3A_985 = arith.minsi %add3A_983, %min3A_984 : i32
      %mul3A_986 = arith.constant 2048 : i32
      %mul3A_987 = arith.muli %min3A_985, %mul3A_986 : i32
      %mul3A_988 = arith.constant 8 : i32
      %mul3A_989 = arith.muli %add3A_714, %mul3A_988 : i32
      %add3A_990 = arith.addi %mul3A_2, %mul3A_989 : i32
      %add3A_991 = arith.constant 2 : i32
      %add3A_992 = arith.addi %add3A_990, %add3A_991 : i32
      %min3A_993 = arith.constant 8124 : i32
      %min3A_994 = arith.minsi %add3A_992, %min3A_993 : i32
      %mul3A_995 = arith.constant 2048 : i32
      %mul3A_996 = arith.muli %min3A_994, %mul3A_995 : i32
      %mul3A_997 = arith.constant 8 : i32
      %mul3A_998 = arith.muli %add3A_714, %mul3A_997 : i32
      %add3A_999 = arith.addi %mul3A_2, %mul3A_998 : i32
      %add3A_1000 = arith.constant 3 : i32
      %add3A_1001 = arith.addi %add3A_999, %add3A_1000 : i32
      %min3A_1002 = arith.constant 8124 : i32
      %min3A_1003 = arith.minsi %add3A_1001, %min3A_1002 : i32
      %mul3A_1004 = arith.constant 2048 : i32
      %mul3A_1005 = arith.muli %min3A_1003, %mul3A_1004 : i32
      %mul3A_1006 = arith.constant 8 : i32
      %mul3A_1007 = arith.muli %add3A_714, %mul3A_1006 : i32
      %add3A_1008 = arith.addi %mul3A_2, %mul3A_1007 : i32
      %add3A_1009 = arith.constant 4 : i32
      %add3A_1010 = arith.addi %add3A_1008, %add3A_1009 : i32
      %min3A_1011 = arith.constant 8124 : i32
      %min3A_1012 = arith.minsi %add3A_1010, %min3A_1011 : i32
      %mul3A_1013 = arith.constant 2048 : i32
      %mul3A_1014 = arith.muli %min3A_1012, %mul3A_1013 : i32
      %mul3A_1015 = arith.constant 8 : i32
      %mul3A_1016 = arith.muli %add3A_714, %mul3A_1015 : i32
      %add3A_1017 = arith.addi %mul3A_2, %mul3A_1016 : i32
      %add3A_1018 = arith.constant 5 : i32
      %add3A_1019 = arith.addi %add3A_1017, %add3A_1018 : i32
      %min3A_1020 = arith.constant 8124 : i32
      %min3A_1021 = arith.minsi %add3A_1019, %min3A_1020 : i32
      %mul3A_1022 = arith.constant 2048 : i32
      %mul3A_1023 = arith.muli %min3A_1021, %mul3A_1022 : i32
      %mul3A_1024 = arith.constant 8 : i32
      %mul3A_1025 = arith.muli %add3A_714, %mul3A_1024 : i32
      %add3A_1026 = arith.addi %mul3A_2, %mul3A_1025 : i32
      %add3A_1027 = arith.constant 6 : i32
      %add3A_1028 = arith.addi %add3A_1026, %add3A_1027 : i32
      %min3A_1029 = arith.constant 8124 : i32
      %min3A_1030 = arith.minsi %add3A_1028, %min3A_1029 : i32
      %mul3A_1031 = arith.constant 2048 : i32
      %mul3A_1032 = arith.muli %min3A_1030, %mul3A_1031 : i32
      %mul3A_1033 = arith.constant 8 : i32
      %mul3A_1034 = arith.muli %add3A_714, %mul3A_1033 : i32
      %add3A_1035 = arith.addi %mul3A_2, %mul3A_1034 : i32
      %add3A_1036 = arith.constant 7 : i32
      %add3A_1037 = arith.addi %add3A_1035, %add3A_1036 : i32
      %min3A_1038 = arith.constant 8124 : i32
      %min3A_1039 = arith.minsi %add3A_1037, %min3A_1038 : i32
      %mul3A_1040 = arith.constant 2048 : i32
      %mul3A_1041 = arith.muli %min3A_1039, %mul3A_1040 : i32
      %dma_start3A_1042 = arith.constant 0 : i32
      %dma_start3A_1043 = tpu.memref_slice %arg6[%dma_start3A_1042] : memref<16384xf32, #tpu.memory_space<vmem>> -> memref<2048xf32, #tpu.memory_space<vmem>>
      %dma_start3A_1044 = tpu.memref_slice %arg3[%mul3A_978] : memref<16640000xf32, #tpu.memory_space<hbm>> -> memref<2048xf32, #tpu.memory_space<hbm>>
      %dma_start3A_1045 = tpu.memref_slice %arg3[%mul3A_978] : memref<16640000xf32, #tpu.memory_space<hbm>> -> memref<2048xf32, #tpu.memory_space<hbm>>
      %dma_start3A_1046 = arith.constant 0 : i32
      %dma_start3A_1047 = tpu.memref_slice %arg6[%dma_start3A_1046] : memref<16384xf32, #tpu.memory_space<vmem>> -> memref<2048xf32, #tpu.memory_space<vmem>>
      tpu.enqueue_dma source(%dma_start3A_1047 : memref<2048xf32, #tpu.memory_space<vmem>>) target(%dma_start3A_1045 : memref<2048xf32, #tpu.memory_space<hbm>>) target_semaphore(%arg10 : memref<!tpu.dma_semaphore, #tpu.memory_space<semaphore_mem>>)
      %dma_start3A_1048 = arith.constant 2048 : i32
      %dma_start3A_1049 = tpu.memref_slice %arg6[%dma_start3A_1048] : memref<16384xf32, #tpu.memory_space<vmem>> -> memref<2048xf32, #tpu.memory_space<vmem>>
      %dma_start3A_1050 = tpu.memref_slice %arg3[%mul3A_987] : memref<16640000xf32, #tpu.memory_space<hbm>> -> memref<2048xf32, #tpu.memory_space<hbm>>
      %dma_start3A_1051 = tpu.memref_slice %arg3[%mul3A_987] : memref<16640000xf32, #tpu.memory_space<hbm>> -> memref<2048xf32, #tpu.memory_space<hbm>>
      %dma_start3A_1052 = arith.constant 2048 : i32
      %dma_start3A_1053 = tpu.memref_slice %arg6[%dma_start3A_1052] : memref<16384xf32, #tpu.memory_space<vmem>> -> memref<2048xf32, #tpu.memory_space<vmem>>
      tpu.enqueue_dma source(%dma_start3A_1053 : memref<2048xf32, #tpu.memory_space<vmem>>) target(%dma_start3A_1051 : memref<2048xf32, #tpu.memory_space<hbm>>) target_semaphore(%arg10 : memref<!tpu.dma_semaphore, #tpu.memory_space<semaphore_mem>>)
      %dma_start3A_1054 = arith.constant 4096 : i32
      %dma_start3A_1055 = tpu.memref_slice %arg6[%dma_start3A_1054] : memref<16384xf32, #tpu.memory_space<vmem>> -> memref<2048xf32, #tpu.memory_space<vmem>>
      %dma_start3A_1056 = tpu.memref_slice %arg3[%mul3A_996] : memref<16640000xf32, #tpu.memory_space<hbm>> -> memref<2048xf32, #tpu.memory_space<hbm>>
      %dma_start3A_1057 = tpu.memref_slice %arg3[%mul3A_996] : memref<16640000xf32, #tpu.memory_space<hbm>> -> memref<2048xf32, #tpu.memory_space<hbm>>
      %dma_start3A_1058 = arith.constant 4096 : i32
      %dma_start3A_1059 = tpu.memref_slice %arg6[%dma_start3A_1058] : memref<16384xf32, #tpu.memory_space<vmem>> -> memref<2048xf32, #tpu.memory_space<vmem>>
      tpu.enqueue_dma source(%dma_start3A_1059 : memref<2048xf32, #tpu.memory_space<vmem>>) target(%dma_start3A_1057 : memref<2048xf32, #tpu.memory_space<hbm>>) target_semaphore(%arg10 : memref<!tpu.dma_semaphore, #tpu.memory_space<semaphore_mem>>)
      %dma_start3A_1060 = arith.constant 6144 : i32
      %dma_start3A_1061 = tpu.memref_slice %arg6[%dma_start3A_1060] : memref<16384xf32, #tpu.memory_space<vmem>> -> memref<2048xf32, #tpu.memory_space<vmem>>
      %dma_start3A_1062 = tpu.memref_slice %arg3[%mul3A_1005] : memref<16640000xf32, #tpu.memory_space<hbm>> -> memref<2048xf32, #tpu.memory_space<hbm>>
      %dma_start3A_1063 = tpu.memref_slice %arg3[%mul3A_1005] : memref<16640000xf32, #tpu.memory_space<hbm>> -> memref<2048xf32, #tpu.memory_space<hbm>>
      %dma_start3A_1064 = arith.constant 6144 : i32
      %dma_start3A_1065 = tpu.memref_slice %arg6[%dma_start3A_1064] : memref<16384xf32, #tpu.memory_space<vmem>> -> memref<2048xf32, #tpu.memory_space<vmem>>
      tpu.enqueue_dma source(%dma_start3A_1065 : memref<2048xf32, #tpu.memory_space<vmem>>) target(%dma_start3A_1063 : memref<2048xf32, #tpu.memory_space<hbm>>) target_semaphore(%arg10 : memref<!tpu.dma_semaphore, #tpu.memory_space<semaphore_mem>>)
      %dma_start3A_1066 = arith.constant 8192 : i32
      %dma_start3A_1067 = tpu.memref_slice %arg6[%dma_start3A_1066] : memref<16384xf32, #tpu.memory_space<vmem>> -> memref<2048xf32, #tpu.memory_space<vmem>>
      %dma_start3A_1068 = tpu.memref_slice %arg3[%mul3A_1014] : memref<16640000xf32, #tpu.memory_space<hbm>> -> memref<2048xf32, #tpu.memory_space<hbm>>
      %dma_start3A_1069 = tpu.memref_slice %arg3[%mul3A_1014] : memref<16640000xf32, #tpu.memory_space<hbm>> -> memref<2048xf32, #tpu.memory_space<hbm>>
      %dma_start3A_1070 = arith.constant 8192 : i32
      %dma_start3A_1071 = tpu.memref_slice %arg6[%dma_start3A_1070] : memref<16384xf32, #tpu.memory_space<vmem>> -> memref<2048xf32, #tpu.memory_space<vmem>>
      tpu.enqueue_dma source(%dma_start3A_1071 : memref<2048xf32, #tpu.memory_space<vmem>>) target(%dma_start3A_1069 : memref<2048xf32, #tpu.memory_space<hbm>>) target_semaphore(%arg10 : memref<!tpu.dma_semaphore, #tpu.memory_space<semaphore_mem>>)
      %dma_start3A_1072 = arith.constant 10240 : i32
      %dma_start3A_1073 = tpu.memref_slice %arg6[%dma_start3A_1072] : memref<16384xf32, #tpu.memory_space<vmem>> -> memref<2048xf32, #tpu.memory_space<vmem>>
      %dma_start3A_1074 = tpu.memref_slice %arg3[%mul3A_1023] : memref<16640000xf32, #tpu.memory_space<hbm>> -> memref<2048xf32, #tpu.memory_space<hbm>>
      %dma_start3A_1075 = tpu.memref_slice %arg3[%mul3A_1023] : memref<16640000xf32, #tpu.memory_space<hbm>> -> memref<2048xf32, #tpu.memory_space<hbm>>
      %dma_start3A_1076 = arith.constant 10240 : i32
      %dma_start3A_1077 = tpu.memref_slice %arg6[%dma_start3A_1076] : memref<16384xf32, #tpu.memory_space<vmem>> -> memref<2048xf32, #tpu.memory_space<vmem>>
      tpu.enqueue_dma source(%dma_start3A_1077 : memref<2048xf32, #tpu.memory_space<vmem>>) target(%dma_start3A_1075 : memref<2048xf32, #tpu.memory_space<hbm>>) target_semaphore(%arg10 : memref<!tpu.dma_semaphore, #tpu.memory_space<semaphore_mem>>)
      %dma_start3A_1078 = arith.constant 12288 : i32
      %dma_start3A_1079 = tpu.memref_slice %arg6[%dma_start3A_1078] : memref<16384xf32, #tpu.memory_space<vmem>> -> memref<2048xf32, #tpu.memory_space<vmem>>
      %dma_start3A_1080 = tpu.memref_slice %arg3[%mul3A_1032] : memref<16640000xf32, #tpu.memory_space<hbm>> -> memref<2048xf32, #tpu.memory_space<hbm>>
      %dma_start3A_1081 = tpu.memref_slice %arg3[%mul3A_1032] : memref<16640000xf32, #tpu.memory_space<hbm>> -> memref<2048xf32, #tpu.memory_space<hbm>>
      %dma_start3A_1082 = arith.constant 12288 : i32
      %dma_start3A_1083 = tpu.memref_slice %arg6[%dma_start3A_1082] : memref<16384xf32, #tpu.memory_space<vmem>> -> memref<2048xf32, #tpu.memory_space<vmem>>
      tpu.enqueue_dma source(%dma_start3A_1083 : memref<2048xf32, #tpu.memory_space<vmem>>) target(%dma_start3A_1081 : memref<2048xf32, #tpu.memory_space<hbm>>) target_semaphore(%arg10 : memref<!tpu.dma_semaphore, #tpu.memory_space<semaphore_mem>>)
      %dma_start3A_1084 = arith.constant 14336 : i32
      %dma_start3A_1085 = tpu.memref_slice %arg6[%dma_start3A_1084] : memref<16384xf32, #tpu.memory_space<vmem>> -> memref<2048xf32, #tpu.memory_space<vmem>>
      %dma_start3A_1086 = tpu.memref_slice %arg3[%mul3A_1041] : memref<16640000xf32, #tpu.memory_space<hbm>> -> memref<2048xf32, #tpu.memory_space<hbm>>
      %dma_start3A_1087 = tpu.memref_slice %arg3[%mul3A_1041] : memref<16640000xf32, #tpu.memory_space<hbm>> -> memref<2048xf32, #tpu.memory_space<hbm>>
      %dma_start3A_1088 = arith.constant 14336 : i32
      %dma_start3A_1089 = tpu.memref_slice %arg6[%dma_start3A_1088] : memref<16384xf32, #tpu.memory_space<vmem>> -> memref<2048xf32, #tpu.memory_space<vmem>>
      tpu.enqueue_dma source(%dma_start3A_1089 : memref<2048xf32, #tpu.memory_space<vmem>>) target(%dma_start3A_1087 : memref<2048xf32, #tpu.memory_space<hbm>>) target_semaphore(%arg10 : memref<!tpu.dma_semaphore, #tpu.memory_space<semaphore_mem>>)
      %add3A_1090 = arith.constant 2 : i32
      %add3A_1091 = arith.addi %add3A_714, %add3A_1090 : i32
      %lt3A = arith.constant 32 : i32
      %lt3A_1092 = arith.cmpi slt, %add3A_1091, %lt3A : i32
      %convert_element_type3A_1093 = arith.extui %lt3A_1092 : i1 to i32
      %cond3A_1094 = arith.constant 0 : i32
      %cond3A_1095 = arith.cmpi ne, %convert_element_type3A_1093, %cond3A_1094 : i32
      scf.if %cond3A_1095 {
        %add3A_1483 = arith.constant 2 : i32
        %add3A_1484 = arith.addi %add3A_714, %add3A_1483 : i32
        %mul3A_1485 = arith.constant 8 : i32
        %mul3A_1486 = arith.muli %add3A_1484, %mul3A_1485 : i32
        %add3A_1487 = arith.addi %mul3A_2, %mul3A_1486 : i32
        %add3A_1488 = arith.constant 0 : i32
        %add3A_1489 = arith.addi %add3A_1487, %add3A_1488 : i32
        %min3A_1490 = arith.constant 8124 : i32
        %min3A_1491 = arith.minsi %add3A_1489, %min3A_1490 : i32
        %mul3A_1492 = arith.constant 128 : i32
        %mul3A_1493 = arith.muli %min3A_1491, %mul3A_1492 : i32
        %dma_start3A_1494 = arith.constant 0 : i32
        %dma_start3A_1495 = arith.constant 0 : i32
        %dma_start3A_1496 = tpu.memref_slice %arg4[%dma_start3A_1494, %dma_start3A_1495] : memref<128x129xf32, #tpu.memory_space<vmem>> -> memref<8x128xf32, #tpu.memory_space<vmem>>
        %dma_start3A_1497 = arith.constant 0 : i32
        %dma_start3A_1498 = tpu.memref_slice %arg2[%dma_start3A_1497, %mul3A_1493] : memref<16x1040000xf32, #tpu.memory_space<hbm>> -> memref<8x128xf32, #tpu.memory_space<hbm>>
        %dma_start3A_1499 = arith.constant 0 : i32
        %dma_start3A_1500 = arith.constant 0 : i32
        %dma_start3A_1501 = tpu.memref_slice %arg4[%dma_start3A_1499, %dma_start3A_1500] : memref<128x129xf32, #tpu.memory_space<vmem>> -> memref<8x128xf32, #tpu.memory_space<vmem>>
        %dma_start3A_1502 = arith.constant 0 : i32
        %dma_start3A_1503 = tpu.memref_slice %arg2[%dma_start3A_1502, %mul3A_1493] : memref<16x1040000xf32, #tpu.memory_space<hbm>> -> memref<8x128xf32, #tpu.memory_space<hbm>>
        tpu.enqueue_dma source(%dma_start3A_1503 : memref<8x128xf32, #tpu.memory_space<hbm>>) target(%dma_start3A_1501 : memref<8x128xf32, #tpu.memory_space<vmem>>) target_semaphore(%arg8 : memref<!tpu.dma_semaphore, #tpu.memory_space<semaphore_mem>>)
        %mul3A_1504 = arith.constant 128 : i32
        %mul3A_1505 = arith.muli %min3A_1491, %mul3A_1504 : i32
        %dma_start3A_1506 = arith.constant 8 : i32
        %dma_start3A_1507 = arith.constant 0 : i32
        %dma_start3A_1508 = tpu.memref_slice %arg4[%dma_start3A_1506, %dma_start3A_1507] : memref<128x129xf32, #tpu.memory_space<vmem>> -> memref<8x128xf32, #tpu.memory_space<vmem>>
        %dma_start3A_1509 = arith.constant 8 : i32
        %dma_start3A_1510 = tpu.memref_slice %arg2[%dma_start3A_1509, %mul3A_1505] : memref<16x1040000xf32, #tpu.memory_space<hbm>> -> memref<8x128xf32, #tpu.memory_space<hbm>>
        %dma_start3A_1511 = arith.constant 8 : i32
        %dma_start3A_1512 = arith.constant 0 : i32
        %dma_start3A_1513 = tpu.memref_slice %arg4[%dma_start3A_1511, %dma_start3A_1512] : memref<128x129xf32, #tpu.memory_space<vmem>> -> memref<8x128xf32, #tpu.memory_space<vmem>>
        %dma_start3A_1514 = arith.constant 8 : i32
        %dma_start3A_1515 = tpu.memref_slice %arg2[%dma_start3A_1514, %mul3A_1505] : memref<16x1040000xf32, #tpu.memory_space<hbm>> -> memref<8x128xf32, #tpu.memory_space<hbm>>
        tpu.enqueue_dma source(%dma_start3A_1515 : memref<8x128xf32, #tpu.memory_space<hbm>>) target(%dma_start3A_1513 : memref<8x128xf32, #tpu.memory_space<vmem>>) target_semaphore(%arg8 : memref<!tpu.dma_semaphore, #tpu.memory_space<semaphore_mem>>)
        %mul3A_1516 = arith.constant 8 : i32
        %mul3A_1517 = arith.muli %add3A_1484, %mul3A_1516 : i32
        %add3A_1518 = arith.addi %mul3A_2, %mul3A_1517 : i32
        %add3A_1519 = arith.constant 1 : i32
        %add3A_1520 = arith.addi %add3A_1518, %add3A_1519 : i32
        %min3A_1521 = arith.constant 8124 : i32
        %min3A_1522 = arith.minsi %add3A_1520, %min3A_1521 : i32
        %mul3A_1523 = arith.constant 128 : i32
        %mul3A_1524 = arith.muli %min3A_1522, %mul3A_1523 : i32
        %dma_start3A_1525 = arith.constant 16 : i32
        %dma_start3A_1526 = arith.constant 0 : i32
        %dma_start3A_1527 = tpu.memref_slice %arg4[%dma_start3A_1525, %dma_start3A_1526] : memref<128x129xf32, #tpu.memory_space<vmem>> -> memref<8x128xf32, #tpu.memory_space<vmem>>
        %dma_start3A_1528 = arith.constant 0 : i32
        %dma_start3A_1529 = tpu.memref_slice %arg2[%dma_start3A_1528, %mul3A_1524] : memref<16x1040000xf32, #tpu.memory_space<hbm>> -> memref<8x128xf32, #tpu.memory_space<hbm>>
        %dma_start3A_1530 = arith.constant 16 : i32
        %dma_start3A_1531 = arith.constant 0 : i32
        %dma_start3A_1532 = tpu.memref_slice %arg4[%dma_start3A_1530, %dma_start3A_1531] : memref<128x129xf32, #tpu.memory_space<vmem>> -> memref<8x128xf32, #tpu.memory_space<vmem>>
        %dma_start3A_1533 = arith.constant 0 : i32
        %dma_start3A_1534 = tpu.memref_slice %arg2[%dma_start3A_1533, %mul3A_1524] : memref<16x1040000xf32, #tpu.memory_space<hbm>> -> memref<8x128xf32, #tpu.memory_space<hbm>>
        tpu.enqueue_dma source(%dma_start3A_1534 : memref<8x128xf32, #tpu.memory_space<hbm>>) target(%dma_start3A_1532 : memref<8x128xf32, #tpu.memory_space<vmem>>) target_semaphore(%arg8 : memref<!tpu.dma_semaphore, #tpu.memory_space<semaphore_mem>>)
        %mul3A_1535 = arith.constant 128 : i32
        %mul3A_1536 = arith.muli %min3A_1522, %mul3A_1535 : i32
        %dma_start3A_1537 = arith.constant 24 : i32
        %dma_start3A_1538 = arith.constant 0 : i32
        %dma_start3A_1539 = tpu.memref_slice %arg4[%dma_start3A_1537, %dma_start3A_1538] : memref<128x129xf32, #tpu.memory_space<vmem>> -> memref<8x128xf32, #tpu.memory_space<vmem>>
        %dma_start3A_1540 = arith.constant 8 : i32
        %dma_start3A_1541 = tpu.memref_slice %arg2[%dma_start3A_1540, %mul3A_1536] : memref<16x1040000xf32, #tpu.memory_space<hbm>> -> memref<8x128xf32, #tpu.memory_space<hbm>>
        %dma_start3A_1542 = arith.constant 24 : i32
        %dma_start3A_1543 = arith.constant 0 : i32
        %dma_start3A_1544 = tpu.memref_slice %arg4[%dma_start3A_1542, %dma_start3A_1543] : memref<128x129xf32, #tpu.memory_space<vmem>> -> memref<8x128xf32, #tpu.memory_space<vmem>>
        %dma_start3A_1545 = arith.constant 8 : i32
        %dma_start3A_1546 = tpu.memref_slice %arg2[%dma_start3A_1545, %mul3A_1536] : memref<16x1040000xf32, #tpu.memory_space<hbm>> -> memref<8x128xf32, #tpu.memory_space<hbm>>
        tpu.enqueue_dma source(%dma_start3A_1546 : memref<8x128xf32, #tpu.memory_space<hbm>>) target(%dma_start3A_1544 : memref<8x128xf32, #tpu.memory_space<vmem>>) target_semaphore(%arg8 : memref<!tpu.dma_semaphore, #tpu.memory_space<semaphore_mem>>)
        %mul3A_1547 = arith.constant 8 : i32
        %mul3A_1548 = arith.muli %add3A_1484, %mul3A_1547 : i32
        %add3A_1549 = arith.addi %mul3A_2, %mul3A_1548 : i32
        %add3A_1550 = arith.constant 2 : i32
        %add3A_1551 = arith.addi %add3A_1549, %add3A_1550 : i32
        %min3A_1552 = arith.constant 8124 : i32
        %min3A_1553 = arith.minsi %add3A_1551, %min3A_1552 : i32
        %mul3A_1554 = arith.constant 128 : i32
        %mul3A_1555 = arith.muli %min3A_1553, %mul3A_1554 : i32
        %dma_start3A_1556 = arith.constant 32 : i32
        %dma_start3A_1557 = arith.constant 0 : i32
        %dma_start3A_1558 = tpu.memref_slice %arg4[%dma_start3A_1556, %dma_start3A_1557] : memref<128x129xf32, #tpu.memory_space<vmem>> -> memref<8x128xf32, #tpu.memory_space<vmem>>
        %dma_start3A_1559 = arith.constant 0 : i32
        %dma_start3A_1560 = tpu.memref_slice %arg2[%dma_start3A_1559, %mul3A_1555] : memref<16x1040000xf32, #tpu.memory_space<hbm>> -> memref<8x128xf32, #tpu.memory_space<hbm>>
        %dma_start3A_1561 = arith.constant 32 : i32
        %dma_start3A_1562 = arith.constant 0 : i32
        %dma_start3A_1563 = tpu.memref_slice %arg4[%dma_start3A_1561, %dma_start3A_1562] : memref<128x129xf32, #tpu.memory_space<vmem>> -> memref<8x128xf32, #tpu.memory_space<vmem>>
        %dma_start3A_1564 = arith.constant 0 : i32
        %dma_start3A_1565 = tpu.memref_slice %arg2[%dma_start3A_1564, %mul3A_1555] : memref<16x1040000xf32, #tpu.memory_space<hbm>> -> memref<8x128xf32, #tpu.memory_space<hbm>>
        tpu.enqueue_dma source(%dma_start3A_1565 : memref<8x128xf32, #tpu.memory_space<hbm>>) target(%dma_start3A_1563 : memref<8x128xf32, #tpu.memory_space<vmem>>) target_semaphore(%arg8 : memref<!tpu.dma_semaphore, #tpu.memory_space<semaphore_mem>>)
        %mul3A_1566 = arith.constant 128 : i32
        %mul3A_1567 = arith.muli %min3A_1553, %mul3A_1566 : i32
        %dma_start3A_1568 = arith.constant 40 : i32
        %dma_start3A_1569 = arith.constant 0 : i32
        %dma_start3A_1570 = tpu.memref_slice %arg4[%dma_start3A_1568, %dma_start3A_1569] : memref<128x129xf32, #tpu.memory_space<vmem>> -> memref<8x128xf32, #tpu.memory_space<vmem>>
        %dma_start3A_1571 = arith.constant 8 : i32
        %dma_start3A_1572 = tpu.memref_slice %arg2[%dma_start3A_1571, %mul3A_1567] : memref<16x1040000xf32, #tpu.memory_space<hbm>> -> memref<8x128xf32, #tpu.memory_space<hbm>>
        %dma_start3A_1573 = arith.constant 40 : i32
        %dma_start3A_1574 = arith.constant 0 : i32
        %dma_start3A_1575 = tpu.memref_slice %arg4[%dma_start3A_1573, %dma_start3A_1574] : memref<128x129xf32, #tpu.memory_space<vmem>> -> memref<8x128xf32, #tpu.memory_space<vmem>>
        %dma_start3A_1576 = arith.constant 8 : i32
        %dma_start3A_1577 = tpu.memref_slice %arg2[%dma_start3A_1576, %mul3A_1567] : memref<16x1040000xf32, #tpu.memory_space<hbm>> -> memref<8x128xf32, #tpu.memory_space<hbm>>
        tpu.enqueue_dma source(%dma_start3A_1577 : memref<8x128xf32, #tpu.memory_space<hbm>>) target(%dma_start3A_1575 : memref<8x128xf32, #tpu.memory_space<vmem>>) target_semaphore(%arg8 : memref<!tpu.dma_semaphore, #tpu.memory_space<semaphore_mem>>)
        %mul3A_1578 = arith.constant 8 : i32
        %mul3A_1579 = arith.muli %add3A_1484, %mul3A_1578 : i32
        %add3A_1580 = arith.addi %mul3A_2, %mul3A_1579 : i32
        %add3A_1581 = arith.constant 3 : i32
        %add3A_1582 = arith.addi %add3A_1580, %add3A_1581 : i32
        %min3A_1583 = arith.constant 8124 : i32
        %min3A_1584 = arith.minsi %add3A_1582, %min3A_1583 : i32
        %mul3A_1585 = arith.constant 128 : i32
        %mul3A_1586 = arith.muli %min3A_1584, %mul3A_1585 : i32
        %dma_start3A_1587 = arith.constant 48 : i32
        %dma_start3A_1588 = arith.constant 0 : i32
        %dma_start3A_1589 = tpu.memref_slice %arg4[%dma_start3A_1587, %dma_start3A_1588] : memref<128x129xf32, #tpu.memory_space<vmem>> -> memref<8x128xf32, #tpu.memory_space<vmem>>
        %dma_start3A_1590 = arith.constant 0 : i32
        %dma_start3A_1591 = tpu.memref_slice %arg2[%dma_start3A_1590, %mul3A_1586] : memref<16x1040000xf32, #tpu.memory_space<hbm>> -> memref<8x128xf32, #tpu.memory_space<hbm>>
        %dma_start3A_1592 = arith.constant 48 : i32
        %dma_start3A_1593 = arith.constant 0 : i32
        %dma_start3A_1594 = tpu.memref_slice %arg4[%dma_start3A_1592, %dma_start3A_1593] : memref<128x129xf32, #tpu.memory_space<vmem>> -> memref<8x128xf32, #tpu.memory_space<vmem>>
        %dma_start3A_1595 = arith.constant 0 : i32
        %dma_start3A_1596 = tpu.memref_slice %arg2[%dma_start3A_1595, %mul3A_1586] : memref<16x1040000xf32, #tpu.memory_space<hbm>> -> memref<8x128xf32, #tpu.memory_space<hbm>>
        tpu.enqueue_dma source(%dma_start3A_1596 : memref<8x128xf32, #tpu.memory_space<hbm>>) target(%dma_start3A_1594 : memref<8x128xf32, #tpu.memory_space<vmem>>) target_semaphore(%arg8 : memref<!tpu.dma_semaphore, #tpu.memory_space<semaphore_mem>>)
        %mul3A_1597 = arith.constant 128 : i32
        %mul3A_1598 = arith.muli %min3A_1584, %mul3A_1597 : i32
        %dma_start3A_1599 = arith.constant 56 : i32
        %dma_start3A_1600 = arith.constant 0 : i32
        %dma_start3A_1601 = tpu.memref_slice %arg4[%dma_start3A_1599, %dma_start3A_1600] : memref<128x129xf32, #tpu.memory_space<vmem>> -> memref<8x128xf32, #tpu.memory_space<vmem>>
        %dma_start3A_1602 = arith.constant 8 : i32
        %dma_start3A_1603 = tpu.memref_slice %arg2[%dma_start3A_1602, %mul3A_1598] : memref<16x1040000xf32, #tpu.memory_space<hbm>> -> memref<8x128xf32, #tpu.memory_space<hbm>>
        %dma_start3A_1604 = arith.constant 56 : i32
        %dma_start3A_1605 = arith.constant 0 : i32
        %dma_start3A_1606 = tpu.memref_slice %arg4[%dma_start3A_1604, %dma_start3A_1605] : memref<128x129xf32, #tpu.memory_space<vmem>> -> memref<8x128xf32, #tpu.memory_space<vmem>>
        %dma_start3A_1607 = arith.constant 8 : i32
        %dma_start3A_1608 = tpu.memref_slice %arg2[%dma_start3A_1607, %mul3A_1598] : memref<16x1040000xf32, #tpu.memory_space<hbm>> -> memref<8x128xf32, #tpu.memory_space<hbm>>
        tpu.enqueue_dma source(%dma_start3A_1608 : memref<8x128xf32, #tpu.memory_space<hbm>>) target(%dma_start3A_1606 : memref<8x128xf32, #tpu.memory_space<vmem>>) target_semaphore(%arg8 : memref<!tpu.dma_semaphore, #tpu.memory_space<semaphore_mem>>)
        %mul3A_1609 = arith.constant 8 : i32
        %mul3A_1610 = arith.muli %add3A_1484, %mul3A_1609 : i32
        %add3A_1611 = arith.addi %mul3A_2, %mul3A_1610 : i32
        %add3A_1612 = arith.constant 4 : i32
        %add3A_1613 = arith.addi %add3A_1611, %add3A_1612 : i32
        %min3A_1614 = arith.constant 8124 : i32
        %min3A_1615 = arith.minsi %add3A_1613, %min3A_1614 : i32
        %mul3A_1616 = arith.constant 128 : i32
        %mul3A_1617 = arith.muli %min3A_1615, %mul3A_1616 : i32
        %dma_start3A_1618 = arith.constant 64 : i32
        %dma_start3A_1619 = arith.constant 0 : i32
        %dma_start3A_1620 = tpu.memref_slice %arg4[%dma_start3A_1618, %dma_start3A_1619] : memref<128x129xf32, #tpu.memory_space<vmem>> -> memref<8x128xf32, #tpu.memory_space<vmem>>
        %dma_start3A_1621 = arith.constant 0 : i32
        %dma_start3A_1622 = tpu.memref_slice %arg2[%dma_start3A_1621, %mul3A_1617] : memref<16x1040000xf32, #tpu.memory_space<hbm>> -> memref<8x128xf32, #tpu.memory_space<hbm>>
        %dma_start3A_1623 = arith.constant 64 : i32
        %dma_start3A_1624 = arith.constant 0 : i32
        %dma_start3A_1625 = tpu.memref_slice %arg4[%dma_start3A_1623, %dma_start3A_1624] : memref<128x129xf32, #tpu.memory_space<vmem>> -> memref<8x128xf32, #tpu.memory_space<vmem>>
        %dma_start3A_1626 = arith.constant 0 : i32
        %dma_start3A_1627 = tpu.memref_slice %arg2[%dma_start3A_1626, %mul3A_1617] : memref<16x1040000xf32, #tpu.memory_space<hbm>> -> memref<8x128xf32, #tpu.memory_space<hbm>>
        tpu.enqueue_dma source(%dma_start3A_1627 : memref<8x128xf32, #tpu.memory_space<hbm>>) target(%dma_start3A_1625 : memref<8x128xf32, #tpu.memory_space<vmem>>) target_semaphore(%arg8 : memref<!tpu.dma_semaphore, #tpu.memory_space<semaphore_mem>>)
        %mul3A_1628 = arith.constant 128 : i32
        %mul3A_1629 = arith.muli %min3A_1615, %mul3A_1628 : i32
        %dma_start3A_1630 = arith.constant 72 : i32
        %dma_start3A_1631 = arith.constant 0 : i32
        %dma_start3A_1632 = tpu.memref_slice %arg4[%dma_start3A_1630, %dma_start3A_1631] : memref<128x129xf32, #tpu.memory_space<vmem>> -> memref<8x128xf32, #tpu.memory_space<vmem>>
        %dma_start3A_1633 = arith.constant 8 : i32
        %dma_start3A_1634 = tpu.memref_slice %arg2[%dma_start3A_1633, %mul3A_1629] : memref<16x1040000xf32, #tpu.memory_space<hbm>> -> memref<8x128xf32, #tpu.memory_space<hbm>>
        %dma_start3A_1635 = arith.constant 72 : i32
        %dma_start3A_1636 = arith.constant 0 : i32
        %dma_start3A_1637 = tpu.memref_slice %arg4[%dma_start3A_1635, %dma_start3A_1636] : memref<128x129xf32, #tpu.memory_space<vmem>> -> memref<8x128xf32, #tpu.memory_space<vmem>>
        %dma_start3A_1638 = arith.constant 8 : i32
        %dma_start3A_1639 = tpu.memref_slice %arg2[%dma_start3A_1638, %mul3A_1629] : memref<16x1040000xf32, #tpu.memory_space<hbm>> -> memref<8x128xf32, #tpu.memory_space<hbm>>
        tpu.enqueue_dma source(%dma_start3A_1639 : memref<8x128xf32, #tpu.memory_space<hbm>>) target(%dma_start3A_1637 : memref<8x128xf32, #tpu.memory_space<vmem>>) target_semaphore(%arg8 : memref<!tpu.dma_semaphore, #tpu.memory_space<semaphore_mem>>)
        %mul3A_1640 = arith.constant 8 : i32
        %mul3A_1641 = arith.muli %add3A_1484, %mul3A_1640 : i32
        %add3A_1642 = arith.addi %mul3A_2, %mul3A_1641 : i32
        %add3A_1643 = arith.constant 5 : i32
        %add3A_1644 = arith.addi %add3A_1642, %add3A_1643 : i32
        %min3A_1645 = arith.constant 8124 : i32
        %min3A_1646 = arith.minsi %add3A_1644, %min3A_1645 : i32
        %mul3A_1647 = arith.constant 128 : i32
        %mul3A_1648 = arith.muli %min3A_1646, %mul3A_1647 : i32
        %dma_start3A_1649 = arith.constant 80 : i32
        %dma_start3A_1650 = arith.constant 0 : i32
        %dma_start3A_1651 = tpu.memref_slice %arg4[%dma_start3A_1649, %dma_start3A_1650] : memref<128x129xf32, #tpu.memory_space<vmem>> -> memref<8x128xf32, #tpu.memory_space<vmem>>
        %dma_start3A_1652 = arith.constant 0 : i32
        %dma_start3A_1653 = tpu.memref_slice %arg2[%dma_start3A_1652, %mul3A_1648] : memref<16x1040000xf32, #tpu.memory_space<hbm>> -> memref<8x128xf32, #tpu.memory_space<hbm>>
        %dma_start3A_1654 = arith.constant 80 : i32
        %dma_start3A_1655 = arith.constant 0 : i32
        %dma_start3A_1656 = tpu.memref_slice %arg4[%dma_start3A_1654, %dma_start3A_1655] : memref<128x129xf32, #tpu.memory_space<vmem>> -> memref<8x128xf32, #tpu.memory_space<vmem>>
        %dma_start3A_1657 = arith.constant 0 : i32
        %dma_start3A_1658 = tpu.memref_slice %arg2[%dma_start3A_1657, %mul3A_1648] : memref<16x1040000xf32, #tpu.memory_space<hbm>> -> memref<8x128xf32, #tpu.memory_space<hbm>>
        tpu.enqueue_dma source(%dma_start3A_1658 : memref<8x128xf32, #tpu.memory_space<hbm>>) target(%dma_start3A_1656 : memref<8x128xf32, #tpu.memory_space<vmem>>) target_semaphore(%arg8 : memref<!tpu.dma_semaphore, #tpu.memory_space<semaphore_mem>>)
        %mul3A_1659 = arith.constant 128 : i32
        %mul3A_1660 = arith.muli %min3A_1646, %mul3A_1659 : i32
        %dma_start3A_1661 = arith.constant 88 : i32
        %dma_start3A_1662 = arith.constant 0 : i32
        %dma_start3A_1663 = tpu.memref_slice %arg4[%dma_start3A_1661, %dma_start3A_1662] : memref<128x129xf32, #tpu.memory_space<vmem>> -> memref<8x128xf32, #tpu.memory_space<vmem>>
        %dma_start3A_1664 = arith.constant 8 : i32
        %dma_start3A_1665 = tpu.memref_slice %arg2[%dma_start3A_1664, %mul3A_1660] : memref<16x1040000xf32, #tpu.memory_space<hbm>> -> memref<8x128xf32, #tpu.memory_space<hbm>>
        %dma_start3A_1666 = arith.constant 88 : i32
        %dma_start3A_1667 = arith.constant 0 : i32
        %dma_start3A_1668 = tpu.memref_slice %arg4[%dma_start3A_1666, %dma_start3A_1667] : memref<128x129xf32, #tpu.memory_space<vmem>> -> memref<8x128xf32, #tpu.memory_space<vmem>>
        %dma_start3A_1669 = arith.constant 8 : i32
        %dma_start3A_1670 = tpu.memref_slice %arg2[%dma_start3A_1669, %mul3A_1660] : memref<16x1040000xf32, #tpu.memory_space<hbm>> -> memref<8x128xf32, #tpu.memory_space<hbm>>
        tpu.enqueue_dma source(%dma_start3A_1670 : memref<8x128xf32, #tpu.memory_space<hbm>>) target(%dma_start3A_1668 : memref<8x128xf32, #tpu.memory_space<vmem>>) target_semaphore(%arg8 : memref<!tpu.dma_semaphore, #tpu.memory_space<semaphore_mem>>)
        %mul3A_1671 = arith.constant 8 : i32
        %mul3A_1672 = arith.muli %add3A_1484, %mul3A_1671 : i32
        %add3A_1673 = arith.addi %mul3A_2, %mul3A_1672 : i32
        %add3A_1674 = arith.constant 6 : i32
        %add3A_1675 = arith.addi %add3A_1673, %add3A_1674 : i32
        %min3A_1676 = arith.constant 8124 : i32
        %min3A_1677 = arith.minsi %add3A_1675, %min3A_1676 : i32
        %mul3A_1678 = arith.constant 128 : i32
        %mul3A_1679 = arith.muli %min3A_1677, %mul3A_1678 : i32
        %dma_start3A_1680 = arith.constant 96 : i32
        %dma_start3A_1681 = arith.constant 0 : i32
        %dma_start3A_1682 = tpu.memref_slice %arg4[%dma_start3A_1680, %dma_start3A_1681] : memref<128x129xf32, #tpu.memory_space<vmem>> -> memref<8x128xf32, #tpu.memory_space<vmem>>
        %dma_start3A_1683 = arith.constant 0 : i32
        %dma_start3A_1684 = tpu.memref_slice %arg2[%dma_start3A_1683, %mul3A_1679] : memref<16x1040000xf32, #tpu.memory_space<hbm>> -> memref<8x128xf32, #tpu.memory_space<hbm>>
        %dma_start3A_1685 = arith.constant 96 : i32
        %dma_start3A_1686 = arith.constant 0 : i32
        %dma_start3A_1687 = tpu.memref_slice %arg4[%dma_start3A_1685, %dma_start3A_1686] : memref<128x129xf32, #tpu.memory_space<vmem>> -> memref<8x128xf32, #tpu.memory_space<vmem>>
        %dma_start3A_1688 = arith.constant 0 : i32
        %dma_start3A_1689 = tpu.memref_slice %arg2[%dma_start3A_1688, %mul3A_1679] : memref<16x1040000xf32, #tpu.memory_space<hbm>> -> memref<8x128xf32, #tpu.memory_space<hbm>>
        tpu.enqueue_dma source(%dma_start3A_1689 : memref<8x128xf32, #tpu.memory_space<hbm>>) target(%dma_start3A_1687 : memref<8x128xf32, #tpu.memory_space<vmem>>) target_semaphore(%arg8 : memref<!tpu.dma_semaphore, #tpu.memory_space<semaphore_mem>>)
        %mul3A_1690 = arith.constant 128 : i32
        %mul3A_1691 = arith.muli %min3A_1677, %mul3A_1690 : i32
        %dma_start3A_1692 = arith.constant 104 : i32
        %dma_start3A_1693 = arith.constant 0 : i32
        %dma_start3A_1694 = tpu.memref_slice %arg4[%dma_start3A_1692, %dma_start3A_1693] : memref<128x129xf32, #tpu.memory_space<vmem>> -> memref<8x128xf32, #tpu.memory_space<vmem>>
        %dma_start3A_1695 = arith.constant 8 : i32
        %dma_start3A_1696 = tpu.memref_slice %arg2[%dma_start3A_1695, %mul3A_1691] : memref<16x1040000xf32, #tpu.memory_space<hbm>> -> memref<8x128xf32, #tpu.memory_space<hbm>>
        %dma_start3A_1697 = arith.constant 104 : i32
        %dma_start3A_1698 = arith.constant 0 : i32
        %dma_start3A_1699 = tpu.memref_slice %arg4[%dma_start3A_1697, %dma_start3A_1698] : memref<128x129xf32, #tpu.memory_space<vmem>> -> memref<8x128xf32, #tpu.memory_space<vmem>>
        %dma_start3A_1700 = arith.constant 8 : i32
        %dma_start3A_1701 = tpu.memref_slice %arg2[%dma_start3A_1700, %mul3A_1691] : memref<16x1040000xf32, #tpu.memory_space<hbm>> -> memref<8x128xf32, #tpu.memory_space<hbm>>
        tpu.enqueue_dma source(%dma_start3A_1701 : memref<8x128xf32, #tpu.memory_space<hbm>>) target(%dma_start3A_1699 : memref<8x128xf32, #tpu.memory_space<vmem>>) target_semaphore(%arg8 : memref<!tpu.dma_semaphore, #tpu.memory_space<semaphore_mem>>)
        %mul3A_1702 = arith.constant 8 : i32
        %mul3A_1703 = arith.muli %add3A_1484, %mul3A_1702 : i32
        %add3A_1704 = arith.addi %mul3A_2, %mul3A_1703 : i32
        %add3A_1705 = arith.constant 7 : i32
        %add3A_1706 = arith.addi %add3A_1704, %add3A_1705 : i32
        %min3A_1707 = arith.constant 8124 : i32
        %min3A_1708 = arith.minsi %add3A_1706, %min3A_1707 : i32
        %mul3A_1709 = arith.constant 128 : i32
        %mul3A_1710 = arith.muli %min3A_1708, %mul3A_1709 : i32
        %dma_start3A_1711 = arith.constant 112 : i32
        %dma_start3A_1712 = arith.constant 0 : i32
        %dma_start3A_1713 = tpu.memref_slice %arg4[%dma_start3A_1711, %dma_start3A_1712] : memref<128x129xf32, #tpu.memory_space<vmem>> -> memref<8x128xf32, #tpu.memory_space<vmem>>
        %dma_start3A_1714 = arith.constant 0 : i32
        %dma_start3A_1715 = tpu.memref_slice %arg2[%dma_start3A_1714, %mul3A_1710] : memref<16x1040000xf32, #tpu.memory_space<hbm>> -> memref<8x128xf32, #tpu.memory_space<hbm>>
        %dma_start3A_1716 = arith.constant 112 : i32
        %dma_start3A_1717 = arith.constant 0 : i32
        %dma_start3A_1718 = tpu.memref_slice %arg4[%dma_start3A_1716, %dma_start3A_1717] : memref<128x129xf32, #tpu.memory_space<vmem>> -> memref<8x128xf32, #tpu.memory_space<vmem>>
        %dma_start3A_1719 = arith.constant 0 : i32
        %dma_start3A_1720 = tpu.memref_slice %arg2[%dma_start3A_1719, %mul3A_1710] : memref<16x1040000xf32, #tpu.memory_space<hbm>> -> memref<8x128xf32, #tpu.memory_space<hbm>>
        tpu.enqueue_dma source(%dma_start3A_1720 : memref<8x128xf32, #tpu.memory_space<hbm>>) target(%dma_start3A_1718 : memref<8x128xf32, #tpu.memory_space<vmem>>) target_semaphore(%arg8 : memref<!tpu.dma_semaphore, #tpu.memory_space<semaphore_mem>>)
        %mul3A_1721 = arith.constant 128 : i32
        %mul3A_1722 = arith.muli %min3A_1708, %mul3A_1721 : i32
        %dma_start3A_1723 = arith.constant 120 : i32
        %dma_start3A_1724 = arith.constant 0 : i32
        %dma_start3A_1725 = tpu.memref_slice %arg4[%dma_start3A_1723, %dma_start3A_1724] : memref<128x129xf32, #tpu.memory_space<vmem>> -> memref<8x128xf32, #tpu.memory_space<vmem>>
        %dma_start3A_1726 = arith.constant 8 : i32
        %dma_start3A_1727 = tpu.memref_slice %arg2[%dma_start3A_1726, %mul3A_1722] : memref<16x1040000xf32, #tpu.memory_space<hbm>> -> memref<8x128xf32, #tpu.memory_space<hbm>>
        %dma_start3A_1728 = arith.constant 120 : i32
        %dma_start3A_1729 = arith.constant 0 : i32
        %dma_start3A_1730 = tpu.memref_slice %arg4[%dma_start3A_1728, %dma_start3A_1729] : memref<128x129xf32, #tpu.memory_space<vmem>> -> memref<8x128xf32, #tpu.memory_space<vmem>>
        %dma_start3A_1731 = arith.constant 8 : i32
        %dma_start3A_1732 = tpu.memref_slice %arg2[%dma_start3A_1731, %mul3A_1722] : memref<16x1040000xf32, #tpu.memory_space<hbm>> -> memref<8x128xf32, #tpu.memory_space<hbm>>
        tpu.enqueue_dma source(%dma_start3A_1732 : memref<8x128xf32, #tpu.memory_space<hbm>>) target(%dma_start3A_1730 : memref<8x128xf32, #tpu.memory_space<vmem>>) target_semaphore(%arg8 : memref<!tpu.dma_semaphore, #tpu.memory_space<semaphore_mem>>)
      } else {
      }
      %add3A_1096 = arith.constant 1 : i32
      %add3A_1097 = arith.addi %add3A_712, %add3A_1096 : i32
      %mul3A_1098 = arith.constant 8 : i32
      %mul3A_1099 = arith.muli %add3A_1097, %mul3A_1098 : i32
      %add3A_1100 = arith.addi %mul3A_2, %mul3A_1099 : i32
      %add3A_1101 = arith.constant 0 : i32
      %add3A_1102 = arith.addi %add3A_1100, %add3A_1101 : i32
      %min3A_1103 = arith.constant 8124 : i32
      %min3A_1104 = arith.minsi %add3A_1102, %min3A_1103 : i32
      %mul3A_1105 = arith.constant 128 : i32
      %mul3A_1106 = arith.muli %min3A_1104, %mul3A_1105 : i32
      %dma_wait3A_1107 = arith.constant 0 : i32
      %dma_wait3A_1108 = arith.constant 0 : i32
      %dma_wait3A_1109 = tpu.memref_slice %arg5[%dma_wait3A_1107, %dma_wait3A_1108] : memref<128x129xf32, #tpu.memory_space<vmem>> -> memref<8x128xf32, #tpu.memory_space<vmem>>
      %dma_wait3A_1110 = arith.constant 0 : i32
      %dma_wait3A_1111 = tpu.memref_slice %arg2[%dma_wait3A_1110, %mul3A_1106] : memref<16x1040000xf32, #tpu.memory_space<hbm>> -> memref<8x128xf32, #tpu.memory_space<hbm>>
      %dma_wait3A_1112 = arith.constant 0 : i32
      %dma_wait3A_1113 = arith.constant 0 : i32
      %dma_wait3A_1114 = tpu.memref_slice %arg5[%dma_wait3A_1112, %dma_wait3A_1113] : memref<128x129xf32, #tpu.memory_space<vmem>> -> memref<8x128xf32, #tpu.memory_space<vmem>>
      %dma_wait3A_1115 = arith.constant 0 : i32
      %dma_wait3A_1116 = tpu.memref_slice %arg2[%dma_wait3A_1115, %mul3A_1106] : memref<16x1040000xf32, #tpu.memory_space<hbm>> -> memref<8x128xf32, #tpu.memory_space<hbm>>
      tpu.wait_dma2 semaphore(%arg9 : memref<!tpu.dma_semaphore, #tpu.memory_space<semaphore_mem>>) src(%dma_wait3A_1116 : memref<8x128xf32, #tpu.memory_space<hbm>>) dst(%dma_wait3A_1114 : memref<8x128xf32, #tpu.memory_space<vmem>>)
      %mul3A_1117 = arith.constant 128 : i32
      %mul3A_1118 = arith.muli %min3A_1104, %mul3A_1117 : i32
      %dma_wait3A_1119 = arith.constant 8 : i32
      %dma_wait3A_1120 = arith.constant 0 : i32
      %dma_wait3A_1121 = tpu.memref_slice %arg5[%dma_wait3A_1119, %dma_wait3A_1120] : memref<128x129xf32, #tpu.memory_space<vmem>> -> memref<8x128xf32, #tpu.memory_space<vmem>>
      %dma_wait3A_1122 = arith.constant 8 : i32
      %dma_wait3A_1123 = tpu.memref_slice %arg2[%dma_wait3A_1122, %mul3A_1118] : memref<16x1040000xf32, #tpu.memory_space<hbm>> -> memref<8x128xf32, #tpu.memory_space<hbm>>
      %dma_wait3A_1124 = arith.constant 8 : i32
      %dma_wait3A_1125 = arith.constant 0 : i32
      %dma_wait3A_1126 = tpu.memref_slice %arg5[%dma_wait3A_1124, %dma_wait3A_1125] : memref<128x129xf32, #tpu.memory_space<vmem>> -> memref<8x128xf32, #tpu.memory_space<vmem>>
      %dma_wait3A_1127 = arith.constant 8 : i32
      %dma_wait3A_1128 = tpu.memref_slice %arg2[%dma_wait3A_1127, %mul3A_1118] : memref<16x1040000xf32, #tpu.memory_space<hbm>> -> memref<8x128xf32, #tpu.memory_space<hbm>>
      tpu.wait_dma2 semaphore(%arg9 : memref<!tpu.dma_semaphore, #tpu.memory_space<semaphore_mem>>) src(%dma_wait3A_1128 : memref<8x128xf32, #tpu.memory_space<hbm>>) dst(%dma_wait3A_1126 : memref<8x128xf32, #tpu.memory_space<vmem>>)
      %mul3A_1129 = arith.constant 8 : i32
      %mul3A_1130 = arith.muli %add3A_1097, %mul3A_1129 : i32
      %add3A_1131 = arith.addi %mul3A_2, %mul3A_1130 : i32
      %add3A_1132 = arith.constant 1 : i32
      %add3A_1133 = arith.addi %add3A_1131, %add3A_1132 : i32
      %min3A_1134 = arith.constant 8124 : i32
      %min3A_1135 = arith.minsi %add3A_1133, %min3A_1134 : i32
      %mul3A_1136 = arith.constant 128 : i32
      %mul3A_1137 = arith.muli %min3A_1135, %mul3A_1136 : i32
      %dma_wait3A_1138 = arith.constant 16 : i32
      %dma_wait3A_1139 = arith.constant 0 : i32
      %dma_wait3A_1140 = tpu.memref_slice %arg5[%dma_wait3A_1138, %dma_wait3A_1139] : memref<128x129xf32, #tpu.memory_space<vmem>> -> memref<8x128xf32, #tpu.memory_space<vmem>>
      %dma_wait3A_1141 = arith.constant 0 : i32
      %dma_wait3A_1142 = tpu.memref_slice %arg2[%dma_wait3A_1141, %mul3A_1137] : memref<16x1040000xf32, #tpu.memory_space<hbm>> -> memref<8x128xf32, #tpu.memory_space<hbm>>
      %dma_wait3A_1143 = arith.constant 16 : i32
      %dma_wait3A_1144 = arith.constant 0 : i32
      %dma_wait3A_1145 = tpu.memref_slice %arg5[%dma_wait3A_1143, %dma_wait3A_1144] : memref<128x129xf32, #tpu.memory_space<vmem>> -> memref<8x128xf32, #tpu.memory_space<vmem>>
      %dma_wait3A_1146 = arith.constant 0 : i32
      %dma_wait3A_1147 = tpu.memref_slice %arg2[%dma_wait3A_1146, %mul3A_1137] : memref<16x1040000xf32, #tpu.memory_space<hbm>> -> memref<8x128xf32, #tpu.memory_space<hbm>>
      tpu.wait_dma2 semaphore(%arg9 : memref<!tpu.dma_semaphore, #tpu.memory_space<semaphore_mem>>) src(%dma_wait3A_1147 : memref<8x128xf32, #tpu.memory_space<hbm>>) dst(%dma_wait3A_1145 : memref<8x128xf32, #tpu.memory_space<vmem>>)
      %mul3A_1148 = arith.constant 128 : i32
      %mul3A_1149 = arith.muli %min3A_1135, %mul3A_1148 : i32
      %dma_wait3A_1150 = arith.constant 24 : i32
      %dma_wait3A_1151 = arith.constant 0 : i32
      %dma_wait3A_1152 = tpu.memref_slice %arg5[%dma_wait3A_1150, %dma_wait3A_1151] : memref<128x129xf32, #tpu.memory_space<vmem>> -> memref<8x128xf32, #tpu.memory_space<vmem>>
      %dma_wait3A_1153 = arith.constant 8 : i32
      %dma_wait3A_1154 = tpu.memref_slice %arg2[%dma_wait3A_1153, %mul3A_1149] : memref<16x1040000xf32, #tpu.memory_space<hbm>> -> memref<8x128xf32, #tpu.memory_space<hbm>>
      %dma_wait3A_1155 = arith.constant 24 : i32
      %dma_wait3A_1156 = arith.constant 0 : i32
      %dma_wait3A_1157 = tpu.memref_slice %arg5[%dma_wait3A_1155, %dma_wait3A_1156] : memref<128x129xf32, #tpu.memory_space<vmem>> -> memref<8x128xf32, #tpu.memory_space<vmem>>
      %dma_wait3A_1158 = arith.constant 8 : i32
      %dma_wait3A_1159 = tpu.memref_slice %arg2[%dma_wait3A_1158, %mul3A_1149] : memref<16x1040000xf32, #tpu.memory_space<hbm>> -> memref<8x128xf32, #tpu.memory_space<hbm>>
      tpu.wait_dma2 semaphore(%arg9 : memref<!tpu.dma_semaphore, #tpu.memory_space<semaphore_mem>>) src(%dma_wait3A_1159 : memref<8x128xf32, #tpu.memory_space<hbm>>) dst(%dma_wait3A_1157 : memref<8x128xf32, #tpu.memory_space<vmem>>)
      %mul3A_1160 = arith.constant 8 : i32
      %mul3A_1161 = arith.muli %add3A_1097, %mul3A_1160 : i32
      %add3A_1162 = arith.addi %mul3A_2, %mul3A_1161 : i32
      %add3A_1163 = arith.constant 2 : i32
      %add3A_1164 = arith.addi %add3A_1162, %add3A_1163 : i32
      %min3A_1165 = arith.constant 8124 : i32
      %min3A_1166 = arith.minsi %add3A_1164, %min3A_1165 : i32
      %mul3A_1167 = arith.constant 128 : i32
      %mul3A_1168 = arith.muli %min3A_1166, %mul3A_1167 : i32
      %dma_wait3A_1169 = arith.constant 32 : i32
      %dma_wait3A_1170 = arith.constant 0 : i32
      %dma_wait3A_1171 = tpu.memref_slice %arg5[%dma_wait3A_1169, %dma_wait3A_1170] : memref<128x129xf32, #tpu.memory_space<vmem>> -> memref<8x128xf32, #tpu.memory_space<vmem>>
      %dma_wait3A_1172 = arith.constant 0 : i32
      %dma_wait3A_1173 = tpu.memref_slice %arg2[%dma_wait3A_1172, %mul3A_1168] : memref<16x1040000xf32, #tpu.memory_space<hbm>> -> memref<8x128xf32, #tpu.memory_space<hbm>>
      %dma_wait3A_1174 = arith.constant 32 : i32
      %dma_wait3A_1175 = arith.constant 0 : i32
      %dma_wait3A_1176 = tpu.memref_slice %arg5[%dma_wait3A_1174, %dma_wait3A_1175] : memref<128x129xf32, #tpu.memory_space<vmem>> -> memref<8x128xf32, #tpu.memory_space<vmem>>
      %dma_wait3A_1177 = arith.constant 0 : i32
      %dma_wait3A_1178 = tpu.memref_slice %arg2[%dma_wait3A_1177, %mul3A_1168] : memref<16x1040000xf32, #tpu.memory_space<hbm>> -> memref<8x128xf32, #tpu.memory_space<hbm>>
      tpu.wait_dma2 semaphore(%arg9 : memref<!tpu.dma_semaphore, #tpu.memory_space<semaphore_mem>>) src(%dma_wait3A_1178 : memref<8x128xf32, #tpu.memory_space<hbm>>) dst(%dma_wait3A_1176 : memref<8x128xf32, #tpu.memory_space<vmem>>)
      %mul3A_1179 = arith.constant 128 : i32
      %mul3A_1180 = arith.muli %min3A_1166, %mul3A_1179 : i32
      %dma_wait3A_1181 = arith.constant 40 : i32
      %dma_wait3A_1182 = arith.constant 0 : i32
      %dma_wait3A_1183 = tpu.memref_slice %arg5[%dma_wait3A_1181, %dma_wait3A_1182] : memref<128x129xf32, #tpu.memory_space<vmem>> -> memref<8x128xf32, #tpu.memory_space<vmem>>
      %dma_wait3A_1184 = arith.constant 8 : i32
      %dma_wait3A_1185 = tpu.memref_slice %arg2[%dma_wait3A_1184, %mul3A_1180] : memref<16x1040000xf32, #tpu.memory_space<hbm>> -> memref<8x128xf32, #tpu.memory_space<hbm>>
      %dma_wait3A_1186 = arith.constant 40 : i32
      %dma_wait3A_1187 = arith.constant 0 : i32
      %dma_wait3A_1188 = tpu.memref_slice %arg5[%dma_wait3A_1186, %dma_wait3A_1187] : memref<128x129xf32, #tpu.memory_space<vmem>> -> memref<8x128xf32, #tpu.memory_space<vmem>>
      %dma_wait3A_1189 = arith.constant 8 : i32
      %dma_wait3A_1190 = tpu.memref_slice %arg2[%dma_wait3A_1189, %mul3A_1180] : memref<16x1040000xf32, #tpu.memory_space<hbm>> -> memref<8x128xf32, #tpu.memory_space<hbm>>
      tpu.wait_dma2 semaphore(%arg9 : memref<!tpu.dma_semaphore, #tpu.memory_space<semaphore_mem>>) src(%dma_wait3A_1190 : memref<8x128xf32, #tpu.memory_space<hbm>>) dst(%dma_wait3A_1188 : memref<8x128xf32, #tpu.memory_space<vmem>>)
      %mul3A_1191 = arith.constant 8 : i32
      %mul3A_1192 = arith.muli %add3A_1097, %mul3A_1191 : i32
      %add3A_1193 = arith.addi %mul3A_2, %mul3A_1192 : i32
      %add3A_1194 = arith.constant 3 : i32
      %add3A_1195 = arith.addi %add3A_1193, %add3A_1194 : i32
      %min3A_1196 = arith.constant 8124 : i32
      %min3A_1197 = arith.minsi %add3A_1195, %min3A_1196 : i32
      %mul3A_1198 = arith.constant 128 : i32
      %mul3A_1199 = arith.muli %min3A_1197, %mul3A_1198 : i32
      %dma_wait3A_1200 = arith.constant 48 : i32
      %dma_wait3A_1201 = arith.constant 0 : i32
      %dma_wait3A_1202 = tpu.memref_slice %arg5[%dma_wait3A_1200, %dma_wait3A_1201] : memref<128x129xf32, #tpu.memory_space<vmem>> -> memref<8x128xf32, #tpu.memory_space<vmem>>
      %dma_wait3A_1203 = arith.constant 0 : i32
      %dma_wait3A_1204 = tpu.memref_slice %arg2[%dma_wait3A_1203, %mul3A_1199] : memref<16x1040000xf32, #tpu.memory_space<hbm>> -> memref<8x128xf32, #tpu.memory_space<hbm>>
      %dma_wait3A_1205 = arith.constant 48 : i32
      %dma_wait3A_1206 = arith.constant 0 : i32
      %dma_wait3A_1207 = tpu.memref_slice %arg5[%dma_wait3A_1205, %dma_wait3A_1206] : memref<128x129xf32, #tpu.memory_space<vmem>> -> memref<8x128xf32, #tpu.memory_space<vmem>>
      %dma_wait3A_1208 = arith.constant 0 : i32
      %dma_wait3A_1209 = tpu.memref_slice %arg2[%dma_wait3A_1208, %mul3A_1199] : memref<16x1040000xf32, #tpu.memory_space<hbm>> -> memref<8x128xf32, #tpu.memory_space<hbm>>
      tpu.wait_dma2 semaphore(%arg9 : memref<!tpu.dma_semaphore, #tpu.memory_space<semaphore_mem>>) src(%dma_wait3A_1209 : memref<8x128xf32, #tpu.memory_space<hbm>>) dst(%dma_wait3A_1207 : memref<8x128xf32, #tpu.memory_space<vmem>>)
      %mul3A_1210 = arith.constant 128 : i32
      %mul3A_1211 = arith.muli %min3A_1197, %mul3A_1210 : i32
      %dma_wait3A_1212 = arith.constant 56 : i32
      %dma_wait3A_1213 = arith.constant 0 : i32
      %dma_wait3A_1214 = tpu.memref_slice %arg5[%dma_wait3A_1212, %dma_wait3A_1213] : memref<128x129xf32, #tpu.memory_space<vmem>> -> memref<8x128xf32, #tpu.memory_space<vmem>>
      %dma_wait3A_1215 = arith.constant 8 : i32
      %dma_wait3A_1216 = tpu.memref_slice %arg2[%dma_wait3A_1215, %mul3A_1211] : memref<16x1040000xf32, #tpu.memory_space<hbm>> -> memref<8x128xf32, #tpu.memory_space<hbm>>
      %dma_wait3A_1217 = arith.constant 56 : i32
      %dma_wait3A_1218 = arith.constant 0 : i32
      %dma_wait3A_1219 = tpu.memref_slice %arg5[%dma_wait3A_1217, %dma_wait3A_1218] : memref<128x129xf32, #tpu.memory_space<vmem>> -> memref<8x128xf32, #tpu.memory_space<vmem>>
      %dma_wait3A_1220 = arith.constant 8 : i32
      %dma_wait3A_1221 = tpu.memref_slice %arg2[%dma_wait3A_1220, %mul3A_1211] : memref<16x1040000xf32, #tpu.memory_space<hbm>> -> memref<8x128xf32, #tpu.memory_space<hbm>>
      tpu.wait_dma2 semaphore(%arg9 : memref<!tpu.dma_semaphore, #tpu.memory_space<semaphore_mem>>) src(%dma_wait3A_1221 : memref<8x128xf32, #tpu.memory_space<hbm>>) dst(%dma_wait3A_1219 : memref<8x128xf32, #tpu.memory_space<vmem>>)
      %mul3A_1222 = arith.constant 8 : i32
      %mul3A_1223 = arith.muli %add3A_1097, %mul3A_1222 : i32
      %add3A_1224 = arith.addi %mul3A_2, %mul3A_1223 : i32
      %add3A_1225 = arith.constant 4 : i32
      %add3A_1226 = arith.addi %add3A_1224, %add3A_1225 : i32
      %min3A_1227 = arith.constant 8124 : i32
      %min3A_1228 = arith.minsi %add3A_1226, %min3A_1227 : i32
      %mul3A_1229 = arith.constant 128 : i32
      %mul3A_1230 = arith.muli %min3A_1228, %mul3A_1229 : i32
      %dma_wait3A_1231 = arith.constant 64 : i32
      %dma_wait3A_1232 = arith.constant 0 : i32
      %dma_wait3A_1233 = tpu.memref_slice %arg5[%dma_wait3A_1231, %dma_wait3A_1232] : memref<128x129xf32, #tpu.memory_space<vmem>> -> memref<8x128xf32, #tpu.memory_space<vmem>>
      %dma_wait3A_1234 = arith.constant 0 : i32
      %dma_wait3A_1235 = tpu.memref_slice %arg2[%dma_wait3A_1234, %mul3A_1230] : memref<16x1040000xf32, #tpu.memory_space<hbm>> -> memref<8x128xf32, #tpu.memory_space<hbm>>
      %dma_wait3A_1236 = arith.constant 64 : i32
      %dma_wait3A_1237 = arith.constant 0 : i32
      %dma_wait3A_1238 = tpu.memref_slice %arg5[%dma_wait3A_1236, %dma_wait3A_1237] : memref<128x129xf32, #tpu.memory_space<vmem>> -> memref<8x128xf32, #tpu.memory_space<vmem>>
      %dma_wait3A_1239 = arith.constant 0 : i32
      %dma_wait3A_1240 = tpu.memref_slice %arg2[%dma_wait3A_1239, %mul3A_1230] : memref<16x1040000xf32, #tpu.memory_space<hbm>> -> memref<8x128xf32, #tpu.memory_space<hbm>>
      tpu.wait_dma2 semaphore(%arg9 : memref<!tpu.dma_semaphore, #tpu.memory_space<semaphore_mem>>) src(%dma_wait3A_1240 : memref<8x128xf32, #tpu.memory_space<hbm>>) dst(%dma_wait3A_1238 : memref<8x128xf32, #tpu.memory_space<vmem>>)
      %mul3A_1241 = arith.constant 128 : i32
      %mul3A_1242 = arith.muli %min3A_1228, %mul3A_1241 : i32
      %dma_wait3A_1243 = arith.constant 72 : i32
      %dma_wait3A_1244 = arith.constant 0 : i32
      %dma_wait3A_1245 = tpu.memref_slice %arg5[%dma_wait3A_1243, %dma_wait3A_1244] : memref<128x129xf32, #tpu.memory_space<vmem>> -> memref<8x128xf32, #tpu.memory_space<vmem>>
      %dma_wait3A_1246 = arith.constant 8 : i32
      %dma_wait3A_1247 = tpu.memref_slice %arg2[%dma_wait3A_1246, %mul3A_1242] : memref<16x1040000xf32, #tpu.memory_space<hbm>> -> memref<8x128xf32, #tpu.memory_space<hbm>>
      %dma_wait3A_1248 = arith.constant 72 : i32
      %dma_wait3A_1249 = arith.constant 0 : i32
      %dma_wait3A_1250 = tpu.memref_slice %arg5[%dma_wait3A_1248, %dma_wait3A_1249] : memref<128x129xf32, #tpu.memory_space<vmem>> -> memref<8x128xf32, #tpu.memory_space<vmem>>
      %dma_wait3A_1251 = arith.constant 8 : i32
      %dma_wait3A_1252 = tpu.memref_slice %arg2[%dma_wait3A_1251, %mul3A_1242] : memref<16x1040000xf32, #tpu.memory_space<hbm>> -> memref<8x128xf32, #tpu.memory_space<hbm>>
      tpu.wait_dma2 semaphore(%arg9 : memref<!tpu.dma_semaphore, #tpu.memory_space<semaphore_mem>>) src(%dma_wait3A_1252 : memref<8x128xf32, #tpu.memory_space<hbm>>) dst(%dma_wait3A_1250 : memref<8x128xf32, #tpu.memory_space<vmem>>)
      %mul3A_1253 = arith.constant 8 : i32
      %mul3A_1254 = arith.muli %add3A_1097, %mul3A_1253 : i32
      %add3A_1255 = arith.addi %mul3A_2, %mul3A_1254 : i32
      %add3A_1256 = arith.constant 5 : i32
      %add3A_1257 = arith.addi %add3A_1255, %add3A_1256 : i32
      %min3A_1258 = arith.constant 8124 : i32
      %min3A_1259 = arith.minsi %add3A_1257, %min3A_1258 : i32
      %mul3A_1260 = arith.constant 128 : i32
      %mul3A_1261 = arith.muli %min3A_1259, %mul3A_1260 : i32
      %dma_wait3A_1262 = arith.constant 80 : i32
      %dma_wait3A_1263 = arith.constant 0 : i32
      %dma_wait3A_1264 = tpu.memref_slice %arg5[%dma_wait3A_1262, %dma_wait3A_1263] : memref<128x129xf32, #tpu.memory_space<vmem>> -> memref<8x128xf32, #tpu.memory_space<vmem>>
      %dma_wait3A_1265 = arith.constant 0 : i32
      %dma_wait3A_1266 = tpu.memref_slice %arg2[%dma_wait3A_1265, %mul3A_1261] : memref<16x1040000xf32, #tpu.memory_space<hbm>> -> memref<8x128xf32, #tpu.memory_space<hbm>>
      %dma_wait3A_1267 = arith.constant 80 : i32
      %dma_wait3A_1268 = arith.constant 0 : i32
      %dma_wait3A_1269 = tpu.memref_slice %arg5[%dma_wait3A_1267, %dma_wait3A_1268] : memref<128x129xf32, #tpu.memory_space<vmem>> -> memref<8x128xf32, #tpu.memory_space<vmem>>
      %dma_wait3A_1270 = arith.constant 0 : i32
      %dma_wait3A_1271 = tpu.memref_slice %arg2[%dma_wait3A_1270, %mul3A_1261] : memref<16x1040000xf32, #tpu.memory_space<hbm>> -> memref<8x128xf32, #tpu.memory_space<hbm>>
      tpu.wait_dma2 semaphore(%arg9 : memref<!tpu.dma_semaphore, #tpu.memory_space<semaphore_mem>>) src(%dma_wait3A_1271 : memref<8x128xf32, #tpu.memory_space<hbm>>) dst(%dma_wait3A_1269 : memref<8x128xf32, #tpu.memory_space<vmem>>)
      %mul3A_1272 = arith.constant 128 : i32
      %mul3A_1273 = arith.muli %min3A_1259, %mul3A_1272 : i32
      %dma_wait3A_1274 = arith.constant 88 : i32
      %dma_wait3A_1275 = arith.constant 0 : i32
      %dma_wait3A_1276 = tpu.memref_slice %arg5[%dma_wait3A_1274, %dma_wait3A_1275] : memref<128x129xf32, #tpu.memory_space<vmem>> -> memref<8x128xf32, #tpu.memory_space<vmem>>
      %dma_wait3A_1277 = arith.constant 8 : i32
      %dma_wait3A_1278 = tpu.memref_slice %arg2[%dma_wait3A_1277, %mul3A_1273] : memref<16x1040000xf32, #tpu.memory_space<hbm>> -> memref<8x128xf32, #tpu.memory_space<hbm>>
      %dma_wait3A_1279 = arith.constant 88 : i32
      %dma_wait3A_1280 = arith.constant 0 : i32
      %dma_wait3A_1281 = tpu.memref_slice %arg5[%dma_wait3A_1279, %dma_wait3A_1280] : memref<128x129xf32, #tpu.memory_space<vmem>> -> memref<8x128xf32, #tpu.memory_space<vmem>>
      %dma_wait3A_1282 = arith.constant 8 : i32
      %dma_wait3A_1283 = tpu.memref_slice %arg2[%dma_wait3A_1282, %mul3A_1273] : memref<16x1040000xf32, #tpu.memory_space<hbm>> -> memref<8x128xf32, #tpu.memory_space<hbm>>
      tpu.wait_dma2 semaphore(%arg9 : memref<!tpu.dma_semaphore, #tpu.memory_space<semaphore_mem>>) src(%dma_wait3A_1283 : memref<8x128xf32, #tpu.memory_space<hbm>>) dst(%dma_wait3A_1281 : memref<8x128xf32, #tpu.memory_space<vmem>>)
      %mul3A_1284 = arith.constant 8 : i32
      %mul3A_1285 = arith.muli %add3A_1097, %mul3A_1284 : i32
      %add3A_1286 = arith.addi %mul3A_2, %mul3A_1285 : i32
      %add3A_1287 = arith.constant 6 : i32
      %add3A_1288 = arith.addi %add3A_1286, %add3A_1287 : i32
      %min3A_1289 = arith.constant 8124 : i32
      %min3A_1290 = arith.minsi %add3A_1288, %min3A_1289 : i32
      %mul3A_1291 = arith.constant 128 : i32
      %mul3A_1292 = arith.muli %min3A_1290, %mul3A_1291 : i32
      %dma_wait3A_1293 = arith.constant 96 : i32
      %dma_wait3A_1294 = arith.constant 0 : i32
      %dma_wait3A_1295 = tpu.memref_slice %arg5[%dma_wait3A_1293, %dma_wait3A_1294] : memref<128x129xf32, #tpu.memory_space<vmem>> -> memref<8x128xf32, #tpu.memory_space<vmem>>
      %dma_wait3A_1296 = arith.constant 0 : i32
      %dma_wait3A_1297 = tpu.memref_slice %arg2[%dma_wait3A_1296, %mul3A_1292] : memref<16x1040000xf32, #tpu.memory_space<hbm>> -> memref<8x128xf32, #tpu.memory_space<hbm>>
      %dma_wait3A_1298 = arith.constant 96 : i32
      %dma_wait3A_1299 = arith.constant 0 : i32
      %dma_wait3A_1300 = tpu.memref_slice %arg5[%dma_wait3A_1298, %dma_wait3A_1299] : memref<128x129xf32, #tpu.memory_space<vmem>> -> memref<8x128xf32, #tpu.memory_space<vmem>>
      %dma_wait3A_1301 = arith.constant 0 : i32
      %dma_wait3A_1302 = tpu.memref_slice %arg2[%dma_wait3A_1301, %mul3A_1292] : memref<16x1040000xf32, #tpu.memory_space<hbm>> -> memref<8x128xf32, #tpu.memory_space<hbm>>
      tpu.wait_dma2 semaphore(%arg9 : memref<!tpu.dma_semaphore, #tpu.memory_space<semaphore_mem>>) src(%dma_wait3A_1302 : memref<8x128xf32, #tpu.memory_space<hbm>>) dst(%dma_wait3A_1300 : memref<8x128xf32, #tpu.memory_space<vmem>>)
      %mul3A_1303 = arith.constant 128 : i32
      %mul3A_1304 = arith.muli %min3A_1290, %mul3A_1303 : i32
      %dma_wait3A_1305 = arith.constant 104 : i32
      %dma_wait3A_1306 = arith.constant 0 : i32
      %dma_wait3A_1307 = tpu.memref_slice %arg5[%dma_wait3A_1305, %dma_wait3A_1306] : memref<128x129xf32, #tpu.memory_space<vmem>> -> memref<8x128xf32, #tpu.memory_space<vmem>>
      %dma_wait3A_1308 = arith.constant 8 : i32
      %dma_wait3A_1309 = tpu.memref_slice %arg2[%dma_wait3A_1308, %mul3A_1304] : memref<16x1040000xf32, #tpu.memory_space<hbm>> -> memref<8x128xf32, #tpu.memory_space<hbm>>
      %dma_wait3A_1310 = arith.constant 104 : i32
      %dma_wait3A_1311 = arith.constant 0 : i32
      %dma_wait3A_1312 = tpu.memref_slice %arg5[%dma_wait3A_1310, %dma_wait3A_1311] : memref<128x129xf32, #tpu.memory_space<vmem>> -> memref<8x128xf32, #tpu.memory_space<vmem>>
      %dma_wait3A_1313 = arith.constant 8 : i32
      %dma_wait3A_1314 = tpu.memref_slice %arg2[%dma_wait3A_1313, %mul3A_1304] : memref<16x1040000xf32, #tpu.memory_space<hbm>> -> memref<8x128xf32, #tpu.memory_space<hbm>>
      tpu.wait_dma2 semaphore(%arg9 : memref<!tpu.dma_semaphore, #tpu.memory_space<semaphore_mem>>) src(%dma_wait3A_1314 : memref<8x128xf32, #tpu.memory_space<hbm>>) dst(%dma_wait3A_1312 : memref<8x128xf32, #tpu.memory_space<vmem>>)
      %mul3A_1315 = arith.constant 8 : i32
      %mul3A_1316 = arith.muli %add3A_1097, %mul3A_1315 : i32
      %add3A_1317 = arith.addi %mul3A_2, %mul3A_1316 : i32
      %add3A_1318 = arith.constant 7 : i32
      %add3A_1319 = arith.addi %add3A_1317, %add3A_1318 : i32
      %min3A_1320 = arith.constant 8124 : i32
      %min3A_1321 = arith.minsi %add3A_1319, %min3A_1320 : i32
      %mul3A_1322 = arith.constant 128 : i32
      %mul3A_1323 = arith.muli %min3A_1321, %mul3A_1322 : i32
      %dma_wait3A_1324 = arith.constant 112 : i32
      %dma_wait3A_1325 = arith.constant 0 : i32
      %dma_wait3A_1326 = tpu.memref_slice %arg5[%dma_wait3A_1324, %dma_wait3A_1325] : memref<128x129xf32, #tpu.memory_space<vmem>> -> memref<8x128xf32, #tpu.memory_space<vmem>>
      %dma_wait3A_1327 = arith.constant 0 : i32
      %dma_wait3A_1328 = tpu.memref_slice %arg2[%dma_wait3A_1327, %mul3A_1323] : memref<16x1040000xf32, #tpu.memory_space<hbm>> -> memref<8x128xf32, #tpu.memory_space<hbm>>
      %dma_wait3A_1329 = arith.constant 112 : i32
      %dma_wait3A_1330 = arith.constant 0 : i32
      %dma_wait3A_1331 = tpu.memref_slice %arg5[%dma_wait3A_1329, %dma_wait3A_1330] : memref<128x129xf32, #tpu.memory_space<vmem>> -> memref<8x128xf32, #tpu.memory_space<vmem>>
      %dma_wait3A_1332 = arith.constant 0 : i32
      %dma_wait3A_1333 = tpu.memref_slice %arg2[%dma_wait3A_1332, %mul3A_1323] : memref<16x1040000xf32, #tpu.memory_space<hbm>> -> memref<8x128xf32, #tpu.memory_space<hbm>>
      tpu.wait_dma2 semaphore(%arg9 : memref<!tpu.dma_semaphore, #tpu.memory_space<semaphore_mem>>) src(%dma_wait3A_1333 : memref<8x128xf32, #tpu.memory_space<hbm>>) dst(%dma_wait3A_1331 : memref<8x128xf32, #tpu.memory_space<vmem>>)
      %mul3A_1334 = arith.constant 128 : i32
      %mul3A_1335 = arith.muli %min3A_1321, %mul3A_1334 : i32
      %dma_wait3A_1336 = arith.constant 120 : i32
      %dma_wait3A_1337 = arith.constant 0 : i32
      %dma_wait3A_1338 = tpu.memref_slice %arg5[%dma_wait3A_1336, %dma_wait3A_1337] : memref<128x129xf32, #tpu.memory_space<vmem>> -> memref<8x128xf32, #tpu.memory_space<vmem>>
      %dma_wait3A_1339 = arith.constant 8 : i32
      %dma_wait3A_1340 = tpu.memref_slice %arg2[%dma_wait3A_1339, %mul3A_1335] : memref<16x1040000xf32, #tpu.memory_space<hbm>> -> memref<8x128xf32, #tpu.memory_space<hbm>>
      %dma_wait3A_1341 = arith.constant 120 : i32
      %dma_wait3A_1342 = arith.constant 0 : i32
      %dma_wait3A_1343 = tpu.memref_slice %arg5[%dma_wait3A_1341, %dma_wait3A_1342] : memref<128x129xf32, #tpu.memory_space<vmem>> -> memref<8x128xf32, #tpu.memory_space<vmem>>
      %dma_wait3A_1344 = arith.constant 8 : i32
      %dma_wait3A_1345 = tpu.memref_slice %arg2[%dma_wait3A_1344, %mul3A_1335] : memref<16x1040000xf32, #tpu.memory_space<hbm>> -> memref<8x128xf32, #tpu.memory_space<hbm>>
      tpu.wait_dma2 semaphore(%arg9 : memref<!tpu.dma_semaphore, #tpu.memory_space<semaphore_mem>>) src(%dma_wait3A_1345 : memref<8x128xf32, #tpu.memory_space<hbm>>) dst(%dma_wait3A_1343 : memref<8x128xf32, #tpu.memory_space<vmem>>)
      %ge3A_1346 = arith.constant 2 : i32
      %ge3A_1347 = arith.cmpi sge, %add3A_1097, %ge3A_1346 : i32
      %convert_element_type3A_1348 = arith.extui %ge3A_1347 : i1 to i32
      %cond3A_1349 = arith.constant 0 : i32
      %cond3A_1350 = arith.cmpi ne, %convert_element_type3A_1348, %cond3A_1349 : i32
      scf.if %cond3A_1350 {
        %sub3A = arith.constant 2 : i32
        %sub3A_1483 = arith.subi %add3A_1097, %sub3A : i32
        %mul3A_1484 = arith.constant 8 : i32
        %mul3A_1485 = arith.muli %sub3A_1483, %mul3A_1484 : i32
        %add3A_1486 = arith.addi %mul3A_2, %mul3A_1485 : i32
        %add3A_1487 = arith.constant 0 : i32
        %add3A_1488 = arith.addi %add3A_1486, %add3A_1487 : i32
        %min3A_1489 = arith.constant 8124 : i32
        %min3A_1490 = arith.minsi %add3A_1488, %min3A_1489 : i32
        %mul3A_1491 = arith.constant 2048 : i32
        %mul3A_1492 = arith.muli %min3A_1490, %mul3A_1491 : i32
        %mul3A_1493 = arith.constant 8 : i32
        %mul3A_1494 = arith.muli %sub3A_1483, %mul3A_1493 : i32
        %add3A_1495 = arith.addi %mul3A_2, %mul3A_1494 : i32
        %add3A_1496 = arith.constant 1 : i32
        %add3A_1497 = arith.addi %add3A_1495, %add3A_1496 : i32
        %min3A_1498 = arith.constant 8124 : i32
        %min3A_1499 = arith.minsi %add3A_1497, %min3A_1498 : i32
        %mul3A_1500 = arith.constant 2048 : i32
        %mul3A_1501 = arith.muli %min3A_1499, %mul3A_1500 : i32
        %mul3A_1502 = arith.constant 8 : i32
        %mul3A_1503 = arith.muli %sub3A_1483, %mul3A_1502 : i32
        %add3A_1504 = arith.addi %mul3A_2, %mul3A_1503 : i32
        %add3A_1505 = arith.constant 2 : i32
        %add3A_1506 = arith.addi %add3A_1504, %add3A_1505 : i32
        %min3A_1507 = arith.constant 8124 : i32
        %min3A_1508 = arith.minsi %add3A_1506, %min3A_1507 : i32
        %mul3A_1509 = arith.constant 2048 : i32
        %mul3A_1510 = arith.muli %min3A_1508, %mul3A_1509 : i32
        %mul3A_1511 = arith.constant 8 : i32
        %mul3A_1512 = arith.muli %sub3A_1483, %mul3A_1511 : i32
        %add3A_1513 = arith.addi %mul3A_2, %mul3A_1512 : i32
        %add3A_1514 = arith.constant 3 : i32
        %add3A_1515 = arith.addi %add3A_1513, %add3A_1514 : i32
        %min3A_1516 = arith.constant 8124 : i32
        %min3A_1517 = arith.minsi %add3A_1515, %min3A_1516 : i32
        %mul3A_1518 = arith.constant 2048 : i32
        %mul3A_1519 = arith.muli %min3A_1517, %mul3A_1518 : i32
        %mul3A_1520 = arith.constant 8 : i32
        %mul3A_1521 = arith.muli %sub3A_1483, %mul3A_1520 : i32
        %add3A_1522 = arith.addi %mul3A_2, %mul3A_1521 : i32
        %add3A_1523 = arith.constant 4 : i32
        %add3A_1524 = arith.addi %add3A_1522, %add3A_1523 : i32
        %min3A_1525 = arith.constant 8124 : i32
        %min3A_1526 = arith.minsi %add3A_1524, %min3A_1525 : i32
        %mul3A_1527 = arith.constant 2048 : i32
        %mul3A_1528 = arith.muli %min3A_1526, %mul3A_1527 : i32
        %mul3A_1529 = arith.constant 8 : i32
        %mul3A_1530 = arith.muli %sub3A_1483, %mul3A_1529 : i32
        %add3A_1531 = arith.addi %mul3A_2, %mul3A_1530 : i32
        %add3A_1532 = arith.constant 5 : i32
        %add3A_1533 = arith.addi %add3A_1531, %add3A_1532 : i32
        %min3A_1534 = arith.constant 8124 : i32
        %min3A_1535 = arith.minsi %add3A_1533, %min3A_1534 : i32
        %mul3A_1536 = arith.constant 2048 : i32
        %mul3A_1537 = arith.muli %min3A_1535, %mul3A_1536 : i32
        %mul3A_1538 = arith.constant 8 : i32
        %mul3A_1539 = arith.muli %sub3A_1483, %mul3A_1538 : i32
        %add3A_1540 = arith.addi %mul3A_2, %mul3A_1539 : i32
        %add3A_1541 = arith.constant 6 : i32
        %add3A_1542 = arith.addi %add3A_1540, %add3A_1541 : i32
        %min3A_1543 = arith.constant 8124 : i32
        %min3A_1544 = arith.minsi %add3A_1542, %min3A_1543 : i32
        %mul3A_1545 = arith.constant 2048 : i32
        %mul3A_1546 = arith.muli %min3A_1544, %mul3A_1545 : i32
        %mul3A_1547 = arith.constant 8 : i32
        %mul3A_1548 = arith.muli %sub3A_1483, %mul3A_1547 : i32
        %add3A_1549 = arith.addi %mul3A_2, %mul3A_1548 : i32
        %add3A_1550 = arith.constant 7 : i32
        %add3A_1551 = arith.addi %add3A_1549, %add3A_1550 : i32
        %min3A_1552 = arith.constant 8124 : i32
        %min3A_1553 = arith.minsi %add3A_1551, %min3A_1552 : i32
        %mul3A_1554 = arith.constant 2048 : i32
        %mul3A_1555 = arith.muli %min3A_1553, %mul3A_1554 : i32
        %dma_wait3A_1556 = arith.constant 0 : i32
        %dma_wait3A_1557 = tpu.memref_slice %arg7[%dma_wait3A_1556] : memref<16384xf32, #tpu.memory_space<vmem>> -> memref<2048xf32, #tpu.memory_space<vmem>>
        %dma_wait3A_1558 = tpu.memref_slice %arg3[%mul3A_1492] : memref<16640000xf32, #tpu.memory_space<hbm>> -> memref<2048xf32, #tpu.memory_space<hbm>>
        %dma_wait3A_1559 = tpu.memref_slice %arg3[%mul3A_1492] : memref<16640000xf32, #tpu.memory_space<hbm>> -> memref<2048xf32, #tpu.memory_space<hbm>>
        %dma_wait3A_1560 = arith.constant 0 : i32
        %dma_wait3A_1561 = tpu.memref_slice %arg7[%dma_wait3A_1560] : memref<16384xf32, #tpu.memory_space<vmem>> -> memref<2048xf32, #tpu.memory_space<vmem>>
        tpu.wait_dma2 semaphore(%arg11 : memref<!tpu.dma_semaphore, #tpu.memory_space<semaphore_mem>>) src(%dma_wait3A_1561 : memref<2048xf32, #tpu.memory_space<vmem>>) dst(%dma_wait3A_1559 : memref<2048xf32, #tpu.memory_space<hbm>>)
        %dma_wait3A_1562 = arith.constant 2048 : i32
        %dma_wait3A_1563 = tpu.memref_slice %arg7[%dma_wait3A_1562] : memref<16384xf32, #tpu.memory_space<vmem>> -> memref<2048xf32, #tpu.memory_space<vmem>>
        %dma_wait3A_1564 = tpu.memref_slice %arg3[%mul3A_1501] : memref<16640000xf32, #tpu.memory_space<hbm>> -> memref<2048xf32, #tpu.memory_space<hbm>>
        %dma_wait3A_1565 = tpu.memref_slice %arg3[%mul3A_1501] : memref<16640000xf32, #tpu.memory_space<hbm>> -> memref<2048xf32, #tpu.memory_space<hbm>>
        %dma_wait3A_1566 = arith.constant 2048 : i32
        %dma_wait3A_1567 = tpu.memref_slice %arg7[%dma_wait3A_1566] : memref<16384xf32, #tpu.memory_space<vmem>> -> memref<2048xf32, #tpu.memory_space<vmem>>
        tpu.wait_dma2 semaphore(%arg11 : memref<!tpu.dma_semaphore, #tpu.memory_space<semaphore_mem>>) src(%dma_wait3A_1567 : memref<2048xf32, #tpu.memory_space<vmem>>) dst(%dma_wait3A_1565 : memref<2048xf32, #tpu.memory_space<hbm>>)
        %dma_wait3A_1568 = arith.constant 4096 : i32
        %dma_wait3A_1569 = tpu.memref_slice %arg7[%dma_wait3A_1568] : memref<16384xf32, #tpu.memory_space<vmem>> -> memref<2048xf32, #tpu.memory_space<vmem>>
        %dma_wait3A_1570 = tpu.memref_slice %arg3[%mul3A_1510] : memref<16640000xf32, #tpu.memory_space<hbm>> -> memref<2048xf32, #tpu.memory_space<hbm>>
        %dma_wait3A_1571 = tpu.memref_slice %arg3[%mul3A_1510] : memref<16640000xf32, #tpu.memory_space<hbm>> -> memref<2048xf32, #tpu.memory_space<hbm>>
        %dma_wait3A_1572 = arith.constant 4096 : i32
        %dma_wait3A_1573 = tpu.memref_slice %arg7[%dma_wait3A_1572] : memref<16384xf32, #tpu.memory_space<vmem>> -> memref<2048xf32, #tpu.memory_space<vmem>>
        tpu.wait_dma2 semaphore(%arg11 : memref<!tpu.dma_semaphore, #tpu.memory_space<semaphore_mem>>) src(%dma_wait3A_1573 : memref<2048xf32, #tpu.memory_space<vmem>>) dst(%dma_wait3A_1571 : memref<2048xf32, #tpu.memory_space<hbm>>)
        %dma_wait3A_1574 = arith.constant 6144 : i32
        %dma_wait3A_1575 = tpu.memref_slice %arg7[%dma_wait3A_1574] : memref<16384xf32, #tpu.memory_space<vmem>> -> memref<2048xf32, #tpu.memory_space<vmem>>
        %dma_wait3A_1576 = tpu.memref_slice %arg3[%mul3A_1519] : memref<16640000xf32, #tpu.memory_space<hbm>> -> memref<2048xf32, #tpu.memory_space<hbm>>
        %dma_wait3A_1577 = tpu.memref_slice %arg3[%mul3A_1519] : memref<16640000xf32, #tpu.memory_space<hbm>> -> memref<2048xf32, #tpu.memory_space<hbm>>
        %dma_wait3A_1578 = arith.constant 6144 : i32
        %dma_wait3A_1579 = tpu.memref_slice %arg7[%dma_wait3A_1578] : memref<16384xf32, #tpu.memory_space<vmem>> -> memref<2048xf32, #tpu.memory_space<vmem>>
        tpu.wait_dma2 semaphore(%arg11 : memref<!tpu.dma_semaphore, #tpu.memory_space<semaphore_mem>>) src(%dma_wait3A_1579 : memref<2048xf32, #tpu.memory_space<vmem>>) dst(%dma_wait3A_1577 : memref<2048xf32, #tpu.memory_space<hbm>>)
        %dma_wait3A_1580 = arith.constant 8192 : i32
        %dma_wait3A_1581 = tpu.memref_slice %arg7[%dma_wait3A_1580] : memref<16384xf32, #tpu.memory_space<vmem>> -> memref<2048xf32, #tpu.memory_space<vmem>>
        %dma_wait3A_1582 = tpu.memref_slice %arg3[%mul3A_1528] : memref<16640000xf32, #tpu.memory_space<hbm>> -> memref<2048xf32, #tpu.memory_space<hbm>>
        %dma_wait3A_1583 = tpu.memref_slice %arg3[%mul3A_1528] : memref<16640000xf32, #tpu.memory_space<hbm>> -> memref<2048xf32, #tpu.memory_space<hbm>>
        %dma_wait3A_1584 = arith.constant 8192 : i32
        %dma_wait3A_1585 = tpu.memref_slice %arg7[%dma_wait3A_1584] : memref<16384xf32, #tpu.memory_space<vmem>> -> memref<2048xf32, #tpu.memory_space<vmem>>
        tpu.wait_dma2 semaphore(%arg11 : memref<!tpu.dma_semaphore, #tpu.memory_space<semaphore_mem>>) src(%dma_wait3A_1585 : memref<2048xf32, #tpu.memory_space<vmem>>) dst(%dma_wait3A_1583 : memref<2048xf32, #tpu.memory_space<hbm>>)
        %dma_wait3A_1586 = arith.constant 10240 : i32
        %dma_wait3A_1587 = tpu.memref_slice %arg7[%dma_wait3A_1586] : memref<16384xf32, #tpu.memory_space<vmem>> -> memref<2048xf32, #tpu.memory_space<vmem>>
        %dma_wait3A_1588 = tpu.memref_slice %arg3[%mul3A_1537] : memref<16640000xf32, #tpu.memory_space<hbm>> -> memref<2048xf32, #tpu.memory_space<hbm>>
        %dma_wait3A_1589 = tpu.memref_slice %arg3[%mul3A_1537] : memref<16640000xf32, #tpu.memory_space<hbm>> -> memref<2048xf32, #tpu.memory_space<hbm>>
        %dma_wait3A_1590 = arith.constant 10240 : i32
        %dma_wait3A_1591 = tpu.memref_slice %arg7[%dma_wait3A_1590] : memref<16384xf32, #tpu.memory_space<vmem>> -> memref<2048xf32, #tpu.memory_space<vmem>>
        tpu.wait_dma2 semaphore(%arg11 : memref<!tpu.dma_semaphore, #tpu.memory_space<semaphore_mem>>) src(%dma_wait3A_1591 : memref<2048xf32, #tpu.memory_space<vmem>>) dst(%dma_wait3A_1589 : memref<2048xf32, #tpu.memory_space<hbm>>)
        %dma_wait3A_1592 = arith.constant 12288 : i32
        %dma_wait3A_1593 = tpu.memref_slice %arg7[%dma_wait3A_1592] : memref<16384xf32, #tpu.memory_space<vmem>> -> memref<2048xf32, #tpu.memory_space<vmem>>
        %dma_wait3A_1594 = tpu.memref_slice %arg3[%mul3A_1546] : memref<16640000xf32, #tpu.memory_space<hbm>> -> memref<2048xf32, #tpu.memory_space<hbm>>
        %dma_wait3A_1595 = tpu.memref_slice %arg3[%mul3A_1546] : memref<16640000xf32, #tpu.memory_space<hbm>> -> memref<2048xf32, #tpu.memory_space<hbm>>
        %dma_wait3A_1596 = arith.constant 12288 : i32
        %dma_wait3A_1597 = tpu.memref_slice %arg7[%dma_wait3A_1596] : memref<16384xf32, #tpu.memory_space<vmem>> -> memref<2048xf32, #tpu.memory_space<vmem>>
        tpu.wait_dma2 semaphore(%arg11 : memref<!tpu.dma_semaphore, #tpu.memory_space<semaphore_mem>>) src(%dma_wait3A_1597 : memref<2048xf32, #tpu.memory_space<vmem>>) dst(%dma_wait3A_1595 : memref<2048xf32, #tpu.memory_space<hbm>>)
        %dma_wait3A_1598 = arith.constant 14336 : i32
        %dma_wait3A_1599 = tpu.memref_slice %arg7[%dma_wait3A_1598] : memref<16384xf32, #tpu.memory_space<vmem>> -> memref<2048xf32, #tpu.memory_space<vmem>>
        %dma_wait3A_1600 = tpu.memref_slice %arg3[%mul3A_1555] : memref<16640000xf32, #tpu.memory_space<hbm>> -> memref<2048xf32, #tpu.memory_space<hbm>>
        %dma_wait3A_1601 = tpu.memref_slice %arg3[%mul3A_1555] : memref<16640000xf32, #tpu.memory_space<hbm>> -> memref<2048xf32, #tpu.memory_space<hbm>>
        %dma_wait3A_1602 = arith.constant 14336 : i32
        %dma_wait3A_1603 = tpu.memref_slice %arg7[%dma_wait3A_1602] : memref<16384xf32, #tpu.memory_space<vmem>> -> memref<2048xf32, #tpu.memory_space<vmem>>
        tpu.wait_dma2 semaphore(%arg11 : memref<!tpu.dma_semaphore, #tpu.memory_space<semaphore_mem>>) src(%dma_wait3A_1603 : memref<2048xf32, #tpu.memory_space<vmem>>) dst(%dma_wait3A_1601 : memref<2048xf32, #tpu.memory_space<hbm>>)
      } else {
      }
      %scan3A_1351 = arith.constant 0 : i32
      %scan3A_1352 = arith.constant 8 : i32
      %scan3A_1353 = arith.addi %scan3A_1351, %scan3A_1352 : i32
      %scan3A_1354 = arith.constant 1 : i32
      scf.for %scan3A_1483 = %scan3A_1351 to %scan3A_1353 step %scan3A_1354  : i32 {
        %mul3A_1484 = arith.constant 1 : i32
        %mul3A_1485 = arith.muli %scan3A_1483, %mul3A_1484 : i32
        %add3A_1486 = arith.constant 0 : i32
        %add3A_1487 = arith.addi %add3A_1486, %mul3A_1485 : i32
        %mul3A_1488 = arith.constant 16 : i32
        %mul3A_1489 = arith.muli %add3A_1487, %mul3A_1488 : i32
        %add3A_1490 = vector.broadcast %mul3A_1489 : i32 to vector<16xi32>
        %add3A_1491 = arith.addi %iota3A, %add3A_1490 : vector<16xi32>
        %mul3A_1492 = arith.constant 2048 : i32
        %mul3A_1493 = arith.muli %add3A_1487, %mul3A_1492 : i32
        %broadcast_in_dim3A = arith.constant 0 : i32
        %broadcast_in_dim3A_1494 = vector.broadcast %broadcast_in_dim3A : i32 to vector<16xi32>
        %parallel_loop3A = arith.constant 0 : i32
        %parallel_loop3A_1495 = arith.constant 128 : i32
        %parallel_loop3A_1496 = arith.constant 1 : i32
        %parallel_loop3A_1497 = scf.for %parallel_loop3A_1498 = %parallel_loop3A to %parallel_loop3A_1495 step %parallel_loop3A_1496 iter_args(%parallel_loop3A_1499 = %broadcast_in_dim3A_1494) -> (vector<16xi32>)  : i32 {
          %parallel_loop3A_1500 = tpu.vector_load_idx %arg5[%add3A_1491, %parallel_loop3A_1499] : memref<128x129xf32, #tpu.memory_space<vmem>>[vector<16xi32>, vector<16xi32>], vector<16xf32>,
          %parallel_loop3A_1501 = arith.constant 16 : i32
          %parallel_loop3A_1502 = arith.muli %parallel_loop3A_1498, %parallel_loop3A_1501 : i32
          %parallel_loop3A_1503 = arith.addi %mul3A_1493, %parallel_loop3A_1502 : i32
          %parallel_loop3A_1504 = arith.index_cast %parallel_loop3A_1503 : i32 to index
          %parallel_loop3A_1505 = tpu.vector_load %arg7[%parallel_loop3A_1504] {strides = array<i32>} : memref<16384xf32, #tpu.memory_space<vmem>>, vector<16xf32>,
          tpu.vector_store %arg7[%parallel_loop3A_1504], %parallel_loop3A_1500 {strides = array<i32>} : memref<16384xf32, #tpu.memory_space<vmem>>, vector<16xf32>,
          %parallel_loop3A_1506 = arith.constant 1 : i32
          %parallel_loop3A_1507 = vector.broadcast %parallel_loop3A_1506 : i32 to vector<16xi32>
          %parallel_loop3A_1508 = arith.addi %parallel_loop3A_1499, %parallel_loop3A_1507 : vector<16xi32>
          scf.yield %parallel_loop3A_1508 : vector<16xi32>
        } {sc.loop_unroll_factor = 16 : i64, sc.parallel_access}
      }
      %scan3A_1355 = arith.constant 8 : i32
      %mul3A_1356 = arith.constant 8 : i32
      %mul3A_1357 = arith.muli %add3A_1097, %mul3A_1356 : i32
      %add3A_1358 = arith.addi %mul3A_2, %mul3A_1357 : i32
      %add3A_1359 = arith.constant 0 : i32
      %add3A_1360 = arith.addi %add3A_1358, %add3A_1359 : i32
      %min3A_1361 = arith.constant 8124 : i32
      %min3A_1362 = arith.minsi %add3A_1360, %min3A_1361 : i32
      %mul3A_1363 = arith.constant 2048 : i32
      %mul3A_1364 = arith.muli %min3A_1362, %mul3A_1363 : i32
      %mul3A_1365 = arith.constant 8 : i32
      %mul3A_1366 = arith.muli %add3A_1097, %mul3A_1365 : i32
      %add3A_1367 = arith.addi %mul3A_2, %mul3A_1366 : i32
      %add3A_1368 = arith.constant 1 : i32
      %add3A_1369 = arith.addi %add3A_1367, %add3A_1368 : i32
      %min3A_1370 = arith.constant 8124 : i32
      %min3A_1371 = arith.minsi %add3A_1369, %min3A_1370 : i32
      %mul3A_1372 = arith.constant 2048 : i32
      %mul3A_1373 = arith.muli %min3A_1371, %mul3A_1372 : i32
      %mul3A_1374 = arith.constant 8 : i32
      %mul3A_1375 = arith.muli %add3A_1097, %mul3A_1374 : i32
      %add3A_1376 = arith.addi %mul3A_2, %mul3A_1375 : i32
      %add3A_1377 = arith.constant 2 : i32
      %add3A_1378 = arith.addi %add3A_1376, %add3A_1377 : i32
      %min3A_1379 = arith.constant 8124 : i32
      %min3A_1380 = arith.minsi %add3A_1378, %min3A_1379 : i32
      %mul3A_1381 = arith.constant 2048 : i32
      %mul3A_1382 = arith.muli %min3A_1380, %mul3A_1381 : i32
      %mul3A_1383 = arith.constant 8 : i32
      %mul3A_1384 = arith.muli %add3A_1097, %mul3A_1383 : i32
      %add3A_1385 = arith.addi %mul3A_2, %mul3A_1384 : i32
      %add3A_1386 = arith.constant 3 : i32
      %add3A_1387 = arith.addi %add3A_1385, %add3A_1386 : i32
      %min3A_1388 = arith.constant 8124 : i32
      %min3A_1389 = arith.minsi %add3A_1387, %min3A_1388 : i32
      %mul3A_1390 = arith.constant 2048 : i32
      %mul3A_1391 = arith.muli %min3A_1389, %mul3A_1390 : i32
      %mul3A_1392 = arith.constant 8 : i32
      %mul3A_1393 = arith.muli %add3A_1097, %mul3A_1392 : i32
      %add3A_1394 = arith.addi %mul3A_2, %mul3A_1393 : i32
      %add3A_1395 = arith.constant 4 : i32
      %add3A_1396 = arith.addi %add3A_1394, %add3A_1395 : i32
      %min3A_1397 = arith.constant 8124 : i32
      %min3A_1398 = arith.minsi %add3A_1396, %min3A_1397 : i32
      %mul3A_1399 = arith.constant 2048 : i32
      %mul3A_1400 = arith.muli %min3A_1398, %mul3A_1399 : i32
      %mul3A_1401 = arith.constant 8 : i32
      %mul3A_1402 = arith.muli %add3A_1097, %mul3A_1401 : i32
      %add3A_1403 = arith.addi %mul3A_2, %mul3A_1402 : i32
      %add3A_1404 = arith.constant 5 : i32
      %add3A_1405 = arith.addi %add3A_1403, %add3A_1404 : i32
      %min3A_1406 = arith.constant 8124 : i32
      %min3A_1407 = arith.minsi %add3A_1405, %min3A_1406 : i32
      %mul3A_1408 = arith.constant 2048 : i32
      %mul3A_1409 = arith.muli %min3A_1407, %mul3A_1408 : i32
      %mul3A_1410 = arith.constant 8 : i32
      %mul3A_1411 = arith.muli %add3A_1097, %mul3A_1410 : i32
      %add3A_1412 = arith.addi %mul3A_2, %mul3A_1411 : i32
      %add3A_1413 = arith.constant 6 : i32
      %add3A_1414 = arith.addi %add3A_1412, %add3A_1413 : i32
      %min3A_1415 = arith.constant 8124 : i32
      %min3A_1416 = arith.minsi %add3A_1414, %min3A_1415 : i32
      %mul3A_1417 = arith.constant 2048 : i32
      %mul3A_1418 = arith.muli %min3A_1416, %mul3A_1417 : i32
      %mul3A_1419 = arith.constant 8 : i32
      %mul3A_1420 = arith.muli %add3A_1097, %mul3A_1419 : i32
      %add3A_1421 = arith.addi %mul3A_2, %mul3A_1420 : i32
      %add3A_1422 = arith.constant 7 : i32
      %add3A_1423 = arith.addi %add3A_1421, %add3A_1422 : i32
      %min3A_1424 = arith.constant 8124 : i32
      %min3A_1425 = arith.minsi %add3A_1423, %min3A_1424 : i32
      %mul3A_1426 = arith.constant 2048 : i32
      %mul3A_1427 = arith.muli %min3A_1425, %mul3A_1426 : i32
      %dma_start3A_1428 = arith.constant 0 : i32
      %dma_start3A_1429 = tpu.memref_slice %arg7[%dma_start3A_1428] : memref<16384xf32, #tpu.memory_space<vmem>> -> memref<2048xf32, #tpu.memory_space<vmem>>
      %dma_start3A_1430 = tpu.memref_slice %arg3[%mul3A_1364] : memref<16640000xf32, #tpu.memory_space<hbm>> -> memref<2048xf32, #tpu.memory_space<hbm>>
      %dma_start3A_1431 = tpu.memref_slice %arg3[%mul3A_1364] : memref<16640000xf32, #tpu.memory_space<hbm>> -> memref<2048xf32, #tpu.memory_space<hbm>>
      %dma_start3A_1432 = arith.constant 0 : i32
      %dma_start3A_1433 = tpu.memref_slice %arg7[%dma_start3A_1432] : memref<16384xf32, #tpu.memory_space<vmem>> -> memref<2048xf32, #tpu.memory_space<vmem>>
      tpu.enqueue_dma source(%dma_start3A_1433 : memref<2048xf32, #tpu.memory_space<vmem>>) target(%dma_start3A_1431 : memref<2048xf32, #tpu.memory_space<hbm>>) target_semaphore(%arg11 : memref<!tpu.dma_semaphore, #tpu.memory_space<semaphore_mem>>)
      %dma_start3A_1434 = arith.constant 2048 : i32
      %dma_start3A_1435 = tpu.memref_slice %arg7[%dma_start3A_1434] : memref<16384xf32, #tpu.memory_space<vmem>> -> memref<2048xf32, #tpu.memory_space<vmem>>
      %dma_start3A_1436 = tpu.memref_slice %arg3[%mul3A_1373] : memref<16640000xf32, #tpu.memory_space<hbm>> -> memref<2048xf32, #tpu.memory_space<hbm>>
      %dma_start3A_1437 = tpu.memref_slice %arg3[%mul3A_1373] : memref<16640000xf32, #tpu.memory_space<hbm>> -> memref<2048xf32, #tpu.memory_space<hbm>>
      %dma_start3A_1438 = arith.constant 2048 : i32
      %dma_start3A_1439 = tpu.memref_slice %arg7[%dma_start3A_1438] : memref<16384xf32, #tpu.memory_space<vmem>> -> memref<2048xf32, #tpu.memory_space<vmem>>
      tpu.enqueue_dma source(%dma_start3A_1439 : memref<2048xf32, #tpu.memory_space<vmem>>) target(%dma_start3A_1437 : memref<2048xf32, #tpu.memory_space<hbm>>) target_semaphore(%arg11 : memref<!tpu.dma_semaphore, #tpu.memory_space<semaphore_mem>>)
      %dma_start3A_1440 = arith.constant 4096 : i32
      %dma_start3A_1441 = tpu.memref_slice %arg7[%dma_start3A_1440] : memref<16384xf32, #tpu.memory_space<vmem>> -> memref<2048xf32, #tpu.memory_space<vmem>>
      %dma_start3A_1442 = tpu.memref_slice %arg3[%mul3A_1382] : memref<16640000xf32, #tpu.memory_space<hbm>> -> memref<2048xf32, #tpu.memory_space<hbm>>
      %dma_start3A_1443 = tpu.memref_slice %arg3[%mul3A_1382] : memref<16640000xf32, #tpu.memory_space<hbm>> -> memref<2048xf32, #tpu.memory_space<hbm>>
      %dma_start3A_1444 = arith.constant 4096 : i32
      %dma_start3A_1445 = tpu.memref_slice %arg7[%dma_start3A_1444] : memref<16384xf32, #tpu.memory_space<vmem>> -> memref<2048xf32, #tpu.memory_space<vmem>>
      tpu.enqueue_dma source(%dma_start3A_1445 : memref<2048xf32, #tpu.memory_space<vmem>>) target(%dma_start3A_1443 : memref<2048xf32, #tpu.memory_space<hbm>>) target_semaphore(%arg11 : memref<!tpu.dma_semaphore, #tpu.memory_space<semaphore_mem>>)
      %dma_start3A_1446 = arith.constant 6144 : i32
      %dma_start3A_1447 = tpu.memref_slice %arg7[%dma_start3A_1446] : memref<16384xf32, #tpu.memory_space<vmem>> -> memref<2048xf32, #tpu.memory_space<vmem>>
      %dma_start3A_1448 = tpu.memref_slice %arg3[%mul3A_1391] : memref<16640000xf32, #tpu.memory_space<hbm>> -> memref<2048xf32, #tpu.memory_space<hbm>>
      %dma_start3A_1449 = tpu.memref_slice %arg3[%mul3A_1391] : memref<16640000xf32, #tpu.memory_space<hbm>> -> memref<2048xf32, #tpu.memory_space<hbm>>
      %dma_start3A_1450 = arith.constant 6144 : i32
      %dma_start3A_1451 = tpu.memref_slice %arg7[%dma_start3A_1450] : memref<16384xf32, #tpu.memory_space<vmem>> -> memref<2048xf32, #tpu.memory_space<vmem>>
      tpu.enqueue_dma source(%dma_start3A_1451 : memref<2048xf32, #tpu.memory_space<vmem>>) target(%dma_start3A_1449 : memref<2048xf32, #tpu.memory_space<hbm>>) target_semaphore(%arg11 : memref<!tpu.dma_semaphore, #tpu.memory_space<semaphore_mem>>)
      %dma_start3A_1452 = arith.constant 8192 : i32
      %dma_start3A_1453 = tpu.memref_slice %arg7[%dma_start3A_1452] : memref<16384xf32, #tpu.memory_space<vmem>> -> memref<2048xf32, #tpu.memory_space<vmem>>
      %dma_start3A_1454 = tpu.memref_slice %arg3[%mul3A_1400] : memref<16640000xf32, #tpu.memory_space<hbm>> -> memref<2048xf32, #tpu.memory_space<hbm>>
      %dma_start3A_1455 = tpu.memref_slice %arg3[%mul3A_1400] : memref<16640000xf32, #tpu.memory_space<hbm>> -> memref<2048xf32, #tpu.memory_space<hbm>>
      %dma_start3A_1456 = arith.constant 8192 : i32
      %dma_start3A_1457 = tpu.memref_slice %arg7[%dma_start3A_1456] : memref<16384xf32, #tpu.memory_space<vmem>> -> memref<2048xf32, #tpu.memory_space<vmem>>
      tpu.enqueue_dma source(%dma_start3A_1457 : memref<2048xf32, #tpu.memory_space<vmem>>) target(%dma_start3A_1455 : memref<2048xf32, #tpu.memory_space<hbm>>) target_semaphore(%arg11 : memref<!tpu.dma_semaphore, #tpu.memory_space<semaphore_mem>>)
      %dma_start3A_1458 = arith.constant 10240 : i32
      %dma_start3A_1459 = tpu.memref_slice %arg7[%dma_start3A_1458] : memref<16384xf32, #tpu.memory_space<vmem>> -> memref<2048xf32, #tpu.memory_space<vmem>>
      %dma_start3A_1460 = tpu.memref_slice %arg3[%mul3A_1409] : memref<16640000xf32, #tpu.memory_space<hbm>> -> memref<2048xf32, #tpu.memory_space<hbm>>
      %dma_start3A_1461 = tpu.memref_slice %arg3[%mul3A_1409] : memref<16640000xf32, #tpu.memory_space<hbm>> -> memref<2048xf32, #tpu.memory_space<hbm>>
      %dma_start3A_1462 = arith.constant 10240 : i32
      %dma_start3A_1463 = tpu.memref_slice %arg7[%dma_start3A_1462] : memref<16384xf32, #tpu.memory_space<vmem>> -> memref<2048xf32, #tpu.memory_space<vmem>>
      tpu.enqueue_dma source(%dma_start3A_1463 : memref<2048xf32, #tpu.memory_space<vmem>>) target(%dma_start3A_1461 : memref<2048xf32, #tpu.memory_space<hbm>>) target_semaphore(%arg11 : memref<!tpu.dma_semaphore, #tpu.memory_space<semaphore_mem>>)
      %dma_start3A_1464 = arith.constant 12288 : i32
      %dma_start3A_1465 = tpu.memref_slice %arg7[%dma_start3A_1464] : memref<16384xf32, #tpu.memory_space<vmem>> -> memref<2048xf32, #tpu.memory_space<vmem>>
      %dma_start3A_1466 = tpu.memref_slice %arg3[%mul3A_1418] : memref<16640000xf32, #tpu.memory_space<hbm>> -> memref<2048xf32, #tpu.memory_space<hbm>>
      %dma_start3A_1467 = tpu.memref_slice %arg3[%mul3A_1418] : memref<16640000xf32, #tpu.memory_space<hbm>> -> memref<2048xf32, #tpu.memory_space<hbm>>
      %dma_start3A_1468 = arith.constant 12288 : i32
      %dma_start3A_1469 = tpu.memref_slice %arg7[%dma_start3A_1468] : memref<16384xf32, #tpu.memory_space<vmem>> -> memref<2048xf32, #tpu.memory_space<vmem>>
      tpu.enqueue_dma source(%dma_start3A_1469 : memref<2048xf32, #tpu.memory_space<vmem>>) target(%dma_start3A_1467 : memref<2048xf32, #tpu.memory_space<hbm>>) target_semaphore(%arg11 : memref<!tpu.dma_semaphore, #tpu.memory_space<semaphore_mem>>)
      %dma_start3A_1470 = arith.constant 14336 : i32
      %dma_start3A_1471 = tpu.memref_slice %arg7[%dma_start3A_1470] : memref<16384xf32, #tpu.memory_space<vmem>> -> memref<2048xf32, #tpu.memory_space<vmem>>
      %dma_start3A_1472 = tpu.memref_slice %arg3[%mul3A_1427] : memref<16640000xf32, #tpu.memory_space<hbm>> -> memref<2048xf32, #tpu.memory_space<hbm>>
      %dma_start3A_1473 = tpu.memref_slice %arg3[%mul3A_1427] : memref<16640000xf32, #tpu.memory_space<hbm>> -> memref<2048xf32, #tpu.memory_space<hbm>>
      %dma_start3A_1474 = arith.constant 14336 : i32
      %dma_start3A_1475 = tpu.memref_slice %arg7[%dma_start3A_1474] : memref<16384xf32, #tpu.memory_space<vmem>> -> memref<2048xf32, #tpu.memory_space<vmem>>
      tpu.enqueue_dma source(%dma_start3A_1475 : memref<2048xf32, #tpu.memory_space<vmem>>) target(%dma_start3A_1473 : memref<2048xf32, #tpu.memory_space<hbm>>) target_semaphore(%arg11 : memref<!tpu.dma_semaphore, #tpu.memory_space<semaphore_mem>>)
      %add3A_1476 = arith.constant 2 : i32
      %add3A_1477 = arith.addi %add3A_1097, %add3A_1476 : i32
      %lt3A_1478 = arith.constant 32 : i32
      %lt3A_1479 = arith.cmpi slt, %add3A_1477, %lt3A_1478 : i32
      %convert_element_type3A_1480 = arith.extui %lt3A_1479 : i1 to i32
      %cond3A_1481 = arith.constant 0 : i32
      %cond3A_1482 = arith.cmpi ne, %convert_element_type3A_1480, %cond3A_1481 : i32
      scf.if %cond3A_1482 {
        %add3A_1483 = arith.constant 2 : i32
        %add3A_1484 = arith.addi %add3A_1097, %add3A_1483 : i32
        %mul3A_1485 = arith.constant 8 : i32
        %mul3A_1486 = arith.muli %add3A_1484, %mul3A_1485 : i32
        %add3A_1487 = arith.addi %mul3A_2, %mul3A_1486 : i32
        %add3A_1488 = arith.constant 0 : i32
        %add3A_1489 = arith.addi %add3A_1487, %add3A_1488 : i32
        %min3A_1490 = arith.constant 8124 : i32
        %min3A_1491 = arith.minsi %add3A_1489, %min3A_1490 : i32
        %mul3A_1492 = arith.constant 128 : i32
        %mul3A_1493 = arith.muli %min3A_1491, %mul3A_1492 : i32
        %dma_start3A_1494 = arith.constant 0 : i32
        %dma_start3A_1495 = arith.constant 0 : i32
        %dma_start3A_1496 = tpu.memref_slice %arg5[%dma_start3A_1494, %dma_start3A_1495] : memref<128x129xf32, #tpu.memory_space<vmem>> -> memref<8x128xf32, #tpu.memory_space<vmem>>
        %dma_start3A_1497 = arith.constant 0 : i32
        %dma_start3A_1498 = tpu.memref_slice %arg2[%dma_start3A_1497, %mul3A_1493] : memref<16x1040000xf32, #tpu.memory_space<hbm>> -> memref<8x128xf32, #tpu.memory_space<hbm>>
        %dma_start3A_1499 = arith.constant 0 : i32
        %dma_start3A_1500 = arith.constant 0 : i32
        %dma_start3A_1501 = tpu.memref_slice %arg5[%dma_start3A_1499, %dma_start3A_1500] : memref<128x129xf32, #tpu.memory_space<vmem>> -> memref<8x128xf32, #tpu.memory_space<vmem>>
        %dma_start3A_1502 = arith.constant 0 : i32
        %dma_start3A_1503 = tpu.memref_slice %arg2[%dma_start3A_1502, %mul3A_1493] : memref<16x1040000xf32, #tpu.memory_space<hbm>> -> memref<8x128xf32, #tpu.memory_space<hbm>>
        tpu.enqueue_dma source(%dma_start3A_1503 : memref<8x128xf32, #tpu.memory_space<hbm>>) target(%dma_start3A_1501 : memref<8x128xf32, #tpu.memory_space<vmem>>) target_semaphore(%arg9 : memref<!tpu.dma_semaphore, #tpu.memory_space<semaphore_mem>>)
        %mul3A_1504 = arith.constant 128 : i32
        %mul3A_1505 = arith.muli %min3A_1491, %mul3A_1504 : i32
        %dma_start3A_1506 = arith.constant 8 : i32
        %dma_start3A_1507 = arith.constant 0 : i32
        %dma_start3A_1508 = tpu.memref_slice %arg5[%dma_start3A_1506, %dma_start3A_1507] : memref<128x129xf32, #tpu.memory_space<vmem>> -> memref<8x128xf32, #tpu.memory_space<vmem>>
        %dma_start3A_1509 = arith.constant 8 : i32
        %dma_start3A_1510 = tpu.memref_slice %arg2[%dma_start3A_1509, %mul3A_1505] : memref<16x1040000xf32, #tpu.memory_space<hbm>> -> memref<8x128xf32, #tpu.memory_space<hbm>>
        %dma_start3A_1511 = arith.constant 8 : i32
        %dma_start3A_1512 = arith.constant 0 : i32
        %dma_start3A_1513 = tpu.memref_slice %arg5[%dma_start3A_1511, %dma_start3A_1512] : memref<128x129xf32, #tpu.memory_space<vmem>> -> memref<8x128xf32, #tpu.memory_space<vmem>>
        %dma_start3A_1514 = arith.constant 8 : i32
        %dma_start3A_1515 = tpu.memref_slice %arg2[%dma_start3A_1514, %mul3A_1505] : memref<16x1040000xf32, #tpu.memory_space<hbm>> -> memref<8x128xf32, #tpu.memory_space<hbm>>
        tpu.enqueue_dma source(%dma_start3A_1515 : memref<8x128xf32, #tpu.memory_space<hbm>>) target(%dma_start3A_1513 : memref<8x128xf32, #tpu.memory_space<vmem>>) target_semaphore(%arg9 : memref<!tpu.dma_semaphore, #tpu.memory_space<semaphore_mem>>)
        %mul3A_1516 = arith.constant 8 : i32
        %mul3A_1517 = arith.muli %add3A_1484, %mul3A_1516 : i32
        %add3A_1518 = arith.addi %mul3A_2, %mul3A_1517 : i32
        %add3A_1519 = arith.constant 1 : i32
        %add3A_1520 = arith.addi %add3A_1518, %add3A_1519 : i32
        %min3A_1521 = arith.constant 8124 : i32
        %min3A_1522 = arith.minsi %add3A_1520, %min3A_1521 : i32
        %mul3A_1523 = arith.constant 128 : i32
        %mul3A_1524 = arith.muli %min3A_1522, %mul3A_1523 : i32
        %dma_start3A_1525 = arith.constant 16 : i32
        %dma_start3A_1526 = arith.constant 0 : i32
        %dma_start3A_1527 = tpu.memref_slice %arg5[%dma_start3A_1525, %dma_start3A_1526] : memref<128x129xf32, #tpu.memory_space<vmem>> -> memref<8x128xf32, #tpu.memory_space<vmem>>
        %dma_start3A_1528 = arith.constant 0 : i32
        %dma_start3A_1529 = tpu.memref_slice %arg2[%dma_start3A_1528, %mul3A_1524] : memref<16x1040000xf32, #tpu.memory_space<hbm>> -> memref<8x128xf32, #tpu.memory_space<hbm>>
        %dma_start3A_1530 = arith.constant 16 : i32
        %dma_start3A_1531 = arith.constant 0 : i32
        %dma_start3A_1532 = tpu.memref_slice %arg5[%dma_start3A_1530, %dma_start3A_1531] : memref<128x129xf32, #tpu.memory_space<vmem>> -> memref<8x128xf32, #tpu.memory_space<vmem>>
        %dma_start3A_1533 = arith.constant 0 : i32
        %dma_start3A_1534 = tpu.memref_slice %arg2[%dma_start3A_1533, %mul3A_1524] : memref<16x1040000xf32, #tpu.memory_space<hbm>> -> memref<8x128xf32, #tpu.memory_space<hbm>>
        tpu.enqueue_dma source(%dma_start3A_1534 : memref<8x128xf32, #tpu.memory_space<hbm>>) target(%dma_start3A_1532 : memref<8x128xf32, #tpu.memory_space<vmem>>) target_semaphore(%arg9 : memref<!tpu.dma_semaphore, #tpu.memory_space<semaphore_mem>>)
        %mul3A_1535 = arith.constant 128 : i32
        %mul3A_1536 = arith.muli %min3A_1522, %mul3A_1535 : i32
        %dma_start3A_1537 = arith.constant 24 : i32
        %dma_start3A_1538 = arith.constant 0 : i32
        %dma_start3A_1539 = tpu.memref_slice %arg5[%dma_start3A_1537, %dma_start3A_1538] : memref<128x129xf32, #tpu.memory_space<vmem>> -> memref<8x128xf32, #tpu.memory_space<vmem>>
        %dma_start3A_1540 = arith.constant 8 : i32
        %dma_start3A_1541 = tpu.memref_slice %arg2[%dma_start3A_1540, %mul3A_1536] : memref<16x1040000xf32, #tpu.memory_space<hbm>> -> memref<8x128xf32, #tpu.memory_space<hbm>>
        %dma_start3A_1542 = arith.constant 24 : i32
        %dma_start3A_1543 = arith.constant 0 : i32
        %dma_start3A_1544 = tpu.memref_slice %arg5[%dma_start3A_1542, %dma_start3A_1543] : memref<128x129xf32, #tpu.memory_space<vmem>> -> memref<8x128xf32, #tpu.memory_space<vmem>>
        %dma_start3A_1545 = arith.constant 8 : i32
        %dma_start3A_1546 = tpu.memref_slice %arg2[%dma_start3A_1545, %mul3A_1536] : memref<16x1040000xf32, #tpu.memory_space<hbm>> -> memref<8x128xf32, #tpu.memory_space<hbm>>
        tpu.enqueue_dma source(%dma_start3A_1546 : memref<8x128xf32, #tpu.memory_space<hbm>>) target(%dma_start3A_1544 : memref<8x128xf32, #tpu.memory_space<vmem>>) target_semaphore(%arg9 : memref<!tpu.dma_semaphore, #tpu.memory_space<semaphore_mem>>)
        %mul3A_1547 = arith.constant 8 : i32
        %mul3A_1548 = arith.muli %add3A_1484, %mul3A_1547 : i32
        %add3A_1549 = arith.addi %mul3A_2, %mul3A_1548 : i32
        %add3A_1550 = arith.constant 2 : i32
        %add3A_1551 = arith.addi %add3A_1549, %add3A_1550 : i32
        %min3A_1552 = arith.constant 8124 : i32
        %min3A_1553 = arith.minsi %add3A_1551, %min3A_1552 : i32
        %mul3A_1554 = arith.constant 128 : i32
        %mul3A_1555 = arith.muli %min3A_1553, %mul3A_1554 : i32
        %dma_start3A_1556 = arith.constant 32 : i32
        %dma_start3A_1557 = arith.constant 0 : i32
        %dma_start3A_1558 = tpu.memref_slice %arg5[%dma_start3A_1556, %dma_start3A_1557] : memref<128x129xf32, #tpu.memory_space<vmem>> -> memref<8x128xf32, #tpu.memory_space<vmem>>
        %dma_start3A_1559 = arith.constant 0 : i32
        %dma_start3A_1560 = tpu.memref_slice %arg2[%dma_start3A_1559, %mul3A_1555] : memref<16x1040000xf32, #tpu.memory_space<hbm>> -> memref<8x128xf32, #tpu.memory_space<hbm>>
        %dma_start3A_1561 = arith.constant 32 : i32
        %dma_start3A_1562 = arith.constant 0 : i32
        %dma_start3A_1563 = tpu.memref_slice %arg5[%dma_start3A_1561, %dma_start3A_1562] : memref<128x129xf32, #tpu.memory_space<vmem>> -> memref<8x128xf32, #tpu.memory_space<vmem>>
        %dma_start3A_1564 = arith.constant 0 : i32
        %dma_start3A_1565 = tpu.memref_slice %arg2[%dma_start3A_1564, %mul3A_1555] : memref<16x1040000xf32, #tpu.memory_space<hbm>> -> memref<8x128xf32, #tpu.memory_space<hbm>>
        tpu.enqueue_dma source(%dma_start3A_1565 : memref<8x128xf32, #tpu.memory_space<hbm>>) target(%dma_start3A_1563 : memref<8x128xf32, #tpu.memory_space<vmem>>) target_semaphore(%arg9 : memref<!tpu.dma_semaphore, #tpu.memory_space<semaphore_mem>>)
        %mul3A_1566 = arith.constant 128 : i32
        %mul3A_1567 = arith.muli %min3A_1553, %mul3A_1566 : i32
        %dma_start3A_1568 = arith.constant 40 : i32
        %dma_start3A_1569 = arith.constant 0 : i32
        %dma_start3A_1570 = tpu.memref_slice %arg5[%dma_start3A_1568, %dma_start3A_1569] : memref<128x129xf32, #tpu.memory_space<vmem>> -> memref<8x128xf32, #tpu.memory_space<vmem>>
        %dma_start3A_1571 = arith.constant 8 : i32
        %dma_start3A_1572 = tpu.memref_slice %arg2[%dma_start3A_1571, %mul3A_1567] : memref<16x1040000xf32, #tpu.memory_space<hbm>> -> memref<8x128xf32, #tpu.memory_space<hbm>>
        %dma_start3A_1573 = arith.constant 40 : i32
        %dma_start3A_1574 = arith.constant 0 : i32
        %dma_start3A_1575 = tpu.memref_slice %arg5[%dma_start3A_1573, %dma_start3A_1574] : memref<128x129xf32, #tpu.memory_space<vmem>> -> memref<8x128xf32, #tpu.memory_space<vmem>>
        %dma_start3A_1576 = arith.constant 8 : i32
        %dma_start3A_1577 = tpu.memref_slice %arg2[%dma_start3A_1576, %mul3A_1567] : memref<16x1040000xf32, #tpu.memory_space<hbm>> -> memref<8x128xf32, #tpu.memory_space<hbm>>
        tpu.enqueue_dma source(%dma_start3A_1577 : memref<8x128xf32, #tpu.memory_space<hbm>>) target(%dma_start3A_1575 : memref<8x128xf32, #tpu.memory_space<vmem>>) target_semaphore(%arg9 : memref<!tpu.dma_semaphore, #tpu.memory_space<semaphore_mem>>)
        %mul3A_1578 = arith.constant 8 : i32
        %mul3A_1579 = arith.muli %add3A_1484, %mul3A_1578 : i32
        %add3A_1580 = arith.addi %mul3A_2, %mul3A_1579 : i32
        %add3A_1581 = arith.constant 3 : i32
        %add3A_1582 = arith.addi %add3A_1580, %add3A_1581 : i32
        %min3A_1583 = arith.constant 8124 : i32
        %min3A_1584 = arith.minsi %add3A_1582, %min3A_1583 : i32
        %mul3A_1585 = arith.constant 128 : i32
        %mul3A_1586 = arith.muli %min3A_1584, %mul3A_1585 : i32
        %dma_start3A_1587 = arith.constant 48 : i32
        %dma_start3A_1588 = arith.constant 0 : i32
        %dma_start3A_1589 = tpu.memref_slice %arg5[%dma_start3A_1587, %dma_start3A_1588] : memref<128x129xf32, #tpu.memory_space<vmem>> -> memref<8x128xf32, #tpu.memory_space<vmem>>
        %dma_start3A_1590 = arith.constant 0 : i32
        %dma_start3A_1591 = tpu.memref_slice %arg2[%dma_start3A_1590, %mul3A_1586] : memref<16x1040000xf32, #tpu.memory_space<hbm>> -> memref<8x128xf32, #tpu.memory_space<hbm>>
        %dma_start3A_1592 = arith.constant 48 : i32
        %dma_start3A_1593 = arith.constant 0 : i32
        %dma_start3A_1594 = tpu.memref_slice %arg5[%dma_start3A_1592, %dma_start3A_1593] : memref<128x129xf32, #tpu.memory_space<vmem>> -> memref<8x128xf32, #tpu.memory_space<vmem>>
        %dma_start3A_1595 = arith.constant 0 : i32
        %dma_start3A_1596 = tpu.memref_slice %arg2[%dma_start3A_1595, %mul3A_1586] : memref<16x1040000xf32, #tpu.memory_space<hbm>> -> memref<8x128xf32, #tpu.memory_space<hbm>>
        tpu.enqueue_dma source(%dma_start3A_1596 : memref<8x128xf32, #tpu.memory_space<hbm>>) target(%dma_start3A_1594 : memref<8x128xf32, #tpu.memory_space<vmem>>) target_semaphore(%arg9 : memref<!tpu.dma_semaphore, #tpu.memory_space<semaphore_mem>>)
        %mul3A_1597 = arith.constant 128 : i32
        %mul3A_1598 = arith.muli %min3A_1584, %mul3A_1597 : i32
        %dma_start3A_1599 = arith.constant 56 : i32
        %dma_start3A_1600 = arith.constant 0 : i32
        %dma_start3A_1601 = tpu.memref_slice %arg5[%dma_start3A_1599, %dma_start3A_1600] : memref<128x129xf32, #tpu.memory_space<vmem>> -> memref<8x128xf32, #tpu.memory_space<vmem>>
        %dma_start3A_1602 = arith.constant 8 : i32
        %dma_start3A_1603 = tpu.memref_slice %arg2[%dma_start3A_1602, %mul3A_1598] : memref<16x1040000xf32, #tpu.memory_space<hbm>> -> memref<8x128xf32, #tpu.memory_space<hbm>>
        %dma_start3A_1604 = arith.constant 56 : i32
        %dma_start3A_1605 = arith.constant 0 : i32
        %dma_start3A_1606 = tpu.memref_slice %arg5[%dma_start3A_1604, %dma_start3A_1605] : memref<128x129xf32, #tpu.memory_space<vmem>> -> memref<8x128xf32, #tpu.memory_space<vmem>>
        %dma_start3A_1607 = arith.constant 8 : i32
        %dma_start3A_1608 = tpu.memref_slice %arg2[%dma_start3A_1607, %mul3A_1598] : memref<16x1040000xf32, #tpu.memory_space<hbm>> -> memref<8x128xf32, #tpu.memory_space<hbm>>
        tpu.enqueue_dma source(%dma_start3A_1608 : memref<8x128xf32, #tpu.memory_space<hbm>>) target(%dma_start3A_1606 : memref<8x128xf32, #tpu.memory_space<vmem>>) target_semaphore(%arg9 : memref<!tpu.dma_semaphore, #tpu.memory_space<semaphore_mem>>)
        %mul3A_1609 = arith.constant 8 : i32
        %mul3A_1610 = arith.muli %add3A_1484, %mul3A_1609 : i32
        %add3A_1611 = arith.addi %mul3A_2, %mul3A_1610 : i32
        %add3A_1612 = arith.constant 4 : i32
        %add3A_1613 = arith.addi %add3A_1611, %add3A_1612 : i32
        %min3A_1614 = arith.constant 8124 : i32
        %min3A_1615 = arith.minsi %add3A_1613, %min3A_1614 : i32
        %mul3A_1616 = arith.constant 128 : i32
        %mul3A_1617 = arith.muli %min3A_1615, %mul3A_1616 : i32
        %dma_start3A_1618 = arith.constant 64 : i32
        %dma_start3A_1619 = arith.constant 0 : i32
        %dma_start3A_1620 = tpu.memref_slice %arg5[%dma_start3A_1618, %dma_start3A_1619] : memref<128x129xf32, #tpu.memory_space<vmem>> -> memref<8x128xf32, #tpu.memory_space<vmem>>
        %dma_start3A_1621 = arith.constant 0 : i32
        %dma_start3A_1622 = tpu.memref_slice %arg2[%dma_start3A_1621, %mul3A_1617] : memref<16x1040000xf32, #tpu.memory_space<hbm>> -> memref<8x128xf32, #tpu.memory_space<hbm>>
        %dma_start3A_1623 = arith.constant 64 : i32
        %dma_start3A_1624 = arith.constant 0 : i32
        %dma_start3A_1625 = tpu.memref_slice %arg5[%dma_start3A_1623, %dma_start3A_1624] : memref<128x129xf32, #tpu.memory_space<vmem>> -> memref<8x128xf32, #tpu.memory_space<vmem>>
        %dma_start3A_1626 = arith.constant 0 : i32
        %dma_start3A_1627 = tpu.memref_slice %arg2[%dma_start3A_1626, %mul3A_1617] : memref<16x1040000xf32, #tpu.memory_space<hbm>> -> memref<8x128xf32, #tpu.memory_space<hbm>>
        tpu.enqueue_dma source(%dma_start3A_1627 : memref<8x128xf32, #tpu.memory_space<hbm>>) target(%dma_start3A_1625 : memref<8x128xf32, #tpu.memory_space<vmem>>) target_semaphore(%arg9 : memref<!tpu.dma_semaphore, #tpu.memory_space<semaphore_mem>>)
        %mul3A_1628 = arith.constant 128 : i32
        %mul3A_1629 = arith.muli %min3A_1615, %mul3A_1628 : i32
        %dma_start3A_1630 = arith.constant 72 : i32
        %dma_start3A_1631 = arith.constant 0 : i32
        %dma_start3A_1632 = tpu.memref_slice %arg5[%dma_start3A_1630, %dma_start3A_1631] : memref<128x129xf32, #tpu.memory_space<vmem>> -> memref<8x128xf32, #tpu.memory_space<vmem>>
        %dma_start3A_1633 = arith.constant 8 : i32
        %dma_start3A_1634 = tpu.memref_slice %arg2[%dma_start3A_1633, %mul3A_1629] : memref<16x1040000xf32, #tpu.memory_space<hbm>> -> memref<8x128xf32, #tpu.memory_space<hbm>>
        %dma_start3A_1635 = arith.constant 72 : i32
        %dma_start3A_1636 = arith.constant 0 : i32
        %dma_start3A_1637 = tpu.memref_slice %arg5[%dma_start3A_1635, %dma_start3A_1636] : memref<128x129xf32, #tpu.memory_space<vmem>> -> memref<8x128xf32, #tpu.memory_space<vmem>>
        %dma_start3A_1638 = arith.constant 8 : i32
        %dma_start3A_1639 = tpu.memref_slice %arg2[%dma_start3A_1638, %mul3A_1629] : memref<16x1040000xf32, #tpu.memory_space<hbm>> -> memref<8x128xf32, #tpu.memory_space<hbm>>
        tpu.enqueue_dma source(%dma_start3A_1639 : memref<8x128xf32, #tpu.memory_space<hbm>>) target(%dma_start3A_1637 : memref<8x128xf32, #tpu.memory_space<vmem>>) target_semaphore(%arg9 : memref<!tpu.dma_semaphore, #tpu.memory_space<semaphore_mem>>)
        %mul3A_1640 = arith.constant 8 : i32
        %mul3A_1641 = arith.muli %add3A_1484, %mul3A_1640 : i32
        %add3A_1642 = arith.addi %mul3A_2, %mul3A_1641 : i32
        %add3A_1643 = arith.constant 5 : i32
        %add3A_1644 = arith.addi %add3A_1642, %add3A_1643 : i32
        %min3A_1645 = arith.constant 8124 : i32
        %min3A_1646 = arith.minsi %add3A_1644, %min3A_1645 : i32
        %mul3A_1647 = arith.constant 128 : i32
        %mul3A_1648 = arith.muli %min3A_1646, %mul3A_1647 : i32
        %dma_start3A_1649 = arith.constant 80 : i32
        %dma_start3A_1650 = arith.constant 0 : i32
        %dma_start3A_1651 = tpu.memref_slice %arg5[%dma_start3A_1649, %dma_start3A_1650] : memref<128x129xf32, #tpu.memory_space<vmem>> -> memref<8x128xf32, #tpu.memory_space<vmem>>
        %dma_start3A_1652 = arith.constant 0 : i32
        %dma_start3A_1653 = tpu.memref_slice %arg2[%dma_start3A_1652, %mul3A_1648] : memref<16x1040000xf32, #tpu.memory_space<hbm>> -> memref<8x128xf32, #tpu.memory_space<hbm>>
        %dma_start3A_1654 = arith.constant 80 : i32
        %dma_start3A_1655 = arith.constant 0 : i32
        %dma_start3A_1656 = tpu.memref_slice %arg5[%dma_start3A_1654, %dma_start3A_1655] : memref<128x129xf32, #tpu.memory_space<vmem>> -> memref<8x128xf32, #tpu.memory_space<vmem>>
        %dma_start3A_1657 = arith.constant 0 : i32
        %dma_start3A_1658 = tpu.memref_slice %arg2[%dma_start3A_1657, %mul3A_1648] : memref<16x1040000xf32, #tpu.memory_space<hbm>> -> memref<8x128xf32, #tpu.memory_space<hbm>>
        tpu.enqueue_dma source(%dma_start3A_1658 : memref<8x128xf32, #tpu.memory_space<hbm>>) target(%dma_start3A_1656 : memref<8x128xf32, #tpu.memory_space<vmem>>) target_semaphore(%arg9 : memref<!tpu.dma_semaphore, #tpu.memory_space<semaphore_mem>>)
        %mul3A_1659 = arith.constant 128 : i32
        %mul3A_1660 = arith.muli %min3A_1646, %mul3A_1659 : i32
        %dma_start3A_1661 = arith.constant 88 : i32
        %dma_start3A_1662 = arith.constant 0 : i32
        %dma_start3A_1663 = tpu.memref_slice %arg5[%dma_start3A_1661, %dma_start3A_1662] : memref<128x129xf32, #tpu.memory_space<vmem>> -> memref<8x128xf32, #tpu.memory_space<vmem>>
        %dma_start3A_1664 = arith.constant 8 : i32
        %dma_start3A_1665 = tpu.memref_slice %arg2[%dma_start3A_1664, %mul3A_1660] : memref<16x1040000xf32, #tpu.memory_space<hbm>> -> memref<8x128xf32, #tpu.memory_space<hbm>>
        %dma_start3A_1666 = arith.constant 88 : i32
        %dma_start3A_1667 = arith.constant 0 : i32
        %dma_start3A_1668 = tpu.memref_slice %arg5[%dma_start3A_1666, %dma_start3A_1667] : memref<128x129xf32, #tpu.memory_space<vmem>> -> memref<8x128xf32, #tpu.memory_space<vmem>>
        %dma_start3A_1669 = arith.constant 8 : i32
        %dma_start3A_1670 = tpu.memref_slice %arg2[%dma_start3A_1669, %mul3A_1660] : memref<16x1040000xf32, #tpu.memory_space<hbm>> -> memref<8x128xf32, #tpu.memory_space<hbm>>
        tpu.enqueue_dma source(%dma_start3A_1670 : memref<8x128xf32, #tpu.memory_space<hbm>>) target(%dma_start3A_1668 : memref<8x128xf32, #tpu.memory_space<vmem>>) target_semaphore(%arg9 : memref<!tpu.dma_semaphore, #tpu.memory_space<semaphore_mem>>)
        %mul3A_1671 = arith.constant 8 : i32
        %mul3A_1672 = arith.muli %add3A_1484, %mul3A_1671 : i32
        %add3A_1673 = arith.addi %mul3A_2, %mul3A_1672 : i32
        %add3A_1674 = arith.constant 6 : i32
        %add3A_1675 = arith.addi %add3A_1673, %add3A_1674 : i32
        %min3A_1676 = arith.constant 8124 : i32
        %min3A_1677 = arith.minsi %add3A_1675, %min3A_1676 : i32
        %mul3A_1678 = arith.constant 128 : i32
        %mul3A_1679 = arith.muli %min3A_1677, %mul3A_1678 : i32
        %dma_start3A_1680 = arith.constant 96 : i32
        %dma_start3A_1681 = arith.constant 0 : i32
        %dma_start3A_1682 = tpu.memref_slice %arg5[%dma_start3A_1680, %dma_start3A_1681] : memref<128x129xf32, #tpu.memory_space<vmem>> -> memref<8x128xf32, #tpu.memory_space<vmem>>
        %dma_start3A_1683 = arith.constant 0 : i32
        %dma_start3A_1684 = tpu.memref_slice %arg2[%dma_start3A_1683, %mul3A_1679] : memref<16x1040000xf32, #tpu.memory_space<hbm>> -> memref<8x128xf32, #tpu.memory_space<hbm>>
        %dma_start3A_1685 = arith.constant 96 : i32
        %dma_start3A_1686 = arith.constant 0 : i32
        %dma_start3A_1687 = tpu.memref_slice %arg5[%dma_start3A_1685, %dma_start3A_1686] : memref<128x129xf32, #tpu.memory_space<vmem>> -> memref<8x128xf32, #tpu.memory_space<vmem>>
        %dma_start3A_1688 = arith.constant 0 : i32
        %dma_start3A_1689 = tpu.memref_slice %arg2[%dma_start3A_1688, %mul3A_1679] : memref<16x1040000xf32, #tpu.memory_space<hbm>> -> memref<8x128xf32, #tpu.memory_space<hbm>>
        tpu.enqueue_dma source(%dma_start3A_1689 : memref<8x128xf32, #tpu.memory_space<hbm>>) target(%dma_start3A_1687 : memref<8x128xf32, #tpu.memory_space<vmem>>) target_semaphore(%arg9 : memref<!tpu.dma_semaphore, #tpu.memory_space<semaphore_mem>>)
        %mul3A_1690 = arith.constant 128 : i32
        %mul3A_1691 = arith.muli %min3A_1677, %mul3A_1690 : i32
        %dma_start3A_1692 = arith.constant 104 : i32
        %dma_start3A_1693 = arith.constant 0 : i32
        %dma_start3A_1694 = tpu.memref_slice %arg5[%dma_start3A_1692, %dma_start3A_1693] : memref<128x129xf32, #tpu.memory_space<vmem>> -> memref<8x128xf32, #tpu.memory_space<vmem>>
        %dma_start3A_1695 = arith.constant 8 : i32
        %dma_start3A_1696 = tpu.memref_slice %arg2[%dma_start3A_1695, %mul3A_1691] : memref<16x1040000xf32, #tpu.memory_space<hbm>> -> memref<8x128xf32, #tpu.memory_space<hbm>>
        %dma_start3A_1697 = arith.constant 104 : i32
        %dma_start3A_1698 = arith.constant 0 : i32
        %dma_start3A_1699 = tpu.memref_slice %arg5[%dma_start3A_1697, %dma_start3A_1698] : memref<128x129xf32, #tpu.memory_space<vmem>> -> memref<8x128xf32, #tpu.memory_space<vmem>>
        %dma_start3A_1700 = arith.constant 8 : i32
        %dma_start3A_1701 = tpu.memref_slice %arg2[%dma_start3A_1700, %mul3A_1691] : memref<16x1040000xf32, #tpu.memory_space<hbm>> -> memref<8x128xf32, #tpu.memory_space<hbm>>
        tpu.enqueue_dma source(%dma_start3A_1701 : memref<8x128xf32, #tpu.memory_space<hbm>>) target(%dma_start3A_1699 : memref<8x128xf32, #tpu.memory_space<vmem>>) target_semaphore(%arg9 : memref<!tpu.dma_semaphore, #tpu.memory_space<semaphore_mem>>)
        %mul3A_1702 = arith.constant 8 : i32
        %mul3A_1703 = arith.muli %add3A_1484, %mul3A_1702 : i32
        %add3A_1704 = arith.addi %mul3A_2, %mul3A_1703 : i32
        %add3A_1705 = arith.constant 7 : i32
        %add3A_1706 = arith.addi %add3A_1704, %add3A_1705 : i32
        %min3A_1707 = arith.constant 8124 : i32
        %min3A_1708 = arith.minsi %add3A_1706, %min3A_1707 : i32
        %mul3A_1709 = arith.constant 128 : i32
        %mul3A_1710 = arith.muli %min3A_1708, %mul3A_1709 : i32
        %dma_start3A_1711 = arith.constant 112 : i32
        %dma_start3A_1712 = arith.constant 0 : i32
        %dma_start3A_1713 = tpu.memref_slice %arg5[%dma_start3A_1711, %dma_start3A_1712] : memref<128x129xf32, #tpu.memory_space<vmem>> -> memref<8x128xf32, #tpu.memory_space<vmem>>
        %dma_start3A_1714 = arith.constant 0 : i32
        %dma_start3A_1715 = tpu.memref_slice %arg2[%dma_start3A_1714, %mul3A_1710] : memref<16x1040000xf32, #tpu.memory_space<hbm>> -> memref<8x128xf32, #tpu.memory_space<hbm>>
        %dma_start3A_1716 = arith.constant 112 : i32
        %dma_start3A_1717 = arith.constant 0 : i32
        %dma_start3A_1718 = tpu.memref_slice %arg5[%dma_start3A_1716, %dma_start3A_1717] : memref<128x129xf32, #tpu.memory_space<vmem>> -> memref<8x128xf32, #tpu.memory_space<vmem>>
        %dma_start3A_1719 = arith.constant 0 : i32
        %dma_start3A_1720 = tpu.memref_slice %arg2[%dma_start3A_1719, %mul3A_1710] : memref<16x1040000xf32, #tpu.memory_space<hbm>> -> memref<8x128xf32, #tpu.memory_space<hbm>>
        tpu.enqueue_dma source(%dma_start3A_1720 : memref<8x128xf32, #tpu.memory_space<hbm>>) target(%dma_start3A_1718 : memref<8x128xf32, #tpu.memory_space<vmem>>) target_semaphore(%arg9 : memref<!tpu.dma_semaphore, #tpu.memory_space<semaphore_mem>>)
        %mul3A_1721 = arith.constant 128 : i32
        %mul3A_1722 = arith.muli %min3A_1708, %mul3A_1721 : i32
        %dma_start3A_1723 = arith.constant 120 : i32
        %dma_start3A_1724 = arith.constant 0 : i32
        %dma_start3A_1725 = tpu.memref_slice %arg5[%dma_start3A_1723, %dma_start3A_1724] : memref<128x129xf32, #tpu.memory_space<vmem>> -> memref<8x128xf32, #tpu.memory_space<vmem>>
        %dma_start3A_1726 = arith.constant 8 : i32
        %dma_start3A_1727 = tpu.memref_slice %arg2[%dma_start3A_1726, %mul3A_1722] : memref<16x1040000xf32, #tpu.memory_space<hbm>> -> memref<8x128xf32, #tpu.memory_space<hbm>>
        %dma_start3A_1728 = arith.constant 120 : i32
        %dma_start3A_1729 = arith.constant 0 : i32
        %dma_start3A_1730 = tpu.memref_slice %arg5[%dma_start3A_1728, %dma_start3A_1729] : memref<128x129xf32, #tpu.memory_space<vmem>> -> memref<8x128xf32, #tpu.memory_space<vmem>>
        %dma_start3A_1731 = arith.constant 8 : i32
        %dma_start3A_1732 = tpu.memref_slice %arg2[%dma_start3A_1731, %mul3A_1722] : memref<16x1040000xf32, #tpu.memory_space<hbm>> -> memref<8x128xf32, #tpu.memory_space<hbm>>
        tpu.enqueue_dma source(%dma_start3A_1732 : memref<8x128xf32, #tpu.memory_space<hbm>>) target(%dma_start3A_1730 : memref<8x128xf32, #tpu.memory_space<vmem>>) target_semaphore(%arg9 : memref<!tpu.dma_semaphore, #tpu.memory_space<semaphore_mem>>)
      } else {
      }
    }
    %scan3A_484 = arith.constant 16 : i32
    %add3A_485 = arith.constant 240 : i32
    %add3A_486 = arith.addi %mul3A_2, %add3A_485 : i32
    %add3A_487 = arith.constant 0 : i32
    %add3A_488 = arith.addi %add3A_486, %add3A_487 : i32
    %min3A_489 = arith.constant 8124 : i32
    %min3A_490 = arith.minsi %add3A_488, %min3A_489 : i32
    %mul3A_491 = arith.constant 2048 : i32
    %mul3A_492 = arith.muli %min3A_490, %mul3A_491 : i32
    %add3A_493 = arith.constant 240 : i32
    %add3A_494 = arith.addi %mul3A_2, %add3A_493 : i32
    %add3A_495 = arith.constant 1 : i32
    %add3A_496 = arith.addi %add3A_494, %add3A_495 : i32
    %min3A_497 = arith.constant 8124 : i32
    %min3A_498 = arith.minsi %add3A_496, %min3A_497 : i32
    %mul3A_499 = arith.constant 2048 : i32
    %mul3A_500 = arith.muli %min3A_498, %mul3A_499 : i32
    %add3A_501 = arith.constant 240 : i32
    %add3A_502 = arith.addi %mul3A_2, %add3A_501 : i32
    %add3A_503 = arith.constant 2 : i32
    %add3A_504 = arith.addi %add3A_502, %add3A_503 : i32
    %min3A_505 = arith.constant 8124 : i32
    %min3A_506 = arith.minsi %add3A_504, %min3A_505 : i32
    %mul3A_507 = arith.constant 2048 : i32
    %mul3A_508 = arith.muli %min3A_506, %mul3A_507 : i32
    %add3A_509 = arith.constant 240 : i32
    %add3A_510 = arith.addi %mul3A_2, %add3A_509 : i32
    %add3A_511 = arith.constant 3 : i32
    %add3A_512 = arith.addi %add3A_510, %add3A_511 : i32
    %min3A_513 = arith.constant 8124 : i32
    %min3A_514 = arith.minsi %add3A_512, %min3A_513 : i32
    %mul3A_515 = arith.constant 2048 : i32
    %mul3A_516 = arith.muli %min3A_514, %mul3A_515 : i32
    %add3A_517 = arith.constant 240 : i32
    %add3A_518 = arith.addi %mul3A_2, %add3A_517 : i32
    %add3A_519 = arith.constant 4 : i32
    %add3A_520 = arith.addi %add3A_518, %add3A_519 : i32
    %min3A_521 = arith.constant 8124 : i32
    %min3A_522 = arith.minsi %add3A_520, %min3A_521 : i32
    %mul3A_523 = arith.constant 2048 : i32
    %mul3A_524 = arith.muli %min3A_522, %mul3A_523 : i32
    %add3A_525 = arith.constant 240 : i32
    %add3A_526 = arith.addi %mul3A_2, %add3A_525 : i32
    %add3A_527 = arith.constant 5 : i32
    %add3A_528 = arith.addi %add3A_526, %add3A_527 : i32
    %min3A_529 = arith.constant 8124 : i32
    %min3A_530 = arith.minsi %add3A_528, %min3A_529 : i32
    %mul3A_531 = arith.constant 2048 : i32
    %mul3A_532 = arith.muli %min3A_530, %mul3A_531 : i32
    %add3A_533 = arith.constant 240 : i32
    %add3A_534 = arith.addi %mul3A_2, %add3A_533 : i32
    %add3A_535 = arith.constant 6 : i32
    %add3A_536 = arith.addi %add3A_534, %add3A_535 : i32
    %min3A_537 = arith.constant 8124 : i32
    %min3A_538 = arith.minsi %add3A_536, %min3A_537 : i32
    %mul3A_539 = arith.constant 2048 : i32
    %mul3A_540 = arith.muli %min3A_538, %mul3A_539 : i32
    %add3A_541 = arith.constant 240 : i32
    %add3A_542 = arith.addi %mul3A_2, %add3A_541 : i32
    %add3A_543 = arith.constant 7 : i32
    %add3A_544 = arith.addi %add3A_542, %add3A_543 : i32
    %min3A_545 = arith.constant 8124 : i32
    %min3A_546 = arith.minsi %add3A_544, %min3A_545 : i32
    %mul3A_547 = arith.constant 2048 : i32
    %mul3A_548 = arith.muli %min3A_546, %mul3A_547 : i32
    %dma_wait3A = arith.constant 0 : i32
    %dma_wait3A_549 = tpu.memref_slice %arg6[%dma_wait3A] : memref<16384xf32, #tpu.memory_space<vmem>> -> memref<2048xf32, #tpu.memory_space<vmem>>
    %dma_wait3A_550 = tpu.memref_slice %arg3[%mul3A_492] : memref<16640000xf32, #tpu.memory_space<hbm>> -> memref<2048xf32, #tpu.memory_space<hbm>>
    %dma_wait3A_551 = tpu.memref_slice %arg3[%mul3A_492] : memref<16640000xf32, #tpu.memory_space<hbm>> -> memref<2048xf32, #tpu.memory_space<hbm>>
    %dma_wait3A_552 = arith.constant 0 : i32
    %dma_wait3A_553 = tpu.memref_slice %arg6[%dma_wait3A_552] : memref<16384xf32, #tpu.memory_space<vmem>> -> memref<2048xf32, #tpu.memory_space<vmem>>
    tpu.wait_dma2 semaphore(%arg10 : memref<!tpu.dma_semaphore, #tpu.memory_space<semaphore_mem>>) src(%dma_wait3A_553 : memref<2048xf32, #tpu.memory_space<vmem>>) dst(%dma_wait3A_551 : memref<2048xf32, #tpu.memory_space<hbm>>)
    %dma_wait3A_554 = arith.constant 2048 : i32
    %dma_wait3A_555 = tpu.memref_slice %arg6[%dma_wait3A_554] : memref<16384xf32, #tpu.memory_space<vmem>> -> memref<2048xf32, #tpu.memory_space<vmem>>
    %dma_wait3A_556 = tpu.memref_slice %arg3[%mul3A_500] : memref<16640000xf32, #tpu.memory_space<hbm>> -> memref<2048xf32, #tpu.memory_space<hbm>>
    %dma_wait3A_557 = tpu.memref_slice %arg3[%mul3A_500] : memref<16640000xf32, #tpu.memory_space<hbm>> -> memref<2048xf32, #tpu.memory_space<hbm>>
    %dma_wait3A_558 = arith.constant 2048 : i32
    %dma_wait3A_559 = tpu.memref_slice %arg6[%dma_wait3A_558] : memref<16384xf32, #tpu.memory_space<vmem>> -> memref<2048xf32, #tpu.memory_space<vmem>>
    tpu.wait_dma2 semaphore(%arg10 : memref<!tpu.dma_semaphore, #tpu.memory_space<semaphore_mem>>) src(%dma_wait3A_559 : memref<2048xf32, #tpu.memory_space<vmem>>) dst(%dma_wait3A_557 : memref<2048xf32, #tpu.memory_space<hbm>>)
    %dma_wait3A_560 = arith.constant 4096 : i32
    %dma_wait3A_561 = tpu.memref_slice %arg6[%dma_wait3A_560] : memref<16384xf32, #tpu.memory_space<vmem>> -> memref<2048xf32, #tpu.memory_space<vmem>>
    %dma_wait3A_562 = tpu.memref_slice %arg3[%mul3A_508] : memref<16640000xf32, #tpu.memory_space<hbm>> -> memref<2048xf32, #tpu.memory_space<hbm>>
    %dma_wait3A_563 = tpu.memref_slice %arg3[%mul3A_508] : memref<16640000xf32, #tpu.memory_space<hbm>> -> memref<2048xf32, #tpu.memory_space<hbm>>
    %dma_wait3A_564 = arith.constant 4096 : i32
    %dma_wait3A_565 = tpu.memref_slice %arg6[%dma_wait3A_564] : memref<16384xf32, #tpu.memory_space<vmem>> -> memref<2048xf32, #tpu.memory_space<vmem>>
    tpu.wait_dma2 semaphore(%arg10 : memref<!tpu.dma_semaphore, #tpu.memory_space<semaphore_mem>>) src(%dma_wait3A_565 : memref<2048xf32, #tpu.memory_space<vmem>>) dst(%dma_wait3A_563 : memref<2048xf32, #tpu.memory_space<hbm>>)
    %dma_wait3A_566 = arith.constant 6144 : i32
    %dma_wait3A_567 = tpu.memref_slice %arg6[%dma_wait3A_566] : memref<16384xf32, #tpu.memory_space<vmem>> -> memref<2048xf32, #tpu.memory_space<vmem>>
    %dma_wait3A_568 = tpu.memref_slice %arg3[%mul3A_516] : memref<16640000xf32, #tpu.memory_space<hbm>> -> memref<2048xf32, #tpu.memory_space<hbm>>
    %dma_wait3A_569 = tpu.memref_slice %arg3[%mul3A_516] : memref<16640000xf32, #tpu.memory_space<hbm>> -> memref<2048xf32, #tpu.memory_space<hbm>>
    %dma_wait3A_570 = arith.constant 6144 : i32
    %dma_wait3A_571 = tpu.memref_slice %arg6[%dma_wait3A_570] : memref<16384xf32, #tpu.memory_space<vmem>> -> memref<2048xf32, #tpu.memory_space<vmem>>
    tpu.wait_dma2 semaphore(%arg10 : memref<!tpu.dma_semaphore, #tpu.memory_space<semaphore_mem>>) src(%dma_wait3A_571 : memref<2048xf32, #tpu.memory_space<vmem>>) dst(%dma_wait3A_569 : memref<2048xf32, #tpu.memory_space<hbm>>)
    %dma_wait3A_572 = arith.constant 8192 : i32
    %dma_wait3A_573 = tpu.memref_slice %arg6[%dma_wait3A_572] : memref<16384xf32, #tpu.memory_space<vmem>> -> memref<2048xf32, #tpu.memory_space<vmem>>
    %dma_wait3A_574 = tpu.memref_slice %arg3[%mul3A_524] : memref<16640000xf32, #tpu.memory_space<hbm>> -> memref<2048xf32, #tpu.memory_space<hbm>>
    %dma_wait3A_575 = tpu.memref_slice %arg3[%mul3A_524] : memref<16640000xf32, #tpu.memory_space<hbm>> -> memref<2048xf32, #tpu.memory_space<hbm>>
    %dma_wait3A_576 = arith.constant 8192 : i32
    %dma_wait3A_577 = tpu.memref_slice %arg6[%dma_wait3A_576] : memref<16384xf32, #tpu.memory_space<vmem>> -> memref<2048xf32, #tpu.memory_space<vmem>>
    tpu.wait_dma2 semaphore(%arg10 : memref<!tpu.dma_semaphore, #tpu.memory_space<semaphore_mem>>) src(%dma_wait3A_577 : memref<2048xf32, #tpu.memory_space<vmem>>) dst(%dma_wait3A_575 : memref<2048xf32, #tpu.memory_space<hbm>>)
    %dma_wait3A_578 = arith.constant 10240 : i32
    %dma_wait3A_579 = tpu.memref_slice %arg6[%dma_wait3A_578] : memref<16384xf32, #tpu.memory_space<vmem>> -> memref<2048xf32, #tpu.memory_space<vmem>>
    %dma_wait3A_580 = tpu.memref_slice %arg3[%mul3A_532] : memref<16640000xf32, #tpu.memory_space<hbm>> -> memref<2048xf32, #tpu.memory_space<hbm>>
    %dma_wait3A_581 = tpu.memref_slice %arg3[%mul3A_532] : memref<16640000xf32, #tpu.memory_space<hbm>> -> memref<2048xf32, #tpu.memory_space<hbm>>
    %dma_wait3A_582 = arith.constant 10240 : i32
    %dma_wait3A_583 = tpu.memref_slice %arg6[%dma_wait3A_582] : memref<16384xf32, #tpu.memory_space<vmem>> -> memref<2048xf32, #tpu.memory_space<vmem>>
    tpu.wait_dma2 semaphore(%arg10 : memref<!tpu.dma_semaphore, #tpu.memory_space<semaphore_mem>>) src(%dma_wait3A_583 : memref<2048xf32, #tpu.memory_space<vmem>>) dst(%dma_wait3A_581 : memref<2048xf32, #tpu.memory_space<hbm>>)
    %dma_wait3A_584 = arith.constant 12288 : i32
    %dma_wait3A_585 = tpu.memref_slice %arg6[%dma_wait3A_584] : memref<16384xf32, #tpu.memory_space<vmem>> -> memref<2048xf32, #tpu.memory_space<vmem>>
    %dma_wait3A_586 = tpu.memref_slice %arg3[%mul3A_540] : memref<16640000xf32, #tpu.memory_space<hbm>> -> memref<2048xf32, #tpu.memory_space<hbm>>
    %dma_wait3A_587 = tpu.memref_slice %arg3[%mul3A_540] : memref<16640000xf32, #tpu.memory_space<hbm>> -> memref<2048xf32, #tpu.memory_space<hbm>>
    %dma_wait3A_588 = arith.constant 12288 : i32
    %dma_wait3A_589 = tpu.memref_slice %arg6[%dma_wait3A_588] : memref<16384xf32, #tpu.memory_space<vmem>> -> memref<2048xf32, #tpu.memory_space<vmem>>
    tpu.wait_dma2 semaphore(%arg10 : memref<!tpu.dma_semaphore, #tpu.memory_space<semaphore_mem>>) src(%dma_wait3A_589 : memref<2048xf32, #tpu.memory_space<vmem>>) dst(%dma_wait3A_587 : memref<2048xf32, #tpu.memory_space<hbm>>)
    %dma_wait3A_590 = arith.constant 14336 : i32
    %dma_wait3A_591 = tpu.memref_slice %arg6[%dma_wait3A_590] : memref<16384xf32, #tpu.memory_space<vmem>> -> memref<2048xf32, #tpu.memory_space<vmem>>
    %dma_wait3A_592 = tpu.memref_slice %arg3[%mul3A_548] : memref<16640000xf32, #tpu.memory_space<hbm>> -> memref<2048xf32, #tpu.memory_space<hbm>>
    %dma_wait3A_593 = tpu.memref_slice %arg3[%mul3A_548] : memref<16640000xf32, #tpu.memory_space<hbm>> -> memref<2048xf32, #tpu.memory_space<hbm>>
    %dma_wait3A_594 = arith.constant 14336 : i32
    %dma_wait3A_595 = tpu.memref_slice %arg6[%dma_wait3A_594] : memref<16384xf32, #tpu.memory_space<vmem>> -> memref<2048xf32, #tpu.memory_space<vmem>>
    tpu.wait_dma2 semaphore(%arg10 : memref<!tpu.dma_semaphore, #tpu.memory_space<semaphore_mem>>) src(%dma_wait3A_595 : memref<2048xf32, #tpu.memory_space<vmem>>) dst(%dma_wait3A_593 : memref<2048xf32, #tpu.memory_space<hbm>>)
    %add3A_596 = arith.constant 248 : i32
    %add3A_597 = arith.addi %mul3A_2, %add3A_596 : i32
    %add3A_598 = arith.constant 0 : i32
    %add3A_599 = arith.addi %add3A_597, %add3A_598 : i32
    %min3A_600 = arith.constant 8124 : i32
    %min3A_601 = arith.minsi %add3A_599, %min3A_600 : i32
    %mul3A_602 = arith.constant 2048 : i32
    %mul3A_603 = arith.muli %min3A_601, %mul3A_602 : i32
    %add3A_604 = arith.constant 248 : i32
    %add3A_605 = arith.addi %mul3A_2, %add3A_604 : i32
    %add3A_606 = arith.constant 1 : i32
    %add3A_607 = arith.addi %add3A_605, %add3A_606 : i32
    %min3A_608 = arith.constant 8124 : i32
    %min3A_609 = arith.minsi %add3A_607, %min3A_608 : i32
    %mul3A_610 = arith.constant 2048 : i32
    %mul3A_611 = arith.muli %min3A_609, %mul3A_610 : i32
    %add3A_612 = arith.constant 248 : i32
    %add3A_613 = arith.addi %mul3A_2, %add3A_612 : i32
    %add3A_614 = arith.constant 2 : i32
    %add3A_615 = arith.addi %add3A_613, %add3A_614 : i32
    %min3A_616 = arith.constant 8124 : i32
    %min3A_617 = arith.minsi %add3A_615, %min3A_616 : i32
    %mul3A_618 = arith.constant 2048 : i32
    %mul3A_619 = arith.muli %min3A_617, %mul3A_618 : i32
    %add3A_620 = arith.constant 248 : i32
    %add3A_621 = arith.addi %mul3A_2, %add3A_620 : i32
    %add3A_622 = arith.constant 3 : i32
    %add3A_623 = arith.addi %add3A_621, %add3A_622 : i32
    %min3A_624 = arith.constant 8124 : i32
    %min3A_625 = arith.minsi %add3A_623, %min3A_624 : i32
    %mul3A_626 = arith.constant 2048 : i32
    %mul3A_627 = arith.muli %min3A_625, %mul3A_626 : i32
    %add3A_628 = arith.constant 248 : i32
    %add3A_629 = arith.addi %mul3A_2, %add3A_628 : i32
    %add3A_630 = arith.constant 4 : i32
    %add3A_631 = arith.addi %add3A_629, %add3A_630 : i32
    %min3A_632 = arith.constant 8124 : i32
    %min3A_633 = arith.minsi %add3A_631, %min3A_632 : i32
    %mul3A_634 = arith.constant 2048 : i32
    %mul3A_635 = arith.muli %min3A_633, %mul3A_634 : i32
    %add3A_636 = arith.constant 248 : i32
    %add3A_637 = arith.addi %mul3A_2, %add3A_636 : i32
    %add3A_638 = arith.constant 5 : i32
    %add3A_639 = arith.addi %add3A_637, %add3A_638 : i32
    %min3A_640 = arith.constant 8124 : i32
    %min3A_641 = arith.minsi %add3A_639, %min3A_640 : i32
    %mul3A_642 = arith.constant 2048 : i32
    %mul3A_643 = arith.muli %min3A_641, %mul3A_642 : i32
    %add3A_644 = arith.constant 248 : i32
    %add3A_645 = arith.addi %mul3A_2, %add3A_644 : i32
    %add3A_646 = arith.constant 6 : i32
    %add3A_647 = arith.addi %add3A_645, %add3A_646 : i32
    %min3A_648 = arith.constant 8124 : i32
    %min3A_649 = arith.minsi %add3A_647, %min3A_648 : i32
    %mul3A_650 = arith.constant 2048 : i32
    %mul3A_651 = arith.muli %min3A_649, %mul3A_650 : i32
    %add3A_652 = arith.constant 248 : i32
    %add3A_653 = arith.addi %mul3A_2, %add3A_652 : i32
    %add3A_654 = arith.constant 7 : i32
    %add3A_655 = arith.addi %add3A_653, %add3A_654 : i32
    %min3A_656 = arith.constant 8124 : i32
    %min3A_657 = arith.minsi %add3A_655, %min3A_656 : i32
    %mul3A_658 = arith.constant 2048 : i32
    %mul3A_659 = arith.muli %min3A_657, %mul3A_658 : i32
    %dma_wait3A_660 = arith.constant 0 : i32
    %dma_wait3A_661 = tpu.memref_slice %arg7[%dma_wait3A_660] : memref<16384xf32, #tpu.memory_space<vmem>> -> memref<2048xf32, #tpu.memory_space<vmem>>
    %dma_wait3A_662 = tpu.memref_slice %arg3[%mul3A_603] : memref<16640000xf32, #tpu.memory_space<hbm>> -> memref<2048xf32, #tpu.memory_space<hbm>>
    %dma_wait3A_663 = tpu.memref_slice %arg3[%mul3A_603] : memref<16640000xf32, #tpu.memory_space<hbm>> -> memref<2048xf32, #tpu.memory_space<hbm>>
    %dma_wait3A_664 = arith.constant 0 : i32
    %dma_wait3A_665 = tpu.memref_slice %arg7[%dma_wait3A_664] : memref<16384xf32, #tpu.memory_space<vmem>> -> memref<2048xf32, #tpu.memory_space<vmem>>
    tpu.wait_dma2 semaphore(%arg11 : memref<!tpu.dma_semaphore, #tpu.memory_space<semaphore_mem>>) src(%dma_wait3A_665 : memref<2048xf32, #tpu.memory_space<vmem>>) dst(%dma_wait3A_663 : memref<2048xf32, #tpu.memory_space<hbm>>)
    %dma_wait3A_666 = arith.constant 2048 : i32
    %dma_wait3A_667 = tpu.memref_slice %arg7[%dma_wait3A_666] : memref<16384xf32, #tpu.memory_space<vmem>> -> memref<2048xf32, #tpu.memory_space<vmem>>
    %dma_wait3A_668 = tpu.memref_slice %arg3[%mul3A_611] : memref<16640000xf32, #tpu.memory_space<hbm>> -> memref<2048xf32, #tpu.memory_space<hbm>>
    %dma_wait3A_669 = tpu.memref_slice %arg3[%mul3A_611] : memref<16640000xf32, #tpu.memory_space<hbm>> -> memref<2048xf32, #tpu.memory_space<hbm>>
    %dma_wait3A_670 = arith.constant 2048 : i32
    %dma_wait3A_671 = tpu.memref_slice %arg7[%dma_wait3A_670] : memref<16384xf32, #tpu.memory_space<vmem>> -> memref<2048xf32, #tpu.memory_space<vmem>>
    tpu.wait_dma2 semaphore(%arg11 : memref<!tpu.dma_semaphore, #tpu.memory_space<semaphore_mem>>) src(%dma_wait3A_671 : memref<2048xf32, #tpu.memory_space<vmem>>) dst(%dma_wait3A_669 : memref<2048xf32, #tpu.memory_space<hbm>>)
    %dma_wait3A_672 = arith.constant 4096 : i32
    %dma_wait3A_673 = tpu.memref_slice %arg7[%dma_wait3A_672] : memref<16384xf32, #tpu.memory_space<vmem>> -> memref<2048xf32, #tpu.memory_space<vmem>>
    %dma_wait3A_674 = tpu.memref_slice %arg3[%mul3A_619] : memref<16640000xf32, #tpu.memory_space<hbm>> -> memref<2048xf32, #tpu.memory_space<hbm>>
    %dma_wait3A_675 = tpu.memref_slice %arg3[%mul3A_619] : memref<16640000xf32, #tpu.memory_space<hbm>> -> memref<2048xf32, #tpu.memory_space<hbm>>
    %dma_wait3A_676 = arith.constant 4096 : i32
    %dma_wait3A_677 = tpu.memref_slice %arg7[%dma_wait3A_676] : memref<16384xf32, #tpu.memory_space<vmem>> -> memref<2048xf32, #tpu.memory_space<vmem>>
    tpu.wait_dma2 semaphore(%arg11 : memref<!tpu.dma_semaphore, #tpu.memory_space<semaphore_mem>>) src(%dma_wait3A_677 : memref<2048xf32, #tpu.memory_space<vmem>>) dst(%dma_wait3A_675 : memref<2048xf32, #tpu.memory_space<hbm>>)
    %dma_wait3A_678 = arith.constant 6144 : i32
    %dma_wait3A_679 = tpu.memref_slice %arg7[%dma_wait3A_678] : memref<16384xf32, #tpu.memory_space<vmem>> -> memref<2048xf32, #tpu.memory_space<vmem>>
    %dma_wait3A_680 = tpu.memref_slice %arg3[%mul3A_627] : memref<16640000xf32, #tpu.memory_space<hbm>> -> memref<2048xf32, #tpu.memory_space<hbm>>
    %dma_wait3A_681 = tpu.memref_slice %arg3[%mul3A_627] : memref<16640000xf32, #tpu.memory_space<hbm>> -> memref<2048xf32, #tpu.memory_space<hbm>>
    %dma_wait3A_682 = arith.constant 6144 : i32
    %dma_wait3A_683 = tpu.memref_slice %arg7[%dma_wait3A_682] : memref<16384xf32, #tpu.memory_space<vmem>> -> memref<2048xf32, #tpu.memory_space<vmem>>
    tpu.wait_dma2 semaphore(%arg11 : memref<!tpu.dma_semaphore, #tpu.memory_space<semaphore_mem>>) src(%dma_wait3A_683 : memref<2048xf32, #tpu.memory_space<vmem>>) dst(%dma_wait3A_681 : memref<2048xf32, #tpu.memory_space<hbm>>)
    %dma_wait3A_684 = arith.constant 8192 : i32
    %dma_wait3A_685 = tpu.memref_slice %arg7[%dma_wait3A_684] : memref<16384xf32, #tpu.memory_space<vmem>> -> memref<2048xf32, #tpu.memory_space<vmem>>
    %dma_wait3A_686 = tpu.memref_slice %arg3[%mul3A_635] : memref<16640000xf32, #tpu.memory_space<hbm>> -> memref<2048xf32, #tpu.memory_space<hbm>>
    %dma_wait3A_687 = tpu.memref_slice %arg3[%mul3A_635] : memref<16640000xf32, #tpu.memory_space<hbm>> -> memref<2048xf32, #tpu.memory_space<hbm>>
    %dma_wait3A_688 = arith.constant 8192 : i32
    %dma_wait3A_689 = tpu.memref_slice %arg7[%dma_wait3A_688] : memref<16384xf32, #tpu.memory_space<vmem>> -> memref<2048xf32, #tpu.memory_space<vmem>>
    tpu.wait_dma2 semaphore(%arg11 : memref<!tpu.dma_semaphore, #tpu.memory_space<semaphore_mem>>) src(%dma_wait3A_689 : memref<2048xf32, #tpu.memory_space<vmem>>) dst(%dma_wait3A_687 : memref<2048xf32, #tpu.memory_space<hbm>>)
    %dma_wait3A_690 = arith.constant 10240 : i32
    %dma_wait3A_691 = tpu.memref_slice %arg7[%dma_wait3A_690] : memref<16384xf32, #tpu.memory_space<vmem>> -> memref<2048xf32, #tpu.memory_space<vmem>>
    %dma_wait3A_692 = tpu.memref_slice %arg3[%mul3A_643] : memref<16640000xf32, #tpu.memory_space<hbm>> -> memref<2048xf32, #tpu.memory_space<hbm>>
    %dma_wait3A_693 = tpu.memref_slice %arg3[%mul3A_643] : memref<16640000xf32, #tpu.memory_space<hbm>> -> memref<2048xf32, #tpu.memory_space<hbm>>
    %dma_wait3A_694 = arith.constant 10240 : i32
    %dma_wait3A_695 = tpu.memref_slice %arg7[%dma_wait3A_694] : memref<16384xf32, #tpu.memory_space<vmem>> -> memref<2048xf32, #tpu.memory_space<vmem>>
    tpu.wait_dma2 semaphore(%arg11 : memref<!tpu.dma_semaphore, #tpu.memory_space<semaphore_mem>>) src(%dma_wait3A_695 : memref<2048xf32, #tpu.memory_space<vmem>>) dst(%dma_wait3A_693 : memref<2048xf32, #tpu.memory_space<hbm>>)
    %dma_wait3A_696 = arith.constant 12288 : i32
    %dma_wait3A_697 = tpu.memref_slice %arg7[%dma_wait3A_696] : memref<16384xf32, #tpu.memory_space<vmem>> -> memref<2048xf32, #tpu.memory_space<vmem>>
    %dma_wait3A_698 = tpu.memref_slice %arg3[%mul3A_651] : memref<16640000xf32, #tpu.memory_space<hbm>> -> memref<2048xf32, #tpu.memory_space<hbm>>
    %dma_wait3A_699 = tpu.memref_slice %arg3[%mul3A_651] : memref<16640000xf32, #tpu.memory_space<hbm>> -> memref<2048xf32, #tpu.memory_space<hbm>>
    %dma_wait3A_700 = arith.constant 12288 : i32
    %dma_wait3A_701 = tpu.memref_slice %arg7[%dma_wait3A_700] : memref<16384xf32, #tpu.memory_space<vmem>> -> memref<2048xf32, #tpu.memory_space<vmem>>
    tpu.wait_dma2 semaphore(%arg11 : memref<!tpu.dma_semaphore, #tpu.memory_space<semaphore_mem>>) src(%dma_wait3A_701 : memref<2048xf32, #tpu.memory_space<vmem>>) dst(%dma_wait3A_699 : memref<2048xf32, #tpu.memory_space<hbm>>)
    %dma_wait3A_702 = arith.constant 14336 : i32
    %dma_wait3A_703 = tpu.memref_slice %arg7[%dma_wait3A_702] : memref<16384xf32, #tpu.memory_space<vmem>> -> memref<2048xf32, #tpu.memory_space<vmem>>
    %dma_wait3A_704 = tpu.memref_slice %arg3[%mul3A_659] : memref<16640000xf32, #tpu.memory_space<hbm>> -> memref<2048xf32, #tpu.memory_space<hbm>>
    %dma_wait3A_705 = tpu.memref_slice %arg3[%mul3A_659] : memref<16640000xf32, #tpu.memory_space<hbm>> -> memref<2048xf32, #tpu.memory_space<hbm>>
    %dma_wait3A_706 = arith.constant 14336 : i32
    %dma_wait3A_707 = tpu.memref_slice %arg7[%dma_wait3A_706] : memref<16384xf32, #tpu.memory_space<vmem>> -> memref<2048xf32, #tpu.memory_space<vmem>>
    tpu.wait_dma2 semaphore(%arg11 : memref<!tpu.dma_semaphore, #tpu.memory_space<semaphore_mem>>) src(%dma_wait3A_707 : memref<2048xf32, #tpu.memory_space<vmem>>) dst(%dma_wait3A_705 : memref<2048xf32, #tpu.memory_space<hbm>>)
    return
  }
}

#map = affine_map<(d0, d1) -> (0, 0)>
module attributes {stable_mosaic.version = 14 : i64} {
  func.func @_sc_gather_body(%arg0: i32, %arg1: i32, %arg2: memref<26x16384xi32, #tpu.memory_space<hbm>>, %arg3: memref<1040000x16xf32, #tpu.memory_space<hbm>>, %arg4: memref<524288x16xf32, #tpu.memory_space<hbm>>, %arg5: memref<26x512xi32, #tpu.memory_space<vmem>>, %arg6: memref<16384xi32, #tpu.memory_space<vmem>>, %arg7: memref<2048x16xf32, #tpu.memory_space<vmem>>, %arg8: memref<!tpu.dma_semaphore, #tpu.memory_space<semaphore_mem>>) attributes {dimension_semantics = [#tpu.dimension_semantics<core_parallel>, #tpu.dimension_semantics<subcore_parallel>], iteration_bounds = array<i64: 2, 16>, scalar_prefetch = 0 : i64, scratch_operands = 4 : i64, tpu.core_type = #tpu.core_type<sc_vector_subcore>, window_params = [{transform_indices = #map}, {transform_indices = #map}, {transform_indices = #map}]} {
    %mul3A = arith.constant 2 : i32
    %mul3A_0 = arith.muli %arg1, %mul3A : i32
    %add3A = arith.addi %mul3A_0, %arg0 : i32
    %mul3A_1 = arith.constant 512 : i32
    %mul3A_2 = arith.muli %add3A, %mul3A_1 : i32
    "tpu.region"() ({
      %run_scoped3A = tpu.sem_alloc : memref<!tpu.dma_semaphore, #tpu.memory_space<semaphore_mem>>
      %dma_start3A = arith.constant 0 : i32
      %dma_start3A_54 = tpu.memref_slice %arg2[%dma_start3A, %mul3A_2] : memref<26x16384xi32, #tpu.memory_space<hbm>> -> memref<26x512xi32, #tpu.memory_space<hbm>>
      %dma_start3A_55 = arith.constant 0 : i32
      %dma_start3A_56 = tpu.memref_slice %arg2[%dma_start3A_55, %mul3A_2] : memref<26x16384xi32, #tpu.memory_space<hbm>> -> memref<26x512xi32, #tpu.memory_space<hbm>>
      tpu.enqueue_dma source(%dma_start3A_56 : memref<26x512xi32, #tpu.memory_space<hbm>>) target(%arg5 : memref<26x512xi32, #tpu.memory_space<vmem>>) target_semaphore(%run_scoped3A : memref<!tpu.dma_semaphore, #tpu.memory_space<semaphore_mem>>)
      %dma_wait3A = arith.constant 0 : i32
      %dma_wait3A_57 = tpu.memref_slice %arg2[%dma_wait3A, %mul3A_2] : memref<26x16384xi32, #tpu.memory_space<hbm>> -> memref<26x512xi32, #tpu.memory_space<hbm>>
      %dma_wait3A_58 = arith.constant 0 : i32
      %dma_wait3A_59 = tpu.memref_slice %arg2[%dma_wait3A_58, %mul3A_2] : memref<26x16384xi32, #tpu.memory_space<hbm>> -> memref<26x512xi32, #tpu.memory_space<hbm>>
      tpu.wait_dma2 semaphore(%run_scoped3A : memref<!tpu.dma_semaphore, #tpu.memory_space<semaphore_mem>>) src(%dma_wait3A_59 : memref<26x512xi32, #tpu.memory_space<hbm>>) dst(%arg5 : memref<26x512xi32, #tpu.memory_space<vmem>>)
      tpu.yield
    }) : () -> ()
    %iota3A = tpu.iota {dimensions = array<i32: 0>} : vector<16xi32>
    %and3A = arith.constant 7 : i32
    %and3A_3 = vector.broadcast %and3A : i32 to vector<16xi32>
    %and3A_4 = arith.andi %iota3A, %and3A_3 : vector<16xi32>
    %shift_right_arithmetic3A = arith.constant 3 : i32
    %shift_right_arithmetic3A_5 = vector.broadcast %shift_right_arithmetic3A : i32 to vector<16xi32>
    %shift_right_arithmetic3A_6 = arith.shrsi %iota3A, %shift_right_arithmetic3A_5 : vector<16xi32>
    %add3A_7 = arith.constant 0 : i32
    %add3A_8 = vector.broadcast %add3A_7 : i32 to vector<16xi32>
    %add3A_9 = arith.addi %and3A_4, %add3A_8 : vector<16xi32>
    %mul3A_10 = arith.constant 40000 : i32
    %mul3A_11 = vector.broadcast %mul3A_10 : i32 to vector<16xi32>
    %mul3A_12 = arith.muli %add3A_9, %mul3A_11 : vector<16xi32>
    %add3A_13 = arith.constant 8 : i32
    %add3A_14 = vector.broadcast %add3A_13 : i32 to vector<16xi32>
    %add3A_15 = arith.addi %and3A_4, %add3A_14 : vector<16xi32>
    %mul3A_16 = arith.constant 40000 : i32
    %mul3A_17 = vector.broadcast %mul3A_16 : i32 to vector<16xi32>
    %mul3A_18 = arith.muli %add3A_15, %mul3A_17 : vector<16xi32>
    %add3A_19 = arith.constant 16 : i32
    %add3A_20 = vector.broadcast %add3A_19 : i32 to vector<16xi32>
    %add3A_21 = arith.addi %and3A_4, %add3A_20 : vector<16xi32>
    %mul3A_22 = arith.constant 40000 : i32
    %mul3A_23 = vector.broadcast %mul3A_22 : i32 to vector<16xi32>
    %mul3A_24 = arith.muli %add3A_21, %mul3A_23 : vector<16xi32>
    %add3A_25 = arith.constant 24 : i32
    %add3A_26 = vector.broadcast %add3A_25 : i32 to vector<16xi32>
    %add3A_27 = arith.addi %and3A_4, %add3A_26 : vector<16xi32>
    %lt3A = arith.constant 2 : i32
    %lt3A_28 = vector.broadcast %lt3A : i32 to vector<16xi32>
    %lt3A_29 = arith.cmpi slt, %and3A_4, %lt3A_28 : vector<16xi32>
    %jit3A = arith.constant 0 : i32
    %broadcast_in_dim3A = vector.broadcast %jit3A : i32 to vector<16xi32>
    %select_n3A = arith.select %lt3A_29, %add3A_27, %broadcast_in_dim3A : vector<16xi1>, vector<16xi32>
    %mul3A_30 = arith.constant 40000 : i32
    %mul3A_31 = vector.broadcast %mul3A_30 : i32 to vector<16xi32>
    %mul3A_32 = arith.muli %select_n3A, %mul3A_31 : vector<16xi32>
    %add3A_33 = arith.constant 0 : i32
    %add3A_34 = vector.broadcast %add3A_33 : i32 to vector<16xi32>
    %add3A_35 = arith.addi %shift_right_arithmetic3A_6, %add3A_34 : vector<16xi32>
    %add3A_36 = arith.constant 2 : i32
    %add3A_37 = vector.broadcast %add3A_36 : i32 to vector<16xi32>
    %add3A_38 = arith.addi %shift_right_arithmetic3A_6, %add3A_37 : vector<16xi32>
    %add3A_39 = arith.constant 4 : i32
    %add3A_40 = vector.broadcast %add3A_39 : i32 to vector<16xi32>
    %add3A_41 = arith.addi %shift_right_arithmetic3A_6, %add3A_40 : vector<16xi32>
    %add3A_42 = arith.constant 6 : i32
    %add3A_43 = vector.broadcast %add3A_42 : i32 to vector<16xi32>
    %add3A_44 = arith.addi %shift_right_arithmetic3A_6, %add3A_43 : vector<16xi32>
    %scan3A = arith.constant 0 : i32
    %scan3A_45 = arith.constant 64 : i32
    %scan3A_46 = arith.addi %scan3A, %scan3A_45 : i32
    %scan3A_47 = arith.constant 1 : i32
    scf.for %scan3A_54 = %scan3A to %scan3A_46 step %scan3A_47  : i32 {
      %mul3A_55 = arith.constant 1 : i32
      %mul3A_56 = arith.muli %scan3A_54, %mul3A_55 : i32
      %add3A_57 = arith.constant 0 : i32
      %add3A_58 = arith.addi %add3A_57, %mul3A_56 : i32
      %mul3A_59 = arith.constant 256 : i32
      %mul3A_60 = arith.muli %add3A_58, %mul3A_59 : i32
      %mul3A_61 = arith.constant 8 : i32
      %mul3A_62 = arith.muli %add3A_58, %mul3A_61 : i32
      %add3A_63 = vector.broadcast %mul3A_62 : i32 to vector<16xi32>
      %add3A_64 = arith.addi %add3A_35, %add3A_63 : vector<16xi32>
      %gather3A = tpu.vector_load_idx %arg5[%add3A_9, %add3A_64] : memref<26x512xi32, #tpu.memory_space<vmem>>[vector<16xi32>, vector<16xi32>], vector<16xi32>,
      %add3A_65 = arith.addi %gather3A, %mul3A_12 : vector<16xi32>
      %add3A_66 = arith.constant 0 : i32
      %add3A_67 = arith.addi %mul3A_60, %add3A_66 : i32
      %add3A_68 = arith.constant 0 : i32
      %add3A_69 = arith.addi %add3A_67, %add3A_68 : i32
      %swap3A = arith.index_cast %add3A_69 : i32 to index
      %swap3A_70 = tpu.vector_load %arg6[%swap3A] {strides = array<i32>} : memref<16384xi32, #tpu.memory_space<vmem>>, vector<16xi32>,
      tpu.vector_store %arg6[%swap3A], %add3A_65 {strides = array<i32>} : memref<16384xi32, #tpu.memory_space<vmem>>, vector<16xi32>,
      %mul3A_71 = arith.constant 8 : i32
      %mul3A_72 = arith.muli %add3A_58, %mul3A_71 : i32
      %add3A_73 = vector.broadcast %mul3A_72 : i32 to vector<16xi32>
      %add3A_74 = arith.addi %add3A_38, %add3A_73 : vector<16xi32>
      %gather3A_75 = tpu.vector_load_idx %arg5[%add3A_9, %add3A_74] : memref<26x512xi32, #tpu.memory_space<vmem>>[vector<16xi32>, vector<16xi32>], vector<16xi32>,
      %add3A_76 = arith.addi %gather3A_75, %mul3A_12 : vector<16xi32>
      %add3A_77 = arith.constant 0 : i32
      %add3A_78 = arith.addi %mul3A_60, %add3A_77 : i32
      %add3A_79 = arith.constant 16 : i32
      %add3A_80 = arith.addi %add3A_78, %add3A_79 : i32
      %swap3A_81 = arith.index_cast %add3A_80 : i32 to index
      %swap3A_82 = tpu.vector_load %arg6[%swap3A_81] {strides = array<i32>} : memref<16384xi32, #tpu.memory_space<vmem>>, vector<16xi32>,
      tpu.vector_store %arg6[%swap3A_81], %add3A_76 {strides = array<i32>} : memref<16384xi32, #tpu.memory_space<vmem>>, vector<16xi32>,
      %mul3A_83 = arith.constant 8 : i32
      %mul3A_84 = arith.muli %add3A_58, %mul3A_83 : i32
      %add3A_85 = vector.broadcast %mul3A_84 : i32 to vector<16xi32>
      %add3A_86 = arith.addi %add3A_41, %add3A_85 : vector<16xi32>
      %gather3A_87 = tpu.vector_load_idx %arg5[%add3A_9, %add3A_86] : memref<26x512xi32, #tpu.memory_space<vmem>>[vector<16xi32>, vector<16xi32>], vector<16xi32>,
      %add3A_88 = arith.addi %gather3A_87, %mul3A_12 : vector<16xi32>
      %add3A_89 = arith.constant 0 : i32
      %add3A_90 = arith.addi %mul3A_60, %add3A_89 : i32
      %add3A_91 = arith.constant 32 : i32
      %add3A_92 = arith.addi %add3A_90, %add3A_91 : i32
      %swap3A_93 = arith.index_cast %add3A_92 : i32 to index
      %swap3A_94 = tpu.vector_load %arg6[%swap3A_93] {strides = array<i32>} : memref<16384xi32, #tpu.memory_space<vmem>>, vector<16xi32>,
      tpu.vector_store %arg6[%swap3A_93], %add3A_88 {strides = array<i32>} : memref<16384xi32, #tpu.memory_space<vmem>>, vector<16xi32>,
      %mul3A_95 = arith.constant 8 : i32
      %mul3A_96 = arith.muli %add3A_58, %mul3A_95 : i32
      %add3A_97 = vector.broadcast %mul3A_96 : i32 to vector<16xi32>
      %add3A_98 = arith.addi %add3A_44, %add3A_97 : vector<16xi32>
      %gather3A_99 = tpu.vector_load_idx %arg5[%add3A_9, %add3A_98] : memref<26x512xi32, #tpu.memory_space<vmem>>[vector<16xi32>, vector<16xi32>], vector<16xi32>,
      %add3A_100 = arith.addi %gather3A_99, %mul3A_12 : vector<16xi32>
      %add3A_101 = arith.constant 0 : i32
      %add3A_102 = arith.addi %mul3A_60, %add3A_101 : i32
      %add3A_103 = arith.constant 48 : i32
      %add3A_104 = arith.addi %add3A_102, %add3A_103 : i32
      %swap3A_105 = arith.index_cast %add3A_104 : i32 to index
      %swap3A_106 = tpu.vector_load %arg6[%swap3A_105] {strides = array<i32>} : memref<16384xi32, #tpu.memory_space<vmem>>, vector<16xi32>,
      tpu.vector_store %arg6[%swap3A_105], %add3A_100 {strides = array<i32>} : memref<16384xi32, #tpu.memory_space<vmem>>, vector<16xi32>,
      %mul3A_107 = arith.constant 8 : i32
      %mul3A_108 = arith.muli %add3A_58, %mul3A_107 : i32
      %add3A_109 = vector.broadcast %mul3A_108 : i32 to vector<16xi32>
      %add3A_110 = arith.addi %add3A_35, %add3A_109 : vector<16xi32>
      %gather3A_111 = tpu.vector_load_idx %arg5[%add3A_15, %add3A_110] : memref<26x512xi32, #tpu.memory_space<vmem>>[vector<16xi32>, vector<16xi32>], vector<16xi32>,
      %add3A_112 = arith.addi %gather3A_111, %mul3A_18 : vector<16xi32>
      %add3A_113 = arith.constant 64 : i32
      %add3A_114 = arith.addi %mul3A_60, %add3A_113 : i32
      %add3A_115 = arith.constant 0 : i32
      %add3A_116 = arith.addi %add3A_114, %add3A_115 : i32
      %swap3A_117 = arith.index_cast %add3A_116 : i32 to index
      %swap3A_118 = tpu.vector_load %arg6[%swap3A_117] {strides = array<i32>} : memref<16384xi32, #tpu.memory_space<vmem>>, vector<16xi32>,
      tpu.vector_store %arg6[%swap3A_117], %add3A_112 {strides = array<i32>} : memref<16384xi32, #tpu.memory_space<vmem>>, vector<16xi32>,
      %mul3A_119 = arith.constant 8 : i32
      %mul3A_120 = arith.muli %add3A_58, %mul3A_119 : i32
      %add3A_121 = vector.broadcast %mul3A_120 : i32 to vector<16xi32>
      %add3A_122 = arith.addi %add3A_38, %add3A_121 : vector<16xi32>
      %gather3A_123 = tpu.vector_load_idx %arg5[%add3A_15, %add3A_122] : memref<26x512xi32, #tpu.memory_space<vmem>>[vector<16xi32>, vector<16xi32>], vector<16xi32>,
      %add3A_124 = arith.addi %gather3A_123, %mul3A_18 : vector<16xi32>
      %add3A_125 = arith.constant 64 : i32
      %add3A_126 = arith.addi %mul3A_60, %add3A_125 : i32
      %add3A_127 = arith.constant 16 : i32
      %add3A_128 = arith.addi %add3A_126, %add3A_127 : i32
      %swap3A_129 = arith.index_cast %add3A_128 : i32 to index
      %swap3A_130 = tpu.vector_load %arg6[%swap3A_129] {strides = array<i32>} : memref<16384xi32, #tpu.memory_space<vmem>>, vector<16xi32>,
      tpu.vector_store %arg6[%swap3A_129], %add3A_124 {strides = array<i32>} : memref<16384xi32, #tpu.memory_space<vmem>>, vector<16xi32>,
      %mul3A_131 = arith.constant 8 : i32
      %mul3A_132 = arith.muli %add3A_58, %mul3A_131 : i32
      %add3A_133 = vector.broadcast %mul3A_132 : i32 to vector<16xi32>
      %add3A_134 = arith.addi %add3A_41, %add3A_133 : vector<16xi32>
      %gather3A_135 = tpu.vector_load_idx %arg5[%add3A_15, %add3A_134] : memref<26x512xi32, #tpu.memory_space<vmem>>[vector<16xi32>, vector<16xi32>], vector<16xi32>,
      %add3A_136 = arith.addi %gather3A_135, %mul3A_18 : vector<16xi32>
      %add3A_137 = arith.constant 64 : i32
      %add3A_138 = arith.addi %mul3A_60, %add3A_137 : i32
      %add3A_139 = arith.constant 32 : i32
      %add3A_140 = arith.addi %add3A_138, %add3A_139 : i32
      %swap3A_141 = arith.index_cast %add3A_140 : i32 to index
      %swap3A_142 = tpu.vector_load %arg6[%swap3A_141] {strides = array<i32>} : memref<16384xi32, #tpu.memory_space<vmem>>, vector<16xi32>,
      tpu.vector_store %arg6[%swap3A_141], %add3A_136 {strides = array<i32>} : memref<16384xi32, #tpu.memory_space<vmem>>, vector<16xi32>,
      %mul3A_143 = arith.constant 8 : i32
      %mul3A_144 = arith.muli %add3A_58, %mul3A_143 : i32
      %add3A_145 = vector.broadcast %mul3A_144 : i32 to vector<16xi32>
      %add3A_146 = arith.addi %add3A_44, %add3A_145 : vector<16xi32>
      %gather3A_147 = tpu.vector_load_idx %arg5[%add3A_15, %add3A_146] : memref<26x512xi32, #tpu.memory_space<vmem>>[vector<16xi32>, vector<16xi32>], vector<16xi32>,
      %add3A_148 = arith.addi %gather3A_147, %mul3A_18 : vector<16xi32>
      %add3A_149 = arith.constant 64 : i32
      %add3A_150 = arith.addi %mul3A_60, %add3A_149 : i32
      %add3A_151 = arith.constant 48 : i32
      %add3A_152 = arith.addi %add3A_150, %add3A_151 : i32
      %swap3A_153 = arith.index_cast %add3A_152 : i32 to index
      %swap3A_154 = tpu.vector_load %arg6[%swap3A_153] {strides = array<i32>} : memref<16384xi32, #tpu.memory_space<vmem>>, vector<16xi32>,
      tpu.vector_store %arg6[%swap3A_153], %add3A_148 {strides = array<i32>} : memref<16384xi32, #tpu.memory_space<vmem>>, vector<16xi32>,
      %mul3A_155 = arith.constant 8 : i32
      %mul3A_156 = arith.muli %add3A_58, %mul3A_155 : i32
      %add3A_157 = vector.broadcast %mul3A_156 : i32 to vector<16xi32>
      %add3A_158 = arith.addi %add3A_35, %add3A_157 : vector<16xi32>
      %gather3A_159 = tpu.vector_load_idx %arg5[%add3A_21, %add3A_158] : memref<26x512xi32, #tpu.memory_space<vmem>>[vector<16xi32>, vector<16xi32>], vector<16xi32>,
      %add3A_160 = arith.addi %gather3A_159, %mul3A_24 : vector<16xi32>
      %add3A_161 = arith.constant 128 : i32
      %add3A_162 = arith.addi %mul3A_60, %add3A_161 : i32
      %add3A_163 = arith.constant 0 : i32
      %add3A_164 = arith.addi %add3A_162, %add3A_163 : i32
      %swap3A_165 = arith.index_cast %add3A_164 : i32 to index
      %swap3A_166 = tpu.vector_load %arg6[%swap3A_165] {strides = array<i32>} : memref<16384xi32, #tpu.memory_space<vmem>>, vector<16xi32>,
      tpu.vector_store %arg6[%swap3A_165], %add3A_160 {strides = array<i32>} : memref<16384xi32, #tpu.memory_space<vmem>>, vector<16xi32>,
      %mul3A_167 = arith.constant 8 : i32
      %mul3A_168 = arith.muli %add3A_58, %mul3A_167 : i32
      %add3A_169 = vector.broadcast %mul3A_168 : i32 to vector<16xi32>
      %add3A_170 = arith.addi %add3A_38, %add3A_169 : vector<16xi32>
      %gather3A_171 = tpu.vector_load_idx %arg5[%add3A_21, %add3A_170] : memref<26x512xi32, #tpu.memory_space<vmem>>[vector<16xi32>, vector<16xi32>], vector<16xi32>,
      %add3A_172 = arith.addi %gather3A_171, %mul3A_24 : vector<16xi32>
      %add3A_173 = arith.constant 128 : i32
      %add3A_174 = arith.addi %mul3A_60, %add3A_173 : i32
      %add3A_175 = arith.constant 16 : i32
      %add3A_176 = arith.addi %add3A_174, %add3A_175 : i32
      %swap3A_177 = arith.index_cast %add3A_176 : i32 to index
      %swap3A_178 = tpu.vector_load %arg6[%swap3A_177] {strides = array<i32>} : memref<16384xi32, #tpu.memory_space<vmem>>, vector<16xi32>,
      tpu.vector_store %arg6[%swap3A_177], %add3A_172 {strides = array<i32>} : memref<16384xi32, #tpu.memory_space<vmem>>, vector<16xi32>,
      %mul3A_179 = arith.constant 8 : i32
      %mul3A_180 = arith.muli %add3A_58, %mul3A_179 : i32
      %add3A_181 = vector.broadcast %mul3A_180 : i32 to vector<16xi32>
      %add3A_182 = arith.addi %add3A_41, %add3A_181 : vector<16xi32>
      %gather3A_183 = tpu.vector_load_idx %arg5[%add3A_21, %add3A_182] : memref<26x512xi32, #tpu.memory_space<vmem>>[vector<16xi32>, vector<16xi32>], vector<16xi32>,
      %add3A_184 = arith.addi %gather3A_183, %mul3A_24 : vector<16xi32>
      %add3A_185 = arith.constant 128 : i32
      %add3A_186 = arith.addi %mul3A_60, %add3A_185 : i32
      %add3A_187 = arith.constant 32 : i32
      %add3A_188 = arith.addi %add3A_186, %add3A_187 : i32
      %swap3A_189 = arith.index_cast %add3A_188 : i32 to index
      %swap3A_190 = tpu.vector_load %arg6[%swap3A_189] {strides = array<i32>} : memref<16384xi32, #tpu.memory_space<vmem>>, vector<16xi32>,
      tpu.vector_store %arg6[%swap3A_189], %add3A_184 {strides = array<i32>} : memref<16384xi32, #tpu.memory_space<vmem>>, vector<16xi32>,
      %mul3A_191 = arith.constant 8 : i32
      %mul3A_192 = arith.muli %add3A_58, %mul3A_191 : i32
      %add3A_193 = vector.broadcast %mul3A_192 : i32 to vector<16xi32>
      %add3A_194 = arith.addi %add3A_44, %add3A_193 : vector<16xi32>
      %gather3A_195 = tpu.vector_load_idx %arg5[%add3A_21, %add3A_194] : memref<26x512xi32, #tpu.memory_space<vmem>>[vector<16xi32>, vector<16xi32>], vector<16xi32>,
      %add3A_196 = arith.addi %gather3A_195, %mul3A_24 : vector<16xi32>
      %add3A_197 = arith.constant 128 : i32
      %add3A_198 = arith.addi %mul3A_60, %add3A_197 : i32
      %add3A_199 = arith.constant 48 : i32
      %add3A_200 = arith.addi %add3A_198, %add3A_199 : i32
      %swap3A_201 = arith.index_cast %add3A_200 : i32 to index
      %swap3A_202 = tpu.vector_load %arg6[%swap3A_201] {strides = array<i32>} : memref<16384xi32, #tpu.memory_space<vmem>>, vector<16xi32>,
      tpu.vector_store %arg6[%swap3A_201], %add3A_196 {strides = array<i32>} : memref<16384xi32, #tpu.memory_space<vmem>>, vector<16xi32>,
      %mul3A_203 = arith.constant 8 : i32
      %mul3A_204 = arith.muli %add3A_58, %mul3A_203 : i32
      %add3A_205 = vector.broadcast %mul3A_204 : i32 to vector<16xi32>
      %add3A_206 = arith.addi %add3A_35, %add3A_205 : vector<16xi32>
      %gather3A_207 = tpu.vector_load_idx %arg5[%select_n3A, %add3A_206] : memref<26x512xi32, #tpu.memory_space<vmem>>[vector<16xi32>, vector<16xi32>], vector<16xi32>,
      %add3A_208 = arith.addi %gather3A_207, %mul3A_32 : vector<16xi32>
      %add3A_209 = arith.constant 192 : i32
      %add3A_210 = arith.addi %mul3A_60, %add3A_209 : i32
      %add3A_211 = arith.constant 0 : i32
      %add3A_212 = arith.addi %add3A_210, %add3A_211 : i32
      %swap3A_213 = arith.index_cast %add3A_212 : i32 to index
      %swap3A_214 = tpu.vector_load %arg6[%swap3A_213] {strides = array<i32>} : memref<16384xi32, #tpu.memory_space<vmem>>, vector<16xi32>,
      tpu.vector_store %arg6[%swap3A_213], %add3A_208 {strides = array<i32>} : memref<16384xi32, #tpu.memory_space<vmem>>, vector<16xi32>,
      %mul3A_215 = arith.constant 8 : i32
      %mul3A_216 = arith.muli %add3A_58, %mul3A_215 : i32
      %add3A_217 = vector.broadcast %mul3A_216 : i32 to vector<16xi32>
      %add3A_218 = arith.addi %add3A_38, %add3A_217 : vector<16xi32>
      %gather3A_219 = tpu.vector_load_idx %arg5[%select_n3A, %add3A_218] : memref<26x512xi32, #tpu.memory_space<vmem>>[vector<16xi32>, vector<16xi32>], vector<16xi32>,
      %add3A_220 = arith.addi %gather3A_219, %mul3A_32 : vector<16xi32>
      %add3A_221 = arith.constant 192 : i32
      %add3A_222 = arith.addi %mul3A_60, %add3A_221 : i32
      %add3A_223 = arith.constant 16 : i32
      %add3A_224 = arith.addi %add3A_222, %add3A_223 : i32
      %swap3A_225 = arith.index_cast %add3A_224 : i32 to index
      %swap3A_226 = tpu.vector_load %arg6[%swap3A_225] {strides = array<i32>} : memref<16384xi32, #tpu.memory_space<vmem>>, vector<16xi32>,
      tpu.vector_store %arg6[%swap3A_225], %add3A_220 {strides = array<i32>} : memref<16384xi32, #tpu.memory_space<vmem>>, vector<16xi32>,
      %mul3A_227 = arith.constant 8 : i32
      %mul3A_228 = arith.muli %add3A_58, %mul3A_227 : i32
      %add3A_229 = vector.broadcast %mul3A_228 : i32 to vector<16xi32>
      %add3A_230 = arith.addi %add3A_41, %add3A_229 : vector<16xi32>
      %gather3A_231 = tpu.vector_load_idx %arg5[%select_n3A, %add3A_230] : memref<26x512xi32, #tpu.memory_space<vmem>>[vector<16xi32>, vector<16xi32>], vector<16xi32>,
      %add3A_232 = arith.addi %gather3A_231, %mul3A_32 : vector<16xi32>
      %add3A_233 = arith.constant 192 : i32
      %add3A_234 = arith.addi %mul3A_60, %add3A_233 : i32
      %add3A_235 = arith.constant 32 : i32
      %add3A_236 = arith.addi %add3A_234, %add3A_235 : i32
      %swap3A_237 = arith.index_cast %add3A_236 : i32 to index
      %swap3A_238 = tpu.vector_load %arg6[%swap3A_237] {strides = array<i32>} : memref<16384xi32, #tpu.memory_space<vmem>>, vector<16xi32>,
      tpu.vector_store %arg6[%swap3A_237], %add3A_232 {strides = array<i32>} : memref<16384xi32, #tpu.memory_space<vmem>>, vector<16xi32>,
      %mul3A_239 = arith.constant 8 : i32
      %mul3A_240 = arith.muli %add3A_58, %mul3A_239 : i32
      %add3A_241 = vector.broadcast %mul3A_240 : i32 to vector<16xi32>
      %add3A_242 = arith.addi %add3A_44, %add3A_241 : vector<16xi32>
      %gather3A_243 = tpu.vector_load_idx %arg5[%select_n3A, %add3A_242] : memref<26x512xi32, #tpu.memory_space<vmem>>[vector<16xi32>, vector<16xi32>], vector<16xi32>,
      %add3A_244 = arith.addi %gather3A_243, %mul3A_32 : vector<16xi32>
      %add3A_245 = arith.constant 192 : i32
      %add3A_246 = arith.addi %mul3A_60, %add3A_245 : i32
      %add3A_247 = arith.constant 48 : i32
      %add3A_248 = arith.addi %add3A_246, %add3A_247 : i32
      %swap3A_249 = arith.index_cast %add3A_248 : i32 to index
      %swap3A_250 = tpu.vector_load %arg6[%swap3A_249] {strides = array<i32>} : memref<16384xi32, #tpu.memory_space<vmem>>, vector<16xi32>,
      tpu.vector_store %arg6[%swap3A_249], %add3A_244 {strides = array<i32>} : memref<16384xi32, #tpu.memory_space<vmem>>, vector<16xi32>,
    }
    %scan3A_48 = arith.constant 64 : i32
    %scan3A_49 = arith.constant 0 : i32
    %scan3A_50 = arith.constant 8 : i32
    %scan3A_51 = arith.addi %scan3A_49, %scan3A_50 : i32
    %scan3A_52 = arith.constant 1 : i32
    scf.for %scan3A_54 = %scan3A_49 to %scan3A_51 step %scan3A_52  : i32 {
      %mul3A_55 = arith.constant 1 : i32
      %mul3A_56 = arith.muli %scan3A_54, %mul3A_55 : i32
      %add3A_57 = arith.constant 0 : i32
      %add3A_58 = arith.addi %add3A_57, %mul3A_56 : i32
      %mul3A_59 = arith.constant 2048 : i32
      %mul3A_60 = arith.muli %add3A_58, %mul3A_59 : i32
      %add3A_61 = arith.constant 0 : i32
      %add3A_62 = arith.addi %mul3A_60, %add3A_61 : i32
      %dma_start3A = arith.constant 0 : i32
      %dma_start3A_63 = arith.constant 0 : i32
      %dma_start3A_64 = tpu.memref_slice %arg7[%dma_start3A, %dma_start3A_63] : memref<2048x16xf32, #tpu.memory_space<vmem>> -> memref<128x16xf32, #tpu.memory_space<vmem>>
      %dma_start3A_65 = tpu.memref_slice %arg6[%add3A_62] : memref<16384xi32, #tpu.memory_space<vmem>> -> memref<128xi32, #tpu.memory_space<vmem>>
      %dma_start3A_66 = arith.constant 0 : i32
      %dma_start3A_67 = arith.constant 0 : i32
      %dma_start3A_68 = tpu.memref_slice %arg3[%dma_start3A_66, %dma_start3A_67] : memref<1040000x16xf32, #tpu.memory_space<hbm>> -> memref<1040000x16xf32, #tpu.memory_space<hbm>>
      tpu.enqueue_indirect_dma source(%dma_start3A_68 : memref<1040000x16xf32, #tpu.memory_space<hbm>>) target(%dma_start3A_64 : memref<128x16xf32, #tpu.memory_space<vmem>>) offsets(%dma_start3A_65 : memref<128xi32, #tpu.memory_space<vmem>>) semaphore(%arg8 : memref<!tpu.dma_semaphore, #tpu.memory_space<semaphore_mem>>)
      %add3A_69 = arith.constant 128 : i32
      %add3A_70 = arith.addi %mul3A_60, %add3A_69 : i32
      %dma_start3A_71 = arith.constant 128 : i32
      %dma_start3A_72 = arith.constant 0 : i32
      %dma_start3A_73 = tpu.memref_slice %arg7[%dma_start3A_71, %dma_start3A_72] : memref<2048x16xf32, #tpu.memory_space<vmem>> -> memref<128x16xf32, #tpu.memory_space<vmem>>
      %dma_start3A_74 = tpu.memref_slice %arg6[%add3A_70] : memref<16384xi32, #tpu.memory_space<vmem>> -> memref<128xi32, #tpu.memory_space<vmem>>
      %dma_start3A_75 = arith.constant 0 : i32
      %dma_start3A_76 = arith.constant 0 : i32
      %dma_start3A_77 = tpu.memref_slice %arg3[%dma_start3A_75, %dma_start3A_76] : memref<1040000x16xf32, #tpu.memory_space<hbm>> -> memref<1040000x16xf32, #tpu.memory_space<hbm>>
      tpu.enqueue_indirect_dma source(%dma_start3A_77 : memref<1040000x16xf32, #tpu.memory_space<hbm>>) target(%dma_start3A_73 : memref<128x16xf32, #tpu.memory_space<vmem>>) offsets(%dma_start3A_74 : memref<128xi32, #tpu.memory_space<vmem>>) semaphore(%arg8 : memref<!tpu.dma_semaphore, #tpu.memory_space<semaphore_mem>>)
      %add3A_78 = arith.constant 256 : i32
      %add3A_79 = arith.addi %mul3A_60, %add3A_78 : i32
      %dma_start3A_80 = arith.constant 256 : i32
      %dma_start3A_81 = arith.constant 0 : i32
      %dma_start3A_82 = tpu.memref_slice %arg7[%dma_start3A_80, %dma_start3A_81] : memref<2048x16xf32, #tpu.memory_space<vmem>> -> memref<128x16xf32, #tpu.memory_space<vmem>>
      %dma_start3A_83 = tpu.memref_slice %arg6[%add3A_79] : memref<16384xi32, #tpu.memory_space<vmem>> -> memref<128xi32, #tpu.memory_space<vmem>>
      %dma_start3A_84 = arith.constant 0 : i32
      %dma_start3A_85 = arith.constant 0 : i32
      %dma_start3A_86 = tpu.memref_slice %arg3[%dma_start3A_84, %dma_start3A_85] : memref<1040000x16xf32, #tpu.memory_space<hbm>> -> memref<1040000x16xf32, #tpu.memory_space<hbm>>
      tpu.enqueue_indirect_dma source(%dma_start3A_86 : memref<1040000x16xf32, #tpu.memory_space<hbm>>) target(%dma_start3A_82 : memref<128x16xf32, #tpu.memory_space<vmem>>) offsets(%dma_start3A_83 : memref<128xi32, #tpu.memory_space<vmem>>) semaphore(%arg8 : memref<!tpu.dma_semaphore, #tpu.memory_space<semaphore_mem>>)
      %add3A_87 = arith.constant 384 : i32
      %add3A_88 = arith.addi %mul3A_60, %add3A_87 : i32
      %dma_start3A_89 = arith.constant 384 : i32
      %dma_start3A_90 = arith.constant 0 : i32
      %dma_start3A_91 = tpu.memref_slice %arg7[%dma_start3A_89, %dma_start3A_90] : memref<2048x16xf32, #tpu.memory_space<vmem>> -> memref<128x16xf32, #tpu.memory_space<vmem>>
      %dma_start3A_92 = tpu.memref_slice %arg6[%add3A_88] : memref<16384xi32, #tpu.memory_space<vmem>> -> memref<128xi32, #tpu.memory_space<vmem>>
      %dma_start3A_93 = arith.constant 0 : i32
      %dma_start3A_94 = arith.constant 0 : i32
      %dma_start3A_95 = tpu.memref_slice %arg3[%dma_start3A_93, %dma_start3A_94] : memref<1040000x16xf32, #tpu.memory_space<hbm>> -> memref<1040000x16xf32, #tpu.memory_space<hbm>>
      tpu.enqueue_indirect_dma source(%dma_start3A_95 : memref<1040000x16xf32, #tpu.memory_space<hbm>>) target(%dma_start3A_91 : memref<128x16xf32, #tpu.memory_space<vmem>>) offsets(%dma_start3A_92 : memref<128xi32, #tpu.memory_space<vmem>>) semaphore(%arg8 : memref<!tpu.dma_semaphore, #tpu.memory_space<semaphore_mem>>)
      %add3A_96 = arith.constant 512 : i32
      %add3A_97 = arith.addi %mul3A_60, %add3A_96 : i32
      %dma_start3A_98 = arith.constant 512 : i32
      %dma_start3A_99 = arith.constant 0 : i32
      %dma_start3A_100 = tpu.memref_slice %arg7[%dma_start3A_98, %dma_start3A_99] : memref<2048x16xf32, #tpu.memory_space<vmem>> -> memref<128x16xf32, #tpu.memory_space<vmem>>
      %dma_start3A_101 = tpu.memref_slice %arg6[%add3A_97] : memref<16384xi32, #tpu.memory_space<vmem>> -> memref<128xi32, #tpu.memory_space<vmem>>
      %dma_start3A_102 = arith.constant 0 : i32
      %dma_start3A_103 = arith.constant 0 : i32
      %dma_start3A_104 = tpu.memref_slice %arg3[%dma_start3A_102, %dma_start3A_103] : memref<1040000x16xf32, #tpu.memory_space<hbm>> -> memref<1040000x16xf32, #tpu.memory_space<hbm>>
      tpu.enqueue_indirect_dma source(%dma_start3A_104 : memref<1040000x16xf32, #tpu.memory_space<hbm>>) target(%dma_start3A_100 : memref<128x16xf32, #tpu.memory_space<vmem>>) offsets(%dma_start3A_101 : memref<128xi32, #tpu.memory_space<vmem>>) semaphore(%arg8 : memref<!tpu.dma_semaphore, #tpu.memory_space<semaphore_mem>>)
      %add3A_105 = arith.constant 640 : i32
      %add3A_106 = arith.addi %mul3A_60, %add3A_105 : i32
      %dma_start3A_107 = arith.constant 640 : i32
      %dma_start3A_108 = arith.constant 0 : i32
      %dma_start3A_109 = tpu.memref_slice %arg7[%dma_start3A_107, %dma_start3A_108] : memref<2048x16xf32, #tpu.memory_space<vmem>> -> memref<128x16xf32, #tpu.memory_space<vmem>>
      %dma_start3A_110 = tpu.memref_slice %arg6[%add3A_106] : memref<16384xi32, #tpu.memory_space<vmem>> -> memref<128xi32, #tpu.memory_space<vmem>>
      %dma_start3A_111 = arith.constant 0 : i32
      %dma_start3A_112 = arith.constant 0 : i32
      %dma_start3A_113 = tpu.memref_slice %arg3[%dma_start3A_111, %dma_start3A_112] : memref<1040000x16xf32, #tpu.memory_space<hbm>> -> memref<1040000x16xf32, #tpu.memory_space<hbm>>
      tpu.enqueue_indirect_dma source(%dma_start3A_113 : memref<1040000x16xf32, #tpu.memory_space<hbm>>) target(%dma_start3A_109 : memref<128x16xf32, #tpu.memory_space<vmem>>) offsets(%dma_start3A_110 : memref<128xi32, #tpu.memory_space<vmem>>) semaphore(%arg8 : memref<!tpu.dma_semaphore, #tpu.memory_space<semaphore_mem>>)
      %add3A_114 = arith.constant 768 : i32
      %add3A_115 = arith.addi %mul3A_60, %add3A_114 : i32
      %dma_start3A_116 = arith.constant 768 : i32
      %dma_start3A_117 = arith.constant 0 : i32
      %dma_start3A_118 = tpu.memref_slice %arg7[%dma_start3A_116, %dma_start3A_117] : memref<2048x16xf32, #tpu.memory_space<vmem>> -> memref<128x16xf32, #tpu.memory_space<vmem>>
      %dma_start3A_119 = tpu.memref_slice %arg6[%add3A_115] : memref<16384xi32, #tpu.memory_space<vmem>> -> memref<128xi32, #tpu.memory_space<vmem>>
      %dma_start3A_120 = arith.constant 0 : i32
      %dma_start3A_121 = arith.constant 0 : i32
      %dma_start3A_122 = tpu.memref_slice %arg3[%dma_start3A_120, %dma_start3A_121] : memref<1040000x16xf32, #tpu.memory_space<hbm>> -> memref<1040000x16xf32, #tpu.memory_space<hbm>>
      tpu.enqueue_indirect_dma source(%dma_start3A_122 : memref<1040000x16xf32, #tpu.memory_space<hbm>>) target(%dma_start3A_118 : memref<128x16xf32, #tpu.memory_space<vmem>>) offsets(%dma_start3A_119 : memref<128xi32, #tpu.memory_space<vmem>>) semaphore(%arg8 : memref<!tpu.dma_semaphore, #tpu.memory_space<semaphore_mem>>)
      %add3A_123 = arith.constant 896 : i32
      %add3A_124 = arith.addi %mul3A_60, %add3A_123 : i32
      %dma_start3A_125 = arith.constant 896 : i32
      %dma_start3A_126 = arith.constant 0 : i32
      %dma_start3A_127 = tpu.memref_slice %arg7[%dma_start3A_125, %dma_start3A_126] : memref<2048x16xf32, #tpu.memory_space<vmem>> -> memref<128x16xf32, #tpu.memory_space<vmem>>
      %dma_start3A_128 = tpu.memref_slice %arg6[%add3A_124] : memref<16384xi32, #tpu.memory_space<vmem>> -> memref<128xi32, #tpu.memory_space<vmem>>
      %dma_start3A_129 = arith.constant 0 : i32
      %dma_start3A_130 = arith.constant 0 : i32
      %dma_start3A_131 = tpu.memref_slice %arg3[%dma_start3A_129, %dma_start3A_130] : memref<1040000x16xf32, #tpu.memory_space<hbm>> -> memref<1040000x16xf32, #tpu.memory_space<hbm>>
      tpu.enqueue_indirect_dma source(%dma_start3A_131 : memref<1040000x16xf32, #tpu.memory_space<hbm>>) target(%dma_start3A_127 : memref<128x16xf32, #tpu.memory_space<vmem>>) offsets(%dma_start3A_128 : memref<128xi32, #tpu.memory_space<vmem>>) semaphore(%arg8 : memref<!tpu.dma_semaphore, #tpu.memory_space<semaphore_mem>>)
      %add3A_132 = arith.constant 1024 : i32
      %add3A_133 = arith.addi %mul3A_60, %add3A_132 : i32
      %dma_start3A_134 = arith.constant 1024 : i32
      %dma_start3A_135 = arith.constant 0 : i32
      %dma_start3A_136 = tpu.memref_slice %arg7[%dma_start3A_134, %dma_start3A_135] : memref<2048x16xf32, #tpu.memory_space<vmem>> -> memref<128x16xf32, #tpu.memory_space<vmem>>
      %dma_start3A_137 = tpu.memref_slice %arg6[%add3A_133] : memref<16384xi32, #tpu.memory_space<vmem>> -> memref<128xi32, #tpu.memory_space<vmem>>
      %dma_start3A_138 = arith.constant 0 : i32
      %dma_start3A_139 = arith.constant 0 : i32
      %dma_start3A_140 = tpu.memref_slice %arg3[%dma_start3A_138, %dma_start3A_139] : memref<1040000x16xf32, #tpu.memory_space<hbm>> -> memref<1040000x16xf32, #tpu.memory_space<hbm>>
      tpu.enqueue_indirect_dma source(%dma_start3A_140 : memref<1040000x16xf32, #tpu.memory_space<hbm>>) target(%dma_start3A_136 : memref<128x16xf32, #tpu.memory_space<vmem>>) offsets(%dma_start3A_137 : memref<128xi32, #tpu.memory_space<vmem>>) semaphore(%arg8 : memref<!tpu.dma_semaphore, #tpu.memory_space<semaphore_mem>>)
      %add3A_141 = arith.constant 1152 : i32
      %add3A_142 = arith.addi %mul3A_60, %add3A_141 : i32
      %dma_start3A_143 = arith.constant 1152 : i32
      %dma_start3A_144 = arith.constant 0 : i32
      %dma_start3A_145 = tpu.memref_slice %arg7[%dma_start3A_143, %dma_start3A_144] : memref<2048x16xf32, #tpu.memory_space<vmem>> -> memref<128x16xf32, #tpu.memory_space<vmem>>
      %dma_start3A_146 = tpu.memref_slice %arg6[%add3A_142] : memref<16384xi32, #tpu.memory_space<vmem>> -> memref<128xi32, #tpu.memory_space<vmem>>
      %dma_start3A_147 = arith.constant 0 : i32
      %dma_start3A_148 = arith.constant 0 : i32
      %dma_start3A_149 = tpu.memref_slice %arg3[%dma_start3A_147, %dma_start3A_148] : memref<1040000x16xf32, #tpu.memory_space<hbm>> -> memref<1040000x16xf32, #tpu.memory_space<hbm>>
      tpu.enqueue_indirect_dma source(%dma_start3A_149 : memref<1040000x16xf32, #tpu.memory_space<hbm>>) target(%dma_start3A_145 : memref<128x16xf32, #tpu.memory_space<vmem>>) offsets(%dma_start3A_146 : memref<128xi32, #tpu.memory_space<vmem>>) semaphore(%arg8 : memref<!tpu.dma_semaphore, #tpu.memory_space<semaphore_mem>>)
      %add3A_150 = arith.constant 1280 : i32
      %add3A_151 = arith.addi %mul3A_60, %add3A_150 : i32
      %dma_start3A_152 = arith.constant 1280 : i32
      %dma_start3A_153 = arith.constant 0 : i32
      %dma_start3A_154 = tpu.memref_slice %arg7[%dma_start3A_152, %dma_start3A_153] : memref<2048x16xf32, #tpu.memory_space<vmem>> -> memref<128x16xf32, #tpu.memory_space<vmem>>
      %dma_start3A_155 = tpu.memref_slice %arg6[%add3A_151] : memref<16384xi32, #tpu.memory_space<vmem>> -> memref<128xi32, #tpu.memory_space<vmem>>
      %dma_start3A_156 = arith.constant 0 : i32
      %dma_start3A_157 = arith.constant 0 : i32
      %dma_start3A_158 = tpu.memref_slice %arg3[%dma_start3A_156, %dma_start3A_157] : memref<1040000x16xf32, #tpu.memory_space<hbm>> -> memref<1040000x16xf32, #tpu.memory_space<hbm>>
      tpu.enqueue_indirect_dma source(%dma_start3A_158 : memref<1040000x16xf32, #tpu.memory_space<hbm>>) target(%dma_start3A_154 : memref<128x16xf32, #tpu.memory_space<vmem>>) offsets(%dma_start3A_155 : memref<128xi32, #tpu.memory_space<vmem>>) semaphore(%arg8 : memref<!tpu.dma_semaphore, #tpu.memory_space<semaphore_mem>>)
      %add3A_159 = arith.constant 1408 : i32
      %add3A_160 = arith.addi %mul3A_60, %add3A_159 : i32
      %dma_start3A_161 = arith.constant 1408 : i32
      %dma_start3A_162 = arith.constant 0 : i32
      %dma_start3A_163 = tpu.memref_slice %arg7[%dma_start3A_161, %dma_start3A_162] : memref<2048x16xf32, #tpu.memory_space<vmem>> -> memref<128x16xf32, #tpu.memory_space<vmem>>
      %dma_start3A_164 = tpu.memref_slice %arg6[%add3A_160] : memref<16384xi32, #tpu.memory_space<vmem>> -> memref<128xi32, #tpu.memory_space<vmem>>
      %dma_start3A_165 = arith.constant 0 : i32
      %dma_start3A_166 = arith.constant 0 : i32
      %dma_start3A_167 = tpu.memref_slice %arg3[%dma_start3A_165, %dma_start3A_166] : memref<1040000x16xf32, #tpu.memory_space<hbm>> -> memref<1040000x16xf32, #tpu.memory_space<hbm>>
      tpu.enqueue_indirect_dma source(%dma_start3A_167 : memref<1040000x16xf32, #tpu.memory_space<hbm>>) target(%dma_start3A_163 : memref<128x16xf32, #tpu.memory_space<vmem>>) offsets(%dma_start3A_164 : memref<128xi32, #tpu.memory_space<vmem>>) semaphore(%arg8 : memref<!tpu.dma_semaphore, #tpu.memory_space<semaphore_mem>>)
      %add3A_168 = arith.constant 1536 : i32
      %add3A_169 = arith.addi %mul3A_60, %add3A_168 : i32
      %dma_start3A_170 = arith.constant 1536 : i32
      %dma_start3A_171 = arith.constant 0 : i32
      %dma_start3A_172 = tpu.memref_slice %arg7[%dma_start3A_170, %dma_start3A_171] : memref<2048x16xf32, #tpu.memory_space<vmem>> -> memref<128x16xf32, #tpu.memory_space<vmem>>
      %dma_start3A_173 = tpu.memref_slice %arg6[%add3A_169] : memref<16384xi32, #tpu.memory_space<vmem>> -> memref<128xi32, #tpu.memory_space<vmem>>
      %dma_start3A_174 = arith.constant 0 : i32
      %dma_start3A_175 = arith.constant 0 : i32
      %dma_start3A_176 = tpu.memref_slice %arg3[%dma_start3A_174, %dma_start3A_175] : memref<1040000x16xf32, #tpu.memory_space<hbm>> -> memref<1040000x16xf32, #tpu.memory_space<hbm>>
      tpu.enqueue_indirect_dma source(%dma_start3A_176 : memref<1040000x16xf32, #tpu.memory_space<hbm>>) target(%dma_start3A_172 : memref<128x16xf32, #tpu.memory_space<vmem>>) offsets(%dma_start3A_173 : memref<128xi32, #tpu.memory_space<vmem>>) semaphore(%arg8 : memref<!tpu.dma_semaphore, #tpu.memory_space<semaphore_mem>>)
      %add3A_177 = arith.constant 1664 : i32
      %add3A_178 = arith.addi %mul3A_60, %add3A_177 : i32
      %dma_start3A_179 = arith.constant 1664 : i32
      %dma_start3A_180 = arith.constant 0 : i32
      %dma_start3A_181 = tpu.memref_slice %arg7[%dma_start3A_179, %dma_start3A_180] : memref<2048x16xf32, #tpu.memory_space<vmem>> -> memref<128x16xf32, #tpu.memory_space<vmem>>
      %dma_start3A_182 = tpu.memref_slice %arg6[%add3A_178] : memref<16384xi32, #tpu.memory_space<vmem>> -> memref<128xi32, #tpu.memory_space<vmem>>
      %dma_start3A_183 = arith.constant 0 : i32
      %dma_start3A_184 = arith.constant 0 : i32
      %dma_start3A_185 = tpu.memref_slice %arg3[%dma_start3A_183, %dma_start3A_184] : memref<1040000x16xf32, #tpu.memory_space<hbm>> -> memref<1040000x16xf32, #tpu.memory_space<hbm>>
      tpu.enqueue_indirect_dma source(%dma_start3A_185 : memref<1040000x16xf32, #tpu.memory_space<hbm>>) target(%dma_start3A_181 : memref<128x16xf32, #tpu.memory_space<vmem>>) offsets(%dma_start3A_182 : memref<128xi32, #tpu.memory_space<vmem>>) semaphore(%arg8 : memref<!tpu.dma_semaphore, #tpu.memory_space<semaphore_mem>>)
      %add3A_186 = arith.constant 1792 : i32
      %add3A_187 = arith.addi %mul3A_60, %add3A_186 : i32
      %dma_start3A_188 = arith.constant 1792 : i32
      %dma_start3A_189 = arith.constant 0 : i32
      %dma_start3A_190 = tpu.memref_slice %arg7[%dma_start3A_188, %dma_start3A_189] : memref<2048x16xf32, #tpu.memory_space<vmem>> -> memref<128x16xf32, #tpu.memory_space<vmem>>
      %dma_start3A_191 = tpu.memref_slice %arg6[%add3A_187] : memref<16384xi32, #tpu.memory_space<vmem>> -> memref<128xi32, #tpu.memory_space<vmem>>
      %dma_start3A_192 = arith.constant 0 : i32
      %dma_start3A_193 = arith.constant 0 : i32
      %dma_start3A_194 = tpu.memref_slice %arg3[%dma_start3A_192, %dma_start3A_193] : memref<1040000x16xf32, #tpu.memory_space<hbm>> -> memref<1040000x16xf32, #tpu.memory_space<hbm>>
      tpu.enqueue_indirect_dma source(%dma_start3A_194 : memref<1040000x16xf32, #tpu.memory_space<hbm>>) target(%dma_start3A_190 : memref<128x16xf32, #tpu.memory_space<vmem>>) offsets(%dma_start3A_191 : memref<128xi32, #tpu.memory_space<vmem>>) semaphore(%arg8 : memref<!tpu.dma_semaphore, #tpu.memory_space<semaphore_mem>>)
      %add3A_195 = arith.constant 1920 : i32
      %add3A_196 = arith.addi %mul3A_60, %add3A_195 : i32
      %dma_start3A_197 = arith.constant 1920 : i32
      %dma_start3A_198 = arith.constant 0 : i32
      %dma_start3A_199 = tpu.memref_slice %arg7[%dma_start3A_197, %dma_start3A_198] : memref<2048x16xf32, #tpu.memory_space<vmem>> -> memref<128x16xf32, #tpu.memory_space<vmem>>
      %dma_start3A_200 = tpu.memref_slice %arg6[%add3A_196] : memref<16384xi32, #tpu.memory_space<vmem>> -> memref<128xi32, #tpu.memory_space<vmem>>
      %dma_start3A_201 = arith.constant 0 : i32
      %dma_start3A_202 = arith.constant 0 : i32
      %dma_start3A_203 = tpu.memref_slice %arg3[%dma_start3A_201, %dma_start3A_202] : memref<1040000x16xf32, #tpu.memory_space<hbm>> -> memref<1040000x16xf32, #tpu.memory_space<hbm>>
      tpu.enqueue_indirect_dma source(%dma_start3A_203 : memref<1040000x16xf32, #tpu.memory_space<hbm>>) target(%dma_start3A_199 : memref<128x16xf32, #tpu.memory_space<vmem>>) offsets(%dma_start3A_200 : memref<128xi32, #tpu.memory_space<vmem>>) semaphore(%arg8 : memref<!tpu.dma_semaphore, #tpu.memory_space<semaphore_mem>>)
      %dma_wait3A = arith.constant 0 : i32
      %dma_wait3A_204 = arith.constant 0 : i32
      %dma_wait3A_205 = tpu.memref_slice %arg7[%dma_wait3A, %dma_wait3A_204] : memref<2048x16xf32, #tpu.memory_space<vmem>> -> memref<128x16xf32, #tpu.memory_space<vmem>>
      %dma_wait3A_206 = tpu.memref_slice %arg6[%add3A_62] : memref<16384xi32, #tpu.memory_space<vmem>> -> memref<128xi32, #tpu.memory_space<vmem>>
      %dma_wait3A_207 = arith.constant 0 : i32
      %dma_wait3A_208 = arith.constant 0 : i32
      %dma_wait3A_209 = tpu.memref_slice %arg3[%dma_wait3A_207, %dma_wait3A_208] : memref<1040000x16xf32, #tpu.memory_space<hbm>> -> memref<1040000x16xf32, #tpu.memory_space<hbm>>
      tpu.wait_indirect_dma semaphore(%arg8 : memref<!tpu.dma_semaphore, #tpu.memory_space<semaphore_mem>>) src(%dma_wait3A_209 : memref<1040000x16xf32, #tpu.memory_space<hbm>>) dst(%dma_wait3A_205 : memref<128x16xf32, #tpu.memory_space<vmem>>)
      %dma_wait3A_210 = arith.constant 128 : i32
      %dma_wait3A_211 = arith.constant 0 : i32
      %dma_wait3A_212 = tpu.memref_slice %arg7[%dma_wait3A_210, %dma_wait3A_211] : memref<2048x16xf32, #tpu.memory_space<vmem>> -> memref<128x16xf32, #tpu.memory_space<vmem>>
      %dma_wait3A_213 = tpu.memref_slice %arg6[%add3A_70] : memref<16384xi32, #tpu.memory_space<vmem>> -> memref<128xi32, #tpu.memory_space<vmem>>
      %dma_wait3A_214 = arith.constant 0 : i32
      %dma_wait3A_215 = arith.constant 0 : i32
      %dma_wait3A_216 = tpu.memref_slice %arg3[%dma_wait3A_214, %dma_wait3A_215] : memref<1040000x16xf32, #tpu.memory_space<hbm>> -> memref<1040000x16xf32, #tpu.memory_space<hbm>>
      tpu.wait_indirect_dma semaphore(%arg8 : memref<!tpu.dma_semaphore, #tpu.memory_space<semaphore_mem>>) src(%dma_wait3A_216 : memref<1040000x16xf32, #tpu.memory_space<hbm>>) dst(%dma_wait3A_212 : memref<128x16xf32, #tpu.memory_space<vmem>>)
      %dma_wait3A_217 = arith.constant 256 : i32
      %dma_wait3A_218 = arith.constant 0 : i32
      %dma_wait3A_219 = tpu.memref_slice %arg7[%dma_wait3A_217, %dma_wait3A_218] : memref<2048x16xf32, #tpu.memory_space<vmem>> -> memref<128x16xf32, #tpu.memory_space<vmem>>
      %dma_wait3A_220 = tpu.memref_slice %arg6[%add3A_79] : memref<16384xi32, #tpu.memory_space<vmem>> -> memref<128xi32, #tpu.memory_space<vmem>>
      %dma_wait3A_221 = arith.constant 0 : i32
      %dma_wait3A_222 = arith.constant 0 : i32
      %dma_wait3A_223 = tpu.memref_slice %arg3[%dma_wait3A_221, %dma_wait3A_222] : memref<1040000x16xf32, #tpu.memory_space<hbm>> -> memref<1040000x16xf32, #tpu.memory_space<hbm>>
      tpu.wait_indirect_dma semaphore(%arg8 : memref<!tpu.dma_semaphore, #tpu.memory_space<semaphore_mem>>) src(%dma_wait3A_223 : memref<1040000x16xf32, #tpu.memory_space<hbm>>) dst(%dma_wait3A_219 : memref<128x16xf32, #tpu.memory_space<vmem>>)
      %dma_wait3A_224 = arith.constant 384 : i32
      %dma_wait3A_225 = arith.constant 0 : i32
      %dma_wait3A_226 = tpu.memref_slice %arg7[%dma_wait3A_224, %dma_wait3A_225] : memref<2048x16xf32, #tpu.memory_space<vmem>> -> memref<128x16xf32, #tpu.memory_space<vmem>>
      %dma_wait3A_227 = tpu.memref_slice %arg6[%add3A_88] : memref<16384xi32, #tpu.memory_space<vmem>> -> memref<128xi32, #tpu.memory_space<vmem>>
      %dma_wait3A_228 = arith.constant 0 : i32
      %dma_wait3A_229 = arith.constant 0 : i32
      %dma_wait3A_230 = tpu.memref_slice %arg3[%dma_wait3A_228, %dma_wait3A_229] : memref<1040000x16xf32, #tpu.memory_space<hbm>> -> memref<1040000x16xf32, #tpu.memory_space<hbm>>
      tpu.wait_indirect_dma semaphore(%arg8 : memref<!tpu.dma_semaphore, #tpu.memory_space<semaphore_mem>>) src(%dma_wait3A_230 : memref<1040000x16xf32, #tpu.memory_space<hbm>>) dst(%dma_wait3A_226 : memref<128x16xf32, #tpu.memory_space<vmem>>)
      %dma_wait3A_231 = arith.constant 512 : i32
      %dma_wait3A_232 = arith.constant 0 : i32
      %dma_wait3A_233 = tpu.memref_slice %arg7[%dma_wait3A_231, %dma_wait3A_232] : memref<2048x16xf32, #tpu.memory_space<vmem>> -> memref<128x16xf32, #tpu.memory_space<vmem>>
      %dma_wait3A_234 = tpu.memref_slice %arg6[%add3A_97] : memref<16384xi32, #tpu.memory_space<vmem>> -> memref<128xi32, #tpu.memory_space<vmem>>
      %dma_wait3A_235 = arith.constant 0 : i32
      %dma_wait3A_236 = arith.constant 0 : i32
      %dma_wait3A_237 = tpu.memref_slice %arg3[%dma_wait3A_235, %dma_wait3A_236] : memref<1040000x16xf32, #tpu.memory_space<hbm>> -> memref<1040000x16xf32, #tpu.memory_space<hbm>>
      tpu.wait_indirect_dma semaphore(%arg8 : memref<!tpu.dma_semaphore, #tpu.memory_space<semaphore_mem>>) src(%dma_wait3A_237 : memref<1040000x16xf32, #tpu.memory_space<hbm>>) dst(%dma_wait3A_233 : memref<128x16xf32, #tpu.memory_space<vmem>>)
      %dma_wait3A_238 = arith.constant 640 : i32
      %dma_wait3A_239 = arith.constant 0 : i32
      %dma_wait3A_240 = tpu.memref_slice %arg7[%dma_wait3A_238, %dma_wait3A_239] : memref<2048x16xf32, #tpu.memory_space<vmem>> -> memref<128x16xf32, #tpu.memory_space<vmem>>
      %dma_wait3A_241 = tpu.memref_slice %arg6[%add3A_106] : memref<16384xi32, #tpu.memory_space<vmem>> -> memref<128xi32, #tpu.memory_space<vmem>>
      %dma_wait3A_242 = arith.constant 0 : i32
      %dma_wait3A_243 = arith.constant 0 : i32
      %dma_wait3A_244 = tpu.memref_slice %arg3[%dma_wait3A_242, %dma_wait3A_243] : memref<1040000x16xf32, #tpu.memory_space<hbm>> -> memref<1040000x16xf32, #tpu.memory_space<hbm>>
      tpu.wait_indirect_dma semaphore(%arg8 : memref<!tpu.dma_semaphore, #tpu.memory_space<semaphore_mem>>) src(%dma_wait3A_244 : memref<1040000x16xf32, #tpu.memory_space<hbm>>) dst(%dma_wait3A_240 : memref<128x16xf32, #tpu.memory_space<vmem>>)
      %dma_wait3A_245 = arith.constant 768 : i32
      %dma_wait3A_246 = arith.constant 0 : i32
      %dma_wait3A_247 = tpu.memref_slice %arg7[%dma_wait3A_245, %dma_wait3A_246] : memref<2048x16xf32, #tpu.memory_space<vmem>> -> memref<128x16xf32, #tpu.memory_space<vmem>>
      %dma_wait3A_248 = tpu.memref_slice %arg6[%add3A_115] : memref<16384xi32, #tpu.memory_space<vmem>> -> memref<128xi32, #tpu.memory_space<vmem>>
      %dma_wait3A_249 = arith.constant 0 : i32
      %dma_wait3A_250 = arith.constant 0 : i32
      %dma_wait3A_251 = tpu.memref_slice %arg3[%dma_wait3A_249, %dma_wait3A_250] : memref<1040000x16xf32, #tpu.memory_space<hbm>> -> memref<1040000x16xf32, #tpu.memory_space<hbm>>
      tpu.wait_indirect_dma semaphore(%arg8 : memref<!tpu.dma_semaphore, #tpu.memory_space<semaphore_mem>>) src(%dma_wait3A_251 : memref<1040000x16xf32, #tpu.memory_space<hbm>>) dst(%dma_wait3A_247 : memref<128x16xf32, #tpu.memory_space<vmem>>)
      %dma_wait3A_252 = arith.constant 896 : i32
      %dma_wait3A_253 = arith.constant 0 : i32
      %dma_wait3A_254 = tpu.memref_slice %arg7[%dma_wait3A_252, %dma_wait3A_253] : memref<2048x16xf32, #tpu.memory_space<vmem>> -> memref<128x16xf32, #tpu.memory_space<vmem>>
      %dma_wait3A_255 = tpu.memref_slice %arg6[%add3A_124] : memref<16384xi32, #tpu.memory_space<vmem>> -> memref<128xi32, #tpu.memory_space<vmem>>
      %dma_wait3A_256 = arith.constant 0 : i32
      %dma_wait3A_257 = arith.constant 0 : i32
      %dma_wait3A_258 = tpu.memref_slice %arg3[%dma_wait3A_256, %dma_wait3A_257] : memref<1040000x16xf32, #tpu.memory_space<hbm>> -> memref<1040000x16xf32, #tpu.memory_space<hbm>>
      tpu.wait_indirect_dma semaphore(%arg8 : memref<!tpu.dma_semaphore, #tpu.memory_space<semaphore_mem>>) src(%dma_wait3A_258 : memref<1040000x16xf32, #tpu.memory_space<hbm>>) dst(%dma_wait3A_254 : memref<128x16xf32, #tpu.memory_space<vmem>>)
      %dma_wait3A_259 = arith.constant 1024 : i32
      %dma_wait3A_260 = arith.constant 0 : i32
      %dma_wait3A_261 = tpu.memref_slice %arg7[%dma_wait3A_259, %dma_wait3A_260] : memref<2048x16xf32, #tpu.memory_space<vmem>> -> memref<128x16xf32, #tpu.memory_space<vmem>>
      %dma_wait3A_262 = tpu.memref_slice %arg6[%add3A_133] : memref<16384xi32, #tpu.memory_space<vmem>> -> memref<128xi32, #tpu.memory_space<vmem>>
      %dma_wait3A_263 = arith.constant 0 : i32
      %dma_wait3A_264 = arith.constant 0 : i32
      %dma_wait3A_265 = tpu.memref_slice %arg3[%dma_wait3A_263, %dma_wait3A_264] : memref<1040000x16xf32, #tpu.memory_space<hbm>> -> memref<1040000x16xf32, #tpu.memory_space<hbm>>
      tpu.wait_indirect_dma semaphore(%arg8 : memref<!tpu.dma_semaphore, #tpu.memory_space<semaphore_mem>>) src(%dma_wait3A_265 : memref<1040000x16xf32, #tpu.memory_space<hbm>>) dst(%dma_wait3A_261 : memref<128x16xf32, #tpu.memory_space<vmem>>)
      %dma_wait3A_266 = arith.constant 1152 : i32
      %dma_wait3A_267 = arith.constant 0 : i32
      %dma_wait3A_268 = tpu.memref_slice %arg7[%dma_wait3A_266, %dma_wait3A_267] : memref<2048x16xf32, #tpu.memory_space<vmem>> -> memref<128x16xf32, #tpu.memory_space<vmem>>
      %dma_wait3A_269 = tpu.memref_slice %arg6[%add3A_142] : memref<16384xi32, #tpu.memory_space<vmem>> -> memref<128xi32, #tpu.memory_space<vmem>>
      %dma_wait3A_270 = arith.constant 0 : i32
      %dma_wait3A_271 = arith.constant 0 : i32
      %dma_wait3A_272 = tpu.memref_slice %arg3[%dma_wait3A_270, %dma_wait3A_271] : memref<1040000x16xf32, #tpu.memory_space<hbm>> -> memref<1040000x16xf32, #tpu.memory_space<hbm>>
      tpu.wait_indirect_dma semaphore(%arg8 : memref<!tpu.dma_semaphore, #tpu.memory_space<semaphore_mem>>) src(%dma_wait3A_272 : memref<1040000x16xf32, #tpu.memory_space<hbm>>) dst(%dma_wait3A_268 : memref<128x16xf32, #tpu.memory_space<vmem>>)
      %dma_wait3A_273 = arith.constant 1280 : i32
      %dma_wait3A_274 = arith.constant 0 : i32
      %dma_wait3A_275 = tpu.memref_slice %arg7[%dma_wait3A_273, %dma_wait3A_274] : memref<2048x16xf32, #tpu.memory_space<vmem>> -> memref<128x16xf32, #tpu.memory_space<vmem>>
      %dma_wait3A_276 = tpu.memref_slice %arg6[%add3A_151] : memref<16384xi32, #tpu.memory_space<vmem>> -> memref<128xi32, #tpu.memory_space<vmem>>
      %dma_wait3A_277 = arith.constant 0 : i32
      %dma_wait3A_278 = arith.constant 0 : i32
      %dma_wait3A_279 = tpu.memref_slice %arg3[%dma_wait3A_277, %dma_wait3A_278] : memref<1040000x16xf32, #tpu.memory_space<hbm>> -> memref<1040000x16xf32, #tpu.memory_space<hbm>>
      tpu.wait_indirect_dma semaphore(%arg8 : memref<!tpu.dma_semaphore, #tpu.memory_space<semaphore_mem>>) src(%dma_wait3A_279 : memref<1040000x16xf32, #tpu.memory_space<hbm>>) dst(%dma_wait3A_275 : memref<128x16xf32, #tpu.memory_space<vmem>>)
      %dma_wait3A_280 = arith.constant 1408 : i32
      %dma_wait3A_281 = arith.constant 0 : i32
      %dma_wait3A_282 = tpu.memref_slice %arg7[%dma_wait3A_280, %dma_wait3A_281] : memref<2048x16xf32, #tpu.memory_space<vmem>> -> memref<128x16xf32, #tpu.memory_space<vmem>>
      %dma_wait3A_283 = tpu.memref_slice %arg6[%add3A_160] : memref<16384xi32, #tpu.memory_space<vmem>> -> memref<128xi32, #tpu.memory_space<vmem>>
      %dma_wait3A_284 = arith.constant 0 : i32
      %dma_wait3A_285 = arith.constant 0 : i32
      %dma_wait3A_286 = tpu.memref_slice %arg3[%dma_wait3A_284, %dma_wait3A_285] : memref<1040000x16xf32, #tpu.memory_space<hbm>> -> memref<1040000x16xf32, #tpu.memory_space<hbm>>
      tpu.wait_indirect_dma semaphore(%arg8 : memref<!tpu.dma_semaphore, #tpu.memory_space<semaphore_mem>>) src(%dma_wait3A_286 : memref<1040000x16xf32, #tpu.memory_space<hbm>>) dst(%dma_wait3A_282 : memref<128x16xf32, #tpu.memory_space<vmem>>)
      %dma_wait3A_287 = arith.constant 1536 : i32
      %dma_wait3A_288 = arith.constant 0 : i32
      %dma_wait3A_289 = tpu.memref_slice %arg7[%dma_wait3A_287, %dma_wait3A_288] : memref<2048x16xf32, #tpu.memory_space<vmem>> -> memref<128x16xf32, #tpu.memory_space<vmem>>
      %dma_wait3A_290 = tpu.memref_slice %arg6[%add3A_169] : memref<16384xi32, #tpu.memory_space<vmem>> -> memref<128xi32, #tpu.memory_space<vmem>>
      %dma_wait3A_291 = arith.constant 0 : i32
      %dma_wait3A_292 = arith.constant 0 : i32
      %dma_wait3A_293 = tpu.memref_slice %arg3[%dma_wait3A_291, %dma_wait3A_292] : memref<1040000x16xf32, #tpu.memory_space<hbm>> -> memref<1040000x16xf32, #tpu.memory_space<hbm>>
      tpu.wait_indirect_dma semaphore(%arg8 : memref<!tpu.dma_semaphore, #tpu.memory_space<semaphore_mem>>) src(%dma_wait3A_293 : memref<1040000x16xf32, #tpu.memory_space<hbm>>) dst(%dma_wait3A_289 : memref<128x16xf32, #tpu.memory_space<vmem>>)
      %dma_wait3A_294 = arith.constant 1664 : i32
      %dma_wait3A_295 = arith.constant 0 : i32
      %dma_wait3A_296 = tpu.memref_slice %arg7[%dma_wait3A_294, %dma_wait3A_295] : memref<2048x16xf32, #tpu.memory_space<vmem>> -> memref<128x16xf32, #tpu.memory_space<vmem>>
      %dma_wait3A_297 = tpu.memref_slice %arg6[%add3A_178] : memref<16384xi32, #tpu.memory_space<vmem>> -> memref<128xi32, #tpu.memory_space<vmem>>
      %dma_wait3A_298 = arith.constant 0 : i32
      %dma_wait3A_299 = arith.constant 0 : i32
      %dma_wait3A_300 = tpu.memref_slice %arg3[%dma_wait3A_298, %dma_wait3A_299] : memref<1040000x16xf32, #tpu.memory_space<hbm>> -> memref<1040000x16xf32, #tpu.memory_space<hbm>>
      tpu.wait_indirect_dma semaphore(%arg8 : memref<!tpu.dma_semaphore, #tpu.memory_space<semaphore_mem>>) src(%dma_wait3A_300 : memref<1040000x16xf32, #tpu.memory_space<hbm>>) dst(%dma_wait3A_296 : memref<128x16xf32, #tpu.memory_space<vmem>>)
      %dma_wait3A_301 = arith.constant 1792 : i32
      %dma_wait3A_302 = arith.constant 0 : i32
      %dma_wait3A_303 = tpu.memref_slice %arg7[%dma_wait3A_301, %dma_wait3A_302] : memref<2048x16xf32, #tpu.memory_space<vmem>> -> memref<128x16xf32, #tpu.memory_space<vmem>>
      %dma_wait3A_304 = tpu.memref_slice %arg6[%add3A_187] : memref<16384xi32, #tpu.memory_space<vmem>> -> memref<128xi32, #tpu.memory_space<vmem>>
      %dma_wait3A_305 = arith.constant 0 : i32
      %dma_wait3A_306 = arith.constant 0 : i32
      %dma_wait3A_307 = tpu.memref_slice %arg3[%dma_wait3A_305, %dma_wait3A_306] : memref<1040000x16xf32, #tpu.memory_space<hbm>> -> memref<1040000x16xf32, #tpu.memory_space<hbm>>
      tpu.wait_indirect_dma semaphore(%arg8 : memref<!tpu.dma_semaphore, #tpu.memory_space<semaphore_mem>>) src(%dma_wait3A_307 : memref<1040000x16xf32, #tpu.memory_space<hbm>>) dst(%dma_wait3A_303 : memref<128x16xf32, #tpu.memory_space<vmem>>)
      %dma_wait3A_308 = arith.constant 1920 : i32
      %dma_wait3A_309 = arith.constant 0 : i32
      %dma_wait3A_310 = tpu.memref_slice %arg7[%dma_wait3A_308, %dma_wait3A_309] : memref<2048x16xf32, #tpu.memory_space<vmem>> -> memref<128x16xf32, #tpu.memory_space<vmem>>
      %dma_wait3A_311 = tpu.memref_slice %arg6[%add3A_196] : memref<16384xi32, #tpu.memory_space<vmem>> -> memref<128xi32, #tpu.memory_space<vmem>>
      %dma_wait3A_312 = arith.constant 0 : i32
      %dma_wait3A_313 = arith.constant 0 : i32
      %dma_wait3A_314 = tpu.memref_slice %arg3[%dma_wait3A_312, %dma_wait3A_313] : memref<1040000x16xf32, #tpu.memory_space<hbm>> -> memref<1040000x16xf32, #tpu.memory_space<hbm>>
      tpu.wait_indirect_dma semaphore(%arg8 : memref<!tpu.dma_semaphore, #tpu.memory_space<semaphore_mem>>) src(%dma_wait3A_314 : memref<1040000x16xf32, #tpu.memory_space<hbm>>) dst(%dma_wait3A_310 : memref<128x16xf32, #tpu.memory_space<vmem>>)
      %mul3A_315 = arith.constant 16384 : i32
      %mul3A_316 = arith.muli %add3A, %mul3A_315 : i32
      %add3A_317 = arith.addi %mul3A_316, %mul3A_60 : i32
      "tpu.region"() ({
        %run_scoped3A = tpu.sem_alloc : memref<!tpu.dma_semaphore, #tpu.memory_space<semaphore_mem>>
        %dma_start3A_318 = arith.constant 0 : i32
        %dma_start3A_319 = tpu.memref_slice %arg4[%add3A_317, %dma_start3A_318] : memref<524288x16xf32, #tpu.memory_space<hbm>> -> memref<2048x16xf32, #tpu.memory_space<hbm>>
        %dma_start3A_320 = arith.constant 0 : i32
        %dma_start3A_321 = tpu.memref_slice %arg4[%add3A_317, %dma_start3A_320] : memref<524288x16xf32, #tpu.memory_space<hbm>> -> memref<2048x16xf32, #tpu.memory_space<hbm>>
        tpu.enqueue_dma source(%arg7 : memref<2048x16xf32, #tpu.memory_space<vmem>>) target(%dma_start3A_321 : memref<2048x16xf32, #tpu.memory_space<hbm>>) target_semaphore(%run_scoped3A : memref<!tpu.dma_semaphore, #tpu.memory_space<semaphore_mem>>)
        %dma_wait3A_322 = arith.constant 0 : i32
        %dma_wait3A_323 = tpu.memref_slice %arg4[%add3A_317, %dma_wait3A_322] : memref<524288x16xf32, #tpu.memory_space<hbm>> -> memref<2048x16xf32, #tpu.memory_space<hbm>>
        %dma_wait3A_324 = arith.constant 0 : i32
        %dma_wait3A_325 = tpu.memref_slice %arg4[%add3A_317, %dma_wait3A_324] : memref<524288x16xf32, #tpu.memory_space<hbm>> -> memref<2048x16xf32, #tpu.memory_space<hbm>>
        tpu.wait_dma2 semaphore(%run_scoped3A : memref<!tpu.dma_semaphore, #tpu.memory_space<semaphore_mem>>) src(%arg7 : memref<2048x16xf32, #tpu.memory_space<vmem>>) dst(%dma_wait3A_325 : memref<2048x16xf32, #tpu.memory_space<hbm>>)
        tpu.yield
      }) : () -> ()
    }
    %scan3A_53 = arith.constant 8 : i32
    return
  }
}

module attributes {stable_mosaic.version = 14 : i64} {
  func.func @_mlp_body(%arg0: i32, %arg1: memref<256x4x8x128xf32, #tpu.memory_space<vmem>>, %arg2: memref<4x128x128xf32, #tpu.memory_space<vmem>>, %arg3: memref<1x128xf32, #tpu.memory_space<vmem>>, %arg4: memref<128x64xf32, #tpu.memory_space<vmem>>, %arg5: memref<1x64xf32, #tpu.memory_space<vmem>>, %arg6: memref<64x2xf32, #tpu.memory_space<vmem>>, %arg7: memref<1x2xf32, #tpu.memory_space<vmem>>, %arg8: memref<2048x2xf32, #tpu.memory_space<vmem>>) attributes {dimension_semantics = [#tpu.dimension_semantics<arbitrary>], iteration_bounds = array<i64: 8>, scalar_prefetch = 0 : i64, scratch_operands = 0 : i64, tpu.core_type = #tpu.core_type<tc>, window_params = [{transform_indices = @transform_0, window_bounds = array<i64: 256, 4, 8, 128>}, {pipeline_mode = #tpu.pipeline_mode<synchronous>, transform_indices = @transform_1, window_bounds = array<i64: 4, 128, 128>}, {pipeline_mode = #tpu.pipeline_mode<synchronous>, transform_indices = @transform_2, window_bounds = array<i64: 1, 128>}, {pipeline_mode = #tpu.pipeline_mode<synchronous>, transform_indices = @transform_3, window_bounds = array<i64: 128, 64>}, {pipeline_mode = #tpu.pipeline_mode<synchronous>, transform_indices = @transform_4, window_bounds = array<i64: 1, 64>}, {pipeline_mode = #tpu.pipeline_mode<synchronous>, transform_indices = @transform_5, window_bounds = array<i64: 64, 2>}, {pipeline_mode = #tpu.pipeline_mode<synchronous>, transform_indices = @transform_6, window_bounds = array<i64: 1, 2>}, {transform_indices = @transform_7, window_bounds = array<i64: 2048, 2>}]} {
    %get3A = arith.constant 0 : index
    %get3A_0 = arith.constant 0 : index
    %get3A_1 = arith.constant 0 : index
    %get3A_2 = arith.constant 0 : index
    %get3A_3 = vector.load %arg1[%get3A, %get3A_0, %get3A_1, %get3A_2] : memref<256x4x8x128xf32, #tpu.memory_space<vmem>>, vector<256x4x8x128xf32>
    %slice3A = vector.extract_strided_slice %get3A_3 {offsets = [0, 0, 0, 0], sizes = [256, 1, 8, 128], strides = [1, 1, 1, 1]} : vector<256x4x8x128xf32> to vector<256x1x8x128xf32>
    %squeeze3A = vector.shape_cast %slice3A : vector<256x1x8x128xf32> to vector<256x8x128xf32>
    %reshape3A = vector.shape_cast %squeeze3A : vector<256x8x128xf32> to vector<2048x128xf32>
    %get3A_4 = arith.constant 0 : index
    %get3A_5 = arith.constant 0 : index
    %get3A_6 = arith.constant 0 : index
    %get3A_7 = vector.load %arg2[%get3A_4, %get3A_5, %get3A_6] : memref<4x128x128xf32, #tpu.memory_space<vmem>>, vector<1x128x128xf32>
    %get3A_8 = vector.shape_cast %get3A_7 : vector<1x128x128xf32> to vector<128x128xf32>
    %dot_general3A = arith.constant dense<0.000000e+00> : vector<2048x128xf32>
    %dot_general3A_9 = tpu.matmul %reshape3A, %get3A_8, %dot_general3A {dimension_numbers = #tpu.dot_dimension_numbers<[1], [0], [0], [1], [0, 0, 1, 1], [], []>, transpose_lhs_hint = false} : vector<2048x128xf32>, vector<128x128xf32>, vector<2048x128xf32> -> vector<2048x128xf32>
    %slice3A_10 = vector.extract_strided_slice %get3A_3 {offsets = [0, 1, 0, 0], sizes = [256, 1, 8, 128], strides = [1, 1, 1, 1]} : vector<256x4x8x128xf32> to vector<256x1x8x128xf32>
    %squeeze3A_11 = vector.shape_cast %slice3A_10 : vector<256x1x8x128xf32> to vector<256x8x128xf32>
    %reshape3A_12 = vector.shape_cast %squeeze3A_11 : vector<256x8x128xf32> to vector<2048x128xf32>
    %get3A_13 = arith.constant 1 : index
    %get3A_14 = arith.constant 0 : index
    %get3A_15 = arith.constant 0 : index
    %get3A_16 = vector.load %arg2[%get3A_13, %get3A_14, %get3A_15] : memref<4x128x128xf32, #tpu.memory_space<vmem>>, vector<1x128x128xf32>
    %get3A_17 = vector.shape_cast %get3A_16 : vector<1x128x128xf32> to vector<128x128xf32>
    %dot_general3A_18 = arith.constant dense<0.000000e+00> : vector<2048x128xf32>
    %dot_general3A_19 = tpu.matmul %reshape3A_12, %get3A_17, %dot_general3A_18 {dimension_numbers = #tpu.dot_dimension_numbers<[1], [0], [0], [1], [0, 0, 1, 1], [], []>, transpose_lhs_hint = false} : vector<2048x128xf32>, vector<128x128xf32>, vector<2048x128xf32> -> vector<2048x128xf32>
    %add3A = arith.addf %dot_general3A_9, %dot_general3A_19 : vector<2048x128xf32>
    %slice3A_20 = vector.extract_strided_slice %get3A_3 {offsets = [0, 2, 0, 0], sizes = [256, 1, 8, 128], strides = [1, 1, 1, 1]} : vector<256x4x8x128xf32> to vector<256x1x8x128xf32>
    %squeeze3A_21 = vector.shape_cast %slice3A_20 : vector<256x1x8x128xf32> to vector<256x8x128xf32>
    %reshape3A_22 = vector.shape_cast %squeeze3A_21 : vector<256x8x128xf32> to vector<2048x128xf32>
    %get3A_23 = arith.constant 2 : index
    %get3A_24 = arith.constant 0 : index
    %get3A_25 = arith.constant 0 : index
    %get3A_26 = vector.load %arg2[%get3A_23, %get3A_24, %get3A_25] : memref<4x128x128xf32, #tpu.memory_space<vmem>>, vector<1x128x128xf32>
    %get3A_27 = vector.shape_cast %get3A_26 : vector<1x128x128xf32> to vector<128x128xf32>
    %dot_general3A_28 = arith.constant dense<0.000000e+00> : vector<2048x128xf32>
    %dot_general3A_29 = tpu.matmul %reshape3A_22, %get3A_27, %dot_general3A_28 {dimension_numbers = #tpu.dot_dimension_numbers<[1], [0], [0], [1], [0, 0, 1, 1], [], []>, transpose_lhs_hint = false} : vector<2048x128xf32>, vector<128x128xf32>, vector<2048x128xf32> -> vector<2048x128xf32>
    %add3A_30 = arith.addf %add3A, %dot_general3A_29 : vector<2048x128xf32>
    %slice3A_31 = vector.extract_strided_slice %get3A_3 {offsets = [0, 3, 0, 0], sizes = [256, 1, 8, 128], strides = [1, 1, 1, 1]} : vector<256x4x8x128xf32> to vector<256x1x8x128xf32>
    %squeeze3A_32 = vector.shape_cast %slice3A_31 : vector<256x1x8x128xf32> to vector<256x8x128xf32>
    %reshape3A_33 = vector.shape_cast %squeeze3A_32 : vector<256x8x128xf32> to vector<2048x128xf32>
    %get3A_34 = arith.constant 3 : index
    %get3A_35 = arith.constant 0 : index
    %get3A_36 = arith.constant 0 : index
    %get3A_37 = vector.load %arg2[%get3A_34, %get3A_35, %get3A_36] : memref<4x128x128xf32, #tpu.memory_space<vmem>>, vector<1x128x128xf32>
    %get3A_38 = vector.shape_cast %get3A_37 : vector<1x128x128xf32> to vector<128x128xf32>
    %dot_general3A_39 = arith.constant dense<0.000000e+00> : vector<2048x128xf32>
    %dot_general3A_40 = tpu.matmul %reshape3A_33, %get3A_38, %dot_general3A_39 {dimension_numbers = #tpu.dot_dimension_numbers<[1], [0], [0], [1], [0, 0, 1, 1], [], []>, transpose_lhs_hint = false} : vector<2048x128xf32>, vector<128x128xf32>, vector<2048x128xf32> -> vector<2048x128xf32>
    %add3A_41 = arith.addf %add3A_30, %dot_general3A_40 : vector<2048x128xf32>
    %get3A_42 = arith.constant 0 : index
    %get3A_43 = arith.constant 0 : index
    %get3A_44 = vector.load %arg3[%get3A_42, %get3A_43] : memref<1x128xf32, #tpu.memory_space<vmem>>, vector<1x128xf32>
    %add3A_45 = vector.broadcast %get3A_44 : vector<1x128xf32> to vector<2048x128xf32>
    %add3A_46 = arith.addf %add3A_41, %add3A_45 : vector<2048x128xf32>
    %max3A = arith.constant 0.000000e+00 : f32
    %max3A_47 = vector.broadcast %max3A : f32 to vector<2048x128xf32>
    %max3A_48 = arith.maximumf %add3A_46, %max3A_47 : vector<2048x128xf32>
    %get3A_49 = arith.constant 0 : index
    %get3A_50 = arith.constant 0 : index
    %get3A_51 = vector.load %arg4[%get3A_49, %get3A_50] : memref<128x64xf32, #tpu.memory_space<vmem>>, vector<128x64xf32>
    %dot_general3A_52 = arith.constant dense<0.000000e+00> : vector<2048x64xf32>
    %dot_general3A_53 = tpu.matmul %max3A_48, %get3A_51, %dot_general3A_52 {dimension_numbers = #tpu.dot_dimension_numbers<[1], [0], [0], [1], [0, 0, 1, 1], [], []>, transpose_lhs_hint = false} : vector<2048x128xf32>, vector<128x64xf32>, vector<2048x64xf32> -> vector<2048x64xf32>
    %get3A_54 = arith.constant 0 : index
    %get3A_55 = arith.constant 0 : index
    %get3A_56 = vector.load %arg5[%get3A_54, %get3A_55] : memref<1x64xf32, #tpu.memory_space<vmem>>, vector<1x64xf32>
    %add3A_57 = vector.broadcast %get3A_56 : vector<1x64xf32> to vector<2048x64xf32>
    %add3A_58 = arith.addf %dot_general3A_53, %add3A_57 : vector<2048x64xf32>
    %max3A_59 = arith.constant 0.000000e+00 : f32
    %max3A_60 = vector.broadcast %max3A_59 : f32 to vector<2048x64xf32>
    %max3A_61 = arith.maximumf %add3A_58, %max3A_60 : vector<2048x64xf32>
    %get3A_62 = arith.constant 0 : index
    %get3A_63 = arith.constant 0 : index
    %get3A_64 = vector.load %arg6[%get3A_62, %get3A_63] : memref<64x2xf32, #tpu.memory_space<vmem>>, vector<64x2xf32>
    %dot_general3A_65 = arith.constant dense<0.000000e+00> : vector<2048x2xf32>
    %dot_general3A_66 = tpu.matmul %max3A_61, %get3A_64, %dot_general3A_65 {dimension_numbers = #tpu.dot_dimension_numbers<[1], [0], [0], [1], [0, 0, 1, 1], [], []>, transpose_lhs_hint = false} : vector<2048x64xf32>, vector<64x2xf32>, vector<2048x2xf32> -> vector<2048x2xf32>
    %get3A_67 = arith.constant 0 : index
    %get3A_68 = arith.constant 0 : index
    %get3A_69 = vector.load %arg7[%get3A_67, %get3A_68] : memref<1x2xf32, #tpu.memory_space<vmem>>, vector<1x2xf32>
    %add3A_70 = vector.broadcast %get3A_69 : vector<1x2xf32> to vector<2048x2xf32>
    %add3A_71 = arith.addf %dot_general3A_66, %add3A_70 : vector<2048x2xf32>
    %swap3A = arith.constant 0 : index
    %swap3A_72 = arith.constant 0 : index
    %swap3A_73 = vector.load %arg8[%swap3A, %swap3A_72] : memref<2048x2xf32, #tpu.memory_space<vmem>>, vector<2048x2xf32>
    tpu.vector_store %arg8[%swap3A, %swap3A_72], %add3A_71 {strides = array<i32>} : memref<2048x2xf32, #tpu.memory_space<vmem>>, vector<2048x2xf32>,
    return
  }
  func.func @transform_0(%arg0: i32) -> (i32, i32, i32, i32) {
    %c0_i32 = arith.constant 0 : i32
    %c0_i32_0 = arith.constant 0 : i32
    %c0_i32_1 = arith.constant 0 : i32
    %c0_i32_2 = arith.constant 0 : i32
    return %arg0, %c0_i32, %c0_i32_0, %c0_i32_1 : i32, i32, i32, i32
  }
  func.func @transform_1(%arg0: i32) -> (i32, i32, i32) {
    %c0_i32 = arith.constant 0 : i32
    %c0_i32_0 = arith.constant 0 : i32
    %c0_i32_1 = arith.constant 0 : i32
    %c0_i32_2 = arith.constant 0 : i32
    return %c0_i32, %c0_i32_0, %c0_i32_1 : i32, i32, i32
  }
  func.func @transform_2(%arg0: i32) -> (i32, i32) {
    %c0_i32 = arith.constant 0 : i32
    %c0_i32_0 = arith.constant 0 : i32
    %c0_i32_1 = arith.constant 0 : i32
    return %c0_i32, %c0_i32_0 : i32, i32
  }
  func.func @transform_3(%arg0: i32) -> (i32, i32) {
    %c0_i32 = arith.constant 0 : i32
    %c0_i32_0 = arith.constant 0 : i32
    %c0_i32_1 = arith.constant 0 : i32
    return %c0_i32, %c0_i32_0 : i32, i32
  }
  func.func @transform_4(%arg0: i32) -> (i32, i32) {
    %c0_i32 = arith.constant 0 : i32
    %c0_i32_0 = arith.constant 0 : i32
    %c0_i32_1 = arith.constant 0 : i32
    return %c0_i32, %c0_i32_0 : i32, i32
  }
  func.func @transform_5(%arg0: i32) -> (i32, i32) {
    %c0_i32 = arith.constant 0 : i32
    %c0_i32_0 = arith.constant 0 : i32
    %c0_i32_1 = arith.constant 0 : i32
    return %c0_i32, %c0_i32_0 : i32, i32
  }
  func.func @transform_6(%arg0: i32) -> (i32, i32) {
    %c0_i32 = arith.constant 0 : i32
    %c0_i32_0 = arith.constant 0 : i32
    %c0_i32_1 = arith.constant 0 : i32
    return %c0_i32, %c0_i32_0 : i32, i32
  }
  func.func @transform_7(%arg0: i32) -> (i32, i32) {
    %c0_i32 = arith.constant 0 : i32
    %c0_i32_0 = arith.constant 0 : i32
    return %arg0, %c0_i32 : i32, i32
  }
}

</mosaic_0001>

<sc_bundles>
// kernel: kernel.5.cloned.1.call-start
scs
__scs_entry_jumppad:
0x0: {  	(pc) =	sbr.rel $0x88, $3  }
0x1: {  	(tag) =	ssettag $0x0;
	lr =	simm.s32 $0x1  }
0x2: {  	[smem:$0x3F95] =	sst lr;
	_ =	strace $0xD0000000  }
0x3: {  	_ = 	snop  }
0x4: {  	_ = 	snop  }
0x5: {  	_ = 	snop  }
0x6: {  	_ = 	snop  }
0x7: {  	_ = 	snop  }
__scs_overlays_trampoline_lowered:
0x8: {  	[smem:$0x3FA4] =	sst s0  }
0x9: {  	[smem:$0x3FA5] =	sst s1  }
0xa: {  	[smem:$0x3FA6] =	sst s2  }
0xb: {  	[smem:$0x3FA7] =	sst s3  }
0xc: {  	[smem:$0x3FA8] =	sst s4  }
0xd: {  	[smem:$0x3FA9] =	sst s5  }
0xe: {  	[smem:$0x3FAA] =	sst s6  }
0xf: {  	[smem:$0x3FAB] =	sst s7  }
0x10: {  	[smem:$0x3FAC] =	sst s8  }
0x11: {  	[smem:$0x3FAD] =	sst s9;
	s0 =	simm.s32 @!p0 $0x0  }
0x12: {  	s1 =	sld [smem:$0x3F93];
	s0 =	simm.s32 @p0 $0x1  }
0x13: {  	[smem:$0x3FAE] =	sst s0;
	s0 =	simm.s32 @!p1 $0x0  }
0x14: {  	s2 =	sld [smem:$0x3F92];
	s0 =	simm.s32 @p1 $0x1  }
0x15: {  	[smem:$0x3FAF] =	sst s0;
	s0 =	simm.s32 @!p2 $0x0  }
0x16: {  	s3 =	sld [smem:$0x3FDB];
	s0 =	simm.s32 @p2 $0x1  }
0x17: {  	s4 =	simm.s32 $0x1BF5;
	[smem:$0x3FB1] =	sst s0  }
0x18: {  	s0 =	sld [smem:$0x3F94];
	_ =	swait.ge [sflag:s4], $0x0  }
0x19: {  	s7 =	sld [smem:$0x3F95]  }
0x1a: {  	s8 =	sadd.s32 $0xFFFFE003, lr  }
0x1b: {  	s9 =	sadd.s32 $0xFFFFFEF7, lr;
	s5 =	simm.s32 $0xFFFFFFFF;
	p2 =	slt.u32 s8, $0xFFFFF086  }
0x1c: {  	p1 =	slt.u32 s9, $0xF7A;
	s5 =	simm.s32 @!p2 $0x0  }
0x1d: {  	s5 =	simm.s32 @p1 $0x1;
	p0 =	seq.s32 s7, s2  }
0x1e: {  	s7 =	smul.u32 @!p0 $0xF7A, s2;
	p2 =	seq.s32 @!p0 s5, $0x0  }
0x1f: {  	s9 =	smul.u32 $0xF7A, s1;
	s8 =	simm.s32 @!p0 $0x1BF5;
	p2 =	por !p2, p0  }
0x20: {  	[sflag:s8] =	ssyncset.s32 @!p0 $0xFFFFF086;
	s6 =	sadd.s32 @!p0 s3, s7;
	s7 =	simm.s32 @!p0 $0x108  }
0x21: {  	s3 =	sadd.s32 s3, s9;
	s6 =	sadd.s32 @!p0 $0x88, s6;
	s7 =	simm.s32 @p2 $0x1082  }
0x22: {  	[simem:s7], [sflag:s8] =	dma.local @!p0 [hbm:s6], $0xF7A  }
0x23: {  	s9 =	sor.u32 $0xD0000000, s2;
	s6 =	simm.s32 $0x108;
	_ =	swait.ge @!p0 [sflag:s8], $0x0  }
0x24: {  	s3 =	sadd.s32 $0x88, s3;
	s6 =	simm.s32 @!p1 $0x1082;
	[sflag:s4] =	ssyncset.s32 $0xFFFFF086  }
0x25: {  	[simem:s6], [sflag:s4] =	dma.local [hbm:s3], $0xF7A  }
0x26: {  	[smem:$0x3F95] =	sst s1;
	(tag) =	ssettag s2;
	_ =	strace s9  }
0x27: {  	s1 =	sld [smem:$0x3FA5]  }
0x28: {  	s2 =	sld [smem:$0x3FA6]  }
0x29: {  	s4 =	sld [smem:$0x3FA8]  }
0x2a: {  	p0 =	seq.s32 s5, $0x0;
	s5 =	sld [smem:$0x3FA9]  }
0x2b: {  	s6 =	sld [smem:$0x3FAA]  }
0x2c: {  	s7 =	sld [smem:$0x3FAB]  }
0x2d: {  	s3 =	simm.s32 $0x108;
	s8 =	sld [smem:$0x3FAC]  }
0x2e: {  	s3 =	simm.s32 @!p0 $0x1082;
	s9 =	sld [smem:$0x3FAD]  }
0x2f: {  	lr =	sadd.s32 s0, s3;
	s0 =	sld [smem:$0x3FA4]  }
0x30: {  	s3 =	sld [smem:$0x3FA7]  }
0x31: {  	[smem:$0x3FB0] =	sst s10  }
0x32: {  	s10 =	sld [smem:$0x3FAE];
	_ =	sdelay $0x3  }
0x33: {  	p0 =	seq.s32 s10, $0x1;
	s10 =	sld [smem:$0x3FB0];
	_ =	sdelay $0x3  }
0x34: {  	[smem:$0x3FB0] =	sst s10  }
0x35: {  	s10 =	sld [smem:$0x3FAF];
	_ =	sdelay $0x3  }
0x36: {  	p1 =	seq.s32 s10, $0x1;
	s10 =	sld [smem:$0x3FB0];
	_ =	sdelay $0x3  }
0x37: {  	[smem:$0x3FB0] =	sst s10  }
0x38: {  	s10 =	sld [smem:$0x3FB1]  }
0x39: {  	_ = 	snop;
	(pc) =	sbr.ind lr, $3  }
0x3a: {  	_ = 	snop  }
0x3b: {  	_ = 	snop  }
0x3c: {  	p2 =	seq.s32 s10, $0x1;
	s10 =	sld [smem:$0x3FB0]  }
0x3d: {  	_ =	shalt  }
0x3e: {  	_ =	shalt  }
0x3f: {  	_ =	shalt  }
0x40: {  	_ =	shalt  }
0x41: {  	_ =	shalt  }
0x42: {  	_ =	shalt  }
0x43: {  	_ =	shalt  }
0x44: {  	_ =	shalt  }
0x45: {  	_ =	shalt  }
0x46: {  	_ =	shalt  }
0x47: {  	_ =	shalt  }
0x48: {  	_ =	shalt  }
0x49: {  	_ =	shalt  }
0x4a: {  	_ =	shalt  }
0x4b: {  	_ =	shalt  }
0x4c: {  	_ =	shalt  }
0x4d: {  	_ =	shalt  }
0x4e: {  	_ =	shalt  }
0x4f: {  	_ =	shalt  }
0x50: {  	_ =	shalt  }
0x51: {  	_ =	shalt  }
0x52: {  	_ =	shalt  }
0x53: {  	_ =	shalt  }
0x54: {  	_ =	shalt  }
0x55: {  	_ =	shalt  }
0x56: {  	_ =	shalt  }
0x57: {  	_ =	shalt  }
0x58: {  	_ =	shalt  }
0x59: {  	_ =	shalt  }
0x5a: {  	_ =	shalt  }
0x5b: {  	_ =	shalt  }
0x5c: {  	_ =	shalt  }
0x5d: {  	_ =	shalt  }
0x5e: {  	_ =	shalt  }
0x5f: {  	_ =	shalt  }
0x60: {  	_ =	shalt  }
0x61: {  	_ =	shalt  }
0x62: {  	_ =	shalt  }
0x63: {  	_ =	shalt  }
0x64: {  	_ =	shalt  }
0x65: {  	_ =	shalt  }
0x66: {  	_ =	shalt  }
0x67: {  	_ =	shalt  }
0x68: {  	_ =	shalt  }
0x69: {  	_ =	shalt  }
0x6a: {  	_ =	shalt  }
0x6b: {  	_ =	shalt  }
0x6c: {  	_ =	shalt  }
0x6d: {  	_ =	shalt  }
0x6e: {  	_ =	shalt  }
0x6f: {  	_ =	shalt  }
0x70: {  	_ =	shalt  }
0x71: {  	_ =	shalt  }
0x72: {  	_ =	shalt  }
0x73: {  	_ =	shalt  }
0x74: {  	_ =	shalt  }
0x75: {  	_ =	shalt  }
0x76: {  	_ =	shalt  }
0x77: {  	_ =	shalt  }
0x78: {  	_ =	shalt  }
0x79: {  	_ =	shalt  }
0x7a: {  	_ =	shalt  }
0x7b: {  	_ =	shalt  }
0x7c: {  	_ =	shalt  }
0x7d: {  	_ =	shalt  }
0x7e: {  	_ =	shalt  }
0x7f: {  	_ =	shalt  }
0x80: {  	_ =	shalt  }
0x81: {  	_ =	shalt  }
0x82: {  	_ =	shalt  }
0x83: {  	_ =	shalt  }
0x84: {  	_ =	shalt  }
0x85: {  	_ =	shalt  }
0x86: {  	_ =	shalt  }
0x87: {  	_ =	shalt  }
.Lfunc_end0:
.L_simem_size_0:
called_computation_lowered:
.L_overlay_start_0:
0x88: {  	s2 =	sld [smem:$0x3FD9]  }
0x89: {  	s3 =	sld [smem:$0x3FFE];
	_ =	sdelay $0x1  }
0x8a: {  	s1 =	srdreg.scid  }
0x8b: {  	s0 =	sand.u32 $0x1, s1  }
0x8c: {  	s17 =	sshll.u32 s0, $0xA;
	s2 =	sadd.s32 s3, s2  }
0x8d: {  	s2 =	sadd.s32 s2, s17  }
0x8e: {  	[smem:$0x3FBC] =	sst s2  }
0x8f: {  	_ = 	snop  }
0x90: {  	s2 =	sld [smem:$0x3FC8];
	(tm) =	ssettm $0x1  }
0x91: {  	s18 =	sld [smem:$0x3FFB];
	_ =	sdelay $0x3  }
0x92: {  	_ =	strace s18  }
0x93: {  	s3 =	sld [smem:$0x3FFC];
	_ =	sdelay $0x3  }
0x94: {  	_ =	strace s3  }
0x95: {  	s3 =	sld [smem:$0x3FFD];
	_ =	sdelay $0x3  }
0x96: {  	_ =	strace s3  }
0x97: {  	_ =	strace $0x8FFFFFFF  }
0x98: {  	s19 =	sld [smem:$0x3FDB];
	_ =	sdelay $0x1  }
0x99: {  	s4 =	simm.s32 $_scs_section_size  }
0x9a: {  	s5 =	simm.s32 $_size__tile_overlayer_lowered;
	s6 =	simm.s32 $_tile_overlayer_lowered  }
0x9b: {  	s22 =	simm.s32 $0x1BFF;
	s21 =	sshll.u32 s6, $0x1;
	s3 =	sadd.s32 s4, s19  }
0x9c: {  	s7 =	simm.s32 $0x0;
	s20 =	sshll.u32 s5, $0x1;
	s5 =	sadd.s32 s21, s3  }
0x9d: {  	[timem:s7], [sflag:s22] =	dma.local [hbm:s5], s20  }
0x9e: {  	_ =	swait.ge [sflag:s22], s20  }
0x9f: {  	s4 =	ssub.s32 $0x0, s20;
	[sflag:s22] =	ssyncset.done $0x0  }
0xa0: {  	[sflag:s22] =	ssyncadd.s32 s4;
	_ =	sdelay $0x1  }
0xa1: {  	s23 =	simm.s32 $0x1B8B  }
0xa2: {  	_ =	swait.ge [sflag:s23], $0x1  }
0xa3: {  	[sflag:s23] =	ssyncset.done $0x0  }
0xa4: {  	s25 =	simm.s32 $0x1B8E;
	s24 =	sld [smem:$0x3FFE];
	[sflag:s23] =	ssyncadd.s32 $0xFFFFFFFF  }
0xa5: {  	s26 =	simm.s32 $execute0_lowered;
	[smem:$0x3FD2] =	sst s25  }
0xa6: {  	s5 =	sshll.u32 s26, $0x1;
	_ =	strace $0x80000046;
	[dreg:$0x1] =	wrdreg $0xFFFFFFFF  }
0xa7: {  	s28 =	simm.s32 $_size_execute0_lowered;
	s3 =	sadd.s32 s3, s5;
	[dreg:$0x0] =	wrdreg $0x0  }
0xa8: {  	s5 =	sshll.u32 s28, $0x1;
	[dreg:$0x2] =	wrdreg s3  }
0xa9: {  	[dreg:$0x3] =	wrdreg s5  }
0xaa: {  	[dreg:$0x4] =	wrdreg $0xC0  }
0xab: {  	_ =	task [dreg:s7], $0x5FFFF  }
0xac: {  	[dreg:$0x1] =	wrdreg $0xFFFFFFFF  }
0xad: {  	[dreg:$0x0] =	wrdreg $0x60  }
0xae: {  	[dreg:$0x2] =	wrdreg s2  }
0xaf: {  	[dreg:$0x3] =	wrdreg s24  }
0xb0: {  	[dreg:$0x4] =	wrdreg $0x9  }
0xb1: {  	_ =	task.clear_ibuf [dreg:s7], $0x5FFFF;
	_ =	strace $0x90000046  }
0xb2: {  	s29 =	simm.s32 $0x9;
	_ =	strace $0x80000048  }
0xb3: {  	_ =	swait.ge [sflag:s29], $0x1  }
0xb4: {  	[sflag:s29] =	ssyncadd.s32 $0xFFFFFFFF  }
0xb5: {  	_ =	strace $0x90000048  }
0xb6: {  	_ =	sfence  }
0xb7: {  	s30 =	sld [smem:$0x0];
	_ =	sdelay $0x2  }
0xb8: {  	s31 =	sshll.u32 s1, $0xD;
	s1 =	sshrl.u32 s1, $0x2  }
0xb9: {  	s3 =	sand.u32 $0x4000, s31;
	s1 =	sadd.s32 s1, s30  }
0xba: {  	s0 =	sor.u32 s3, s0;
	s1 =	sshll.u32 s1, $0x11  }
0xbb: {  	s0 =	sor.u32 s1, s0  }
0xbc: {  	s0 =	sadd.s32 $0x8F2B, s0  }
0xbd: {  	[sflag:s0] =	ssyncadd.remote.s32 $0x1  }
0xbe: {  	_ =	sfence.sel $0xFFFF  }
0xbf: {  	[dreg:$0x0] =	wrdreg $0xFFFFFFFF;
	(pc) =	sbr.abs _section_cstart, $3  }
0xc0: {  	[dreg:$0x1] =	wrdreg $0xFFFFFFFF  }
0xc1: {  	_ =	task.clear_ibuf [dreg:s7], $0x2FFFF;
	_ =	strace $0x9FFFFFFF  }
0xc2: {  	(tm) =	ssettm $0x7FFFFFFF  }
0xc3: {  	_ =	shalt  }
tec
execute0_lowered:
.L_overlay_start_1:
0x0: {  	(tag) =	ssettag $0x1  }
0x1: {  	s1 =	rddreg [dreg:$0x0];
	s2 =	srdreg.scid  }
0x2: {  	s0 =	rddreg [dreg:$0x1];
	s4 =	stileid.u32;
	s2 =	sand.u32 $0x1, s2  }
0x3: {  	s3 =	simm.s32 $0x0;
	s4 =	sshll.u32 s4, $0x9;
	s5 =	sshll.u32 s2, $0x8  }
0x4: {  	[smem:$0x7FF] =	sst s3;
	s21 =	ssub.s32 $0x2, s2;
	s4 =	sor.u32 s5, s4  }
0x5: {  	s7 =	sadd.s32 $0xFDE80, s1;
	s6 =	sshrl.u32 s21, $0x1;
	s22 =	sshll.u32 s4, $0x7  }
0x6: {  	s5 =	sadd.s32 $0x2200, s0;
	s0 =	ssub.s32 s21, s6;
	s2 =	sadd.s32 s22, s7  }
0x7: {  	_ =	strace $0x80000047;
	s0 =	smax.u32 s0, $0x1;
	[dreg:$0x4] =	wrdreg s2  }
0x8: {  	s8 =	sadd.s32 s1, s22;
	[dreg:$0x15] =	wrdreg s0  }
0x9: {  	s23 =	sadd.s32 $0x80, s8;
	[dreg:$0x3] =	wrdreg s8  }
0xa: {  	s24 =	sadd.s32 $0xFDF00, s8;
	[dreg:$0x5] =	wrdreg s23  }
0xb: {  	s25 =	sadd.s32 $0x100, s8;
	[dreg:$0x6] =	wrdreg s24  }
0xc: {  	s26 =	sadd.s32 $0xFDF80, s8;
	[dreg:$0x7] =	wrdreg s25  }
0xd: {  	s28 =	sadd.s32 $0x180, s8;
	[dreg:$0x8] =	wrdreg s26  }
0xe: {  	s29 =	sadd.s32 $0xFE000, s8;
	[dreg:$0x9] =	wrdreg s28  }
0xf: {  	s30 =	sadd.s32 $0x200, s8;
	[dreg:$0xa] =	wrdreg s29  }
0x10: {  	s31 =	sadd.s32 $0xFE080, s8;
	[dreg:$0xb] =	wrdreg s30  }
0x11: {  	s6 =	sadd.s32 $0x280, s8;
	[dreg:$0xc] =	wrdreg s31  }
0x12: {  	s9 =	sadd.s32 $0xFE100, s8;
	[dreg:$0xd] =	wrdreg s6  }
0x13: {  	s10 =	sadd.s32 $0x300, s8;
	[dreg:$0xe] =	wrdreg s9  }
0x14: {  	s11 =	sadd.s32 $0xFE180, s8;
	[dreg:$0xf] =	wrdreg s10  }
0x15: {  	s12 =	sadd.s32 $0x380, s8;
	[dreg:$0x10] =	wrdreg s11  }
0x16: {  	s13 =	sadd.s32 $0xFE200, s8;
	[dreg:$0x11] =	wrdreg s12  }
0x17: {  	s14 =	sadd.s32 $0x400, s8;
	[dreg:$0x12] =	wrdreg s13  }
0x18: {  	s15 =	sadd.s32 $0xFE280, s8;
	[dreg:$0x13] =	wrdreg s14  }
0x19: {  	s16 =	sadd.s32 $0x480, s8;
	[dreg:$0x14] =	wrdreg s15  }
0x1a: {  	s17 =	sadd.s32 $0xFE300, s8;
	[dreg:$0x16] =	wrdreg s16  }
0x1b: {  	s18 =	sadd.s32 $0x500, s8;
	[dreg:$0x17] =	wrdreg s17  }
0x1c: {  	s19 =	sadd.s32 $0xFE380, s8;
	[dreg:$0x18] =	wrdreg s18  }
0x1d: {  	s20 =	sadd.s32 $0x580, s8;
	[dreg:$0x19] =	wrdreg s19  }
0x1e: {  	s21 =	sadd.s32 $0xFE400, s8;
	[dreg:$0x1a] =	wrdreg s20  }
0x1f: {  	s22 =	sadd.s32 $0x600, s8;
	s2 =	simm.s32 $0x8000;
	[dreg:$0x1b] =	wrdreg s21  }
0x20: {  	v1 =	vlaneseq.u32;
	[dreg:$0x1c] =	wrdreg s22;
	s23 =	sadd.s32 $0xFE480, s8;
	s24 =	sadd.s32 $0x680, s8  }
0x21: {  	v0 =	vand.u32 $0x7, v1;
	s25 =	sadd.s32 $0xFE500, s8;
	s26 =	sadd.s32 $0x700, s8;
	[dreg:$0x1d] =	wrdreg s23  }
0x22: {  	v0 =	vmul.u32 $0x80, v0;
	s28 =	sadd.s32 $0xFE580, s8;
	s29 =	sadd.s32 $0x780, s8;
	[dreg:$0x1e] =	wrdreg s24  }
0x23: {  	v1 =	vmul.u32 $0x100, v1;
	s30 =	sadd.s32 $0xFE600, s8;
	s31 =	sor.u32 $0x10, s4;
	[dreg:$0x1f] =	wrdreg s25  }
.Ltmp0:
0x24: {  	v2 =	vor.u32 $0x1, v0;
	v3 =	vor.u32 $0x2, v0;
	v4 =	vor.u32 $0x3, v0;
	s16 =	sor.u32 $0x18, s4;
	[smem:$0x7F9] =	sst s26;
	(pc) =	sbr.rel .LBB2_1-.Ltmp0, $4  }
0x25: {  	v5 =	vor.u32 $0x4, v0;
	v6 =	vor.u32 $0x5, v0;
	v7 =	vor.u32 $0x6, v0;
	s8 =	simm.s32 $0x2;
	s12 =	simm.s32 $0x15800;
	[smem:$0x7FA] =	sst s28  }
0x26: {  	v8 =	vor.u32 $0x7, v0;
	v9 =	vor.u32 $0x8, v0;
	v10 =	vor.u32 $0x9, v0;
	s13 =	simm.s32 $0x16000;
	s14 =	simm.s32 $0x16800;
	[smem:$0x7FB] =	sst s29  }
0x27: {  	v11 =	vor.u32 $0xA, v0;
	v12 =	vor.u32 $0xB, v0;
	v13 =	vor.u32 $0xC, v0;
	s6 =	simm.s32 $0x17000;
	s17 =	simm.s32 $0x17800;
	[smem:$0x7FC] =	sst s30  }
0x28: {  	v14 =	vor.u32 $0xD, v0;
	v15 =	vor.u32 $0xE, v0;
	v16 =	vor.u32 $0xF, v0;
	s10 =	simm.s32 $0x0;
	[smem:$0x7FD] =	sst s31;
	s24 =	simm.s32 $0x1  }
.LBB2_14:
0x29: {  	s0 =	simm.s32 $0x3  }
0x2a: {  	_ =	swait.ge [sflag:s0], $0x800  }
0x2b: {  	[sflag:s0] =	ssyncset.done $0x0  }
0x2c: {  	[sflag:s0] =	ssyncadd.s32 $0xFFFFF800  }
0x2d: {  	_ =	swait.ge [sflag:s0], $0x800  }
0x2e: {  	[sflag:s0] =	ssyncset.done $0x0  }
0x2f: {  	[sflag:s0] =	ssyncadd.s32 $0xFFFFF800  }
0x30: {  	_ =	swait.ge [sflag:s0], $0x800  }
0x31: {  	[sflag:s0] =	ssyncset.done $0x0  }
0x32: {  	[sflag:s0] =	ssyncadd.s32 $0xFFFFF800  }
0x33: {  	_ =	swait.ge [sflag:s0], $0x800  }
0x34: {  	[sflag:s0] =	ssyncset.done $0x0  }
0x35: {  	[sflag:s0] =	ssyncadd.s32 $0xFFFFF800  }
0x36: {  	_ =	swait.ge [sflag:s0], $0x800  }
0x37: {  	[sflag:s0] =	ssyncset.done $0x0  }
0x38: {  	[sflag:s0] =	ssyncadd.s32 $0xFFFFF800  }
0x39: {  	_ =	swait.ge [sflag:s0], $0x800  }
0x3a: {  	[sflag:s0] =	ssyncset.done $0x0  }
0x3b: {  	[sflag:s0] =	ssyncadd.s32 $0xFFFFF800  }
0x3c: {  	_ =	swait.ge [sflag:s0], $0x800  }
0x3d: {  	[sflag:s0] =	ssyncset.done $0x0  }
0x3e: {  	[sflag:s0] =	ssyncadd.s32 $0xFFFFF800  }
0x3f: {  	_ =	swait.ge [sflag:s0], $0x800  }
0x40: {  	[sflag:s0] =	ssyncset.done $0x0  }
0x41: {  	s9 =	simm.s32 $0x4;
	[sflag:s0] =	ssyncadd.s32 $0xFFFFF800  }
0x42: {  	_ =	swait.ge [sflag:s9], $0x800  }
0x43: {  	[sflag:s9] =	ssyncset.done $0x0  }
0x44: {  	[sflag:s9] =	ssyncadd.s32 $0xFFFFF800  }
0x45: {  	_ =	swait.ge [sflag:s9], $0x800  }
0x46: {  	[sflag:s9] =	ssyncset.done $0x0  }
0x47: {  	[sflag:s9] =	ssyncadd.s32 $0xFFFFF800  }
0x48: {  	_ =	swait.ge [sflag:s9], $0x800  }
0x49: {  	[sflag:s9] =	ssyncset.done $0x0  }
0x4a: {  	[sflag:s9] =	ssyncadd.s32 $0xFFFFF800  }
0x4b: {  	_ =	swait.ge [sflag:s9], $0x800  }
0x4c: {  	[sflag:s9] =	ssyncset.done $0x0  }
0x4d: {  	[sflag:s9] =	ssyncadd.s32 $0xFFFFF800  }
0x4e: {  	_ =	swait.ge [sflag:s9], $0x800  }
0x4f: {  	[sflag:s9] =	ssyncset.done $0x0  }
0x50: {  	[sflag:s9] =	ssyncadd.s32 $0xFFFFF800  }
0x51: {  	_ =	swait.ge [sflag:s9], $0x800  }
0x52: {  	[sflag:s9] =	ssyncset.done $0x0  }
0x53: {  	[sflag:s9] =	ssyncadd.s32 $0xFFFFF800  }
0x54: {  	_ =	swait.ge [sflag:s9], $0x800  }
0x55: {  	[sflag:s9] =	ssyncset.done $0x0  }
0x56: {  	[sflag:s9] =	ssyncadd.s32 $0xFFFFF800  }
0x57: {  	_ =	swait.ge [sflag:s9], $0x800  }
0x58: {  	s10 =	sld [smem:$0x7F8];
	_ =	sdelay $0x2  }
0x59: {  	s31 =	rddreg [dreg:$0x15];
	s10 =	sadd.s32 $0x1, s10  }
0x5a: {  	p0 =	sne.s32 s10, s31  }
.Ltmp1:
0x5b: {  	_ = 	snop;
	(pc) =	sbr.rel @!p0 .LBB2_15-.Ltmp1, $3  }
0x5c: {  	_ =	sdelay $0x1  }
0x5d: {  	[sflag:s9] =	ssyncset.done $0x0  }
0x5e: {  	[sflag:s9] =	ssyncadd.s32 $0xFFFFF800  }
.LBB2_1:
0x5f: {  	[smem:$0x7F8] =	sst s10  }
0x60: {  	s0 =	rddreg [dreg:$0x3]  }
0x61: {  	s15 =	rddreg [dreg:$0x4]  }
0x62: {  	[tilespmem:s3], [sflag:$0x1] =	stream.linear.gather [hbm4b:s0+s3], $0x400, $0x38;
	[tilespmem:$0x18000] =	vst v63  }
0x63: {  	s9 =	simm.s32 $0x800;
	s18 =	rddreg [dreg:$0x5]  }
0x64: {  	[tilespmem:s9], [sflag:$0x1] =	stream.linear.gather [hbm4b:s15+s3], $0x400, $0x38;
	[tilespmem:$0x18000] =	vst v63  }
0x65: {  	s19 =	simm.s32 $0x1000;
	s20 =	rddreg [dreg:$0x6]  }
0x66: {  	[tilespmem:s19], [sflag:$0x1] =	stream.linear.gather [hbm4b:s18+s3], $0x400, $0x38;
	[tilespmem:$0x18000] =	vst v63  }
0x67: {  	s21 =	simm.s32 $0x1800;
	s22 =	rddreg [dreg:$0x7]  }
0x68: {  	[tilespmem:s21], [sflag:$0x1] =	stream.linear.gather [hbm4b:s20+s3], $0x400, $0x38;
	[tilespmem:$0x18000] =	vst v63  }
0x69: {  	s23 =	simm.s32 $0x2000;
	s25 =	rddreg [dreg:$0x8]  }
0x6a: {  	[tilespmem:s23], [sflag:$0x1] =	stream.linear.gather [hbm4b:s22+s3], $0x400, $0x38;
	[tilespmem:$0x18000] =	vst v63  }
0x6b: {  	s26 =	simm.s32 $0x2800;
	s28 =	rddreg [dreg:$0x9]  }
0x6c: {  	[tilespmem:s26], [sflag:$0x1] =	stream.linear.gather [hbm4b:s25+s3], $0x400, $0x38;
	[tilespmem:$0x18000] =	vst v63  }
0x6d: {  	s29 =	simm.s32 $0x3000;
	s30 =	rddreg [dreg:$0xa]  }
0x6e: {  	[tilespmem:s29], [sflag:$0x1] =	stream.linear.gather [hbm4b:s28+s3], $0x400, $0x38;
	[tilespmem:$0x18000] =	vst v63  }
0x6f: {  	s31 =	simm.s32 $0x3800;
	s11 =	rddreg [dreg:$0xc]  }
0x70: {  	[tilespmem:s31], [sflag:$0x1] =	stream.linear.gather [hbm4b:s30+s3], $0x400, $0x38;
	[tilespmem:$0x18000] =	vst v63  }
0x71: {  	s10 =	simm.s32 $0x4000;
	s9 =	rddreg [dreg:$0xb]  }
0x72: {  	[tilespmem:s10], [sflag:$0x1] =	stream.linear.gather [hbm4b:s9+s3], $0x400, $0x38;
	[tilespmem:$0x18000] =	vst v63  }
0x73: {  	s15 =	simm.s32 $0x4800;
	s18 =	rddreg [dreg:$0xd]  }
0x74: {  	[tilespmem:s15], [sflag:$0x1] =	stream.linear.gather [hbm4b:s11+s3], $0x400, $0x38;
	[tilespmem:$0x18000] =	vst v63  }
0x75: {  	s19 =	simm.s32 $0x5000;
	s20 =	rddreg [dreg:$0xe]  }
0x76: {  	[tilespmem:s19], [sflag:$0x1] =	stream.linear.gather [hbm4b:s18+s3], $0x400, $0x38;
	[tilespmem:$0x18000] =	vst v63  }
0x77: {  	s21 =	simm.s32 $0x5800;
	s22 =	rddreg [dreg:$0xf]  }
0x78: {  	[tilespmem:s21], [sflag:$0x1] =	stream.linear.gather [hbm4b:s20+s3], $0x400, $0x38;
	[tilespmem:$0x18000] =	vst v63  }
0x79: {  	s23 =	simm.s32 $0x6000;
	s25 =	rddreg [dreg:$0x10]  }
0x7a: {  	[tilespmem:s23], [sflag:$0x1] =	stream.linear.gather [hbm4b:s22+s3], $0x400, $0x38;
	[tilespmem:$0x18000] =	vst v63  }
0x7b: {  	s26 =	simm.s32 $0x6800;
	s28 =	rddreg [dreg:$0x11]  }
0x7c: {  	[tilespmem:s26], [sflag:$0x1] =	stream.linear.gather [hbm4b:s25+s3], $0x400, $0x38;
	[tilespmem:$0x18000] =	vst v63  }
0x7d: {  	s29 =	simm.s32 $0x7000;
	s30 =	rddreg [dreg:$0x12]  }
0x7e: {  	[tilespmem:s29], [sflag:$0x1] =	stream.linear.gather [hbm4b:s28+s3], $0x400, $0x38;
	[tilespmem:$0x18000] =	vst v63  }
0x7f: {  	s31 =	simm.s32 $0x7800;
	s10 =	rddreg [dreg:$0x13]  }
0x80: {  	[tilespmem:s31], [sflag:$0x1] =	stream.linear.gather [hbm4b:s30+s3], $0x400, $0x38;
	[tilespmem:$0x18000] =	vst v63  }
0x81: {  	s9 =	rddreg [dreg:$0x1c]  }
0x82: {  	[tilespmem:s2], [sflag:$0x2] =	stream.linear.gather [hbm4b:s10+s3], $0x400, $0x38;
	[tilespmem:$0x18000] =	vst v63  }
0x83: {  	s11 =	rddreg [dreg:$0x14];
	s15 =	simm.s32 $0x8800  }
0x84: {  	[tilespmem:s15], [sflag:$0x2] =	stream.linear.gather [hbm4b:s11+s3], $0x400, $0x38;
	[tilespmem:$0x18000] =	vst v63  }
0x85: {  	s18 =	rddreg [dreg:$0x16];
	s19 =	simm.s32 $0x9000  }
0x86: {  	[tilespmem:s19], [sflag:$0x2] =	stream.linear.gather [hbm4b:s18+s3], $0x400, $0x38;
	[tilespmem:$0x18000] =	vst v63  }
0x87: {  	s20 =	rddreg [dreg:$0x17];
	s21 =	simm.s32 $0x9800  }
0x88: {  	[tilespmem:s21], [sflag:$0x2] =	stream.linear.gather [hbm4b:s20+s3], $0x400, $0x38;
	[tilespmem:$0x18000] =	vst v63  }
0x89: {  	s22 =	rddreg [dreg:$0x18];
	s23 =	simm.s32 $0xA000  }
0x8a: {  	[tilespmem:s23], [sflag:$0x2] =	stream.linear.gather [hbm4b:s22+s3], $0x400, $0x38;
	[tilespmem:$0x18000] =	vst v63  }
0x8b: {  	s25 =	rddreg [dreg:$0x19];
	s26 =	simm.s32 $0xA800  }
0x8c: {  	[tilespmem:s26], [sflag:$0x2] =	stream.linear.gather [hbm4b:s25+s3], $0x400, $0x38;
	[tilespmem:$0x18000] =	vst v63  }
0x8d: {  	s28 =	rddreg [dreg:$0x1a];
	s29 =	simm.s32 $0xB000  }
0x8e: {  	[tilespmem:s29], [sflag:$0x2] =	stream.linear.gather [hbm4b:s28+s3], $0x400, $0x38;
	[tilespmem:$0x18000] =	vst v63  }
0x8f: {  	s30 =	rddreg [dreg:$0x1b];
	s31 =	simm.s32 $0xB800  }
0x90: {  	[tilespmem:s31], [sflag:$0x2] =	stream.linear.gather [hbm4b:s30+s3], $0x400, $0x38;
	[tilespmem:$0x18000] =	vst v63  }
0x91: {  	s10 =	simm.s32 $0xC000;
	s11 =	rddreg [dreg:$0x1d]  }
0x92: {  	[tilespmem:s10], [sflag:$0x2] =	stream.linear.gather [hbm4b:s9+s3], $0x400, $0x38;
	[tilespmem:$0x18000] =	vst v63  }
0x93: {  	s15 =	simm.s32 $0xC800;
	s18 =	rddreg [dreg:$0x1e]  }
0x94: {  	[tilespmem:s15], [sflag:$0x2] =	stream.linear.gather [hbm4b:s11+s3], $0x400, $0x38;
	[tilespmem:$0x18000] =	vst v63  }
0x95: {  	s19 =	simm.s32 $0xD000;
	s20 =	rddreg [dreg:$0x1f]  }
0x96: {  	[tilespmem:s19], [sflag:$0x2] =	stream.linear.gather [hbm4b:s18+s3], $0x400, $0x38;
	[tilespmem:$0x18000] =	vst v63  }
0x97: {  	s21 =	simm.s32 $0xD800;
	s22 =	sld [smem:$0x7F9]  }
0x98: {  	[tilespmem:s21], [sflag:$0x2] =	stream.linear.gather [hbm4b:s20+s3], $0x400, $0x38;
	[tilespmem:$0x18000] =	vst v63  }
0x99: {  	s23 =	simm.s32 $0xE000;
	s25 =	sld [smem:$0x7FA]  }
0x9a: {  	[tilespmem:s23], [sflag:$0x2] =	stream.linear.gather [hbm4b:s22+s3], $0x400, $0x38;
	[tilespmem:$0x18000] =	vst v63  }
0x9b: {  	s26 =	simm.s32 $0xE800;
	s28 =	sld [smem:$0x7FB]  }
0x9c: {  	[tilespmem:s26], [sflag:$0x2] =	stream.linear.gather [hbm4b:s25+s3], $0x400, $0x38;
	[tilespmem:$0x18000] =	vst v63  }
0x9d: {  	s29 =	simm.s32 $0xF000;
	s30 =	sld [smem:$0x7FC]  }
0x9e: {  	[tilespmem:s29], [sflag:$0x2] =	stream.linear.gather [hbm4b:s28+s3], $0x400, $0x38;
	[tilespmem:$0x18000] =	vst v63  }
0x9f: {  	s31 =	simm.s32 $0xF800;
	s18 =	simm.s32 $0x0  }
0xa0: {  	[tilespmem:s31], [sflag:$0x2] =	stream.linear.gather [hbm4b:s30+s3], $0x400, $0x38;
	[tilespmem:$0x18000] =	vst v63  }
.LBB2_2:
0xa1: {  	_ =	swait.ge [sflag:s24], $0x400  }
0xa2: {  	[sflag:s24] =	ssyncset.done $0x0  }
0xa3: {  	[sflag:s24] =	ssyncadd.s32 $0xFFFFFC00  }
0xa4: {  	_ =	swait.ge [sflag:s24], $0x400  }
0xa5: {  	[sflag:s24] =	ssyncset.done $0x0  }
0xa6: {  	[sflag:s24] =	ssyncadd.s32 $0xFFFFFC00  }
0xa7: {  	_ =	swait.ge [sflag:s24], $0x400  }
0xa8: {  	[sflag:s24] =	ssyncset.done $0x0  }
0xa9: {  	[sflag:s24] =	ssyncadd.s32 $0xFFFFFC00  }
0xaa: {  	_ =	swait.ge [sflag:s24], $0x400  }
0xab: {  	[sflag:s24] =	ssyncset.done $0x0  }
0xac: {  	[sflag:s24] =	ssyncadd.s32 $0xFFFFFC00  }
0xad: {  	_ =	swait.ge [sflag:s24], $0x400  }
0xae: {  	[sflag:s24] =	ssyncset.done $0x0  }
0xaf: {  	[sflag:s24] =	ssyncadd.s32 $0xFFFFFC00  }
0xb0: {  	_ =	swait.ge [sflag:s24], $0x400  }
0xb1: {  	[sflag:s24] =	ssyncset.done $0x0  }
0xb2: {  	[sflag:s24] =	ssyncadd.s32 $0xFFFFFC00  }
0xb3: {  	_ =	swait.ge [sflag:s24], $0x400  }
0xb4: {  	[sflag:s24] =	ssyncset.done $0x0  }
0xb5: {  	[sflag:s24] =	ssyncadd.s32 $0xFFFFFC00  }
0xb6: {  	_ =	swait.ge [sflag:s24], $0x400  }
0xb7: {  	[sflag:s24] =	ssyncset.done $0x0  }
0xb8: {  	[sflag:s24] =	ssyncadd.s32 $0xFFFFFC00  }
0xb9: {  	_ =	swait.ge [sflag:s24], $0x400  }
0xba: {  	[sflag:s24] =	ssyncset.done $0x0  }
0xbb: {  	[sflag:s24] =	ssyncadd.s32 $0xFFFFFC00  }
0xbc: {  	_ =	swait.ge [sflag:s24], $0x400  }
0xbd: {  	[sflag:s24] =	ssyncset.done $0x0  }
0xbe: {  	[sflag:s24] =	ssyncadd.s32 $0xFFFFFC00  }
0xbf: {  	_ =	swait.ge [sflag:s24], $0x400  }
0xc0: {  	[sflag:s24] =	ssyncset.done $0x0  }
0xc1: {  	[sflag:s24] =	ssyncadd.s32 $0xFFFFFC00  }
0xc2: {  	_ =	swait.ge [sflag:s24], $0x400  }
0xc3: {  	[sflag:s24] =	ssyncset.done $0x0  }
0xc4: {  	[sflag:s24] =	ssyncadd.s32 $0xFFFFFC00  }
0xc5: {  	_ =	swait.ge [sflag:s24], $0x400  }
0xc6: {  	[sflag:s24] =	ssyncset.done $0x0  }
0xc7: {  	[sflag:s24] =	ssyncadd.s32 $0xFFFFFC00  }
0xc8: {  	_ =	swait.ge [sflag:s24], $0x400  }
0xc9: {  	[sflag:s24] =	ssyncset.done $0x0  }
0xca: {  	[sflag:s24] =	ssyncadd.s32 $0xFFFFFC00  }
0xcb: {  	_ =	swait.ge [sflag:s24], $0x400  }
0xcc: {  	[sflag:s24] =	ssyncset.done $0x0  }
0xcd: {  	[sflag:s24] =	ssyncadd.s32 $0xFFFFFC00  }
0xce: {  	_ =	swait.ge [sflag:s24], $0x400  }
0xcf: {  	p0 =	seq.s32 s18, $0x0;
	[sflag:s24] =	ssyncset.done $0x0  }
0xd0: {  	s0 =	simm.s32 @!p0 $0x3;
	[sflag:s24] =	ssyncadd.s32 $0xFFFFFC00  }
0xd1: {  	_ =	swait.ge @!p0 [sflag:s0], $0x800  }
0xd2: {  	[sflag:s0] =	ssyncset.done @!p0 $0x0  }
0xd3: {  	[sflag:s0] =	ssyncadd.s32 @!p0 $0xFFFFF800  }
0xd4: {  	_ =	swait.ge @!p0 [sflag:s0], $0x800  }
0xd5: {  	[sflag:s0] =	ssyncset.done @!p0 $0x0  }
0xd6: {  	[sflag:s0] =	ssyncadd.s32 @!p0 $0xFFFFF800  }
0xd7: {  	_ =	swait.ge @!p0 [sflag:s0], $0x800  }
0xd8: {  	[sflag:s0] =	ssyncset.done @!p0 $0x0  }
0xd9: {  	[sflag:s0] =	ssyncadd.s32 @!p0 $0xFFFFF800  }
0xda: {  	_ =	swait.ge @!p0 [sflag:s0], $0x800  }
0xdb: {  	[sflag:s0] =	ssyncset.done @!p0 $0x0  }
0xdc: {  	[sflag:s0] =	ssyncadd.s32 @!p0 $0xFFFFF800  }
0xdd: {  	_ =	swait.ge @!p0 [sflag:s0], $0x800  }
0xde: {  	[sflag:s0] =	ssyncset.done @!p0 $0x0  }
0xdf: {  	s19 =	sshll.u32 s18, $0x4;
	[sflag:s0] =	ssyncadd.s32 @!p0 $0xFFFFF800  }
0xe0: {  	s31 =	simm.s32 $0x0;
	s20 =	sor.u32 s4, s19;
	_ =	swait.ge @!p0 [sflag:s0], $0x800  }
0xe1: {  	s9 =	sor.u32 $0x1, s20;
	s26 =	smin.u32 s20, $0x1FBC;
	[sflag:s0] =	ssyncset.done @!p0 $0x0  }
0xe2: {  	s25 =	sor.u32 $0x2, s20;
	s10 =	sor.u32 $0x3, s20;
	[sflag:s0] =	ssyncadd.s32 @!p0 $0xFFFFF800  }
0xe3: {  	s11 =	sor.u32 $0x5, s20;
	s15 =	sor.u32 $0x6, s20;
	_ =	swait.ge @!p0 [sflag:s0], $0x800  }
0xe4: {  	s21 =	smin.u32 s9, $0x1FBC;
	s28 =	smin.u32 s25, $0x1FBC;
	[sflag:s0] =	ssyncset.done @!p0 $0x0  }
0xe5: {  	s22 =	smin.u32 s10, $0x1FBC;
	s10 =	sor.u32 $0x4, s20;
	[sflag:s0] =	ssyncadd.s32 @!p0 $0xFFFFF800  }
0xe6: {  	s23 =	smin.u32 s11, $0x1FBC;
	s25 =	sor.u32 $0x7, s20;
	_ =	swait.ge @!p0 [sflag:s0], $0x800  }
0xe7: {  	s30 =	smin.u32 s15, $0x1FBC;
	s29 =	smin.u32 s10, $0x1FBC;
	[sflag:s0] =	ssyncset.done @!p0 $0x0  }
0xe8: {  	s25 =	smin.u32 s25, $0x1FBC;
	s10 =	simm.s32 $0x10080;
	[sflag:s0] =	ssyncadd.s32 @!p0 $0xFFFFF800  }
.LBB2_3:
0xe9: {  	s0 =	sshll.u32 s31, $0x4  }
0xea: {  	v17 =	vmov s0  }
0xeb: {  	v18 =	vimm.s32 $0x0;
	v17 =	vshll.u32 v17, $0x8  }
0xec: {  	v19 =	vshll.u32 v18, $0x3;
	v17 =	vor.u32 v1, v17  }
0xed: {  	v19 =	vand.u32 $0xFFFFFC00, v19;
	v17 =	vand.u32 $0x7800, v17  }
0xee: {  	v20 =	vand.u32 $0x70, v18;
	v19 =	vadd.s32 v17, v19  }
0xef: {  	v19 =	vor.u32 v20, v19  }
0xf0: {  	v20 =	vor.u32 v16, v19  }
0xf1: {  	v21 =	vor.u32 v15, v19  }
0xf2: {  	v22 =	vor.u32 v14, v19  }
0xf3: {  	v23 =	vor.u32 v13, v19  }
0xf4: {  	v24 =	vor.u32 v12, v19  }
0xf5: {  	v25 =	vor.u32 v11, v19;
	v20 =	vld.idx.msk [tilespmem:v20+s3+$0x0], $0xffff  }
0xf6: {  	v26 =	vor.u32 v10, v19;
	v21 =	vld.idx.msk [tilespmem:v21+s3+$0x0], $0xffff  }
0xf7: {  	v30 =	vor.u32 v6, v19;
	v22 =	vld.idx.msk [tilespmem:v22+s3+$0x0], $0xffff  }
0xf8: {  	v27 =	vor.u32 v9, v19;
	v23 =	vld.idx.msk [tilespmem:v23+s3+$0x0], $0xffff  }
0xf9: {  	v28 =	vor.u32 v8, v19;
	v24 =	vld.idx.msk [tilespmem:v24+s3+$0x0], $0xffff  }
0xfa: {  	v29 =	vor.u32 v7, v19;
	v25 =	vld.idx.msk [tilespmem:v25+s3+$0x0], $0xffff  }
0xfb: {  	v32 =	vor.u32 v0, v19;
	v26 =	vld.idx.msk [tilespmem:v26+s3+$0x0], $0xffff  }
0xfc: {  	v34 =	vadd.s32 $0x10, v18;
	v30 =	vld.idx.msk [tilespmem:v30+s3+$0x0], $0xffff  }
0xfd: {  	v31 =	vor.u32 v5, v19;
	[tilespmem:s10+$0x70] =	vst v20;
	v20 =	vld.idx.msk [tilespmem:v27+s3+$0x0], $0xffff;
	v27 =	vshll.u32 v34, $0x3  }
0xfe: {  	v18 =	vor.u32 v2, v19;
	[tilespmem:s10+$0x60] =	vst v21;
	v21 =	vld.idx.msk [tilespmem:v28+s3+$0x0], $0xffff;
	v27 =	vand.u32 $0xFFFFFC00, v27  }
0xff: {  	v28 =	vor.u32 v4, v19;
	[tilespmem:s10+$0x50] =	vst v22;
	v22 =	vld.idx.msk [tilespmem:v29+s3+$0x0], $0xffff;
	v29 =	vand.u32 $0x70, v34;
	v27 =	vadd.s32 v17, v27  }
0x100: {  	v32 =	vld.idx.msk [tilespmem:v32+s3+$0x0], $0xffff;
	v19 =	vor.u32 v3, v19;
	[tilespmem:s10+$0x40] =	vst v23;
	v27 =	vor.u32 v29, v27  }
0x101: {  	[tilespmem:s10+$0x30] =	vst v24;
	v24 =	vor.u32 v16, v27  }
0x102: {  	[tilespmem:s10+$0x20] =	vst v25;
	v29 =	vld.idx.msk [tilespmem:v31+s3+$0x0], $0xffff;
	v25 =	vor.u32 v15, v27  }
0x103: {  	[tilespmem:s10+$0x10] =	vst v26;
	v31 =	vld.idx.msk [tilespmem:v18+s3+$0x0], $0xffff;
	v18 =	vor.u32 v14, v27  }
0x104: {  	[tilespmem:s10+$0xFFFFFFD0] =	vst v30;
	v33 =	vor.u32 v11, v27;
	v28 =	vld.idx.msk [tilespmem:v28+s3+$0x0], $0xffff  }
0x105: {  	[tilespmem:s10+$0xFFFFFF80] =	vst v32;
	v26 =	vor.u32 v13, v27;
	v23 =	vld.idx.msk [tilespmem:v19+s3+$0x0], $0xffff  }
0x106: {  	v36 =	vor.u32 v10, v27;
	[tilespmem:s10+$0x0] =	vst v20;
	v35 =	vld.idx.msk [tilespmem:v24+s3+$0x0], $0xffff  }
0x107: {  	v20 =	vor.u32 v12, v27;
	[tilespmem:s10+$0xFFFFFFF0] =	vst v21;
	v37 =	vld.idx.msk [tilespmem:v25+s3+$0x0], $0xffff  }
0x108: {  	v38 =	vor.u32 v9, v27;
	[tilespmem:s10+$0xFFFFFFC0] =	vst v29;
	v29 =	vld.idx.msk [tilespmem:v18+s3+$0x0], $0xffff  }
0x109: {  	[tilespmem:s10+$0xFFFFFFB0] =	vst v28;
	v28 =	vld.idx.msk [tilespmem:v33+s3+$0x0], $0xffff;
	v33 =	vor.u32 v8, v27  }
0x10a: {  	v30 =	vor.u32 v7, v27;
	[tilespmem:s10+$0xFFFFFFE0] =	vst v22;
	v24 =	vld.idx.msk [tilespmem:v26+s3+$0x0], $0xffff  }
0x10b: {  	s11 =	sadd.s32 $0x100, s10;
	v32 =	vor.u32 v5, v27;
	[tilespmem:s10+$0xFFFFFF90] =	vst v31;
	v31 =	vor.u32 v6, v27;
	v25 =	vld.idx.msk [tilespmem:v36+s3+$0x0], $0xffff  }
0x10c: {  	v19 =	vor.u32 v0, v27;
	v21 =	vor.u32 v2, v27;
	v26 =	vld.idx.msk [tilespmem:v20+s3+$0x0], $0xffff;
	[tilespmem:s11+$0x70] =	vst v35  }
0x10d: {  	s9 =	simm.s32 $0x10;
	s15 =	smov.u32 s11;
	s0 =	smov.u32 s10;
	v22 =	vadd.s32 $0x10, v34;
	v18 =	vor.u32 v4, v27;
	v20 =	vor.u32 v3, v27;
	v27 =	vld.idx.msk [tilespmem:v38+s3+$0x0], $0xffff;
	[tilespmem:s11+$0x60] =	vst v37  }
.LBB2_4:
0x10e: {  	v34 =	vshll.u32 v22, $0x3;
	s9 =	sadd.s32 $0x10, s9;
	v33 =	vld.idx.msk [tilespmem:v33+s3+$0x0], $0xffff;
	[tilespmem:s11+$0x50] =	vst v29;
	s15 =	sadd.s32 $0x100, s15  }
0x10f: {  	v29 =	vand.u32 $0xFFFFFC00, v34;
	p1 =	slt.u32 s9, $0x70;
	v30 =	vld.idx.msk [tilespmem:v30+s3+$0x0], $0xffff;
	[tilespmem:s0+$0xFFFFFFA0] =	vst v23;
	s0 =	smov.u32 s11;
	s11 =	smov.u32 s15  }
0x110: {  	v23 =	vand.u32 $0x70, v22;
	v29 =	vadd.s32 v17, v29;
	v31 =	vld.idx.msk [tilespmem:v31+s3+$0x0], $0xffff;
	[tilespmem:s0+$0x40] =	vst v24  }
0x111: {  	v34 =	vor.u32 v23, v29;
	v24 =	vld.idx.msk [tilespmem:v32+s3+$0x0], $0xffff;
	[tilespmem:s0+$0x30] =	vst v26  }
0x112: {  	v23 =	vor.u32 v0, v34;
	v26 =	vor.u32 v4, v34;
	v29 =	vor.u32 v16, v34;
	[tilespmem:s0+$0x20] =	vst v28  }
0x113: {  	v28 =	vor.u32 v3, v34;
	v32 =	vor.u32 v15, v34;
	v35 =	vld.idx.msk [tilespmem:v21+s3+$0x0], $0xffff;
	v21 =	vor.u32 v2, v34  }
0x114: {  	v36 =	vor.u32 v14, v34;
	v37 =	vld.idx.msk [tilespmem:v19+s3+$0x0], $0xffff;
	[tilespmem:s0+$0x10] =	vst v25;
	v19 =	vmov v23  }
0x115: {  	v25 =	vor.u32 v13, v34;
	v38 =	vld.idx.msk [tilespmem:v18+s3+$0x0], $0xffff;
	[tilespmem:s0+$0x0] =	vst v27;
	v18 =	vmov v26  }
0x116: {  	v26 =	vor.u32 v12, v34;
	v23 =	vld.idx.msk [tilespmem:v20+s3+$0x0], $0xffff;
	[tilespmem:s0+$0xFFFFFFF0] =	vst v33;
	v20 =	vmov v28  }
0x117: {  	v27 =	vor.u32 v11, v34;
	v39 =	vld.idx.msk [tilespmem:v29+s3+$0x0], $0xffff;
	[tilespmem:s0+$0xFFFFFFC0] =	vst v24  }
0x118: {  	v40 =	vor.u32 v10, v34;
	v41 =	vld.idx.msk [tilespmem:v32+s3+$0x0], $0xffff;
	[tilespmem:s0+$0xFFFFFFD0] =	vst v31  }
0x119: {  	v42 =	vor.u32 v9, v34;
	v29 =	vld.idx.msk [tilespmem:v36+s3+$0x0], $0xffff;
	[tilespmem:s0+$0xFFFFFFE0] =	vst v30  }
.Ltmp2:
0x11a: {  	v33 =	vor.u32 v8, v34;
	v24 =	vld.idx.msk [tilespmem:v25+s3+$0x0], $0xffff;
	[tilespmem:s0+$0xFFFFFF80] =	vst v37;
	(pc) =	sbr.rel @p1 .LBB2_4-.Ltmp2, $4  }
0x11b: {  	v30 =	vor.u32 v7, v34;
	v26 =	vld.idx.msk [tilespmem:v26+s3+$0x0], $0xffff;
	[tilespmem:s0+$0xFFFFFFB0] =	vst v38  }
0x11c: {  	v31 =	vor.u32 v6, v34;
	v28 =	vld.idx.msk [tilespmem:v27+s3+$0x0], $0xffff;
	[tilespmem:s0+$0xFFFFFF90] =	vst v35  }
0x11d: {  	v32 =	vor.u32 v5, v34;
	v25 =	vld.idx.msk [tilespmem:v40+s3+$0x0], $0xffff;
	[tilespmem:s15+$0x70] =	vst v39  }
0x11e: {  	v22 =	vadd.s32 $0x10, v22;
	v27 =	vld.idx.msk [tilespmem:v42+s3+$0x0], $0xffff;
	[tilespmem:s15+$0x60] =	vst v41  }
0x11f: {  	_ =	sdelay $0x1  }
0x120: {  	[tilespmem:s11+$0x50] =	vst v29  }
0x121: {  	[tilespmem:s0+$0xFFFFFFA0] =	vst v23  }
0x122: {  	v17 =	vld.idx.msk [tilespmem:v33+s3+$0x0], $0xffff;
	[tilespmem:s11+$0x40] =	vst v24  }
0x123: {  	v22 =	vld.idx.msk [tilespmem:v32+s3+$0x0], $0xffff;
	[tilespmem:s11+$0x30] =	vst v26  }
0x124: {  	v62 =	vld.idx.msk [tilespmem:v31+s3+$0x0], $0xffff;
	[tilespmem:s11+$0x20] =	vst v28  }
0x125: {  	v63 =	vld.idx.msk [tilespmem:v30+s3+$0x0], $0xffff;
	[tilespmem:s11+$0x10] =	vst v25  }
0x126: {  	v19 =	vld.idx.msk [tilespmem:v19+s3+$0x0], $0xffff;
	[tilespmem:s11+$0x0] =	vst v27  }
0x127: {  	v18 =	vld.idx.msk [tilespmem:v18+s3+$0x0], $0xffff;
	[tilespmem:s11+$0xFFFFFFF0] =	vst v17  }
0x128: {  	v20 =	vld.idx.msk [tilespmem:v20+s3+$0x0], $0xffff;
	s31 =	sadd.s32 $0x1, s31;
	[tilespmem:s11+$0xFFFFFFC0] =	vst v22  }
0x129: {  	p1 =	sne.s32 s31, $0x8;
	v17 =	vld.idx.msk [tilespmem:v21+s3+$0x0], $0xffff;
	[tilespmem:s11+$0xFFFFFFD0] =	vst v62  }
.Ltmp3:
0x12a: {  	[tilespmem:s11+$0xFFFFFFE0] =	vst v63;
	(pc) =	sbr.rel @p1 .LBB2_3-.Ltmp3, $4  }
0x12b: {  	[tilespmem:s11+$0xFFFFFF80] =	vst v19  }
0x12c: {  	[tilespmem:s11+$0xFFFFFFB0] =	vst v18  }
0x12d: {  	[tilespmem:s11+$0xFFFFFFA0] =	vst v20  }
0x12e: {  	s10 =	sadd.s32 $0x800, s10;
	[tilespmem:s11+$0xFFFFFF90] =	vst v17  }
0x12f: {  	s0 =	sshll.u32 s26, $0x8  }
0x130: {  	s9 =	simm.s32 $0x10000;
	s26 =	sshll.u32 s21, $0x8;
	s0 =	sadd.s32 s5, s0  }
0x131: {  	[hbm4b:s0+s3] =	stream.linear.scatter [tilespmem:s9], [sflag:$0x3], $0x800, $0x38;
	[tilespmem:$0x18000] =	vst v63  }
0x132: {  	s31 =	simm.s32 $0x10800;
	s0 =	sadd.s32 s5, s26;
	s9 =	sshll.u32 s28, $0x8  }
0x133: {  	[hbm4b:s0+s3] =	stream.linear.scatter [tilespmem:s31], [sflag:$0x3], $0x800, $0x38;
	[tilespmem:$0x18000] =	vst v63  }
0x134: {  	s10 =	simm.s32 $0x11000;
	s11 =	sshll.u32 s22, $0x8;
	s0 =	sadd.s32 s5, s9  }
0x135: {  	[hbm4b:s0+s3] =	stream.linear.scatter [tilespmem:s10], [sflag:$0x3], $0x800, $0x38;
	[tilespmem:$0x18000] =	vst v63  }
0x136: {  	s15 =	simm.s32 $0x11800;
	s21 =	sshll.u32 s29, $0x8;
	s0 =	sadd.s32 s5, s11  }
0x137: {  	[hbm4b:s0+s3] =	stream.linear.scatter [tilespmem:s15], [sflag:$0x3], $0x800, $0x38;
	[tilespmem:$0x18000] =	vst v63  }
0x138: {  	s22 =	simm.s32 $0x12000;
	s23 =	sshll.u32 s23, $0x8;
	s0 =	sadd.s32 s5, s21  }
0x139: {  	[hbm4b:s0+s3] =	stream.linear.scatter [tilespmem:s22], [sflag:$0x3], $0x800, $0x38;
	[tilespmem:$0x18000] =	vst v63  }
0x13a: {  	p1 =	seq.s32 s18, $0xF;
	s26 =	simm.s32 $0x12800;
	s0 =	sadd.s32 s5, s23  }
0x13b: {  	[hbm4b:s0+s3] =	stream.linear.scatter [tilespmem:s26], [sflag:$0x3], $0x800, $0x38;
	[tilespmem:$0x18000] =	vst v63  }
.Ltmp4:
0x13c: {  	s28 =	sshll.u32 s30, $0x8;
	(pc) =	sbr.rel @p1 .LBB2_8-.Ltmp4, $4  }
0x13d: {  	s29 =	simm.s32 $0x13000;
	s30 =	sshll.u32 s25, $0x8;
	s0 =	sadd.s32 s5, s28  }
0x13e: {  	[hbm4b:s0+s3] =	stream.linear.scatter [tilespmem:s29], [sflag:$0x3], $0x800, $0x38;
	[tilespmem:$0x18000] =	vst v63  }
0x13f: {  	s31 =	simm.s32 $0x13800;
	s0 =	sadd.s32 s5, s30  }
0x140: {  	[hbm4b:s0+s3] =	stream.linear.scatter [tilespmem:s31], [sflag:$0x3], $0x800, $0x38;
	[tilespmem:$0x18000] =	vst v63  }
0x141: {  	s0 =	sld [smem:$0x7FD];
	_ =	sdelay $0x2  }
0x142: {  	s0 =	sadd.s32 s19, s0  }
0x143: {  	s9 =	smin.u32 s0, $0x1FBC  }
0x144: {  	s9 =	sshll.u32 s9, $0x7  }
0x145: {  	s10 =	sadd.s32 s1, s9  }
0x146: {  	[tilespmem:s3], [sflag:$0x1] =	stream.linear.gather [hbm4b:s10+s3], $0x400, $0x38;
	[tilespmem:$0x18000] =	vst v63  }
0x147: {  	s15 =	simm.s32 $0x800;
	s21 =	sor.u32 $0x1, s0;
	s9 =	sadd.s32 s9, s7  }
0x148: {  	[tilespmem:s15], [sflag:$0x1] =	stream.linear.gather [hbm4b:s9+s3], $0x400, $0x38;
	[tilespmem:$0x18000] =	vst v63  }
0x149: {  	s9 =	smin.u32 s21, $0x1FBC  }
0x14a: {  	s9 =	sshll.u32 s9, $0x7  }
0x14b: {  	s9 =	sand.u32 $0xFFE80, s9  }
0x14c: {  	s22 =	simm.s32 $0x1000;
	s9 =	sadd.s32 s1, s9  }
0x14d: {  	[tilespmem:s22], [sflag:$0x1] =	stream.linear.gather [hbm4b:s9+s3], $0x400, $0x38;
	[tilespmem:$0x18000] =	vst v63  }
0x14e: {  	s23 =	simm.s32 $0x1800;
	s25 =	sor.u32 $0x2, s0;
	s9 =	sadd.s32 $0xFDE80, s9  }
0x14f: {  	[tilespmem:s23], [sflag:$0x1] =	stream.linear.gather [hbm4b:s9+s3], $0x400, $0x38;
	[tilespmem:$0x18000] =	vst v63  }
0x150: {  	s9 =	smin.u32 s25, $0x1FBC  }
0x151: {  	s9 =	sshll.u32 s9, $0x7  }
0x152: {  	s9 =	sand.u32 $0xFFF00, s9  }
0x153: {  	s26 =	simm.s32 $0x2000;
	s9 =	sadd.s32 s1, s9  }
0x154: {  	[tilespmem:s26], [sflag:$0x1] =	stream.linear.gather [hbm4b:s9+s3], $0x400, $0x38;
	[tilespmem:$0x18000] =	vst v63  }
0x155: {  	s28 =	simm.s32 $0x2800;
	s29 =	sor.u32 $0x3, s0;
	s9 =	sadd.s32 $0xFDE80, s9  }
0x156: {  	[tilespmem:s28], [sflag:$0x1] =	stream.linear.gather [hbm4b:s9+s3], $0x400, $0x38;
	[tilespmem:$0x18000] =	vst v63  }
0x157: {  	s9 =	smin.u32 s29, $0x1FBC  }
0x158: {  	s9 =	sshll.u32 s9, $0x7  }
0x159: {  	s11 =	simm.s32 $0x3000;
	s30 =	sadd.s32 s1, s9  }
0x15a: {  	[tilespmem:s11], [sflag:$0x1] =	stream.linear.gather [hbm4b:s30+s3], $0x400, $0x38;
	[tilespmem:$0x18000] =	vst v63  }
0x15b: {  	s31 =	simm.s32 $0x3800;
	s10 =	sor.u32 $0x4, s0;
	s9 =	sadd.s32 s9, s7  }
0x15c: {  	[tilespmem:s31], [sflag:$0x1] =	stream.linear.gather [hbm4b:s9+s3], $0x400, $0x38;
	[tilespmem:$0x18000] =	vst v63  }
0x15d: {  	s9 =	smin.u32 s10, $0x1FBC  }
0x15e: {  	s9 =	sshll.u32 s9, $0x7  }
0x15f: {  	s9 =	sand.u32 $0xFFE00, s9  }
0x160: {  	s11 =	simm.s32 $0x4000;
	s9 =	sadd.s32 s1, s9  }
0x161: {  	[tilespmem:s11], [sflag:$0x1] =	stream.linear.gather [hbm4b:s9+s3], $0x400, $0x38;
	[tilespmem:$0x18000] =	vst v63  }
0x162: {  	s15 =	simm.s32 $0x4800;
	s21 =	sor.u32 $0x5, s0;
	s9 =	sadd.s32 $0xFDE80, s9  }
0x163: {  	[tilespmem:s15], [sflag:$0x1] =	stream.linear.gather [hbm4b:s9+s3], $0x400, $0x38;
	[tilespmem:$0x18000] =	vst v63  }
0x164: {  	s9 =	smin.u32 s21, $0x1FBC  }
0x165: {  	s9 =	sshll.u32 s9, $0x7  }
0x166: {  	s9 =	sand.u32 $0xFFE80, s9  }
0x167: {  	s22 =	simm.s32 $0x5000;
	s9 =	sadd.s32 s1, s9  }
0x168: {  	[tilespmem:s22], [sflag:$0x1] =	stream.linear.gather [hbm4b:s9+s3], $0x400, $0x38;
	[tilespmem:$0x18000] =	vst v63  }
0x169: {  	s23 =	simm.s32 $0x5800;
	s25 =	sor.u32 $0x6, s0;
	s9 =	sadd.s32 $0xFDE80, s9  }
0x16a: {  	[tilespmem:s23], [sflag:$0x1] =	stream.linear.gather [hbm4b:s9+s3], $0x400, $0x38;
	[tilespmem:$0x18000] =	vst v63  }
0x16b: {  	s9 =	smin.u32 s25, $0x1FBC  }
0x16c: {  	s9 =	sshll.u32 s9, $0x7  }
0x16d: {  	s0 =	sor.u32 $0x7, s0;
	s9 =	sand.u32 $0xFFF00, s9  }
0x16e: {  	s0 =	smin.u32 s0, $0x1FBC;
	s26 =	simm.s32 $0x6000;
	s9 =	sadd.s32 s1, s9  }
0x16f: {  	[tilespmem:s26], [sflag:$0x1] =	stream.linear.gather [hbm4b:s9+s3], $0x400, $0x38;
	[tilespmem:$0x18000] =	vst v63  }
0x170: {  	s0 =	sshll.u32 s0, $0x7;
	s28 =	simm.s32 $0x6800;
	s9 =	sadd.s32 $0xFDE80, s9  }
0x171: {  	[tilespmem:s28], [sflag:$0x1] =	stream.linear.gather [hbm4b:s9+s3], $0x400, $0x38;
	[tilespmem:$0x18000] =	vst v63  }
0x172: {  	s29 =	sadd.s32 s1, s0;
	s30 =	simm.s32 $0x7000  }
0x173: {  	[tilespmem:s30], [sflag:$0x1] =	stream.linear.gather [hbm4b:s29+s3], $0x400, $0x38;
	[tilespmem:$0x18000] =	vst v63  }
0x174: {  	s0 =	sadd.s32 s0, s7;
	s31 =	simm.s32 $0x7800  }
0x175: {  	[tilespmem:s31], [sflag:$0x1] =	stream.linear.gather [hbm4b:s0+s3], $0x400, $0x38;
	[tilespmem:$0x18000] =	vst v63  }
.LBB2_8:
0x176: {  	_ =	swait.ge [sflag:s8], $0x400  }
0x177: {  	[sflag:s8] =	ssyncset.done $0x0  }
0x178: {  	[sflag:s8] =	ssyncadd.s32 $0xFFFFFC00  }
0x179: {  	_ =	swait.ge [sflag:s8], $0x400  }
0x17a: {  	[sflag:s8] =	ssyncset.done $0x0  }
0x17b: {  	[sflag:s8] =	ssyncadd.s32 $0xFFFFFC00  }
0x17c: {  	_ =	swait.ge [sflag:s8], $0x400  }
0x17d: {  	[sflag:s8] =	ssyncset.done $0x0  }
0x17e: {  	[sflag:s8] =	ssyncadd.s32 $0xFFFFFC00  }
0x17f: {  	_ =	swait.ge [sflag:s8], $0x400  }
0x180: {  	[sflag:s8] =	ssyncset.done $0x0  }
0x181: {  	[sflag:s8] =	ssyncadd.s32 $0xFFFFFC00  }
0x182: {  	_ =	swait.ge [sflag:s8], $0x400  }
0x183: {  	[sflag:s8] =	ssyncset.done $0x0  }
0x184: {  	[sflag:s8] =	ssyncadd.s32 $0xFFFFFC00  }
0x185: {  	_ =	swait.ge [sflag:s8], $0x400  }
0x186: {  	[sflag:s8] =	ssyncset.done $0x0  }
0x187: {  	[sflag:s8] =	ssyncadd.s32 $0xFFFFFC00  }
0x188: {  	_ =	swait.ge [sflag:s8], $0x400  }
0x189: {  	[sflag:s8] =	ssyncset.done $0x0  }
0x18a: {  	[sflag:s8] =	ssyncadd.s32 $0xFFFFFC00  }
0x18b: {  	_ =	swait.ge [sflag:s8], $0x400  }
0x18c: {  	[sflag:s8] =	ssyncset.done $0x0  }
0x18d: {  	[sflag:s8] =	ssyncadd.s32 $0xFFFFFC00  }
0x18e: {  	_ =	swait.ge [sflag:s8], $0x400  }
0x18f: {  	[sflag:s8] =	ssyncset.done $0x0  }
0x190: {  	[sflag:s8] =	ssyncadd.s32 $0xFFFFFC00  }
0x191: {  	_ =	swait.ge [sflag:s8], $0x400  }
0x192: {  	[sflag:s8] =	ssyncset.done $0x0  }
0x193: {  	[sflag:s8] =	ssyncadd.s32 $0xFFFFFC00  }
0x194: {  	_ =	swait.ge [sflag:s8], $0x400  }
0x195: {  	[sflag:s8] =	ssyncset.done $0x0  }
0x196: {  	[sflag:s8] =	ssyncadd.s32 $0xFFFFFC00  }
0x197: {  	_ =	swait.ge [sflag:s8], $0x400  }
0x198: {  	[sflag:s8] =	ssyncset.done $0x0  }
0x199: {  	[sflag:s8] =	ssyncadd.s32 $0xFFFFFC00  }
0x19a: {  	_ =	swait.ge [sflag:s8], $0x400  }
0x19b: {  	[sflag:s8] =	ssyncset.done $0x0  }
0x19c: {  	[sflag:s8] =	ssyncadd.s32 $0xFFFFFC00  }
0x19d: {  	_ =	swait.ge [sflag:s8], $0x400  }
0x19e: {  	[sflag:s8] =	ssyncset.done $0x0  }
0x19f: {  	[sflag:s8] =	ssyncadd.s32 $0xFFFFFC00  }
0x1a0: {  	_ =	swait.ge [sflag:s8], $0x400  }
0x1a1: {  	[sflag:s8] =	ssyncset.done $0x0  }
0x1a2: {  	[sflag:s8] =	ssyncadd.s32 $0xFFFFFC00  }
0x1a3: {  	_ =	swait.ge [sflag:s8], $0x400  }
0x1a4: {  	[sflag:s8] =	ssyncset.done $0x0  }
0x1a5: {  	s0 =	simm.s32 @!p0 $0x4;
	[sflag:s8] =	ssyncadd.s32 $0xFFFFFC00  }
0x1a6: {  	_ =	swait.ge @!p0 [sflag:s0], $0x800  }
0x1a7: {  	[sflag:s0] =	ssyncset.done @!p0 $0x0  }
0x1a8: {  	[sflag:s0] =	ssyncadd.s32 @!p0 $0xFFFFF800  }
0x1a9: {  	_ =	swait.ge @!p0 [sflag:s0], $0x800  }
0x1aa: {  	[sflag:s0] =	ssyncset.done @!p0 $0x0  }
0x1ab: {  	[sflag:s0] =	ssyncadd.s32 @!p0 $0xFFFFF800  }
0x1ac: {  	_ =	swait.ge @!p0 [sflag:s0], $0x800  }
0x1ad: {  	[sflag:s0] =	ssyncset.done @!p0 $0x0  }
0x1ae: {  	[sflag:s0] =	ssyncadd.s32 @!p0 $0xFFFFF800  }
0x1af: {  	_ =	swait.ge @!p0 [sflag:s0], $0x800  }
0x1b0: {  	[sflag:s0] =	ssyncset.done @!p0 $0x0  }
0x1b1: {  	[sflag:s0] =	ssyncadd.s32 @!p0 $0xFFFFF800  }
0x1b2: {  	_ =	swait.ge @!p0 [sflag:s0], $0x800  }
0x1b3: {  	[sflag:s0] =	ssyncset.done @!p0 $0x0  }
0x1b4: {  	[sflag:s0] =	ssyncadd.s32 @!p0 $0xFFFFF800  }
0x1b5: {  	s9 =	sor.u32 $0x8, s20;
	s10 =	sor.u32 $0x9, s20;
	_ =	swait.ge @!p0 [sflag:s0], $0x800  }
0x1b6: {  	s26 =	sor.u32 $0xA, s20;
	s31 =	sor.u32 $0xB, s20;
	[sflag:s0] =	ssyncset.done @!p0 $0x0  }
0x1b7: {  	s11 =	sor.u32 $0xD, s20;
	s15 =	sor.u32 $0xE, s20;
	[sflag:s0] =	ssyncadd.s32 @!p0 $0xFFFFF800  }
0x1b8: {  	s30 =	simm.s32 $0x0;
	s25 =	smin.u32 s9, $0x1FBC;
	_ =	swait.ge @!p0 [sflag:s0], $0x800  }
0x1b9: {  	s21 =	smin.u32 s10, $0x1FBC;
	s26 =	smin.u32 s26, $0x1FBC;
	[sflag:s0] =	ssyncset.done @!p0 $0x0  }
0x1ba: {  	s22 =	smin.u32 s31, $0x1FBC;
	s10 =	sor.u32 $0xC, s20;
	[sflag:s0] =	ssyncadd.s32 @!p0 $0xFFFFF800  }
0x1bb: {  	s23 =	smin.u32 s11, $0x1FBC;
	s31 =	sor.u32 $0xF, s20;
	_ =	swait.ge @!p0 [sflag:s0], $0x800  }
0x1bc: {  	s29 =	smin.u32 s15, $0x1FBC;
	s28 =	smin.u32 s10, $0x1FBC;
	[sflag:s0] =	ssyncset.done @!p0 $0x0  }
0x1bd: {  	s20 =	smin.u32 s31, $0x1FBC;
	[sflag:s0] =	ssyncadd.s32 @!p0 $0xFFFFF800;
	s0 =	simm.s32 $0x14080  }
.LBB2_9:
0x1be: {  	s9 =	sshll.u32 s30, $0x4  }
0x1bf: {  	v17 =	vmov s9  }
0x1c0: {  	v18 =	vimm.s32 $0x0;
	v17 =	vshll.u32 v17, $0x8  }
0x1c1: {  	v19 =	vshll.u32 v18, $0x3;
	v17 =	vor.u32 v1, v17  }
0x1c2: {  	v19 =	vand.u32 $0xFFFFFC00, v19;
	v17 =	vand.u32 $0x7800, v17  }
0x1c3: {  	v20 =	vand.u32 $0x70, v18;
	v19 =	vadd.s32 v17, v19  }
0x1c4: {  	v19 =	vor.u32 v20, v19  }
0x1c5: {  	v20 =	vor.u32 v16, v19  }
0x1c6: {  	v21 =	vor.u32 v15, v19  }
0x1c7: {  	v22 =	vor.u32 v14, v19  }
0x1c8: {  	v23 =	vor.u32 v13, v19  }
0x1c9: {  	v24 =	vor.u32 v12, v19  }
0x1ca: {  	v25 =	vor.u32 v11, v19;
	v20 =	vld.idx.msk [tilespmem:v20+s2+$0x0], $0xffff  }
0x1cb: {  	v26 =	vor.u32 v10, v19;
	v21 =	vld.idx.msk [tilespmem:v21+s2+$0x0], $0xffff  }
0x1cc: {  	v30 =	vor.u32 v6, v19;
	v22 =	vld.idx.msk [tilespmem:v22+s2+$0x0], $0xffff  }
0x1cd: {  	v27 =	vor.u32 v9, v19;
	v23 =	vld.idx.msk [tilespmem:v23+s2+$0x0], $0xffff  }
0x1ce: {  	v28 =	vor.u32 v8, v19;
	v24 =	vld.idx.msk [tilespmem:v24+s2+$0x0], $0xffff  }
0x1cf: {  	v29 =	vor.u32 v7, v19;
	v25 =	vld.idx.msk [tilespmem:v25+s2+$0x0], $0xffff  }
0x1d0: {  	v32 =	vor.u32 v0, v19;
	v26 =	vld.idx.msk [tilespmem:v26+s2+$0x0], $0xffff  }
0x1d1: {  	v34 =	vadd.s32 $0x10, v18;
	v30 =	vld.idx.msk [tilespmem:v30+s2+$0x0], $0xffff  }
0x1d2: {  	v31 =	vor.u32 v5, v19;
	[tilespmem:s0+$0x70] =	vst v20;
	v20 =	vld.idx.msk [tilespmem:v27+s2+$0x0], $0xffff;
	v27 =	vshll.u32 v34, $0x3  }
0x1d3: {  	v18 =	vor.u32 v2, v19;
	[tilespmem:s0+$0x60] =	vst v21;
	v21 =	vld.idx.msk [tilespmem:v28+s2+$0x0], $0xffff;
	v27 =	vand.u32 $0xFFFFFC00, v27  }
0x1d4: {  	v28 =	vor.u32 v4, v19;
	[tilespmem:s0+$0x50] =	vst v22;
	v22 =	vld.idx.msk [tilespmem:v29+s2+$0x0], $0xffff;
	v29 =	vand.u32 $0x70, v34;
	v27 =	vadd.s32 v17, v27  }
0x1d5: {  	v32 =	vld.idx.msk [tilespmem:v32+s2+$0x0], $0xffff;
	v19 =	vor.u32 v3, v19;
	[tilespmem:s0+$0x40] =	vst v23;
	v27 =	vor.u32 v29, v27  }
0x1d6: {  	[tilespmem:s0+$0x30] =	vst v24;
	v24 =	vor.u32 v16, v27  }
0x1d7: {  	[tilespmem:s0+$0x20] =	vst v25;
	v29 =	vld.idx.msk [tilespmem:v31+s2+$0x0], $0xffff;
	v25 =	vor.u32 v15, v27  }
0x1d8: {  	[tilespmem:s0+$0x10] =	vst v26;
	v31 =	vld.idx.msk [tilespmem:v18+s2+$0x0], $0xffff;
	v18 =	vor.u32 v14, v27  }
0x1d9: {  	[tilespmem:s0+$0xFFFFFFD0] =	vst v30;
	v33 =	vor.u32 v11, v27;
	v28 =	vld.idx.msk [tilespmem:v28+s2+$0x0], $0xffff  }
0x1da: {  	[tilespmem:s0+$0xFFFFFF80] =	vst v32;
	v26 =	vor.u32 v13, v27;
	v23 =	vld.idx.msk [tilespmem:v19+s2+$0x0], $0xffff  }
0x1db: {  	v36 =	vor.u32 v10, v27;
	[tilespmem:s0+$0x0] =	vst v20;
	v35 =	vld.idx.msk [tilespmem:v24+s2+$0x0], $0xffff  }
0x1dc: {  	v20 =	vor.u32 v12, v27;
	[tilespmem:s0+$0xFFFFFFF0] =	vst v21;
	v37 =	vld.idx.msk [tilespmem:v25+s2+$0x0], $0xffff  }
0x1dd: {  	v38 =	vor.u32 v9, v27;
	[tilespmem:s0+$0xFFFFFFC0] =	vst v29;
	v29 =	vld.idx.msk [tilespmem:v18+s2+$0x0], $0xffff  }
0x1de: {  	[tilespmem:s0+$0xFFFFFFB0] =	vst v28;
	v28 =	vld.idx.msk [tilespmem:v33+s2+$0x0], $0xffff;
	v33 =	vor.u32 v8, v27  }
0x1df: {  	v30 =	vor.u32 v7, v27;
	[tilespmem:s0+$0xFFFFFFE0] =	vst v22;
	v24 =	vld.idx.msk [tilespmem:v26+s2+$0x0], $0xffff  }
0x1e0: {  	s15 =	sadd.s32 $0x100, s0;
	v32 =	vor.u32 v5, v27;
	[tilespmem:s0+$0xFFFFFF90] =	vst v31;
	v31 =	vor.u32 v6, v27;
	v25 =	vld.idx.msk [tilespmem:v36+s2+$0x0], $0xffff  }
0x1e1: {  	v19 =	vor.u32 v0, v27;
	v21 =	vor.u32 v2, v27;
	v26 =	vld.idx.msk [tilespmem:v20+s2+$0x0], $0xffff;
	[tilespmem:s15+$0x70] =	vst v35  }
0x1e2: {  	s10 =	smov.u32 s0;
	s9 =	simm.s32 $0x10;
	s11 =	smov.u32 s15;
	v22 =	vadd.s32 $0x10, v34;
	v18 =	vor.u32 v4, v27;
	v20 =	vor.u32 v3, v27;
	v27 =	vld.idx.msk [tilespmem:v38+s2+$0x0], $0xffff;
	[tilespmem:s15+$0x60] =	vst v37  }
.LBB2_10:
0x1e3: {  	v34 =	vshll.u32 v22, $0x3;
	s9 =	sadd.s32 $0x10, s9;
	v33 =	vld.idx.msk [tilespmem:v33+s2+$0x0], $0xffff;
	[tilespmem:s15+$0x50] =	vst v29;
	s11 =	sadd.s32 $0x100, s11  }
0x1e4: {  	v29 =	vand.u32 $0xFFFFFC00, v34;
	p0 =	slt.u32 s9, $0x70;
	v30 =	vld.idx.msk [tilespmem:v30+s2+$0x0], $0xffff;
	[tilespmem:s10+$0xFFFFFFA0] =	vst v23;
	s10 =	smov.u32 s15;
	s15 =	smov.u32 s11  }
0x1e5: {  	v23 =	vand.u32 $0x70, v22;
	v29 =	vadd.s32 v17, v29;
	v31 =	vld.idx.msk [tilespmem:v31+s2+$0x0], $0xffff;
	[tilespmem:s10+$0x40] =	vst v24  }
0x1e6: {  	v34 =	vor.u32 v23, v29;
	v24 =	vld.idx.msk [tilespmem:v32+s2+$0x0], $0xffff;
	[tilespmem:s10+$0x30] =	vst v26  }
0x1e7: {  	v23 =	vor.u32 v0, v34;
	v26 =	vor.u32 v4, v34;
	v29 =	vor.u32 v16, v34;
	[tilespmem:s10+$0x20] =	vst v28  }
0x1e8: {  	v28 =	vor.u32 v3, v34;
	v32 =	vor.u32 v15, v34;
	v35 =	vld.idx.msk [tilespmem:v21+s2+$0x0], $0xffff;
	v21 =	vor.u32 v2, v34  }
0x1e9: {  	v36 =	vor.u32 v14, v34;
	v37 =	vld.idx.msk [tilespmem:v19+s2+$0x0], $0xffff;
	[tilespmem:s10+$0x10] =	vst v25;
	v19 =	vmov v23  }
0x1ea: {  	v25 =	vor.u32 v13, v34;
	v38 =	vld.idx.msk [tilespmem:v18+s2+$0x0], $0xffff;
	[tilespmem:s10+$0x0] =	vst v27;
	v18 =	vmov v26  }
0x1eb: {  	v26 =	vor.u32 v12, v34;
	v23 =	vld.idx.msk [tilespmem:v20+s2+$0x0], $0xffff;
	[tilespmem:s10+$0xFFFFFFF0] =	vst v33;
	v20 =	vmov v28  }
0x1ec: {  	v27 =	vor.u32 v11, v34;
	v39 =	vld.idx.msk [tilespmem:v29+s2+$0x0], $0xffff;
	[tilespmem:s10+$0xFFFFFFC0] =	vst v24  }
0x1ed: {  	v40 =	vor.u32 v10, v34;
	v41 =	vld.idx.msk [tilespmem:v32+s2+$0x0], $0xffff;
	[tilespmem:s10+$0xFFFFFFD0] =	vst v31  }
0x1ee: {  	v42 =	vor.u32 v9, v34;
	v29 =	vld.idx.msk [tilespmem:v36+s2+$0x0], $0xffff;
	[tilespmem:s10+$0xFFFFFFE0] =	vst v30  }
.Ltmp5:
0x1ef: {  	v33 =	vor.u32 v8, v34;
	v24 =	vld.idx.msk [tilespmem:v25+s2+$0x0], $0xffff;
	[tilespmem:s10+$0xFFFFFF80] =	vst v37;
	(pc) =	sbr.rel @p0 .LBB2_10-.Ltmp5, $4  }
0x1f0: {  	v30 =	vor.u32 v7, v34;
	v26 =	vld.idx.msk [tilespmem:v26+s2+$0x0], $0xffff;
	[tilespmem:s10+$0xFFFFFFB0] =	vst v38  }
0x1f1: {  	v31 =	vor.u32 v6, v34;
	v28 =	vld.idx.msk [tilespmem:v27+s2+$0x0], $0xffff;
	[tilespmem:s10+$0xFFFFFF90] =	vst v35  }
0x1f2: {  	v32 =	vor.u32 v5, v34;
	v25 =	vld.idx.msk [tilespmem:v40+s2+$0x0], $0xffff;
	[tilespmem:s11+$0x70] =	vst v39  }
0x1f3: {  	v22 =	vadd.s32 $0x10, v22;
	v27 =	vld.idx.msk [tilespmem:v42+s2+$0x0], $0xffff;
	[tilespmem:s11+$0x60] =	vst v41  }
0x1f4: {  	_ =	sdelay $0x1  }
0x1f5: {  	[tilespmem:s15+$0x50] =	vst v29  }
0x1f6: {  	[tilespmem:s10+$0xFFFFFFA0] =	vst v23  }
0x1f7: {  	v17 =	vld.idx.msk [tilespmem:v33+s2+$0x0], $0xffff;
	[tilespmem:s15+$0x40] =	vst v24  }
0x1f8: {  	v22 =	vld.idx.msk [tilespmem:v32+s2+$0x0], $0xffff;
	[tilespmem:s15+$0x30] =	vst v26  }
0x1f9: {  	v62 =	vld.idx.msk [tilespmem:v31+s2+$0x0], $0xffff;
	[tilespmem:s15+$0x20] =	vst v28  }
0x1fa: {  	v63 =	vld.idx.msk [tilespmem:v30+s2+$0x0], $0xffff;
	[tilespmem:s15+$0x10] =	vst v25  }
0x1fb: {  	v19 =	vld.idx.msk [tilespmem:v19+s2+$0x0], $0xffff;
	[tilespmem:s15+$0x0] =	vst v27  }
0x1fc: {  	v18 =	vld.idx.msk [tilespmem:v18+s2+$0x0], $0xffff;
	[tilespmem:s15+$0xFFFFFFF0] =	vst v17  }
0x1fd: {  	v20 =	vld.idx.msk [tilespmem:v20+s2+$0x0], $0xffff;
	s30 =	sadd.s32 $0x1, s30;
	[tilespmem:s15+$0xFFFFFFC0] =	vst v22  }
0x1fe: {  	p0 =	sne.s32 s30, $0x8;
	v17 =	vld.idx.msk [tilespmem:v21+s2+$0x0], $0xffff;
	[tilespmem:s15+$0xFFFFFFD0] =	vst v62  }
.Ltmp6:
0x1ff: {  	[tilespmem:s15+$0xFFFFFFE0] =	vst v63;
	(pc) =	sbr.rel @p0 .LBB2_9-.Ltmp6, $4  }
0x200: {  	[tilespmem:s15+$0xFFFFFF80] =	vst v19  }
0x201: {  	[tilespmem:s15+$0xFFFFFFB0] =	vst v18  }
0x202: {  	[tilespmem:s15+$0xFFFFFFA0] =	vst v20  }
0x203: {  	s0 =	sadd.s32 $0x800, s0;
	[tilespmem:s15+$0xFFFFFF90] =	vst v17  }
0x204: {  	s0 =	sshll.u32 s25, $0x8  }
0x205: {  	s9 =	simm.s32 $0x14000;
	s10 =	sshll.u32 s21, $0x8;
	s0 =	sadd.s32 s5, s0  }
0x206: {  	[hbm4b:s0+s3] =	stream.linear.scatter [tilespmem:s9], [sflag:$0x4], $0x800, $0x38;
	[tilespmem:$0x18000] =	vst v63  }
0x207: {  	s11 =	simm.s32 $0x14800;
	s15 =	sshll.u32 s26, $0x8;
	s0 =	sadd.s32 s5, s10  }
0x208: {  	[hbm4b:s0+s3] =	stream.linear.scatter [tilespmem:s11], [sflag:$0x4], $0x800, $0x38;
	[tilespmem:$0x18000] =	vst v63  }
0x209: {  	s21 =	simm.s32 $0x15000;
	s25 =	sshll.u32 s22, $0x8;
	s0 =	sadd.s32 s5, s15  }
0x20a: {  	[hbm4b:s0+s3] =	stream.linear.scatter [tilespmem:s21], [sflag:$0x4], $0x800, $0x38;
	[tilespmem:$0x18000] =	vst v63  }
0x20b: {  	s26 =	sshll.u32 s28, $0x8;
	s0 =	sadd.s32 s5, s25  }
0x20c: {  	[hbm4b:s0+s3] =	stream.linear.scatter [tilespmem:s12], [sflag:$0x4], $0x800, $0x38;
	[tilespmem:$0x18000] =	vst v63  }
0x20d: {  	s28 =	sshll.u32 s23, $0x8;
	s0 =	sadd.s32 s5, s26  }
0x20e: {  	[hbm4b:s0+s3] =	stream.linear.scatter [tilespmem:s13], [sflag:$0x4], $0x800, $0x38;
	[tilespmem:$0x18000] =	vst v63  }
0x20f: {  	s0 =	sadd.s32 s5, s28  }
0x210: {  	[hbm4b:s0+s3] =	stream.linear.scatter [tilespmem:s14], [sflag:$0x4], $0x800, $0x38;
	[tilespmem:$0x18000] =	vst v63  }
.Ltmp7:
0x211: {  	s30 =	sshll.u32 s29, $0x8;
	(pc) =	sbr.rel @p1 .LBB2_14-.Ltmp7, $4  }
0x212: {  	s31 =	sshll.u32 s20, $0x8;
	s0 =	sadd.s32 s5, s30  }
0x213: {  	[hbm4b:s0+s3] =	stream.linear.scatter [tilespmem:s6], [sflag:$0x4], $0x800, $0x38;
	[tilespmem:$0x18000] =	vst v63  }
0x214: {  	s0 =	sadd.s32 s5, s31  }
0x215: {  	[hbm4b:s0+s3] =	stream.linear.scatter [tilespmem:s17], [sflag:$0x4], $0x800, $0x38;
	[tilespmem:$0x18000] =	vst v63  }
0x216: {  	s0 =	sadd.s32 s19, s16  }
0x217: {  	s9 =	smin.u32 s0, $0x1FBC  }
0x218: {  	s9 =	sshll.u32 s9, $0x7  }
0x219: {  	s10 =	sadd.s32 s1, s9  }
0x21a: {  	[tilespmem:s2], [sflag:$0x2] =	stream.linear.gather [hbm4b:s10+s3], $0x400, $0x38;
	[tilespmem:$0x18000] =	vst v63  }
0x21b: {  	s21 =	simm.s32 $0x8800;
	s22 =	sor.u32 $0x1, s0;
	s9 =	sadd.s32 s9, s7  }
0x21c: {  	[tilespmem:s21], [sflag:$0x2] =	stream.linear.gather [hbm4b:s9+s3], $0x400, $0x38;
	[tilespmem:$0x18000] =	vst v63  }
0x21d: {  	s9 =	smin.u32 s22, $0x1FBC  }
0x21e: {  	s9 =	sshll.u32 s9, $0x7  }
0x21f: {  	s9 =	sand.u32 $0xFFE80, s9  }
0x220: {  	s23 =	simm.s32 $0x9000;
	s9 =	sadd.s32 s1, s9  }
0x221: {  	[tilespmem:s23], [sflag:$0x2] =	stream.linear.gather [hbm4b:s9+s3], $0x400, $0x38;
	[tilespmem:$0x18000] =	vst v63  }
0x222: {  	s25 =	simm.s32 $0x9800;
	s26 =	sor.u32 $0x2, s0;
	s9 =	sadd.s32 $0xFDE80, s9  }
0x223: {  	[tilespmem:s25], [sflag:$0x2] =	stream.linear.gather [hbm4b:s9+s3], $0x400, $0x38;
	[tilespmem:$0x18000] =	vst v63  }
0x224: {  	s9 =	smin.u32 s26, $0x1FBC  }
0x225: {  	s9 =	sshll.u32 s9, $0x7  }
0x226: {  	s9 =	sand.u32 $0xFFF00, s9  }
0x227: {  	s28 =	simm.s32 $0xA000;
	s9 =	sadd.s32 s1, s9  }
0x228: {  	[tilespmem:s28], [sflag:$0x2] =	stream.linear.gather [hbm4b:s9+s3], $0x400, $0x38;
	[tilespmem:$0x18000] =	vst v63  }
0x229: {  	s29 =	simm.s32 $0xA800;
	s30 =	sor.u32 $0x3, s0;
	s9 =	sadd.s32 $0xFDE80, s9  }
0x22a: {  	[tilespmem:s29], [sflag:$0x2] =	stream.linear.gather [hbm4b:s9+s3], $0x400, $0x38;
	[tilespmem:$0x18000] =	vst v63  }
0x22b: {  	s9 =	smin.u32 s30, $0x1FBC  }
0x22c: {  	s9 =	sshll.u32 s9, $0x7  }
0x22d: {  	s11 =	simm.s32 $0xB000;
	s31 =	sadd.s32 s1, s9  }
0x22e: {  	[tilespmem:s11], [sflag:$0x2] =	stream.linear.gather [hbm4b:s31+s3], $0x400, $0x38;
	[tilespmem:$0x18000] =	vst v63  }
0x22f: {  	s15 =	sor.u32 $0x4, s0;
	s9 =	sadd.s32 s9, s7;
	s11 =	simm.s32 $0xB800  }
0x230: {  	[tilespmem:s11], [sflag:$0x2] =	stream.linear.gather [hbm4b:s9+s3], $0x400, $0x38;
	[tilespmem:$0x18000] =	vst v63  }
0x231: {  	s9 =	smin.u32 s15, $0x1FBC  }
0x232: {  	s9 =	sshll.u32 s9, $0x7  }
0x233: {  	s9 =	sand.u32 $0xFFE00, s9  }
0x234: {  	s19 =	simm.s32 $0xC000;
	s9 =	sadd.s32 s1, s9  }
0x235: {  	[tilespmem:s19], [sflag:$0x2] =	stream.linear.gather [hbm4b:s9+s3], $0x400, $0x38;
	[tilespmem:$0x18000] =	vst v63  }
0x236: {  	s20 =	simm.s32 $0xC800;
	s21 =	sor.u32 $0x5, s0;
	s9 =	sadd.s32 $0xFDE80, s9  }
0x237: {  	[tilespmem:s20], [sflag:$0x2] =	stream.linear.gather [hbm4b:s9+s3], $0x400, $0x38;
	[tilespmem:$0x18000] =	vst v63  }
0x238: {  	s9 =	smin.u32 s21, $0x1FBC  }
0x239: {  	s9 =	sshll.u32 s9, $0x7  }
0x23a: {  	s9 =	sand.u32 $0xFFE80, s9  }
0x23b: {  	s22 =	simm.s32 $0xD000;
	s9 =	sadd.s32 s1, s9  }
0x23c: {  	[tilespmem:s22], [sflag:$0x2] =	stream.linear.gather [hbm4b:s9+s3], $0x400, $0x38;
	[tilespmem:$0x18000] =	vst v63  }
0x23d: {  	s23 =	simm.s32 $0xD800;
	s25 =	sor.u32 $0x6, s0;
	s9 =	sadd.s32 $0xFDE80, s9  }
0x23e: {  	[tilespmem:s23], [sflag:$0x2] =	stream.linear.gather [hbm4b:s9+s3], $0x400, $0x38;
	[tilespmem:$0x18000] =	vst v63  }
0x23f: {  	s9 =	smin.u32 s25, $0x1FBC  }
0x240: {  	s9 =	sshll.u32 s9, $0x7  }
0x241: {  	s9 =	sand.u32 $0xFFF00, s9  }
0x242: {  	s26 =	simm.s32 $0xE000;
	s0 =	sor.u32 $0x7, s0;
	s9 =	sadd.s32 s1, s9  }
0x243: {  	[tilespmem:s26], [sflag:$0x2] =	stream.linear.gather [hbm4b:s9+s3], $0x400, $0x38;
	[tilespmem:$0x18000] =	vst v63  }
0x244: {  	s0 =	smin.u32 s0, $0x1FBC;
	s28 =	simm.s32 $0xE800;
	s9 =	sadd.s32 $0xFDE80, s9  }
0x245: {  	[tilespmem:s28], [sflag:$0x2] =	stream.linear.gather [hbm4b:s9+s3], $0x400, $0x38;
	[tilespmem:$0x18000] =	vst v63  }
.Ltmp8:
0x246: {  	s0 =	sshll.u32 s0, $0x7;
	(pc) =	sbr.rel .LBB2_2-.Ltmp8, $4  }
0x247: {  	s29 =	sadd.s32 s1, s0;
	s30 =	simm.s32 $0xF000  }
0x248: {  	[tilespmem:s30], [sflag:$0x2] =	stream.linear.gather [hbm4b:s29+s3], $0x400, $0x38;
	[tilespmem:$0x18000] =	vst v63  }
0x249: {  	s18 =	sadd.s32 $0x1, s18;
	s0 =	sadd.s32 s0, s7;
	s31 =	simm.s32 $0xF800  }
0x24a: {  	[tilespmem:s31], [sflag:$0x2] =	stream.linear.gather [hbm4b:s0+s3], $0x400, $0x38;
	[tilespmem:$0x18000] =	vst v63  }
.LBB2_15:
0x24b: {  	_ =	sfence.sel $0x180000  }
0x24c: {  	[bflag:$0x0] =	sbarrier.arrive $0xFFFF  }
0x24d: {  	_ =	strace $0x90000047  }
0x24e: {  	s0 =	stileid.u32;
	[bflag:$0x2] =	sbarrier.arrive $0xFFFF  }
0x24f: {  	p0 =	sne.s32 s0, $0x0;
	s0 =	rddreg [dreg:$0x2]  }
0x250: {  	s0 =	sadd.s32 @!p0 $0x100000, s0  }
0x251: {  	[sflag:s0] =	ssyncadd.tile.s32 @!p0 $0x1;
	_ =	shalt  }
.Lfunc_end2:
_tile_overlayer_lowered:
.L_overlay_start_2:
0x252: {  	(tag) =	ssettag $0x2  }
0x253: {  	s0 =	rddreg [dreg:$0x0];
	s2 =	stileid.u32  }
0x254: {  	s1 =	rddreg [dreg:$0x1];
	p0 =	sne.s32 s2, $0x0  }
0x255: {  	s3 =	rddreg [dreg:$0x2];
	[bflag:$0x3] =	sbarrier.arrive $0xFFFF;
	s2 =	simm.s32 @!p0 $0x1C05  }
0x256: {  	[timem:s3], [sflag:s2] =	dma.local @!p0 [hbm:s0], s1  }
0x257: {  	s0 =	simm.s32 @!p0 $0x5  }
0x258: {  	_ =	swait.ge @!p0 [sflag:s0], s1  }
0x259: {  	s1 =	ssub.s32 @!p0 $0x0, s1;
	[sflag:s0] =	ssyncset.done @!p0 $0x0  }
0x25a: {  	[sflag:s0] =	ssyncadd.s32 @!p0 s1  }
0x25b: {  	[bflag:$0x3] =	sbarrier.arrive $0xFFFF  }
0x25c: {  	_ =	shalt  }

// kernel: kernel.8.cloned.1.call-start
scs
__scs_entry_jumppad:
0x0: {  	(pc) =	sbr.rel $0x88, $3  }
0x1: {  	(tag) =	ssettag $0x0;
	lr =	simm.s32 $0x1  }
0x2: {  	[smem:$0x3F95] =	sst lr;
	_ =	strace $0xD0000000  }
0x3: {  	_ = 	snop  }
0x4: {  	_ = 	snop  }
0x5: {  	_ = 	snop  }
0x6: {  	_ = 	snop  }
0x7: {  	_ = 	snop  }
__scs_overlays_trampoline_lowered:
0x8: {  	[smem:$0x3FA4] =	sst s0  }
0x9: {  	[smem:$0x3FA5] =	sst s1  }
0xa: {  	[smem:$0x3FA6] =	sst s2  }
0xb: {  	[smem:$0x3FA7] =	sst s3  }
0xc: {  	[smem:$0x3FA8] =	sst s4  }
0xd: {  	[smem:$0x3FA9] =	sst s5  }
0xe: {  	[smem:$0x3FAA] =	sst s6  }
0xf: {  	[smem:$0x3FAB] =	sst s7  }
0x10: {  	[smem:$0x3FAC] =	sst s8  }
0x11: {  	[smem:$0x3FAD] =	sst s9;
	s0 =	simm.s32 @!p0 $0x0  }
0x12: {  	s1 =	sld [smem:$0x3F93];
	s0 =	simm.s32 @p0 $0x1  }
0x13: {  	[smem:$0x3FAE] =	sst s0;
	s0 =	simm.s32 @!p1 $0x0  }
0x14: {  	s2 =	sld [smem:$0x3F92];
	s0 =	simm.s32 @p1 $0x1  }
0x15: {  	[smem:$0x3FAF] =	sst s0;
	s0 =	simm.s32 @!p2 $0x0  }
0x16: {  	s3 =	sld [smem:$0x3FDB];
	s0 =	simm.s32 @p2 $0x1  }
0x17: {  	s4 =	simm.s32 $0x1BF5;
	[smem:$0x3FB1] =	sst s0  }
0x18: {  	s0 =	sld [smem:$0x3F94];
	_ =	swait.ge [sflag:s4], $0x0  }
0x19: {  	s7 =	sld [smem:$0x3F95]  }
0x1a: {  	s8 =	sadd.s32 $0xFFFFE003, lr  }
0x1b: {  	s9 =	sadd.s32 $0xFFFFFEF7, lr;
	s5 =	simm.s32 $0xFFFFFFFF;
	p2 =	slt.u32 s8, $0xFFFFF086  }
0x1c: {  	p1 =	slt.u32 s9, $0xF7A;
	s5 =	simm.s32 @!p2 $0x0  }
0x1d: {  	s5 =	simm.s32 @p1 $0x1;
	p0 =	seq.s32 s7, s2  }
0x1e: {  	s7 =	smul.u32 @!p0 $0xF7A, s2;
	p2 =	seq.s32 @!p0 s5, $0x0  }
0x1f: {  	s9 =	smul.u32 $0xF7A, s1;
	s8 =	simm.s32 @!p0 $0x1BF5;
	p2 =	por !p2, p0  }
0x20: {  	[sflag:s8] =	ssyncset.s32 @!p0 $0xFFFFF086;
	s6 =	sadd.s32 @!p0 s3, s7;
	s7 =	simm.s32 @!p0 $0x108  }
0x21: {  	s3 =	sadd.s32 s3, s9;
	s6 =	sadd.s32 @!p0 $0x88, s6;
	s7 =	simm.s32 @p2 $0x1082  }
0x22: {  	[simem:s7], [sflag:s8] =	dma.local @!p0 [hbm:s6], $0xF7A  }
0x23: {  	s9 =	sor.u32 $0xD0000000, s2;
	s6 =	simm.s32 $0x108;
	_ =	swait.ge @!p0 [sflag:s8], $0x0  }
0x24: {  	s3 =	sadd.s32 $0x88, s3;
	s6 =	simm.s32 @!p1 $0x1082;
	[sflag:s4] =	ssyncset.s32 $0xFFFFF086  }
0x25: {  	[simem:s6], [sflag:s4] =	dma.local [hbm:s3], $0xF7A  }
0x26: {  	[smem:$0x3F95] =	sst s1;
	(tag) =	ssettag s2;
	_ =	strace s9  }
0x27: {  	s1 =	sld [smem:$0x3FA5]  }
0x28: {  	s2 =	sld [smem:$0x3FA6]  }
0x29: {  	s4 =	sld [smem:$0x3FA8]  }
0x2a: {  	p0 =	seq.s32 s5, $0x0;
	s5 =	sld [smem:$0x3FA9]  }
0x2b: {  	s6 =	sld [smem:$0x3FAA]  }
0x2c: {  	s7 =	sld [smem:$0x3FAB]  }
0x2d: {  	s3 =	simm.s32 $0x108;
	s8 =	sld [smem:$0x3FAC]  }
0x2e: {  	s3 =	simm.s32 @!p0 $0x1082;
	s9 =	sld [smem:$0x3FAD]  }
0x2f: {  	lr =	sadd.s32 s0, s3;
	s0 =	sld [smem:$0x3FA4]  }
0x30: {  	s3 =	sld [smem:$0x3FA7]  }
0x31: {  	[smem:$0x3FB0] =	sst s10  }
0x32: {  	s10 =	sld [smem:$0x3FAE];
	_ =	sdelay $0x3  }
0x33: {  	p0 =	seq.s32 s10, $0x1;
	s10 =	sld [smem:$0x3FB0];
	_ =	sdelay $0x3  }
0x34: {  	[smem:$0x3FB0] =	sst s10  }
0x35: {  	s10 =	sld [smem:$0x3FAF];
	_ =	sdelay $0x3  }
0x36: {  	p1 =	seq.s32 s10, $0x1;
	s10 =	sld [smem:$0x3FB0];
	_ =	sdelay $0x3  }
0x37: {  	[smem:$0x3FB0] =	sst s10  }
0x38: {  	s10 =	sld [smem:$0x3FB1]  }
0x39: {  	_ = 	snop;
	(pc) =	sbr.ind lr, $3  }
0x3a: {  	_ = 	snop  }
0x3b: {  	_ = 	snop  }
0x3c: {  	p2 =	seq.s32 s10, $0x1;
	s10 =	sld [smem:$0x3FB0]  }
0x3d: {  	_ =	shalt  }
0x3e: {  	_ =	shalt  }
0x3f: {  	_ =	shalt  }
0x40: {  	_ =	shalt  }
0x41: {  	_ =	shalt  }
0x42: {  	_ =	shalt  }
0x43: {  	_ =	shalt  }
0x44: {  	_ =	shalt  }
0x45: {  	_ =	shalt  }
0x46: {  	_ =	shalt  }
0x47: {  	_ =	shalt  }
0x48: {  	_ =	shalt  }
0x49: {  	_ =	shalt  }
0x4a: {  	_ =	shalt  }
0x4b: {  	_ =	shalt  }
0x4c: {  	_ =	shalt  }
0x4d: {  	_ =	shalt  }
0x4e: {  	_ =	shalt  }
0x4f: {  	_ =	shalt  }
0x50: {  	_ =	shalt  }
0x51: {  	_ =	shalt  }
0x52: {  	_ =	shalt  }
0x53: {  	_ =	shalt  }
0x54: {  	_ =	shalt  }
0x55: {  	_ =	shalt  }
0x56: {  	_ =	shalt  }
0x57: {  	_ =	shalt  }
0x58: {  	_ =	shalt  }
0x59: {  	_ =	shalt  }
0x5a: {  	_ =	shalt  }
0x5b: {  	_ =	shalt  }
0x5c: {  	_ =	shalt  }
0x5d: {  	_ =	shalt  }
0x5e: {  	_ =	shalt  }
0x5f: {  	_ =	shalt  }
0x60: {  	_ =	shalt  }
0x61: {  	_ =	shalt  }
0x62: {  	_ =	shalt  }
0x63: {  	_ =	shalt  }
0x64: {  	_ =	shalt  }
0x65: {  	_ =	shalt  }
0x66: {  	_ =	shalt  }
0x67: {  	_ =	shalt  }
0x68: {  	_ =	shalt  }
0x69: {  	_ =	shalt  }
0x6a: {  	_ =	shalt  }
0x6b: {  	_ =	shalt  }
0x6c: {  	_ =	shalt  }
0x6d: {  	_ =	shalt  }
0x6e: {  	_ =	shalt  }
0x6f: {  	_ =	shalt  }
0x70: {  	_ =	shalt  }
0x71: {  	_ =	shalt  }
0x72: {  	_ =	shalt  }
0x73: {  	_ =	shalt  }
0x74: {  	_ =	shalt  }
0x75: {  	_ =	shalt  }
0x76: {  	_ =	shalt  }
0x77: {  	_ =	shalt  }
0x78: {  	_ =	shalt  }
0x79: {  	_ =	shalt  }
0x7a: {  	_ =	shalt  }
0x7b: {  	_ =	shalt  }
0x7c: {  	_ =	shalt  }
0x7d: {  	_ =	shalt  }
0x7e: {  	_ =	shalt  }
0x7f: {  	_ =	shalt  }
0x80: {  	_ =	shalt  }
0x81: {  	_ =	shalt  }
0x82: {  	_ =	shalt  }
0x83: {  	_ =	shalt  }
0x84: {  	_ =	shalt  }
0x85: {  	_ =	shalt  }
0x86: {  	_ =	shalt  }
0x87: {  	_ =	shalt  }
.Lfunc_end0:
.L_simem_size_0:
called_computation.1_lowered:
.L_overlay_start_0:
0x88: {  	s2 =	sld [smem:$0x3FD9]  }
0x89: {  	s3 =	sld [smem:$0x3FFE];
	_ =	sdelay $0x1  }
0x8a: {  	s1 =	srdreg.scid  }
0x8b: {  	s0 =	sand.u32 $0x1, s1  }
0x8c: {  	s16 =	sshll.u32 s0, $0xA;
	s2 =	sadd.s32 s3, s2  }
0x8d: {  	s2 =	sadd.s32 s2, s16  }
0x8e: {  	[smem:$0x3FBC] =	sst s2  }
0x8f: {  	_ = 	snop  }
0x90: {  	(tm) =	ssettm $0x1  }
0x91: {  	s17 =	sld [smem:$0x3FFB];
	_ =	sdelay $0x3  }
0x92: {  	_ =	strace s17  }
0x93: {  	s2 =	sld [smem:$0x3FFC];
	_ =	sdelay $0x3  }
0x94: {  	_ =	strace s2  }
0x95: {  	s2 =	sld [smem:$0x3FFD];
	_ =	sdelay $0x3  }
0x96: {  	_ =	strace s2  }
0x97: {  	_ =	strace $0x8FFFFFFF  }
0x98: {  	s18 =	sld [smem:$0x3FDB];
	_ =	sdelay $0x1  }
0x99: {  	s19 =	simm.s32 $_scs_section_size  }
0x9a: {  	s4 =	simm.s32 $_size__tile_overlayer_lowered;
	s5 =	simm.s32 $_tile_overlayer_lowered  }
0x9b: {  	s22 =	simm.s32 $0x1BFF;
	s21 =	sshll.u32 s5, $0x1;
	s2 =	sadd.s32 s19, s18  }
0x9c: {  	s6 =	simm.s32 $0x0;
	s20 =	sshll.u32 s4, $0x1;
	s4 =	sadd.s32 s21, s2  }
0x9d: {  	[timem:s6], [sflag:s22] =	dma.local [hbm:s4], s20  }
0x9e: {  	_ =	swait.ge [sflag:s22], s20  }
0x9f: {  	s3 =	ssub.s32 $0x0, s20;
	[sflag:s22] =	ssyncset.done $0x0  }
0xa0: {  	[sflag:s22] =	ssyncadd.s32 s3;
	_ =	sdelay $0x1  }
0xa1: {  	s23 =	simm.s32 $0x1B8B  }
0xa2: {  	_ =	swait.ge [sflag:s23], $0x1  }
0xa3: {  	[sflag:s23] =	ssyncset.done $0x0  }
0xa4: {  	s25 =	simm.s32 $0x1B8E;
	s24 =	sld [smem:$0x3FFE];
	[sflag:s23] =	ssyncadd.s32 $0xFFFFFFFF  }
0xa5: {  	s26 =	simm.s32 $execute0_lowered;
	[smem:$0x3FD2] =	sst s25  }
0xa6: {  	s4 =	sshll.u32 s26, $0x1;
	_ =	strace $0x80000049;
	[dreg:$0x1] =	wrdreg $0xFFFFFFFF  }
0xa7: {  	s28 =	simm.s32 $_size_execute0_lowered;
	s2 =	sadd.s32 s2, s4;
	[dreg:$0x0] =	wrdreg $0x0  }
0xa8: {  	s4 =	sshll.u32 s28, $0x1;
	[dreg:$0x2] =	wrdreg s2  }
0xa9: {  	[dreg:$0x3] =	wrdreg s4  }
0xaa: {  	[dreg:$0x4] =	wrdreg $0xC0  }
0xab: {  	_ =	task [dreg:s6], $0x5FFFF  }
0xac: {  	[dreg:$0x1] =	wrdreg $0xFFFFFFFF  }
0xad: {  	[dreg:$0x0] =	wrdreg $0x60  }
0xae: {  	[dreg:$0x2] =	wrdreg s24  }
0xaf: {  	[dreg:$0x3] =	wrdreg $0x9  }
0xb0: {  	_ =	task.clear_ibuf [dreg:s6], $0x4FFFF;
	_ =	strace $0x90000049  }
0xb1: {  	s29 =	simm.s32 $0x9;
	_ =	strace $0x8000004B  }
0xb2: {  	_ =	swait.ge [sflag:s29], $0x1  }
0xb3: {  	[sflag:s29] =	ssyncadd.s32 $0xFFFFFFFF  }
0xb4: {  	_ =	strace $0x9000004B  }
0xb5: {  	_ =	sfence  }
0xb6: {  	s30 =	sld [smem:$0x0];
	_ =	sdelay $0x2  }
0xb7: {  	s31 =	sshll.u32 s1, $0xD;
	s1 =	sshrl.u32 s1, $0x2  }
0xb8: {  	s3 =	sand.u32 $0x4000, s31;
	s1 =	sadd.s32 s1, s30  }
0xb9: {  	s0 =	sor.u32 s3, s0;
	s1 =	sshll.u32 s1, $0x11  }
0xba: {  	s0 =	sor.u32 s1, s0  }
0xbb: {  	s0 =	sadd.s32 $0x8F2B, s0  }
0xbc: {  	[sflag:s0] =	ssyncadd.remote.s32 $0x1  }
0xbd: {  	_ =	sfence.sel $0xFFFF  }
0xbe: {  	[dreg:$0x0] =	wrdreg $0xFFFFFFFF;
	(pc) =	sbr.abs _section_cstart, $3  }
0xbf: {  	[dreg:$0x1] =	wrdreg $0xFFFFFFFF  }
0xc0: {  	_ =	task.clear_ibuf [dreg:s6], $0x2FFFF;
	_ =	strace $0x9FFFFFFF  }
0xc1: {  	(tm) =	ssettm $0x7FFFFFFF  }
tec
execute0_lowered:
.L_overlay_start_1:
0x0: {  	(tag) =	ssettag $0x1  }
0x1: {  	v0 =	vimm.s32 $0xE01;
	vm2 =	vcmask $0x300  }
0x2: {  	vm0 =	vcmask $0x704;
	vm14 =	vcmask $0xB08;
	vm13 =	vcmask $0xF0C  }
0x3: {  	vm12 =	vcmask $0x1310;
	vm11 =	vcmask $0x1714;
	vm10 =	vcmask $0x1B18  }
0x4: {  	vm9 =	vcmask $0x1F1C;
	v1 =	vimm.s32 $0xE03;
	vm3 =	vcmask $0x2320  }
0x5: {  	vm1 =	vcmask $0x2724;
	vm7 =	vcmask $0x2B28;
	v2 =	vimm.s32 $0xE05  }
0x6: {  	vm8 =	vcmask $0x2F2C;
	vm4 =	vcmask $0x3330;
	vm5 =	vcmask $0x3734  }
0x7: {  	vm6 =	vcmask $0x3B38;
	v3 =	vlaneseq.u32;
	v6 =	vimm.s32 $0x1E03  }
0x8: {  	v8 =	vimm.s32 $0x1E05;
	v9 =	vimm.s32 $0x1E07;
	v10 =	vimm.s32 $0x2E01  }
0x9: {  	v11 =	vimm.s32 $0x2E03;
	v12 =	vimm.s32 $0x2E05;
	v14 =	vimm.s32 $0x2E07  }
0xa: {  	v16 =	vimm.s32 $0x0;
	vm15 =	vcmask $0x1F08;
	v17 =	vimm.s32 $0x3  }
0xb: {  	v18 =	vimm.s32 $0x5;
	v19 =	vimm.s32 $0x7;
	v0 =	vsel vm2, $0x0, v0  }
0xc: {  	v1 =	vsel vm2, $0x2, v1;
	v2 =	vsel vm2, $0x4, v2;
	v3 =	vand.u32 $0x7, v3  }
0xd: {  	v6 =	vsel vm2, $0x1002, v6;
	v8 =	vsel vm2, $0x1004, v8;
	v9 =	vsel vm2, $0x1006, v9  }
0xe: {  	v10 =	vsel vm2, $0x2000, v10;
	v11 =	vsel vm2, $0x2002, v11;
	v12 =	vsel vm2, $0x2004, v12  }
0xf: {  	v14 =	vsel vm2, $0x2006, v14;
	v16 =	vsel vm2, $0xEA600, v16;
	v17 =	vsel vm2, $0x3002, v17  }
0x10: {  	v18 =	vsel vm2, $0x3004, v18;
	v19 =	vsel vm2, $0x3006, v19;
	v0 =	vsel vm0, $0x200, v0  }
0x11: {  	v1 =	vsel vm0, $0x202, v1;
	v2 =	vsel vm0, $0x204, v2;
	v6 =	vsel vm0, $0x1202, v6  }
0x12: {  	v8 =	vsel vm0, $0x1204, v8;
	v9 =	vsel vm0, $0x1206, v9;
	v10 =	vsel vm0, $0x2200, v10  }
0x13: {  	v11 =	vsel vm0, $0x2202, v11;
	v12 =	vsel vm0, $0x2204, v12;
	v14 =	vsel vm0, $0x2206, v14  }
0x14: {  	v16 =	vsel vm0, $0xF4240, v16;
	v17 =	vsel vm0, $0x3202, v17;
	v18 =	vsel vm0, $0x3204, v18  }
0x15: {  	v19 =	vsel vm0, $0x3206, v19;
	v0 =	vsel vm14, $0x400, v0;
	v1 =	vsel vm14, $0x402, v1  }
0x16: {  	v2 =	vsel vm14, $0x404, v2;
	v6 =	vsel vm14, $0x1402, v6;
	v8 =	vsel vm14, $0x1404, v8  }
0x17: {  	v9 =	vsel vm14, $0x1406, v9;
	v10 =	vsel vm14, $0x2400, v10;
	v13 =	vsel vm14, $0x2402, v11  }
0x18: {  	v12 =	vsel vm14, $0x2404, v12;
	v14 =	vsel vm14, $0x2406, v14;
	v16 =	vsel vm3, $0xEA600, v16  }
0x19: {  	v17 =	vsel vm15, $0x2, v17;
	v18 =	vsel vm15, $0x4, v18;
	v19 =	vsel vm15, $0x6, v19  }
0x1a: {  	v0 =	vsel vm13, $0x600, v0;
	v1 =	vsel vm13, $0x602, v1;
	v2 =	vsel vm13, $0x604, v2  }
0x1b: {  	v6 =	vsel vm13, $0x1602, v6;
	v8 =	vsel vm13, $0x1604, v8;
	v9 =	vsel vm13, $0x1606, v9  }
0x1c: {  	v10 =	vsel vm13, $0x2600, v10;
	v13 =	vsel vm13, $0x2602, v13;
	v12 =	vsel vm13, $0x2604, v12  }
0x1d: {  	v14 =	vsel vm13, $0x2606, v14;
	v16 =	vsel vm1, $0xF4240, v16;
	v17 =	vsel vm3, $0x3003, v17  }
0x1e: {  	v18 =	vsel vm3, $0x3005, v18;
	v19 =	vsel vm3, $0x3007, v19;
	v0 =	vsel vm12, $0x800, v0  }
0x1f: {  	v1 =	vsel vm12, $0x802, v1;
	v2 =	vsel vm12, $0x804, v2;
	v6 =	vsel vm12, $0x1802, v6  }
0x20: {  	v8 =	vsel vm12, $0x1804, v8;
	v9 =	vsel vm12, $0x1806, v9;
	v10 =	vsel vm12, $0x2800, v10  }
0x21: {  	v13 =	vsel vm12, $0x2802, v13;
	v12 =	vsel vm12, $0x2804, v12;
	v14 =	vsel vm12, $0x2806, v14  }
0x22: {  	v17 =	vsel vm1, $0x3203, v17;
	v18 =	vsel vm1, $0x3205, v18;
	v19 =	vsel vm1, $0x3207, v19  }
0x23: {  	v0 =	vsel vm11, $0xA00, v0;
	v1 =	vsel vm11, $0xA02, v1;
	v2 =	vsel vm11, $0xA04, v2  }
0x24: {  	v6 =	vsel vm11, $0x1A02, v6;
	v8 =	vsel vm11, $0x1A04, v8;
	v9 =	vsel vm11, $0x1A06, v9  }
0x25: {  	v10 =	vsel vm11, $0x2A00, v10;
	v13 =	vsel vm11, $0x2A02, v13;
	v12 =	vsel vm11, $0x2A04, v12  }
0x26: {  	v14 =	vsel vm11, $0x2A06, v14;
	v0 =	vsel vm10, $0xC00, v0;
	v1 =	vsel vm10, $0xC02, v1  }
0x27: {  	v2 =	vsel vm10, $0xC04, v2;
	v6 =	vsel vm10, $0x1C02, v6;
	v8 =	vsel vm10, $0x1C04, v8  }
0x28: {  	v9 =	vsel vm10, $0x1C06, v9;
	v10 =	vsel vm10, $0x2C00, v10;
	v13 =	vsel vm10, $0x2C02, v13  }
0x29: {  	v12 =	vsel vm10, $0x2C04, v12;
	v14 =	vsel vm10, $0x2C06, v14;
	v0 =	vsel vm9, $0xE00, v0  }
0x2a: {  	v1 =	vsel vm9, $0xE02, v1;
	v2 =	vsel vm9, $0xE04, v2;
	v6 =	vsel vm9, $0x1E02, v6  }
0x2b: {  	v8 =	vsel vm9, $0x1E04, v8;
	v9 =	vsel vm9, $0x1E06, v9;
	v10 =	vsel vm9, $0x2E00, v10  }
0x2c: {  	v13 =	vsel vm9, $0x2E02, v13;
	v12 =	vsel vm9, $0x2E04, v12;
	v14 =	vsel vm9, $0x2E06, v14  }
0x2d: {  	v0 =	vsel vm3, $0x1, v0;
	v1 =	vsel vm3, $0x3, v1;
	v2 =	vsel vm3, $0x5, v2  }
0x2e: {  	v6 =	vsel vm3, $0x1003, v6;
	v8 =	vsel vm3, $0x1005, v8;
	v9 =	vsel vm3, $0x1007, v9  }
0x2f: {  	v10 =	vsel vm3, $0x2001, v10;
	v13 =	vsel vm3, $0x2003, v13;
	v12 =	vsel vm3, $0x2005, v12  }
0x30: {  	v14 =	vsel vm3, $0x2007, v14;
	v0 =	vsel vm1, $0x201, v0;
	v1 =	vsel vm1, $0x203, v1  }
0x31: {  	v5 =	vsel vm1, $0x205, v2;
	v6 =	vsel vm1, $0x1203, v6;
	v8 =	vsel vm1, $0x1205, v8  }
0x32: {  	v9 =	vsel vm1, $0x1207, v9;
	v10 =	vsel vm1, $0x2201, v10;
	v13 =	vsel vm1, $0x2203, v13  }
0x33: {  	v12 =	vsel vm1, $0x2205, v12;
	v14 =	vsel vm1, $0x2207, v14;
	v0 =	vsel vm7, $0x401, v0  }
0x34: {  	v1 =	vsel vm7, $0x403, v1;
	v7 =	vsel vm7, $0x1403, v6;
	v8 =	vsel vm7, $0x1405, v8  }
0x35: {  	v9 =	vsel vm7, $0x1407, v9;
	v10 =	vsel vm7, $0x2401, v10;
	v13 =	vsel vm7, $0x2403, v13  }
0x36: {  	v12 =	vsel vm7, $0x2405, v12;
	v14 =	vsel vm7, $0x2407, v14;
	v0 =	vsel vm8, $0x601, v0  }
0x37: {  	v1 =	vsel vm8, $0x603, v1;
	v7 =	vsel vm8, $0x1603, v7;
	v8 =	vsel vm8, $0x1605, v8  }
0x38: {  	v9 =	vsel vm8, $0x1607, v9;
	v10 =	vsel vm8, $0x2601, v10;
	v13 =	vsel vm8, $0x2603, v13  }
0x39: {  	v12 =	vsel vm8, $0x2605, v12;
	v14 =	vsel vm8, $0x2607, v14;
	v0 =	vsel vm4, $0x801, v0  }
0x3a: {  	v1 =	vsel vm4, $0x803, v1;
	v7 =	vsel vm4, $0x1803, v7;
	v8 =	vsel vm4, $0x1805, v8  }
0x3b: {  	v9 =	vsel vm4, $0x1807, v9;
	v10 =	vsel vm4, $0x2801, v10;
	v13 =	vsel vm4, $0x2803, v13  }
0x3c: {  	v15 =	vsel vm4, $0x2805, v12;
	v14 =	vsel vm4, $0x2807, v14;
	v0 =	vsel vm5, $0xA01, v0  }
0x3d: {  	v4 =	vsel vm5, $0xA03, v1;
	v1 =	vmul.u32 $0x9C40, v3;
	v3 =	vsel vm7, $0x405, v5  }
0x3e: {  	v5 =	vimm.s32 $0x1E01;
	v7 =	vsel vm5, $0x1A03, v7;
	v8 =	vsel vm5, $0x1A05, v8  }
0x3f: {  	s4 =	rddreg [dreg:$0x0];
	v9 =	vsel vm5, $0x1A07, v9;
	v10 =	vsel vm5, $0x2A01, v10;
	v13 =	vsel vm5, $0x2A03, v13  }
0x40: {  	s0 =	rddreg [dreg:$0x1];
	v14 =	vsel vm5, $0x2A07, v14;
	v0 =	vsel vm6, $0xC01, v0;
	v2 =	vsel vm6, $0xC03, v4  }
0x41: {  	s3 =	srdreg.scid;
	s2 =	simm.s32 $0x0;
	s1 =	stileid.u32;
	v3 =	vsel vm8, $0x605, v3;
	v4 =	vimm.s32 $0xE07;
	v5 =	vsel vm2, $0x1000, v5  }
0x42: {  	s9 =	simm.s32 $0x7C00;
	s26 =	simm.s32 $0x8400;
	s28 =	simm.s32 $0x8C00;
	v7 =	vsel vm6, $0x1C03, v7;
	v8 =	vsel vm6, $0x1C05, v8;
	v9 =	vsel vm6, $0x1C07, v9  }
0x43: {  	s29 =	simm.s32 $0x9400;
	s30 =	simm.s32 $0x9C00;
	s31 =	simm.s32 $0xA400;
	v10 =	vsel vm6, $0x2C01, v10;
	v12 =	vsel vm6, $0x2C03, v13;
	v4 =	vsel vm2, $0x6, v4  }
0x44: {  	s10 =	simm.s32 $0xAC00;
	s12 =	simm.s32 $0xB400;
	s11 =	simm.s32 $0x7400;
	v13 =	vsel vm5, $0x2A05, v15;
	v5 =	vsel vm0, $0x1200, v5;
	v4 =	vsel vm0, $0x206, v4  }
0x45: {  	s13 =	simm.s32 $0xC400;
	s14 =	simm.s32 $0xCC00;
	[smem:$0x7FF] =	sst s2;
	v15 =	vimm.s32 $0x1;
	v5 =	vsel vm14, $0x1400, v5;
	v4 =	vsel vm14, $0x406, v4  }
0x46: {  	s15 =	simm.s32 $0xD400;
	_ =	strace $0x8000004A;
	[dreg:$0x2] =	wrdreg s9;
	v14 =	vsel vm6, $0x2C07, v14;
	v5 =	vsel vm13, $0x1600, v5;
	v4 =	vsel vm13, $0x606, v4  }
0x47: {  	s16 =	simm.s32 $0xDC00;
	s17 =	simm.s32 $0xE400;
	[dreg:$0x3] =	wrdreg s26;
	v3 =	vsel vm4, $0x805, v3;
	v5 =	vsel vm12, $0x1800, v5;
	v4 =	vsel vm12, $0x806, v4  }
0x48: {  	s18 =	simm.s32 $0xEC00;
	s19 =	simm.s32 $0x1;
	[dreg:$0x4] =	wrdreg s28;
	v6 =	vadd.s32 $0x4E200, v1;
	v5 =	vsel vm11, $0x1A00, v5;
	v4 =	vsel vm11, $0xA06, v4  }
0x49: {  	s20 =	simm.s32 $0x0;
	s6 =	sand.u32 $0x1, s3;
	[dreg:$0x5] =	wrdreg s29;
	v11 =	vadd.s32 $0x9C400, v1;
	v5 =	vsel vm10, $0x1C00, v5;
	v4 =	vsel vm10, $0xC06, v4  }
0x4a: {  	s24 =	sshll.u32 s1, $0x7;
	s7 =	sshll.u32 s1, $0x10;
	[dreg:$0x6] =	wrdreg s30;
	v13 =	vsel vm6, $0x2C05, v13;
	v5 =	vsel vm9, $0x1E00, v5;
	v4 =	vsel vm9, $0xE06, v4  }
0x4b: {  	s5 =	sshll.u32 s6, $0x6;
	s8 =	ssub.s32 $0x2, s6;
	[dreg:$0x7] =	wrdreg s31;
	v15 =	vsel vm2, $0x3000, v15;
	v5 =	vsel vm3, $0x1001, v5;
	v4 =	vsel vm3, $0x7, v4  }
0x4c: {  	s7 =	sadd.s32 s7, s4;
	s6 =	sshll.u32 s6, $0xF;
	[dreg:$0x8] =	wrdreg s10;
	v3 =	vsel vm5, $0xA05, v3;
	v5 =	vsel vm1, $0x1201, v5;
	v4 =	vsel vm1, $0x207, v4  }
0x4d: {  	s9 =	simm.s32 $0x2;
	s10 =	simm.s32 $0x80;
	[dreg:$0x9] =	wrdreg s12;
	v15 =	vsel vm0, $0x3200, v15;
	v5 =	vsel vm7, $0x1401, v5;
	v4 =	vsel vm7, $0x407, v4  }
0x4e: {  	s12 =	simm.s32 $0xBC00;
	s3 =	sor.u32 s5, s24;
	s25 =	sshrl.u32 s8, $0x1;
	v3 =	vsel vm6, $0xC05, v3;
	v5 =	vsel vm8, $0x1601, v5;
	v4 =	vsel vm8, $0x607, v4  }
0x4f: {  	s6 =	sadd.s32 s6, s7;
	s7 =	simm.s32 $0x200;
	s5 =	sadd.s32 s3, s4;
	v15 =	vsel vm15, $0x0, v15;
	v5 =	vsel vm4, $0x1801, v5;
	v4 =	vsel vm4, $0x807, v4  }
0x50: {  	s3 =	sadd.s32 $0x2200, s4;
	s8 =	ssub.s32 s8, s25;
	s6 =	sadd.s32 $0x20B000, s6;
	v15 =	vsel vm3, $0x3001, v15;
	v5 =	vsel vm5, $0x1A01, v5;
	v4 =	vsel vm5, $0xA07, v4  }
0x51: {  	s4 =	sadd.s32 $0x1FE000, s5;
	s5 =	smax.u32 s8, $0x1;
	s8 =	simm.s32 $0x4000;
	v15 =	vsel vm1, $0x3201, v15;
	v5 =	vsel vm6, $0x1C01, v5;
	v4 =	vsel vm6, $0xC07, v4  }
.LBB2_1:
0x52: {  	v20 =	vor.u32 s2, v0  }
0x53: {  	[tilespmem:s2], [sflag:$0x2] =	stream.strided.gather [hbm4b:s4+s7], $0x3400, s8, s7, $0x38;
	[tilespmem:$0xF400] =	vst v63  }
0x54: {  	_ =	swait.ge [sflag:s9], $0x3400  }
0x55: {  	[sflag:s9] =	ssyncset.done $0x0  }
0x56: {  	[sflag:s9] =	ssyncadd.s32 $0xFFFFCC00  }
0x57: {  	v20 =	vld.idx.msk [tilespmem:v20+s2+$0x0], $0xffff;
	_ =	sdelay $0x1  }
0x58: {  	v21 =	vor.u32 s2, v2;
	_ =	sdelay $0x2  }
0x59: {  	s21 =	simm.s32 $0x3480;
	v20 =	vadd.s32 v1, v20  }
0x5a: {  	[tilespmem:s21+$0xFFFFFF80] =	vst v20  }
0x5b: {  	v20 =	vld.idx.msk [tilespmem:v21+s2+$0x0], $0xffff;
	_ =	sdelay $0x1  }
0x5c: {  	v21 =	vor.u32 s2, v3;
	_ =	sdelay $0x2  }
0x5d: {  	v20 =	vadd.s32 v1, v20  }
0x5e: {  	[tilespmem:s21+$0xFFFFFF90] =	vst v20  }
0x5f: {  	v20 =	vld.idx.msk [tilespmem:v21+s2+$0x0], $0xffff;
	_ =	sdelay $0x1  }
0x60: {  	v21 =	vor.u32 s2, v4;
	_ =	sdelay $0x2  }
0x61: {  	v20 =	vadd.s32 v1, v20  }
0x62: {  	[tilespmem:s21+$0xFFFFFFA0] =	vst v20  }
0x63: {  	v20 =	vld.idx.msk [tilespmem:v21+s2+$0x0], $0xffff;
	_ =	sdelay $0x1  }
0x64: {  	v21 =	vor.u32 s2, v5;
	_ =	sdelay $0x2  }
0x65: {  	v20 =	vadd.s32 v1, v20  }
0x66: {  	[tilespmem:s21+$0xFFFFFFB0] =	vst v20  }
0x67: {  	v20 =	vld.idx.msk [tilespmem:v21+s2+$0x0], $0xffff;
	_ =	sdelay $0x1  }
0x68: {  	v21 =	vor.u32 s2, v7;
	_ =	sdelay $0x2  }
0x69: {  	v20 =	vadd.s32 v6, v20  }
0x6a: {  	[tilespmem:s21+$0xFFFFFFC0] =	vst v20  }
0x6b: {  	v20 =	vld.idx.msk [tilespmem:v21+s2+$0x0], $0xffff;
	_ =	sdelay $0x1  }
0x6c: {  	v21 =	vor.u32 s2, v8;
	_ =	sdelay $0x2  }
0x6d: {  	v20 =	vadd.s32 v6, v20  }
0x6e: {  	[tilespmem:s21+$0xFFFFFFD0] =	vst v20  }
0x6f: {  	v20 =	vld.idx.msk [tilespmem:v21+s2+$0x0], $0xffff;
	_ =	sdelay $0x1  }
0x70: {  	v21 =	vor.u32 s2, v9;
	_ =	sdelay $0x2  }
0x71: {  	v20 =	vadd.s32 v6, v20  }
0x72: {  	[tilespmem:s21+$0xFFFFFFE0] =	vst v20  }
0x73: {  	v20 =	vld.idx.msk [tilespmem:v21+s2+$0x0], $0xffff;
	_ =	sdelay $0x1  }
0x74: {  	v21 =	vor.u32 s2, v10;
	_ =	sdelay $0x2  }
0x75: {  	v20 =	vadd.s32 v6, v20  }
0x76: {  	[tilespmem:s21+$0xFFFFFFF0] =	vst v20  }
0x77: {  	v20 =	vld.idx.msk [tilespmem:v21+s2+$0x0], $0xffff;
	_ =	sdelay $0x1  }
0x78: {  	v21 =	vor.u32 s2, v12;
	_ =	sdelay $0x2  }
0x79: {  	v20 =	vadd.s32 v11, v20  }
0x7a: {  	[tilespmem:s21+$0x0] =	vst v20  }
0x7b: {  	v20 =	vld.idx.msk [tilespmem:v21+s2+$0x0], $0xffff;
	_ =	sdelay $0x1  }
0x7c: {  	v21 =	vor.u32 s2, v13;
	_ =	sdelay $0x2  }
0x7d: {  	v20 =	vadd.s32 v11, v20  }
0x7e: {  	[tilespmem:s21+$0x10] =	vst v20  }
0x7f: {  	v20 =	vld.idx.msk [tilespmem:v21+s2+$0x0], $0xffff;
	_ =	sdelay $0x1  }
0x80: {  	v21 =	vor.u32 s2, v14;
	_ =	sdelay $0x2  }
0x81: {  	v20 =	vadd.s32 v11, v20  }
0x82: {  	[tilespmem:s21+$0x20] =	vst v20  }
0x83: {  	v20 =	vld.idx.msk [tilespmem:v21+s2+$0x0], $0xffff;
	_ =	sdelay $0x1  }
0x84: {  	v21 =	vor.u32 s2, v15;
	_ =	sdelay $0x2  }
0x85: {  	v20 =	vadd.s32 v11, v20  }
0x86: {  	[tilespmem:s21+$0x30] =	vst v20  }
0x87: {  	v20 =	vld.idx.msk [tilespmem:v21+s2+$0x0], $0xffff;
	_ =	sdelay $0x1  }
0x88: {  	v21 =	vor.u32 s2, v17;
	_ =	sdelay $0x2  }
0x89: {  	v20 =	vadd.s32 v16, v20  }
0x8a: {  	[tilespmem:s21+$0x40] =	vst v20  }
0x8b: {  	v20 =	vld.idx.msk [tilespmem:v21+s2+$0x0], $0xffff;
	_ =	sdelay $0x1  }
0x8c: {  	v21 =	vor.u32 s2, v18;
	_ =	sdelay $0x2  }
0x8d: {  	v20 =	vadd.s32 v16, v20  }
0x8e: {  	[tilespmem:s21+$0x50] =	vst v20  }
0x8f: {  	v20 =	vld.idx.msk [tilespmem:v21+s2+$0x0], $0xffff;
	_ =	sdelay $0x1  }
0x90: {  	v21 =	vor.u32 s2, v19;
	_ =	sdelay $0x2  }
0x91: {  	v20 =	vadd.s32 v16, v20  }
0x92: {  	[tilespmem:s21+$0x60] =	vst v20  }
0x93: {  	v21 =	vld.idx.msk [tilespmem:v21+s2+$0x0], $0xffff  }
0x94: {  	s22 =	simm.s32 $0x8  }
0x95: {  	s24 =	simm.s32 $0x10;
	v20 =	vor.u32 s22, v0  }
.LBB2_2:
0x96: {  	p0 =	sne.s32 s24, $0x1F8;
	_ =	sdelay $0x1  }
0x97: {  	v21 =	vadd.s32 v16, v21  }
0x98: {  	s23 =	simm.s32 $0x0;
	[tilespmem:s21+$0x70] =	vst v21  }
0x99: {  	v20 =	vld.idx.msk [tilespmem:v20+s23+$0x0], $0xffff;
	_ =	sdelay $0x2  }
0x9a: {  	v21 =	vor.u32 s22, v2;
	_ =	sdelay $0x2  }
0x9b: {  	s21 =	sadd.s32 $0x100, s21;
	v20 =	vadd.s32 v1, v20  }
0x9c: {  	[tilespmem:s21+$0xFFFFFF80] =	vst v20  }
0x9d: {  	v20 =	vld.idx.msk [tilespmem:v21+s23+$0x0], $0xffff;
	_ =	sdelay $0x2  }
0x9e: {  	v21 =	vor.u32 s22, v3;
	_ =	sdelay $0x2  }
0x9f: {  	v20 =	vadd.s32 v1, v20  }
0xa0: {  	[tilespmem:s21+$0xFFFFFF90] =	vst v20  }
0xa1: {  	v20 =	vld.idx.msk [tilespmem:v21+s23+$0x0], $0xffff;
	_ =	sdelay $0x2  }
0xa2: {  	v21 =	vor.u32 s22, v4;
	_ =	sdelay $0x2  }
0xa3: {  	v20 =	vadd.s32 v1, v20  }
0xa4: {  	[tilespmem:s21+$0xFFFFFFA0] =	vst v20  }
0xa5: {  	v20 =	vld.idx.msk [tilespmem:v21+s23+$0x0], $0xffff;
	_ =	sdelay $0x2  }
0xa6: {  	v21 =	vor.u32 s22, v5;
	_ =	sdelay $0x2  }
0xa7: {  	v20 =	vadd.s32 v1, v20  }
0xa8: {  	[tilespmem:s21+$0xFFFFFFB0] =	vst v20  }
0xa9: {  	v20 =	vld.idx.msk [tilespmem:v21+s23+$0x0], $0xffff;
	_ =	sdelay $0x2  }
0xaa: {  	v21 =	vor.u32 s22, v7;
	_ =	sdelay $0x2  }
0xab: {  	v20 =	vadd.s32 v6, v20  }
0xac: {  	[tilespmem:s21+$0xFFFFFFC0] =	vst v20  }
0xad: {  	v20 =	vld.idx.msk [tilespmem:v21+s23+$0x0], $0xffff;
	_ =	sdelay $0x2  }
0xae: {  	v21 =	vor.u32 s22, v8;
	_ =	sdelay $0x2  }
0xaf: {  	v20 =	vadd.s32 v6, v20  }
0xb0: {  	[tilespmem:s21+$0xFFFFFFD0] =	vst v20  }
0xb1: {  	v20 =	vld.idx.msk [tilespmem:v21+s23+$0x0], $0xffff;
	_ =	sdelay $0x2  }
0xb2: {  	v21 =	vor.u32 s22, v9;
	_ =	sdelay $0x2  }
0xb3: {  	v20 =	vadd.s32 v6, v20  }
0xb4: {  	[tilespmem:s21+$0xFFFFFFE0] =	vst v20  }
0xb5: {  	v20 =	vld.idx.msk [tilespmem:v21+s23+$0x0], $0xffff;
	_ =	sdelay $0x2  }
0xb6: {  	v21 =	vor.u32 s22, v10;
	_ =	sdelay $0x2  }
0xb7: {  	v20 =	vadd.s32 v6, v20  }
0xb8: {  	[tilespmem:s21+$0xFFFFFFF0] =	vst v20  }
0xb9: {  	v20 =	vld.idx.msk [tilespmem:v21+s23+$0x0], $0xffff;
	_ =	sdelay $0x2  }
0xba: {  	v21 =	vor.u32 s22, v12;
	_ =	sdelay $0x2  }
0xbb: {  	v20 =	vadd.s32 v11, v20  }
0xbc: {  	[tilespmem:s21+$0x0] =	vst v20  }
0xbd: {  	v20 =	vld.idx.msk [tilespmem:v21+s23+$0x0], $0xffff;
	_ =	sdelay $0x2  }
0xbe: {  	v21 =	vor.u32 s22, v13;
	_ =	sdelay $0x2  }
0xbf: {  	v20 =	vadd.s32 v11, v20  }
0xc0: {  	[tilespmem:s21+$0x10] =	vst v20  }
0xc1: {  	v20 =	vld.idx.msk [tilespmem:v21+s23+$0x0], $0xffff;
	_ =	sdelay $0x2  }
0xc2: {  	v21 =	vor.u32 s22, v14;
	_ =	sdelay $0x2  }
0xc3: {  	v20 =	vadd.s32 v11, v20  }
0xc4: {  	[tilespmem:s21+$0x20] =	vst v20  }
0xc5: {  	v20 =	vld.idx.msk [tilespmem:v21+s23+$0x0], $0xffff;
	_ =	sdelay $0x2  }
0xc6: {  	v21 =	vor.u32 s22, v15;
	_ =	sdelay $0x2  }
0xc7: {  	v20 =	vadd.s32 v11, v20  }
0xc8: {  	[tilespmem:s21+$0x30] =	vst v20  }
0xc9: {  	v20 =	vld.idx.msk [tilespmem:v21+s23+$0x0], $0xffff;
	_ =	sdelay $0x2  }
0xca: {  	v21 =	vor.u32 s22, v17;
	_ =	sdelay $0x2  }
0xcb: {  	v20 =	vadd.s32 v16, v20  }
0xcc: {  	[tilespmem:s21+$0x40] =	vst v20  }
0xcd: {  	v20 =	vld.idx.msk [tilespmem:v21+s23+$0x0], $0xffff;
	_ =	sdelay $0x2  }
0xce: {  	v21 =	vor.u32 s22, v18;
	_ =	sdelay $0x2  }
0xcf: {  	v20 =	vadd.s32 v16, v20  }
0xd0: {  	[tilespmem:s21+$0x50] =	vst v20  }
0xd1: {  	v20 =	vld.idx.msk [tilespmem:v21+s23+$0x0], $0xffff;
	_ =	sdelay $0x2  }
0xd2: {  	v21 =	vor.u32 s22, v19;
	s22 =	smov.u32 s24;
	_ =	sdelay $0x2  }
0xd3: {  	v20 =	vadd.s32 v16, v20  }
.Ltmp0:
0xd4: {  	[tilespmem:s21+$0x60] =	vst v20;
	(pc) =	sbr.rel @p0 .LBB2_2-.Ltmp0, $2  }
0xd5: {  	v21 =	vld.idx.msk [tilespmem:v21+s23+$0x0], $0xffff;
	_ =	sdelay $0x2  }
0xd6: {  	s24 =	sadd.s32 $0x8, s24;
	v20 =	vor.u32 s22, v0  }
0xd7: {  	_ =	sdelay $0x1  }
0xd8: {  	v21 =	vadd.s32 v16, v21  }
0xd9: {  	[tilespmem:s21+$0x70] =	vst v21  }
0xda: {  	v20 =	vld.idx.msk [tilespmem:v20+s23+$0x0], $0xffff;
	_ =	sdelay $0x1  }
0xdb: {  	v49 =	vor.u32 s22, v2;
	_ =	sdelay $0x2  }
0xdc: {  	s31 =	sadd.s32 $0x100, s21;
	v20 =	vadd.s32 v1, v20  }
0xdd: {  	[tilespmem:s31+$0xFFFFFF80] =	vst v20  }
0xde: {  	v20 =	vld.idx.msk [tilespmem:v49+s23+$0x0], $0xffff;
	_ =	sdelay $0x1  }
0xdf: {  	v50 =	vor.u32 s22, v3;
	_ =	sdelay $0x2  }
0xe0: {  	v20 =	vadd.s32 v1, v20  }
0xe1: {  	[tilespmem:s31+$0xFFFFFF90] =	vst v20  }
0xe2: {  	v20 =	vld.idx.msk [tilespmem:v50+s23+$0x0], $0xffff;
	_ =	sdelay $0x1  }
0xe3: {  	v51 =	vor.u32 s22, v4;
	_ =	sdelay $0x2  }
0xe4: {  	v20 =	vadd.s32 v1, v20  }
0xe5: {  	[tilespmem:s31+$0xFFFFFFA0] =	vst v20  }
0xe6: {  	v20 =	vld.idx.msk [tilespmem:v51+s23+$0x0], $0xffff;
	_ =	sdelay $0x1  }
0xe7: {  	v52 =	vor.u32 s22, v5;
	_ =	sdelay $0x2  }
0xe8: {  	v20 =	vadd.s32 v1, v20  }
0xe9: {  	[tilespmem:s31+$0xFFFFFFB0] =	vst v20  }
0xea: {  	v20 =	vld.idx.msk [tilespmem:v52+s23+$0x0], $0xffff;
	_ =	sdelay $0x1  }
0xeb: {  	v53 =	vor.u32 s22, v7;
	_ =	sdelay $0x2  }
0xec: {  	v20 =	vadd.s32 v6, v20  }
0xed: {  	[tilespmem:s31+$0xFFFFFFC0] =	vst v20  }
0xee: {  	v20 =	vld.idx.msk [tilespmem:v53+s23+$0x0], $0xffff;
	_ =	sdelay $0x1  }
0xef: {  	v54 =	vor.u32 s22, v8;
	_ =	sdelay $0x2  }
0xf0: {  	v20 =	vadd.s32 v6, v20  }
0xf1: {  	[tilespmem:s31+$0xFFFFFFD0] =	vst v20  }
0xf2: {  	v20 =	vld.idx.msk [tilespmem:v54+s23+$0x0], $0xffff;
	_ =	sdelay $0x1  }
0xf3: {  	v55 =	vor.u32 s22, v9;
	_ =	sdelay $0x2  }
0xf4: {  	v20 =	vadd.s32 v6, v20  }
0xf5: {  	[tilespmem:s31+$0xFFFFFFE0] =	vst v20  }
0xf6: {  	v20 =	vld.idx.msk [tilespmem:v55+s23+$0x0], $0xffff;
	_ =	sdelay $0x1  }
0xf7: {  	v56 =	vor.u32 s22, v10;
	_ =	sdelay $0x2  }
0xf8: {  	v20 =	vadd.s32 v6, v20  }
0xf9: {  	[tilespmem:s31+$0xFFFFFFF0] =	vst v20  }
0xfa: {  	v20 =	vld.idx.msk [tilespmem:v56+s23+$0x0], $0xffff;
	_ =	sdelay $0x1  }
0xfb: {  	v57 =	vor.u32 s22, v12;
	_ =	sdelay $0x2  }
0xfc: {  	v20 =	vadd.s32 v11, v20  }
0xfd: {  	[tilespmem:s31+$0x0] =	vst v20  }
0xfe: {  	v20 =	vld.idx.msk [tilespmem:v57+s23+$0x0], $0xffff;
	_ =	sdelay $0x1  }
0xff: {  	v58 =	vor.u32 s22, v13;
	_ =	sdelay $0x2  }
0x100: {  	v20 =	vadd.s32 v11, v20  }
0x101: {  	[tilespmem:s31+$0x10] =	vst v20  }
0x102: {  	v20 =	vld.idx.msk [tilespmem:v58+s23+$0x0], $0xffff;
	_ =	sdelay $0x1  }
0x103: {  	v59 =	vor.u32 s22, v14;
	_ =	sdelay $0x2  }
0x104: {  	v20 =	vadd.s32 v11, v20  }
0x105: {  	[tilespmem:s31+$0x20] =	vst v20  }
0x106: {  	v20 =	vld.idx.msk [tilespmem:v59+s23+$0x0], $0xffff;
	_ =	sdelay $0x1  }
0x107: {  	v60 =	vor.u32 s22, v15;
	_ =	sdelay $0x2  }
0x108: {  	v20 =	vadd.s32 v11, v20  }
0x109: {  	[tilespmem:s31+$0x30] =	vst v20  }
0x10a: {  	v20 =	vld.idx.msk [tilespmem:v60+s23+$0x0], $0xffff;
	_ =	sdelay $0x1  }
0x10b: {  	v61 =	vor.u32 s22, v17;
	_ =	sdelay $0x2  }
0x10c: {  	v20 =	vadd.s32 v16, v20  }
0x10d: {  	[tilespmem:s31+$0x40] =	vst v20  }
0x10e: {  	v20 =	vld.idx.msk [tilespmem:v61+s23+$0x0], $0xffff;
	_ =	sdelay $0x1  }
0x10f: {  	v62 =	vor.u32 s22, v18;
	_ =	sdelay $0x2  }
0x110: {  	v20 =	vadd.s32 v16, v20  }
0x111: {  	[tilespmem:s31+$0x50] =	vst v20  }
0x112: {  	v20 =	vld.idx.msk [tilespmem:v62+s23+$0x0], $0xffff;
	_ =	sdelay $0x1  }
0x113: {  	v63 =	vor.u32 s22, v19;
	_ =	sdelay $0x2  }
0x114: {  	v20 =	vadd.s32 v16, v20  }
0x115: {  	[tilespmem:s31+$0x60] =	vst v20  }
0x116: {  	v20 =	vld.idx.msk [tilespmem:v63+s23+$0x0], $0xffff  }
0x117: {  	p1 =	por $0x1, $0x1  }
.Ltmp1:
0x118: {  	_ = 	snop;
	(pc) =	sbr.rel @!p1 .LBB2_4-.Ltmp1, $3  }
0x119: {  	_ =	sdelay $0x1  }
0x11a: {  	v20 =	vadd.s32 v16, v20  }
0x11b: {  	s24 =	simm.s32 $0x0;
	s25 =	rddreg [dreg:$0x2];
	p0 =	por $0x0, $0x0;
	[tilespmem:s31+$0x70] =	vst v20  }
0x11c: {  	s21 =	simm.s32 $0x3400  }
0x11d: {  	[tilespmem:s11], [sflag:$0x1] =	stream.indirect.gather [hbm4b:s3+s10], $0x10, s21, s10, $0xb8;
	[tilespmem:$0xF400] =	vst v63  }
0x11e: {  	s28 =	simm.s32 $0x3480  }
0x11f: {  	[tilespmem:s25], [sflag:$0x1] =	stream.indirect.gather [hbm4b:s3+s10], $0x10, s28, s10, $0xb8;
	[tilespmem:$0xF400] =	vst v63  }
0x120: {  	s22 =	rddreg [dreg:$0x3];
	s29 =	simm.s32 $0x3500  }
0x121: {  	[tilespmem:s22], [sflag:$0x1] =	stream.indirect.gather [hbm4b:s3+s10], $0x10, s29, s10, $0xb8;
	[tilespmem:$0xF400] =	vst v63  }
0x122: {  	s23 =	rddreg [dreg:$0x4];
	s30 =	simm.s32 $0x3580  }
0x123: {  	[tilespmem:s23], [sflag:$0x1] =	stream.indirect.gather [hbm4b:s3+s10], $0x10, s30, s10, $0xb8;
	[tilespmem:$0xF400] =	vst v63  }
0x124: {  	s31 =	rddreg [dreg:$0x5];
	s23 =	simm.s32 $0x3600  }
0x125: {  	[tilespmem:s31], [sflag:$0x1] =	stream.indirect.gather [hbm4b:s3+s10], $0x10, s23, s10, $0xb8;
	[tilespmem:$0xF400] =	vst v63  }
0x126: {  	s24 =	rddreg [dreg:$0x6];
	s25 =	simm.s32 $0x3680  }
0x127: {  	[tilespmem:s24], [sflag:$0x1] =	stream.indirect.gather [hbm4b:s3+s10], $0x10, s25, s10, $0xb8;
	[tilespmem:$0xF400] =	vst v63  }
0x128: {  	s26 =	rddreg [dreg:$0x7];
	s28 =	simm.s32 $0x3700  }
0x129: {  	[tilespmem:s26], [sflag:$0x1] =	stream.indirect.gather [hbm4b:s3+s10], $0x10, s28, s10, $0xb8;
	[tilespmem:$0xF400] =	vst v63  }
0x12a: {  	s29 =	rddreg [dreg:$0x8];
	s30 =	simm.s32 $0x3780  }
0x12b: {  	[tilespmem:s29], [sflag:$0x1] =	stream.indirect.gather [hbm4b:s3+s10], $0x10, s30, s10, $0xb8;
	[tilespmem:$0xF400] =	vst v63  }
0x12c: {  	s31 =	rddreg [dreg:$0x9];
	s23 =	simm.s32 $0x3800  }
0x12d: {  	[tilespmem:s31], [sflag:$0x1] =	stream.indirect.gather [hbm4b:s3+s10], $0x10, s23, s10, $0xb8;
	[tilespmem:$0xF400] =	vst v63  }
0x12e: {  	s24 =	simm.s32 $0x3880  }
0x12f: {  	[tilespmem:s12], [sflag:$0x1] =	stream.indirect.gather [hbm4b:s3+s10], $0x10, s24, s10, $0xb8;
	[tilespmem:$0xF400] =	vst v63  }
0x130: {  	s25 =	simm.s32 $0x3900  }
0x131: {  	[tilespmem:s13], [sflag:$0x1] =	stream.indirect.gather [hbm4b:s3+s10], $0x10, s25, s10, $0xb8;
	[tilespmem:$0xF400] =	vst v63  }
0x132: {  	s26 =	simm.s32 $0x3980  }
0x133: {  	[tilespmem:s14], [sflag:$0x1] =	stream.indirect.gather [hbm4b:s3+s10], $0x10, s26, s10, $0xb8;
	[tilespmem:$0xF400] =	vst v63  }
0x134: {  	s28 =	simm.s32 $0x3A00  }
0x135: {  	[tilespmem:s15], [sflag:$0x1] =	stream.indirect.gather [hbm4b:s3+s10], $0x10, s28, s10, $0xb8;
	[tilespmem:$0xF400] =	vst v63  }
0x136: {  	s29 =	simm.s32 $0x3A80  }
0x137: {  	[tilespmem:s16], [sflag:$0x1] =	stream.indirect.gather [hbm4b:s3+s10], $0x10, s29, s10, $0xb8;
	[tilespmem:$0xF400] =	vst v63  }
0x138: {  	s30 =	simm.s32 $0x3B00  }
0x139: {  	[tilespmem:s17], [sflag:$0x1] =	stream.indirect.gather [hbm4b:s3+s10], $0x10, s30, s10, $0xb8;
	[tilespmem:$0xF400] =	vst v63  }
0x13a: {  	s31 =	simm.s32 $0x3B80  }
0x13b: {  	[tilespmem:s18], [sflag:$0x1] =	stream.indirect.gather [hbm4b:s3+s10], $0x10, s31, s10, $0xb8;
	[tilespmem:$0xF400] =	vst v63  }
0x13c: {  	_ =	swait.ge [sflag:s19], $0x800  }
0x13d: {  	[sflag:s19] =	ssyncset.done $0x0  }
0x13e: {  	[sflag:s19] =	ssyncadd.s32 $0xFFFFF800  }
0x13f: {  	_ =	swait.ge [sflag:s19], $0x800  }
0x140: {  	[sflag:s19] =	ssyncset.done $0x0  }
0x141: {  	[sflag:s19] =	ssyncadd.s32 $0xFFFFF800  }
0x142: {  	_ =	swait.ge [sflag:s19], $0x800  }
0x143: {  	[sflag:s19] =	ssyncset.done $0x0  }
0x144: {  	[sflag:s19] =	ssyncadd.s32 $0xFFFFF800  }
0x145: {  	_ =	swait.ge [sflag:s19], $0x800  }
0x146: {  	[sflag:s19] =	ssyncset.done $0x0  }
0x147: {  	[sflag:s19] =	ssyncadd.s32 $0xFFFFF800  }
0x148: {  	_ =	swait.ge [sflag:s19], $0x800  }
0x149: {  	[sflag:s19] =	ssyncset.done $0x0  }
0x14a: {  	[sflag:s19] =	ssyncadd.s32 $0xFFFFF800  }
0x14b: {  	_ =	swait.ge [sflag:s19], $0x800  }
0x14c: {  	[sflag:s19] =	ssyncset.done $0x0  }
0x14d: {  	[sflag:s19] =	ssyncadd.s32 $0xFFFFF800  }
0x14e: {  	_ =	swait.ge [sflag:s19], $0x800  }
0x14f: {  	[sflag:s19] =	ssyncset.done $0x0  }
0x150: {  	[sflag:s19] =	ssyncadd.s32 $0xFFFFF800  }
0x151: {  	_ =	swait.ge [sflag:s19], $0x800  }
0x152: {  	[sflag:s19] =	ssyncset.done $0x0  }
0x153: {  	[sflag:s19] =	ssyncadd.s32 $0xFFFFF800  }
0x154: {  	_ =	swait.ge [sflag:s19], $0x800  }
0x155: {  	[sflag:s19] =	ssyncset.done $0x0  }
0x156: {  	[sflag:s19] =	ssyncadd.s32 $0xFFFFF800  }
0x157: {  	_ =	swait.ge [sflag:s19], $0x800  }
0x158: {  	[sflag:s19] =	ssyncset.done $0x0  }
0x159: {  	[sflag:s19] =	ssyncadd.s32 $0xFFFFF800  }
0x15a: {  	_ =	swait.ge [sflag:s19], $0x800  }
0x15b: {  	[sflag:s19] =	ssyncset.done $0x0  }
0x15c: {  	[sflag:s19] =	ssyncadd.s32 $0xFFFFF800  }
0x15d: {  	_ =	swait.ge [sflag:s19], $0x800  }
0x15e: {  	[sflag:s19] =	ssyncset.done $0x0  }
0x15f: {  	[sflag:s19] =	ssyncadd.s32 $0xFFFFF800  }
0x160: {  	_ =	swait.ge [sflag:s19], $0x800  }
0x161: {  	[sflag:s19] =	ssyncset.done $0x0  }
0x162: {  	[sflag:s19] =	ssyncadd.s32 $0xFFFFF800  }
0x163: {  	_ =	swait.ge [sflag:s19], $0x800  }
0x164: {  	[sflag:s19] =	ssyncset.done $0x0  }
0x165: {  	[sflag:s19] =	ssyncadd.s32 $0xFFFFF800  }
0x166: {  	_ =	swait.ge [sflag:s19], $0x800  }
0x167: {  	[sflag:s19] =	ssyncset.done $0x0  }
0x168: {  	[sflag:s19] =	ssyncadd.s32 $0xFFFFF800  }
0x169: {  	p1 =	por $0x1, $0x1;
	_ =	swait.ge [sflag:s19], $0x800  }
.Ltmp2:
0x16a: {  	[sflag:s19] =	ssyncset.done $0x0;
	(pc) =	sbr.rel @!p1 .LBB2_7-.Ltmp2, $4  }
0x16b: {  	p0 =	por $0x1, $0x1;
	[sflag:s19] =	ssyncadd.s32 $0xFFFFF800  }
0x16c: {  	[hbm4b:s6+s2] =	stream.linear.scatter [tilespmem:s11], [sflag:$0x2], $0x8000, $0x38;
	[tilespmem:$0xF400] =	vst v63  }
0x16d: {  	s21 =	sadd.s32 $0x1000, s6;
	s24 =	simm.s32 $0x800;
	_ =	swait.ge [sflag:s9], $0x8000  }
0x16e: {  	s26 =	simm.s32 $0x4000;
	s25 =	rddreg [dreg:$0x2];
	[sflag:s9] =	ssyncset.done $0x0  }
.LBB2_6:
0x16f: {  	s28 =	sadd.s32 $0x3400, s24;
	[sflag:s9] =	ssyncadd.s32 $0xFFFF8000  }
0x170: {  	[tilespmem:s11], [sflag:$0x1] =	stream.indirect.gather [hbm4b:s3+s10], $0x10, s28, s10, $0xb8;
	[tilespmem:$0xF400] =	vst v63  }
0x171: {  	s23 =	smov.u32 s26;
	s22 =	sadd.s32 $0x2000, s26;
	s30 =	sadd.s32 $0x3480, s24  }
0x172: {  	[tilespmem:s25], [sflag:$0x1] =	stream.indirect.gather [hbm4b:s3+s10], $0x10, s30, s10, $0xb8;
	[tilespmem:$0xF400] =	vst v63  }
0x173: {  	p1 =	sne.s32 s26, $0xE000;
	s31 =	rddreg [dreg:$0x3];
	s26 =	sadd.s32 $0x3500, s24  }
0x174: {  	[tilespmem:s31], [sflag:$0x1] =	stream.indirect.gather [hbm4b:s3+s10], $0x10, s26, s10, $0xb8;
	[tilespmem:$0xF400] =	vst v63  }
0x175: {  	s29 =	rddreg [dreg:$0x4];
	s30 =	sadd.s32 $0x3580, s24  }
0x176: {  	[tilespmem:s29], [sflag:$0x1] =	stream.indirect.gather [hbm4b:s3+s10], $0x10, s30, s10, $0xb8;
	[tilespmem:$0xF400] =	vst v63  }
0x177: {  	s31 =	rddreg [dreg:$0x5];
	s26 =	sadd.s32 $0x3600, s24  }
0x178: {  	[tilespmem:s31], [sflag:$0x1] =	stream.indirect.gather [hbm4b:s3+s10], $0x10, s26, s10, $0xb8;
	[tilespmem:$0xF400] =	vst v63  }
0x179: {  	s29 =	rddreg [dreg:$0x6];
	s30 =	sadd.s32 $0x3680, s24  }
0x17a: {  	[tilespmem:s29], [sflag:$0x1] =	stream.indirect.gather [hbm4b:s3+s10], $0x10, s30, s10, $0xb8;
	[tilespmem:$0xF400] =	vst v63  }
0x17b: {  	s31 =	rddreg [dreg:$0x7];
	s26 =	sadd.s32 $0x3700, s24  }
0x17c: {  	[tilespmem:s31], [sflag:$0x1] =	stream.indirect.gather [hbm4b:s3+s10], $0x10, s26, s10, $0xb8;
	[tilespmem:$0xF400] =	vst v63  }
0x17d: {  	s29 =	rddreg [dreg:$0x8];
	s30 =	sadd.s32 $0x3780, s24  }
0x17e: {  	[tilespmem:s29], [sflag:$0x1] =	stream.indirect.gather [hbm4b:s3+s10], $0x10, s30, s10, $0xb8;
	[tilespmem:$0xF400] =	vst v63  }
0x17f: {  	s31 =	rddreg [dreg:$0x9];
	s29 =	sadd.s32 $0x3800, s24  }
0x180: {  	[tilespmem:s31], [sflag:$0x1] =	stream.indirect.gather [hbm4b:s3+s10], $0x10, s29, s10, $0xb8;
	[tilespmem:$0xF400] =	vst v63  }
0x181: {  	s30 =	sadd.s32 $0x3880, s24  }
0x182: {  	[tilespmem:s12], [sflag:$0x1] =	stream.indirect.gather [hbm4b:s3+s10], $0x10, s30, s10, $0xb8;
	[tilespmem:$0xF400] =	vst v63  }
0x183: {  	s31 =	sadd.s32 $0x3900, s24  }
0x184: {  	[tilespmem:s13], [sflag:$0x1] =	stream.indirect.gather [hbm4b:s3+s10], $0x10, s31, s10, $0xb8;
	[tilespmem:$0xF400] =	vst v63  }
0x185: {  	s26 =	sadd.s32 $0x3980, s24  }
0x186: {  	[tilespmem:s14], [sflag:$0x1] =	stream.indirect.gather [hbm4b:s3+s10], $0x10, s26, s10, $0xb8;
	[tilespmem:$0xF400] =	vst v63  }
0x187: {  	s28 =	sadd.s32 $0x3A00, s24  }
0x188: {  	[tilespmem:s15], [sflag:$0x1] =	stream.indirect.gather [hbm4b:s3+s10], $0x10, s28, s10, $0xb8;
	[tilespmem:$0xF400] =	vst v63  }
0x189: {  	s29 =	sadd.s32 $0x3A80, s24  }
0x18a: {  	[tilespmem:s16], [sflag:$0x1] =	stream.indirect.gather [hbm4b:s3+s10], $0x10, s29, s10, $0xb8;
	[tilespmem:$0xF400] =	vst v63  }
0x18b: {  	s30 =	sadd.s32 $0x3B00, s24  }
0x18c: {  	[tilespmem:s17], [sflag:$0x1] =	stream.indirect.gather [hbm4b:s3+s10], $0x10, s30, s10, $0xb8;
	[tilespmem:$0xF400] =	vst v63  }
0x18d: {  	s31 =	sadd.s32 $0x3B80, s24  }
0x18e: {  	[tilespmem:s18], [sflag:$0x1] =	stream.indirect.gather [hbm4b:s3+s10], $0x10, s31, s10, $0xb8;
	[tilespmem:$0xF400] =	vst v63  }
0x18f: {  	_ =	swait.ge [sflag:s19], $0x800  }
0x190: {  	[sflag:s19] =	ssyncset.done $0x0  }
0x191: {  	[sflag:s19] =	ssyncadd.s32 $0xFFFFF800  }
0x192: {  	_ =	swait.ge [sflag:s19], $0x800  }
0x193: {  	[sflag:s19] =	ssyncset.done $0x0  }
0x194: {  	[sflag:s19] =	ssyncadd.s32 $0xFFFFF800  }
0x195: {  	_ =	swait.ge [sflag:s19], $0x800  }
0x196: {  	[sflag:s19] =	ssyncset.done $0x0  }
0x197: {  	[sflag:s19] =	ssyncadd.s32 $0xFFFFF800  }
0x198: {  	_ =	swait.ge [sflag:s19], $0x800  }
0x199: {  	[sflag:s19] =	ssyncset.done $0x0  }
0x19a: {  	[sflag:s19] =	ssyncadd.s32 $0xFFFFF800  }
0x19b: {  	_ =	swait.ge [sflag:s19], $0x800  }
0x19c: {  	[sflag:s19] =	ssyncset.done $0x0  }
0x19d: {  	[sflag:s19] =	ssyncadd.s32 $0xFFFFF800  }
0x19e: {  	_ =	swait.ge [sflag:s19], $0x800  }
0x19f: {  	[sflag:s19] =	ssyncset.done $0x0  }
0x1a0: {  	[sflag:s19] =	ssyncadd.s32 $0xFFFFF800  }
0x1a1: {  	_ =	swait.ge [sflag:s19], $0x800  }
0x1a2: {  	[sflag:s19] =	ssyncset.done $0x0  }
0x1a3: {  	[sflag:s19] =	ssyncadd.s32 $0xFFFFF800  }
0x1a4: {  	_ =	swait.ge [sflag:s19], $0x800  }
0x1a5: {  	[sflag:s19] =	ssyncset.done $0x0  }
0x1a6: {  	[sflag:s19] =	ssyncadd.s32 $0xFFFFF800  }
0x1a7: {  	_ =	swait.ge [sflag:s19], $0x800  }
0x1a8: {  	[sflag:s19] =	ssyncset.done $0x0  }
0x1a9: {  	[sflag:s19] =	ssyncadd.s32 $0xFFFFF800  }
0x1aa: {  	_ =	swait.ge [sflag:s19], $0x800  }
0x1ab: {  	[sflag:s19] =	ssyncset.done $0x0  }
0x1ac: {  	[sflag:s19] =	ssyncadd.s32 $0xFFFFF800  }
0x1ad: {  	_ =	swait.ge [sflag:s19], $0x800  }
0x1ae: {  	[sflag:s19] =	ssyncset.done $0x0  }
0x1af: {  	[sflag:s19] =	ssyncadd.s32 $0xFFFFF800  }
0x1b0: {  	_ =	swait.ge [sflag:s19], $0x800  }
0x1b1: {  	[sflag:s19] =	ssyncset.done $0x0  }
0x1b2: {  	[sflag:s19] =	ssyncadd.s32 $0xFFFFF800  }
0x1b3: {  	_ =	swait.ge [sflag:s19], $0x800  }
0x1b4: {  	[sflag:s19] =	ssyncset.done $0x0  }
0x1b5: {  	[sflag:s19] =	ssyncadd.s32 $0xFFFFF800  }
0x1b6: {  	_ =	swait.ge [sflag:s19], $0x800  }
0x1b7: {  	[sflag:s19] =	ssyncset.done $0x0  }
0x1b8: {  	[sflag:s19] =	ssyncadd.s32 $0xFFFFF800  }
0x1b9: {  	_ =	swait.ge [sflag:s19], $0x800  }
0x1ba: {  	[sflag:s19] =	ssyncset.done $0x0  }
0x1bb: {  	[sflag:s19] =	ssyncadd.s32 $0xFFFFF800  }
0x1bc: {  	_ =	swait.ge [sflag:s19], $0x800  }
.Ltmp3:
0x1bd: {  	[sflag:s19] =	ssyncset.done $0x0;
	(pc) =	sbr.rel @p1 .LBB2_6-.Ltmp3, $4  }
0x1be: {  	[sflag:s19] =	ssyncadd.s32 $0xFFFFF800  }
0x1bf: {  	[hbm4b:s21+s2] =	stream.linear.scatter [tilespmem:s11], [sflag:$0x2], $0x8000, $0x38;
	[tilespmem:$0xF400] =	vst v63  }
0x1c0: {  	s24 =	sshra.s32 s23, $0x2;
	s26 =	smov.u32 s22;
	_ =	swait.ge [sflag:s9], $0x8000  }
0x1c1: {  	s21 =	sadd.s32 $0x1000, s21;
	s25 =	rddreg [dreg:$0x2];
	[sflag:s9] =	ssyncset.done $0x0  }
.LBB2_7:
0x1c2: {  	s22 =	sadd.s32 $0x3400, s24;
	[sflag:s9] =	ssyncadd.s32 @p0 $0xFFFF8000  }
0x1c3: {  	[tilespmem:s11], [sflag:$0x1] =	stream.indirect.gather [hbm4b:s3+s10], $0x10, s22, s10, $0xb8;
	[tilespmem:$0xF400] =	vst v63  }
0x1c4: {  	s29 =	sadd.s32 $0x3480, s24  }
0x1c5: {  	[tilespmem:s25], [sflag:$0x1] =	stream.indirect.gather [hbm4b:s3+s10], $0x10, s29, s10, $0xb8;
	[tilespmem:$0xF400] =	vst v63  }
0x1c6: {  	s23 =	rddreg [dreg:$0x3];
	s30 =	sadd.s32 $0x3500, s24  }
0x1c7: {  	[tilespmem:s23], [sflag:$0x1] =	stream.indirect.gather [hbm4b:s3+s10], $0x10, s30, s10, $0xb8;
	[tilespmem:$0xF400] =	vst v63  }
0x1c8: {  	s31 =	rddreg [dreg:$0x4];
	s23 =	sadd.s32 $0x3580, s24  }
0x1c9: {  	[tilespmem:s31], [sflag:$0x1] =	stream.indirect.gather [hbm4b:s3+s10], $0x10, s23, s10, $0xb8;
	[tilespmem:$0xF400] =	vst v63  }
0x1ca: {  	s26 =	rddreg [dreg:$0x5];
	s28 =	sadd.s32 $0x3600, s24  }
0x1cb: {  	[tilespmem:s26], [sflag:$0x1] =	stream.indirect.gather [hbm4b:s3+s10], $0x10, s28, s10, $0xb8;
	[tilespmem:$0xF400] =	vst v63  }
0x1cc: {  	s29 =	rddreg [dreg:$0x6];
	s30 =	sadd.s32 $0x3680, s24  }
0x1cd: {  	[tilespmem:s29], [sflag:$0x1] =	stream.indirect.gather [hbm4b:s3+s10], $0x10, s30, s10, $0xb8;
	[tilespmem:$0xF400] =	vst v63  }
0x1ce: {  	s31 =	rddreg [dreg:$0x7];
	s26 =	sadd.s32 $0x3700, s24  }
0x1cf: {  	[tilespmem:s31], [sflag:$0x1] =	stream.indirect.gather [hbm4b:s3+s10], $0x10, s26, s10, $0xb8;
	[tilespmem:$0xF400] =	vst v63  }
0x1d0: {  	s28 =	rddreg [dreg:$0x8];
	s29 =	sadd.s32 $0x3780, s24  }
0x1d1: {  	[tilespmem:s28], [sflag:$0x1] =	stream.indirect.gather [hbm4b:s3+s10], $0x10, s29, s10, $0xb8;
	[tilespmem:$0xF400] =	vst v63  }
0x1d2: {  	s30 =	rddreg [dreg:$0x9];
	s31 =	sadd.s32 $0x3800, s24  }
0x1d3: {  	[tilespmem:s30], [sflag:$0x1] =	stream.indirect.gather [hbm4b:s3+s10], $0x10, s31, s10, $0xb8;
	[tilespmem:$0xF400] =	vst v63  }
0x1d4: {  	s23 =	sadd.s32 $0x3880, s24  }
0x1d5: {  	[tilespmem:s12], [sflag:$0x1] =	stream.indirect.gather [hbm4b:s3+s10], $0x10, s23, s10, $0xb8;
	[tilespmem:$0xF400] =	vst v63  }
0x1d6: {  	s25 =	sadd.s32 $0x3900, s24  }
0x1d7: {  	[tilespmem:s13], [sflag:$0x1] =	stream.indirect.gather [hbm4b:s3+s10], $0x10, s25, s10, $0xb8;
	[tilespmem:$0xF400] =	vst v63  }
0x1d8: {  	s26 =	sadd.s32 $0x3980, s24  }
0x1d9: {  	[tilespmem:s14], [sflag:$0x1] =	stream.indirect.gather [hbm4b:s3+s10], $0x10, s26, s10, $0xb8;
	[tilespmem:$0xF400] =	vst v63  }
0x1da: {  	s28 =	sadd.s32 $0x3A00, s24  }
0x1db: {  	[tilespmem:s15], [sflag:$0x1] =	stream.indirect.gather [hbm4b:s3+s10], $0x10, s28, s10, $0xb8;
	[tilespmem:$0xF400] =	vst v63  }
0x1dc: {  	s29 =	sadd.s32 $0x3A80, s24  }
0x1dd: {  	[tilespmem:s16], [sflag:$0x1] =	stream.indirect.gather [hbm4b:s3+s10], $0x10, s29, s10, $0xb8;
	[tilespmem:$0xF400] =	vst v63  }
0x1de: {  	s30 =	sadd.s32 $0x3B00, s24  }
0x1df: {  	[tilespmem:s17], [sflag:$0x1] =	stream.indirect.gather [hbm4b:s3+s10], $0x10, s30, s10, $0xb8;
	[tilespmem:$0xF400] =	vst v63  }
0x1e0: {  	s31 =	sadd.s32 $0x3B80, s24  }
0x1e1: {  	[tilespmem:s18], [sflag:$0x1] =	stream.indirect.gather [hbm4b:s3+s10], $0x10, s31, s10, $0xb8;
	[tilespmem:$0xF400] =	vst v63  }
0x1e2: {  	_ =	swait.ge [sflag:s19], $0x800  }
0x1e3: {  	[sflag:s19] =	ssyncset.done $0x0  }
0x1e4: {  	[sflag:s19] =	ssyncadd.s32 $0xFFFFF800  }
0x1e5: {  	_ =	swait.ge [sflag:s19], $0x800  }
0x1e6: {  	[sflag:s19] =	ssyncset.done $0x0  }
0x1e7: {  	[sflag:s19] =	ssyncadd.s32 $0xFFFFF800  }
0x1e8: {  	_ =	swait.ge [sflag:s19], $0x800  }
0x1e9: {  	[sflag:s19] =	ssyncset.done $0x0  }
0x1ea: {  	[sflag:s19] =	ssyncadd.s32 $0xFFFFF800  }
0x1eb: {  	_ =	swait.ge [sflag:s19], $0x800  }
0x1ec: {  	[sflag:s19] =	ssyncset.done $0x0  }
0x1ed: {  	[sflag:s19] =	ssyncadd.s32 $0xFFFFF800  }
0x1ee: {  	_ =	swait.ge [sflag:s19], $0x800  }
0x1ef: {  	[sflag:s19] =	ssyncset.done $0x0  }
0x1f0: {  	[sflag:s19] =	ssyncadd.s32 $0xFFFFF800  }
0x1f1: {  	_ =	swait.ge [sflag:s19], $0x800  }
0x1f2: {  	[sflag:s19] =	ssyncset.done $0x0  }
0x1f3: {  	[sflag:s19] =	ssyncadd.s32 $0xFFFFF800  }
0x1f4: {  	_ =	swait.ge [sflag:s19], $0x800  }
0x1f5: {  	[sflag:s19] =	ssyncset.done $0x0  }
0x1f6: {  	[sflag:s19] =	ssyncadd.s32 $0xFFFFF800  }
0x1f7: {  	_ =	swait.ge [sflag:s19], $0x800  }
0x1f8: {  	[sflag:s19] =	ssyncset.done $0x0  }
0x1f9: {  	[sflag:s19] =	ssyncadd.s32 $0xFFFFF800  }
0x1fa: {  	_ =	swait.ge [sflag:s19], $0x800  }
0x1fb: {  	[sflag:s19] =	ssyncset.done $0x0  }
0x1fc: {  	[sflag:s19] =	ssyncadd.s32 $0xFFFFF800  }
0x1fd: {  	_ =	swait.ge [sflag:s19], $0x800  }
0x1fe: {  	[sflag:s19] =	ssyncset.done $0x0  }
0x1ff: {  	[sflag:s19] =	ssyncadd.s32 $0xFFFFF800  }
0x200: {  	_ =	swait.ge [sflag:s19], $0x800  }
0x201: {  	[sflag:s19] =	ssyncset.done $0x0  }
0x202: {  	[sflag:s19] =	ssyncadd.s32 $0xFFFFF800  }
0x203: {  	_ =	swait.ge [sflag:s19], $0x800  }
0x204: {  	[sflag:s19] =	ssyncset.done $0x0  }
0x205: {  	[sflag:s19] =	ssyncadd.s32 $0xFFFFF800  }
0x206: {  	_ =	swait.ge [sflag:s19], $0x800  }
0x207: {  	[sflag:s19] =	ssyncset.done $0x0  }
0x208: {  	[sflag:s19] =	ssyncadd.s32 $0xFFFFF800  }
0x209: {  	_ =	swait.ge [sflag:s19], $0x800  }
0x20a: {  	[sflag:s19] =	ssyncset.done $0x0  }
0x20b: {  	[sflag:s19] =	ssyncadd.s32 $0xFFFFF800  }
0x20c: {  	_ =	swait.ge [sflag:s19], $0x800  }
0x20d: {  	[sflag:s19] =	ssyncset.done $0x0  }
0x20e: {  	[sflag:s19] =	ssyncadd.s32 $0xFFFFF800  }
0x20f: {  	_ =	swait.ge [sflag:s19], $0x800  }
0x210: {  	s20 =	sadd.s32 $0x1, s20;
	[sflag:s19] =	ssyncset.done $0x0  }
0x211: {  	p0 =	sne.s32 s20, s5;
	[sflag:s19] =	ssyncadd.s32 $0xFFFFF800  }
0x212: {  	[hbm4b:s21+s2] =	stream.linear.scatter [tilespmem:s11], [sflag:$0x2], $0x8000, $0x38;
	[tilespmem:$0xF400] =	vst v63  }
.Ltmp4:
0x213: {  	_ = 	snop;
	(pc) =	sbr.rel @p0 .LBB2_1-.Ltmp4, $4  }
.Ltmp5:
0x214: {  	_ = 	snop;
	(pc) =	sbr.rel @!p0 .LBB2_8-.Ltmp5, $4  }
0x215: {  	_ =	swait.ge [sflag:s9], $0x8000  }
0x216: {  	[sflag:s9] =	ssyncset.done $0x0  }
0x217: {  	[sflag:s9] =	ssyncadd.s32 $0xFFFF8000  }
0x218: {  	_ = 	snop  }
.LBB2_4:
.Ltmp6:
0x219: {  	(pc) =	sbr.rel .LBB2_7-.Ltmp6, $2  }
0x21a: {  	_ =	sdelay $0x2  }
0x21b: {  	s21 =	smov.u32 s6  }
.LBB2_8:
0x21c: {  	_ =	sfence.sel $0x180000  }
0x21d: {  	[bflag:$0x0] =	sbarrier.arrive $0xFFFF  }
0x21e: {  	p0 =	sne.s32 s1, $0x0;
	_ =	strace $0x9000004A  }
0x21f: {  	s0 =	sadd.s32 @!p0 $0x100000, s0;
	[bflag:$0x2] =	sbarrier.arrive $0xFFFF  }
0x220: {  	[sflag:s0] =	ssyncadd.tile.s32 @!p0 $0x1;
	_ =	shalt  }
.Lfunc_end2:
_tile_overlayer_lowered:
.L_overlay_start_2:
0x221: {  	(tag) =	ssettag $0x2  }
0x222: {  	s0 =	rddreg [dreg:$0x0];
	s2 =	stileid.u32  }
0x223: {  	s1 =	rddreg [dreg:$0x1];
	p0 =	sne.s32 s2, $0x0  }
0x224: {  	s3 =	rddreg [dreg:$0x2];
	[bflag:$0x3] =	sbarrier.arrive $0xFFFF;
	s2 =	simm.s32 @!p0 $0x1C02  }
0x225: {  	[timem:s3], [sflag:s2] =	dma.local @!p0 [hbm:s0], s1  }
0x226: {  	s0 =	simm.s32 @!p0 $0x2  }
0x227: {  	_ =	swait.ge @!p0 [sflag:s0], s1  }
0x228: {  	s1 =	ssub.s32 @!p0 $0x0, s1;
	[sflag:s0] =	ssyncset.done @!p0 $0x0  }
0x229: {  	[sflag:s0] =	ssyncadd.s32 @!p0 s1  }
0x22a: {  	[bflag:$0x3] =	sbarrier.arrive $0xFFFF  }
0x22b: {  	_ =	shalt  }

</sc_bundles>
